<compile_context>
chip_gen: v7x
topology: tpu7x:2x2x1
jax: 0.10.2.dev20260603
libtpu: 0.0.44.dev20260713+nightly
codegen_flags: <defaults>
</compile_context>

<pallas_src>
import functools

import numpy as np
import jax
import jax.numpy as jnp
from jax import lax
from jax.experimental import pallas as pl
from jax.experimental.pallas import tpu as pltpu
from jax.experimental.pallas import tpu_sc as plsc

_NUM_T = 1000
_B = 64
_C = 3
_N = 2048
_L = 16
_NW = 32
_RG = 8
_CW = 512
_ROWS = _B * _C


def _make_coef_table() -> np.ndarray:
    betas = np.linspace(0.0001, 0.02, _NUM_T).astype(np.float64)
    alphas = 1.0 - betas
    acp = np.cumprod(alphas, axis=0)
    acp_prev = np.append(1.0, acp[:-1])
    sqrt_recip = np.sqrt(1.0 / acp)
    sqrt_recipm1 = np.sqrt(1.0 / acp - 1.0)
    post_var = betas * (1.0 - acp_prev) / (1.0 - acp)
    log_var = np.log(np.maximum(post_var, 1e-20)).astype(np.float32)
    sig = np.exp(0.5 * log_var.astype(np.float64)).astype(np.float32)
    sig[0] = 0.0
    coef1 = betas * np.sqrt(acp_prev) / (1.0 - acp)
    coef2 = (1.0 - acp_prev) * np.sqrt(alphas) / (1.0 - acp)
    tab = np.stack([
        sqrt_recip.astype(np.float32),
        sqrt_recipm1.astype(np.float32),
        coef1.astype(np.float32),
        coef2.astype(np.float32),
        sig,
    ], axis=1)
    tab = np.repeat(tab, _L, axis=1).astype(np.float32)
    return np.pad(tab, ((0, 0), (0, 128 - 5 * _L)))


_TAB = _make_coef_table()


def _sc_body(tab_hbm, t_hbm, d_hbm, m_hbm, n_hbm, samp_hbm, xr_hbm,
             idx_v, rows_v, d_v, m_v, n_v, s_v, xr_v,
             sem_g, sems_d, sems_m, sems_n, sems_o1, sems_o2):
    wid = lax.axis_index("s") * 2 + lax.axis_index("c")
    rg = wid % 8
    ch = wid // 8
    col = ch * _CW

    pltpu.sync_copy(t_hbm.at[pl.ds(rg * _RG, _RG)], idx_v)
    cg = pltpu.async_copy(tab_hbm.at[idx_v], rows_v, sem_g)

    hd, hm, hn = [], [], []
    for c in range(_C):
        rows = pl.ds(c * _B + rg * _RG, _RG)
        dst = pl.ds(c * _RG, _RG)
        hd.append(pltpu.async_copy(
            d_hbm.at[rows, pl.ds(col, _CW)], d_v.at[dst], sems_d.at[c]))
        hm.append(pltpu.async_copy(
            m_hbm.at[rows, pl.ds(col, _CW)], m_v.at[dst], sems_m.at[c]))
        hn.append(pltpu.async_copy(
            n_hbm.at[rows, pl.ds(col, _CW)], n_v.at[dst], sems_n.at[c]))
    cg.wait()

    o1, o2 = [], []
    for c in range(_C):
        hd[c].wait()
        hm[c].wait()
        hn[c].wait()
        for s in range(_RG):
            row = c * _RG + s
            ca = rows_v[s, pl.ds(0 * _L, _L)]
            cb = rows_v[s, pl.ds(1 * _L, _L)]
            c1 = rows_v[s, pl.ds(2 * _L, _L)]
            c2 = rows_v[s, pl.ds(3 * _L, _L)]
            cs = rows_v[s, pl.ds(4 * _L, _L)]

            @plsc.parallel_loop(0, _CW // _L, unroll=4)
            def _step(i, row=row, ca=ca, cb=cb, c1=c1, c2=c2, cs=cs):
                off = i * _L
                d = d_v[row, pl.ds(off, _L)]
                m = m_v[row, pl.ds(off, _L)]
                n = n_v[row, pl.ds(off, _L)]
                xr = jnp.clip(ca * d - cb * m, -0.5, 0.5)
                xr_v[row, pl.ds(off, _L)] = xr
                s_v[row, pl.ds(off, _L)] = c1 * xr + c2 * d + cs * n

        rows = pl.ds(c * _B + rg * _RG, _RG)
        src = pl.ds(c * _RG, _RG)
        o1.append(pltpu.async_copy(
            s_v.at[src], samp_hbm.at[rows, pl.ds(col, _CW)], sems_o1.at[c]))
        o2.append(pltpu.async_copy(
            xr_v.at[src], xr_hbm.at[rows, pl.ds(col, _CW)], sems_o2.at[c]))
    for c in range(_C):
        o1[c].wait()
        o2[c].wait()


_sc_call = functools.partial(
    pl.kernel,
    mesh=plsc.VectorSubcoreMesh(core_axis_name="c", subcore_axis_name="s"),
    out_type=(
        jax.ShapeDtypeStruct((_ROWS, _N), jnp.float32),
        jax.ShapeDtypeStruct((_ROWS, _N), jnp.float32),
    ),
    scratch_types=[
        pltpu.VMEM((_RG,), jnp.int32),
        pltpu.VMEM((_RG, 128), jnp.float32),
        pltpu.VMEM((_C * _RG, _CW), jnp.float32),
        pltpu.VMEM((_C * _RG, _CW), jnp.float32),
        pltpu.VMEM((_C * _RG, _CW), jnp.float32),
        pltpu.VMEM((_C * _RG, _CW), jnp.float32),
        pltpu.VMEM((_C * _RG, _CW), jnp.float32),
        pltpu.SemaphoreType.DMA,
        pltpu.SemaphoreType.DMA((_C,)),
        pltpu.SemaphoreType.DMA((_C,)),
        pltpu.SemaphoreType.DMA((_C,)),
        pltpu.SemaphoreType.DMA((_C,)),
        pltpu.SemaphoreType.DMA((_C,)),
    ],
    compiler_params=pltpu.CompilerParams(
        use_tc_tiling_on_sc=True, skip_device_barrier=True),
)(_sc_body)


def kernel(data, t, model_output, noise):
    b, c, n = data.shape
    dt = jnp.transpose(data, (1, 0, 2)).reshape(_ROWS, _N)
    mt = jnp.transpose(model_output, (1, 0, 2)).reshape(_ROWS, _N)
    nt = jnp.transpose(noise, (1, 0, 2)).reshape(_ROWS, _N)
    samp, xr = _sc_call(_TAB, t.astype(jnp.int32), dt, mt, nt)
    samp = jnp.transpose(samp.reshape(c, b, n), (1, 0, 2))
    xr = jnp.transpose(xr.reshape(c, b, n), (1, 0, 2))
    return samp, xr

# --- scband reference (transcript-rebuilt; emitter-appended) ---
"""Pipeline reference for scband-model-18245021073713 (READ-ONLY COPY).

The authoritative reference and input builder live on the scoring server;
editing this copy changes nothing except your own understanding.
"""

import jax, jax.numpy as jnp
import numpy as np

NUM_TIMESTEPS = 1000
BETA_START = 0.0001
BETA_END = 0.02
B = 64
C = 3
N = 2048


def _make_schedule():
    betas = np.linspace(BETA_START, BETA_END, NUM_TIMESTEPS).astype(np.float64)
    alphas = 1.0 - betas
    alphas_cumprod = np.cumprod(alphas, axis=0)
    alphas_cumprod_prev = np.append(1.0, alphas_cumprod[:-1])
    sched = {}
    sched['betas'] = jnp.asarray(betas, dtype=jnp.float32)
    sched['alphas_cumprod'] = jnp.asarray(alphas_cumprod, dtype=jnp.float32)
    sched['sqrt_alphas_cumprod'] = jnp.asarray(np.sqrt(alphas_cumprod), dtype=jnp.float32)
    sched['sqrt_one_minus_alphas_cumprod'] = jnp.asarray(np.sqrt(1.0 - alphas_cumprod), dtype=jnp.float32)
    sched['sqrt_recip_alphas_cumprod'] = jnp.asarray(np.sqrt(1.0 / alphas_cumprod), dtype=jnp.float32)
    sched['sqrt_recipm1_alphas_cumprod'] = jnp.asarray(np.sqrt(1.0 / alphas_cumprod - 1.0), dtype=jnp.float32)
    posterior_variance = betas * (1.0 - alphas_cumprod_prev) / (1.0 - alphas_cumprod)
    sched['posterior_variance'] = jnp.asarray(posterior_variance, dtype=jnp.float32)
    sched['posterior_log_variance_clipped'] = jnp.asarray(np.log(np.maximum(posterior_variance, 1e-20)), dtype=jnp.float32)
    sched['posterior_mean_coef1'] = jnp.asarray(betas * np.sqrt(alphas_cumprod_prev) / (1.0 - alphas_cumprod), dtype=jnp.float32)
    sched['posterior_mean_coef2'] = jnp.asarray((1.0 - alphas_cumprod_prev) * np.sqrt(alphas) / (1.0 - alphas_cumprod), dtype=jnp.float32)
    return sched

SCHED = _make_schedule()


def _extract(a, t, x_shape):
    # gather coefficients at timesteps t, reshape to [bs, 1, 1, ...]
    out = jnp.take(a, t, axis=0)
    return jnp.reshape(out, (x_shape[0],) + (1,) * (len(x_shape) - 1))


def setup_inputs(seed: int = 0) -> dict:
    key = jax.random.key(seed)
    k1, k2, k3, k4 = jax.random.split(key, 4)
    data = jax.random.normal(k1, (B, C, N), dtype=jnp.float32)
    t = jax.random.randint(k2, (B,), 0, NUM_TIMESTEPS, dtype=jnp.int64 if jax.config.jax_enable_x64 else jnp.int32)
    model_output = jax.random.normal(k3, (B, C, N), dtype=jnp.float32)
    noise = jax.random.normal(k4, (B, C, N), dtype=jnp.float32)
    return {'data': data, 't': t, 'model_output': model_output, 'noise': noise}


def reference(data, t, model_output, noise):
    # p_sample with a precomputed denoiser output (model_output plays the role
    # of denoise_fn(data, t, y)), model_var_type='fixedsmall', mean_type='eps',
    # clip_denoised=True.
    x_shape = data.shape
    # p_mean_variance
    model_variance = _extract(SCHED['posterior_variance'], t, x_shape) * jnp.ones_like(data)
    model_log_variance = _extract(SCHED['posterior_log_variance_clipped'], t, x_shape) * jnp.ones_like(data)
    # _predict_xstart_from_eps
    x_recon = (_extract(SCHED['sqrt_recip_alphas_cumprod'], t, x_shape) * data
               - _extract(SCHED['sqrt_recipm1_alphas_cumprod'], t, x_shape) * model_output)
    x_recon = jnp.clip(x_recon, -0.5, 0.5)
    # q_posterior_mean_variance
    model_mean = (_extract(SCHED['posterior_mean_coef1'], t, x_shape) * x_recon
                  + _extract(SCHED['posterior_mean_coef2'], t, x_shape) * data)
    nonzero_mask = jnp.reshape(1.0 - (t == 0).astype(jnp.float32), (x_shape[0],) + (1,) * (len(x_shape) - 1))
    sample = model_mean + nonzero_mask * jnp.exp(0.5 * model_log_variance) * noise
    return sample, x_recon

if __name__ == "__main__":
    import jax
    _d = setup_inputs()
    print(jax.jit(kernel)(*tuple(_d.values())))

</pallas_src>

<mosaic_0001>
#map = affine_map<(d0, d1) -> (0, 0)>
#map1 = affine_map<(d0, d1) -> (0)>
module attributes {stable_mosaic.version = 14 : i64} {
  func.func @_sc_body(%arg0: i32, %arg1: i32, %arg2: memref<1000x128xf32, #tpu.memory_space<hbm>>, %arg3: memref<64xi32, #tpu.memory_space<hbm>>, %arg4: memref<192x2048xf32, #tpu.memory_space<hbm>>, %arg5: memref<192x2048xf32, #tpu.memory_space<hbm>>, %arg6: memref<192x2048xf32, #tpu.memory_space<hbm>>, %arg7: memref<192x2048xf32, #tpu.memory_space<hbm>>, %arg8: memref<192x2048xf32, #tpu.memory_space<hbm>>, %arg9: memref<8xi32, #tpu.memory_space<vmem>>, %arg10: memref<8x128xf32, #tpu.memory_space<vmem>>, %arg11: memref<24x512xf32, #tpu.memory_space<vmem>>, %arg12: memref<24x512xf32, #tpu.memory_space<vmem>>, %arg13: memref<24x512xf32, #tpu.memory_space<vmem>>, %arg14: memref<24x512xf32, #tpu.memory_space<vmem>>, %arg15: memref<24x512xf32, #tpu.memory_space<vmem>>, %arg16: memref<!tpu.dma_semaphore, #tpu.memory_space<semaphore_mem>>, %arg17: memref<3x!tpu.dma_semaphore, #tpu.memory_space<semaphore_mem>>, %arg18: memref<3x!tpu.dma_semaphore, #tpu.memory_space<semaphore_mem>>, %arg19: memref<3x!tpu.dma_semaphore, #tpu.memory_space<semaphore_mem>>, %arg20: memref<3x!tpu.dma_semaphore, #tpu.memory_space<semaphore_mem>>, %arg21: memref<3x!tpu.dma_semaphore, #tpu.memory_space<semaphore_mem>>) attributes {dimension_semantics = [#tpu.dimension_semantics<core_parallel>, #tpu.dimension_semantics<subcore_parallel>], iteration_bounds = array<i64: 2, 16>, scalar_prefetch = 0 : i64, scratch_operands = 13 : i64, tpu.core_type = #tpu.core_type<sc_vector_subcore>, window_params = [{transform_indices = #map}, {transform_indices = #map1}, {transform_indices = #map}, {transform_indices = #map}, {transform_indices = #map}, {transform_indices = #map}, {transform_indices = #map}]} {
    %mul3A = arith.constant 2 : i32
    %mul3A_0 = arith.muli %arg1, %mul3A : i32
    %add3A = arith.addi %mul3A_0, %arg0 : i32
    %jit3A = arith.constant 8 : i32
    %eq3A = arith.constant 0 : i32
    %eq3A_1 = arith.cmpi eq, %jit3A, %eq3A : i32
    %jit3A_2 = arith.constant 1 : i32
    %select_n3A = arith.select %eq3A_1, %jit3A_2, %jit3A : i32
    %rem3A = arith.remsi %add3A, %select_n3A : i32
    %ne3A = arith.constant 0 : i32
    %ne3A_3 = arith.cmpi ne, %rem3A, %ne3A : i32
    %lt3A = arith.constant 0 : i32
    %lt3A_4 = arith.cmpi slt, %rem3A, %lt3A : i32
    %lt3A_5 = arith.constant 0 : i32
    %lt3A_6 = arith.cmpi slt, %select_n3A, %lt3A_5 : i32
    %ne3A_7 = arith.xori %lt3A_4, %lt3A_6 : i1
    %and3A = arith.andi %ne3A_7, %ne3A_3 : i1
    %add3A_8 = arith.addi %rem3A, %select_n3A : i32
    %select_n3A_9 = arith.select %and3A, %add3A_8, %rem3A : i32
    %jit3A_10 = arith.constant 8 : i32
    %div3A = arith.divsi %add3A, %jit3A_10 : i32
    %sign3A = arith.constant 0 : i32
    %sign3A_11 = arith.cmpi sgt, %add3A, %sign3A : i32
    %sign3A_12 = arith.extui %sign3A_11 : i1 to i32
    %sign3A_13 = arith.constant 0 : i32
    %sign3A_14 = arith.cmpi slt, %add3A, %sign3A_13 : i32
    %sign3A_15 = arith.extui %sign3A_14 : i1 to i32
    %sign3A_16 = arith.subi %sign3A_12, %sign3A_15 : i32
    %sign3A_17 = arith.constant 0 : i32
    %sign3A_18 = arith.cmpi sgt, %jit3A_10, %sign3A_17 : i32
    %sign3A_19 = arith.extui %sign3A_18 : i1 to i32
    %sign3A_20 = arith.constant 0 : i32
    %sign3A_21 = arith.cmpi slt, %jit3A_10, %sign3A_20 : i32
    %sign3A_22 = arith.extui %sign3A_21 : i1 to i32
    %sign3A_23 = arith.subi %sign3A_19, %sign3A_22 : i32
    %ne3A_24 = arith.cmpi ne, %sign3A_16, %sign3A_23 : i32
    %rem3A_25 = arith.remsi %add3A, %jit3A_10 : i32
    %ne3A_26 = arith.constant 0 : i32
    %ne3A_27 = arith.cmpi ne, %rem3A_25, %ne3A_26 : i32
    %and3A_28 = arith.andi %ne3A_24, %ne3A_27 : i1
    %sub3A = arith.constant 1 : i32
    %sub3A_29 = arith.subi %div3A, %sub3A : i32
    %select_n3A_30 = arith.select %and3A_28, %sub3A_29, %div3A : i32
    %mul3A_31 = arith.constant 512 : i32
    %mul3A_32 = arith.muli %select_n3A_30, %mul3A_31 : i32
    %mul3A_33 = arith.constant 8 : i32
    %mul3A_34 = arith.muli %select_n3A_9, %mul3A_33 : i32
    "tpu.region"() ({
      %run_scoped3A = tpu.sem_alloc : memref<!tpu.dma_semaphore, #tpu.memory_space<semaphore_mem>>
      %dma_start3A_1063 = tpu.memref_slice %arg3[%mul3A_34] : memref<64xi32, #tpu.memory_space<hbm>> -> memref<8xi32, #tpu.memory_space<hbm>>
      %dma_start3A_1064 = tpu.memref_slice %arg3[%mul3A_34] : memref<64xi32, #tpu.memory_space<hbm>> -> memref<8xi32, #tpu.memory_space<hbm>>
      tpu.enqueue_dma source(%dma_start3A_1064 : memref<8xi32, #tpu.memory_space<hbm>>) target(%arg9 : memref<8xi32, #tpu.memory_space<vmem>>) target_semaphore(%run_scoped3A : memref<!tpu.dma_semaphore, #tpu.memory_space<semaphore_mem>>)
      %dma_wait3A_1065 = tpu.memref_slice %arg3[%mul3A_34] : memref<64xi32, #tpu.memory_space<hbm>> -> memref<8xi32, #tpu.memory_space<hbm>>
      %dma_wait3A_1066 = tpu.memref_slice %arg3[%mul3A_34] : memref<64xi32, #tpu.memory_space<hbm>> -> memref<8xi32, #tpu.memory_space<hbm>>
      tpu.wait_dma2 semaphore(%run_scoped3A : memref<!tpu.dma_semaphore, #tpu.memory_space<semaphore_mem>>) src(%dma_wait3A_1066 : memref<8xi32, #tpu.memory_space<hbm>>) dst(%arg9 : memref<8xi32, #tpu.memory_space<vmem>>)
      tpu.yield
    }) : () -> ()
    %dma_start3A = arith.constant 0 : i32
    %dma_start3A_35 = arith.constant 0 : i32
    %dma_start3A_36 = tpu.memref_slice %arg2[%dma_start3A, %dma_start3A_35] : memref<1000x128xf32, #tpu.memory_space<hbm>> -> memref<1000x128xf32, #tpu.memory_space<hbm>>
    tpu.enqueue_indirect_dma source(%dma_start3A_36 : memref<1000x128xf32, #tpu.memory_space<hbm>>) target(%arg10 : memref<8x128xf32, #tpu.memory_space<vmem>>) offsets(%arg9 : memref<8xi32, #tpu.memory_space<vmem>>) semaphore(%arg16 : memref<!tpu.dma_semaphore, #tpu.memory_space<semaphore_mem>>)
    %mul3A_37 = arith.constant 8 : i32
    %mul3A_38 = arith.muli %select_n3A_9, %mul3A_37 : i32
    %add3A_39 = arith.constant 0 : i32
    %add3A_40 = arith.addi %add3A_39, %mul3A_38 : i32
    %dma_start3A_41 = arith.constant 0 : i32
    %dma_start3A_42 = arith.constant 0 : i32
    %dma_start3A_43 = arith.constant 0 : i32
    %dma_start3A_44 = tpu.memref_slice %arg11[%dma_start3A_42, %dma_start3A_43] : memref<24x512xf32, #tpu.memory_space<vmem>> -> memref<8x512xf32, #tpu.memory_space<vmem>>
    %dma_start3A_45 = tpu.memref_slice %arg4[%add3A_40, %mul3A_32] : memref<192x2048xf32, #tpu.memory_space<hbm>> -> memref<8x512xf32, #tpu.memory_space<hbm>>
    %dma_start3A_46 = tpu.memref_slice %arg17[%dma_start3A_41] : memref<3x!tpu.dma_semaphore, #tpu.memory_space<semaphore_mem>> -> memref<1x!tpu.dma_semaphore, #tpu.memory_space<semaphore_mem>>
    %dma_start3A_47 = tpu.memref_squeeze %dma_start3A_46 : memref<1x!tpu.dma_semaphore, #tpu.memory_space<semaphore_mem>> -> memref<!tpu.dma_semaphore, #tpu.memory_space<semaphore_mem>>
    %dma_start3A_48 = arith.constant 0 : i32
    %dma_start3A_49 = arith.constant 0 : i32
    %dma_start3A_50 = tpu.memref_slice %arg11[%dma_start3A_48, %dma_start3A_49] : memref<24x512xf32, #tpu.memory_space<vmem>> -> memref<8x512xf32, #tpu.memory_space<vmem>>
    %dma_start3A_51 = tpu.memref_slice %arg4[%add3A_40, %mul3A_32] : memref<192x2048xf32, #tpu.memory_space<hbm>> -> memref<8x512xf32, #tpu.memory_space<hbm>>
    tpu.enqueue_dma source(%dma_start3A_51 : memref<8x512xf32, #tpu.memory_space<hbm>>) target(%dma_start3A_50 : memref<8x512xf32, #tpu.memory_space<vmem>>) target_semaphore(%dma_start3A_47 : memref<!tpu.dma_semaphore, #tpu.memory_space<semaphore_mem>>)
    %dma_start3A_52 = arith.constant 0 : i32
    %dma_start3A_53 = arith.constant 0 : i32
    %dma_start3A_54 = arith.constant 0 : i32
    %dma_start3A_55 = tpu.memref_slice %arg12[%dma_start3A_53, %dma_start3A_54] : memref<24x512xf32, #tpu.memory_space<vmem>> -> memref<8x512xf32, #tpu.memory_space<vmem>>
    %dma_start3A_56 = tpu.memref_slice %arg5[%add3A_40, %mul3A_32] : memref<192x2048xf32, #tpu.memory_space<hbm>> -> memref<8x512xf32, #tpu.memory_space<hbm>>
    %dma_start3A_57 = tpu.memref_slice %arg18[%dma_start3A_52] : memref<3x!tpu.dma_semaphore, #tpu.memory_space<semaphore_mem>> -> memref<1x!tpu.dma_semaphore, #tpu.memory_space<semaphore_mem>>
    %dma_start3A_58 = tpu.memref_squeeze %dma_start3A_57 : memref<1x!tpu.dma_semaphore, #tpu.memory_space<semaphore_mem>> -> memref<!tpu.dma_semaphore, #tpu.memory_space<semaphore_mem>>
    %dma_start3A_59 = arith.constant 0 : i32
    %dma_start3A_60 = arith.constant 0 : i32
    %dma_start3A_61 = tpu.memref_slice %arg12[%dma_start3A_59, %dma_start3A_60] : memref<24x512xf32, #tpu.memory_space<vmem>> -> memref<8x512xf32, #tpu.memory_space<vmem>>
    %dma_start3A_62 = tpu.memref_slice %arg5[%add3A_40, %mul3A_32] : memref<192x2048xf32, #tpu.memory_space<hbm>> -> memref<8x512xf32, #tpu.memory_space<hbm>>
    tpu.enqueue_dma source(%dma_start3A_62 : memref<8x512xf32, #tpu.memory_space<hbm>>) target(%dma_start3A_61 : memref<8x512xf32, #tpu.memory_space<vmem>>) target_semaphore(%dma_start3A_58 : memref<!tpu.dma_semaphore, #tpu.memory_space<semaphore_mem>>)
    %dma_start3A_63 = arith.constant 0 : i32
    %dma_start3A_64 = arith.constant 0 : i32
    %dma_start3A_65 = arith.constant 0 : i32
    %dma_start3A_66 = tpu.memref_slice %arg13[%dma_start3A_64, %dma_start3A_65] : memref<24x512xf32, #tpu.memory_space<vmem>> -> memref<8x512xf32, #tpu.memory_space<vmem>>
    %dma_start3A_67 = tpu.memref_slice %arg6[%add3A_40, %mul3A_32] : memref<192x2048xf32, #tpu.memory_space<hbm>> -> memref<8x512xf32, #tpu.memory_space<hbm>>
    %dma_start3A_68 = tpu.memref_slice %arg19[%dma_start3A_63] : memref<3x!tpu.dma_semaphore, #tpu.memory_space<semaphore_mem>> -> memref<1x!tpu.dma_semaphore, #tpu.memory_space<semaphore_mem>>
    %dma_start3A_69 = tpu.memref_squeeze %dma_start3A_68 : memref<1x!tpu.dma_semaphore, #tpu.memory_space<semaphore_mem>> -> memref<!tpu.dma_semaphore, #tpu.memory_space<semaphore_mem>>
    %dma_start3A_70 = arith.constant 0 : i32
    %dma_start3A_71 = arith.constant 0 : i32
    %dma_start3A_72 = tpu.memref_slice %arg13[%dma_start3A_70, %dma_start3A_71] : memref<24x512xf32, #tpu.memory_space<vmem>> -> memref<8x512xf32, #tpu.memory_space<vmem>>
    %dma_start3A_73 = tpu.memref_slice %arg6[%add3A_40, %mul3A_32] : memref<192x2048xf32, #tpu.memory_space<hbm>> -> memref<8x512xf32, #tpu.memory_space<hbm>>
    tpu.enqueue_dma source(%dma_start3A_73 : memref<8x512xf32, #tpu.memory_space<hbm>>) target(%dma_start3A_72 : memref<8x512xf32, #tpu.memory_space<vmem>>) target_semaphore(%dma_start3A_69 : memref<!tpu.dma_semaphore, #tpu.memory_space<semaphore_mem>>)
    %mul3A_74 = arith.constant 8 : i32
    %mul3A_75 = arith.muli %select_n3A_9, %mul3A_74 : i32
    %add3A_76 = arith.constant 64 : i32
    %add3A_77 = arith.addi %add3A_76, %mul3A_75 : i32
    %dma_start3A_78 = arith.constant 1 : i32
    %dma_start3A_79 = arith.constant 8 : i32
    %dma_start3A_80 = arith.constant 0 : i32
    %dma_start3A_81 = tpu.memref_slice %arg11[%dma_start3A_79, %dma_start3A_80] : memref<24x512xf32, #tpu.memory_space<vmem>> -> memref<8x512xf32, #tpu.memory_space<vmem>>
    %dma_start3A_82 = tpu.memref_slice %arg4[%add3A_77, %mul3A_32] : memref<192x2048xf32, #tpu.memory_space<hbm>> -> memref<8x512xf32, #tpu.memory_space<hbm>>
    %dma_start3A_83 = tpu.memref_slice %arg17[%dma_start3A_78] : memref<3x!tpu.dma_semaphore, #tpu.memory_space<semaphore_mem>> -> memref<1x!tpu.dma_semaphore, #tpu.memory_space<semaphore_mem>>
    %dma_start3A_84 = tpu.memref_squeeze %dma_start3A_83 : memref<1x!tpu.dma_semaphore, #tpu.memory_space<semaphore_mem>> -> memref<!tpu.dma_semaphore, #tpu.memory_space<semaphore_mem>>
    %dma_start3A_85 = arith.constant 8 : i32
    %dma_start3A_86 = arith.constant 0 : i32
    %dma_start3A_87 = tpu.memref_slice %arg11[%dma_start3A_85, %dma_start3A_86] : memref<24x512xf32, #tpu.memory_space<vmem>> -> memref<8x512xf32, #tpu.memory_space<vmem>>
    %dma_start3A_88 = tpu.memref_slice %arg4[%add3A_77, %mul3A_32] : memref<192x2048xf32, #tpu.memory_space<hbm>> -> memref<8x512xf32, #tpu.memory_space<hbm>>
    tpu.enqueue_dma source(%dma_start3A_88 : memref<8x512xf32, #tpu.memory_space<hbm>>) target(%dma_start3A_87 : memref<8x512xf32, #tpu.memory_space<vmem>>) target_semaphore(%dma_start3A_84 : memref<!tpu.dma_semaphore, #tpu.memory_space<semaphore_mem>>)
    %dma_start3A_89 = arith.constant 1 : i32
    %dma_start3A_90 = arith.constant 8 : i32
    %dma_start3A_91 = arith.constant 0 : i32
    %dma_start3A_92 = tpu.memref_slice %arg12[%dma_start3A_90, %dma_start3A_91] : memref<24x512xf32, #tpu.memory_space<vmem>> -> memref<8x512xf32, #tpu.memory_space<vmem>>
    %dma_start3A_93 = tpu.memref_slice %arg5[%add3A_77, %mul3A_32] : memref<192x2048xf32, #tpu.memory_space<hbm>> -> memref<8x512xf32, #tpu.memory_space<hbm>>
    %dma_start3A_94 = tpu.memref_slice %arg18[%dma_start3A_89] : memref<3x!tpu.dma_semaphore, #tpu.memory_space<semaphore_mem>> -> memref<1x!tpu.dma_semaphore, #tpu.memory_space<semaphore_mem>>
    %dma_start3A_95 = tpu.memref_squeeze %dma_start3A_94 : memref<1x!tpu.dma_semaphore, #tpu.memory_space<semaphore_mem>> -> memref<!tpu.dma_semaphore, #tpu.memory_space<semaphore_mem>>
    %dma_start3A_96 = arith.constant 8 : i32
    %dma_start3A_97 = arith.constant 0 : i32
    %dma_start3A_98 = tpu.memref_slice %arg12[%dma_start3A_96, %dma_start3A_97] : memref<24x512xf32, #tpu.memory_space<vmem>> -> memref<8x512xf32, #tpu.memory_space<vmem>>
    %dma_start3A_99 = tpu.memref_slice %arg5[%add3A_77, %mul3A_32] : memref<192x2048xf32, #tpu.memory_space<hbm>> -> memref<8x512xf32, #tpu.memory_space<hbm>>
    tpu.enqueue_dma source(%dma_start3A_99 : memref<8x512xf32, #tpu.memory_space<hbm>>) target(%dma_start3A_98 : memref<8x512xf32, #tpu.memory_space<vmem>>) target_semaphore(%dma_start3A_95 : memref<!tpu.dma_semaphore, #tpu.memory_space<semaphore_mem>>)
    %dma_start3A_100 = arith.constant 1 : i32
    %dma_start3A_101 = arith.constant 8 : i32
    %dma_start3A_102 = arith.constant 0 : i32
    %dma_start3A_103 = tpu.memref_slice %arg13[%dma_start3A_101, %dma_start3A_102] : memref<24x512xf32, #tpu.memory_space<vmem>> -> memref<8x512xf32, #tpu.memory_space<vmem>>
    %dma_start3A_104 = tpu.memref_slice %arg6[%add3A_77, %mul3A_32] : memref<192x2048xf32, #tpu.memory_space<hbm>> -> memref<8x512xf32, #tpu.memory_space<hbm>>
    %dma_start3A_105 = tpu.memref_slice %arg19[%dma_start3A_100] : memref<3x!tpu.dma_semaphore, #tpu.memory_space<semaphore_mem>> -> memref<1x!tpu.dma_semaphore, #tpu.memory_space<semaphore_mem>>
    %dma_start3A_106 = tpu.memref_squeeze %dma_start3A_105 : memref<1x!tpu.dma_semaphore, #tpu.memory_space<semaphore_mem>> -> memref<!tpu.dma_semaphore, #tpu.memory_space<semaphore_mem>>
    %dma_start3A_107 = arith.constant 8 : i32
    %dma_start3A_108 = arith.constant 0 : i32
    %dma_start3A_109 = tpu.memref_slice %arg13[%dma_start3A_107, %dma_start3A_108] : memref<24x512xf32, #tpu.memory_space<vmem>> -> memref<8x512xf32, #tpu.memory_space<vmem>>
    %dma_start3A_110 = tpu.memref_slice %arg6[%add3A_77, %mul3A_32] : memref<192x2048xf32, #tpu.memory_space<hbm>> -> memref<8x512xf32, #tpu.memory_space<hbm>>
    tpu.enqueue_dma source(%dma_start3A_110 : memref<8x512xf32, #tpu.memory_space<hbm>>) target(%dma_start3A_109 : memref<8x512xf32, #tpu.memory_space<vmem>>) target_semaphore(%dma_start3A_106 : memref<!tpu.dma_semaphore, #tpu.memory_space<semaphore_mem>>)
    %mul3A_111 = arith.constant 8 : i32
    %mul3A_112 = arith.muli %select_n3A_9, %mul3A_111 : i32
    %add3A_113 = arith.constant 128 : i32
    %add3A_114 = arith.addi %add3A_113, %mul3A_112 : i32
    %dma_start3A_115 = arith.constant 2 : i32
    %dma_start3A_116 = arith.constant 16 : i32
    %dma_start3A_117 = arith.constant 0 : i32
    %dma_start3A_118 = tpu.memref_slice %arg11[%dma_start3A_116, %dma_start3A_117] : memref<24x512xf32, #tpu.memory_space<vmem>> -> memref<8x512xf32, #tpu.memory_space<vmem>>
    %dma_start3A_119 = tpu.memref_slice %arg4[%add3A_114, %mul3A_32] : memref<192x2048xf32, #tpu.memory_space<hbm>> -> memref<8x512xf32, #tpu.memory_space<hbm>>
    %dma_start3A_120 = tpu.memref_slice %arg17[%dma_start3A_115] : memref<3x!tpu.dma_semaphore, #tpu.memory_space<semaphore_mem>> -> memref<1x!tpu.dma_semaphore, #tpu.memory_space<semaphore_mem>>
    %dma_start3A_121 = tpu.memref_squeeze %dma_start3A_120 : memref<1x!tpu.dma_semaphore, #tpu.memory_space<semaphore_mem>> -> memref<!tpu.dma_semaphore, #tpu.memory_space<semaphore_mem>>
    %dma_start3A_122 = arith.constant 16 : i32
    %dma_start3A_123 = arith.constant 0 : i32
    %dma_start3A_124 = tpu.memref_slice %arg11[%dma_start3A_122, %dma_start3A_123] : memref<24x512xf32, #tpu.memory_space<vmem>> -> memref<8x512xf32, #tpu.memory_space<vmem>>
    %dma_start3A_125 = tpu.memref_slice %arg4[%add3A_114, %mul3A_32] : memref<192x2048xf32, #tpu.memory_space<hbm>> -> memref<8x512xf32, #tpu.memory_space<hbm>>
    tpu.enqueue_dma source(%dma_start3A_125 : memref<8x512xf32, #tpu.memory_space<hbm>>) target(%dma_start3A_124 : memref<8x512xf32, #tpu.memory_space<vmem>>) target_semaphore(%dma_start3A_121 : memref<!tpu.dma_semaphore, #tpu.memory_space<semaphore_mem>>)
    %dma_start3A_126 = arith.constant 2 : i32
    %dma_start3A_127 = arith.constant 16 : i32
    %dma_start3A_128 = arith.constant 0 : i32
    %dma_start3A_129 = tpu.memref_slice %arg12[%dma_start3A_127, %dma_start3A_128] : memref<24x512xf32, #tpu.memory_space<vmem>> -> memref<8x512xf32, #tpu.memory_space<vmem>>
    %dma_start3A_130 = tpu.memref_slice %arg5[%add3A_114, %mul3A_32] : memref<192x2048xf32, #tpu.memory_space<hbm>> -> memref<8x512xf32, #tpu.memory_space<hbm>>
    %dma_start3A_131 = tpu.memref_slice %arg18[%dma_start3A_126] : memref<3x!tpu.dma_semaphore, #tpu.memory_space<semaphore_mem>> -> memref<1x!tpu.dma_semaphore, #tpu.memory_space<semaphore_mem>>
    %dma_start3A_132 = tpu.memref_squeeze %dma_start3A_131 : memref<1x!tpu.dma_semaphore, #tpu.memory_space<semaphore_mem>> -> memref<!tpu.dma_semaphore, #tpu.memory_space<semaphore_mem>>
    %dma_start3A_133 = arith.constant 16 : i32
    %dma_start3A_134 = arith.constant 0 : i32
    %dma_start3A_135 = tpu.memref_slice %arg12[%dma_start3A_133, %dma_start3A_134] : memref<24x512xf32, #tpu.memory_space<vmem>> -> memref<8x512xf32, #tpu.memory_space<vmem>>
    %dma_start3A_136 = tpu.memref_slice %arg5[%add3A_114, %mul3A_32] : memref<192x2048xf32, #tpu.memory_space<hbm>> -> memref<8x512xf32, #tpu.memory_space<hbm>>
    tpu.enqueue_dma source(%dma_start3A_136 : memref<8x512xf32, #tpu.memory_space<hbm>>) target(%dma_start3A_135 : memref<8x512xf32, #tpu.memory_space<vmem>>) target_semaphore(%dma_start3A_132 : memref<!tpu.dma_semaphore, #tpu.memory_space<semaphore_mem>>)
    %dma_start3A_137 = arith.constant 2 : i32
    %dma_start3A_138 = arith.constant 16 : i32
    %dma_start3A_139 = arith.constant 0 : i32
    %dma_start3A_140 = tpu.memref_slice %arg13[%dma_start3A_138, %dma_start3A_139] : memref<24x512xf32, #tpu.memory_space<vmem>> -> memref<8x512xf32, #tpu.memory_space<vmem>>
    %dma_start3A_141 = tpu.memref_slice %arg6[%add3A_114, %mul3A_32] : memref<192x2048xf32, #tpu.memory_space<hbm>> -> memref<8x512xf32, #tpu.memory_space<hbm>>
    %dma_start3A_142 = tpu.memref_slice %arg19[%dma_start3A_137] : memref<3x!tpu.dma_semaphore, #tpu.memory_space<semaphore_mem>> -> memref<1x!tpu.dma_semaphore, #tpu.memory_space<semaphore_mem>>
    %dma_start3A_143 = tpu.memref_squeeze %dma_start3A_142 : memref<1x!tpu.dma_semaphore, #tpu.memory_space<semaphore_mem>> -> memref<!tpu.dma_semaphore, #tpu.memory_space<semaphore_mem>>
    %dma_start3A_144 = arith.constant 16 : i32
    %dma_start3A_145 = arith.constant 0 : i32
    %dma_start3A_146 = tpu.memref_slice %arg13[%dma_start3A_144, %dma_start3A_145] : memref<24x512xf32, #tpu.memory_space<vmem>> -> memref<8x512xf32, #tpu.memory_space<vmem>>
    %dma_start3A_147 = tpu.memref_slice %arg6[%add3A_114, %mul3A_32] : memref<192x2048xf32, #tpu.memory_space<hbm>> -> memref<8x512xf32, #tpu.memory_space<hbm>>
    tpu.enqueue_dma source(%dma_start3A_147 : memref<8x512xf32, #tpu.memory_space<hbm>>) target(%dma_start3A_146 : memref<8x512xf32, #tpu.memory_space<vmem>>) target_semaphore(%dma_start3A_143 : memref<!tpu.dma_semaphore, #tpu.memory_space<semaphore_mem>>)
    %dma_wait3A = arith.constant 0 : i32
    %dma_wait3A_148 = arith.constant 0 : i32
    %dma_wait3A_149 = tpu.memref_slice %arg2[%dma_wait3A, %dma_wait3A_148] : memref<1000x128xf32, #tpu.memory_space<hbm>> -> memref<1000x128xf32, #tpu.memory_space<hbm>>
    tpu.wait_indirect_dma semaphore(%arg16 : memref<!tpu.dma_semaphore, #tpu.memory_space<semaphore_mem>>) src(%dma_wait3A_149 : memref<1000x128xf32, #tpu.memory_space<hbm>>) dst(%arg10 : memref<8x128xf32, #tpu.memory_space<vmem>>)
    %dma_wait3A_150 = arith.constant 0 : i32
    %dma_wait3A_151 = arith.constant 0 : i32
    %dma_wait3A_152 = arith.constant 0 : i32
    %dma_wait3A_153 = tpu.memref_slice %arg11[%dma_wait3A_151, %dma_wait3A_152] : memref<24x512xf32, #tpu.memory_space<vmem>> -> memref<8x512xf32, #tpu.memory_space<vmem>>
    %dma_wait3A_154 = tpu.memref_slice %arg4[%add3A_40, %mul3A_32] : memref<192x2048xf32, #tpu.memory_space<hbm>> -> memref<8x512xf32, #tpu.memory_space<hbm>>
    %dma_wait3A_155 = tpu.memref_slice %arg17[%dma_wait3A_150] : memref<3x!tpu.dma_semaphore, #tpu.memory_space<semaphore_mem>> -> memref<1x!tpu.dma_semaphore, #tpu.memory_space<semaphore_mem>>
    %dma_wait3A_156 = tpu.memref_squeeze %dma_wait3A_155 : memref<1x!tpu.dma_semaphore, #tpu.memory_space<semaphore_mem>> -> memref<!tpu.dma_semaphore, #tpu.memory_space<semaphore_mem>>
    %dma_wait3A_157 = arith.constant 0 : i32
    %dma_wait3A_158 = arith.constant 0 : i32
    %dma_wait3A_159 = tpu.memref_slice %arg11[%dma_wait3A_157, %dma_wait3A_158] : memref<24x512xf32, #tpu.memory_space<vmem>> -> memref<8x512xf32, #tpu.memory_space<vmem>>
    %dma_wait3A_160 = tpu.memref_slice %arg4[%add3A_40, %mul3A_32] : memref<192x2048xf32, #tpu.memory_space<hbm>> -> memref<8x512xf32, #tpu.memory_space<hbm>>
    tpu.wait_dma2 semaphore(%dma_wait3A_156 : memref<!tpu.dma_semaphore, #tpu.memory_space<semaphore_mem>>) src(%dma_wait3A_160 : memref<8x512xf32, #tpu.memory_space<hbm>>) dst(%dma_wait3A_159 : memref<8x512xf32, #tpu.memory_space<vmem>>)
    %dma_wait3A_161 = arith.constant 0 : i32
    %dma_wait3A_162 = arith.constant 0 : i32
    %dma_wait3A_163 = arith.constant 0 : i32
    %dma_wait3A_164 = tpu.memref_slice %arg12[%dma_wait3A_162, %dma_wait3A_163] : memref<24x512xf32, #tpu.memory_space<vmem>> -> memref<8x512xf32, #tpu.memory_space<vmem>>
    %dma_wait3A_165 = tpu.memref_slice %arg5[%add3A_40, %mul3A_32] : memref<192x2048xf32, #tpu.memory_space<hbm>> -> memref<8x512xf32, #tpu.memory_space<hbm>>
    %dma_wait3A_166 = tpu.memref_slice %arg18[%dma_wait3A_161] : memref<3x!tpu.dma_semaphore, #tpu.memory_space<semaphore_mem>> -> memref<1x!tpu.dma_semaphore, #tpu.memory_space<semaphore_mem>>
    %dma_wait3A_167 = tpu.memref_squeeze %dma_wait3A_166 : memref<1x!tpu.dma_semaphore, #tpu.memory_space<semaphore_mem>> -> memref<!tpu.dma_semaphore, #tpu.memory_space<semaphore_mem>>
    %dma_wait3A_168 = arith.constant 0 : i32
    %dma_wait3A_169 = arith.constant 0 : i32
    %dma_wait3A_170 = tpu.memref_slice %arg12[%dma_wait3A_168, %dma_wait3A_169] : memref<24x512xf32, #tpu.memory_space<vmem>> -> memref<8x512xf32, #tpu.memory_space<vmem>>
    %dma_wait3A_171 = tpu.memref_slice %arg5[%add3A_40, %mul3A_32] : memref<192x2048xf32, #tpu.memory_space<hbm>> -> memref<8x512xf32, #tpu.memory_space<hbm>>
    tpu.wait_dma2 semaphore(%dma_wait3A_167 : memref<!tpu.dma_semaphore, #tpu.memory_space<semaphore_mem>>) src(%dma_wait3A_171 : memref<8x512xf32, #tpu.memory_space<hbm>>) dst(%dma_wait3A_170 : memref<8x512xf32, #tpu.memory_space<vmem>>)
    %dma_wait3A_172 = arith.constant 0 : i32
    %dma_wait3A_173 = arith.constant 0 : i32
    %dma_wait3A_174 = arith.constant 0 : i32
    %dma_wait3A_175 = tpu.memref_slice %arg13[%dma_wait3A_173, %dma_wait3A_174] : memref<24x512xf32, #tpu.memory_space<vmem>> -> memref<8x512xf32, #tpu.memory_space<vmem>>
    %dma_wait3A_176 = tpu.memref_slice %arg6[%add3A_40, %mul3A_32] : memref<192x2048xf32, #tpu.memory_space<hbm>> -> memref<8x512xf32, #tpu.memory_space<hbm>>
    %dma_wait3A_177 = tpu.memref_slice %arg19[%dma_wait3A_172] : memref<3x!tpu.dma_semaphore, #tpu.memory_space<semaphore_mem>> -> memref<1x!tpu.dma_semaphore, #tpu.memory_space<semaphore_mem>>
    %dma_wait3A_178 = tpu.memref_squeeze %dma_wait3A_177 : memref<1x!tpu.dma_semaphore, #tpu.memory_space<semaphore_mem>> -> memref<!tpu.dma_semaphore, #tpu.memory_space<semaphore_mem>>
    %dma_wait3A_179 = arith.constant 0 : i32
    %dma_wait3A_180 = arith.constant 0 : i32
    %dma_wait3A_181 = tpu.memref_slice %arg13[%dma_wait3A_179, %dma_wait3A_180] : memref<24x512xf32, #tpu.memory_space<vmem>> -> memref<8x512xf32, #tpu.memory_space<vmem>>
    %dma_wait3A_182 = tpu.memref_slice %arg6[%add3A_40, %mul3A_32] : memref<192x2048xf32, #tpu.memory_space<hbm>> -> memref<8x512xf32, #tpu.memory_space<hbm>>
    tpu.wait_dma2 semaphore(%dma_wait3A_178 : memref<!tpu.dma_semaphore, #tpu.memory_space<semaphore_mem>>) src(%dma_wait3A_182 : memref<8x512xf32, #tpu.memory_space<hbm>>) dst(%dma_wait3A_181 : memref<8x512xf32, #tpu.memory_space<vmem>>)
    %get3A = arith.constant 0 : i32
    %get3A_183 = arith.index_cast %get3A : i32 to index
    %get3A_184 = arith.constant 0 : index
    %get3A_185 = tpu.vector_load %arg10[%get3A_183, %get3A_184] {strides = array<i32>} : memref<8x128xf32, #tpu.memory_space<vmem>>, vector<1x16xf32>,
    %get3A_186 = vector.shape_cast %get3A_185 : vector<1x16xf32> to vector<16xf32>
    %get3A_187 = arith.constant 0 : i32
    %get3A_188 = arith.index_cast %get3A_187 : i32 to index
    %get3A_189 = arith.constant 16 : index
    %get3A_190 = tpu.vector_load %arg10[%get3A_188, %get3A_189] {strides = array<i32>} : memref<8x128xf32, #tpu.memory_space<vmem>>, vector<1x16xf32>,
    %get3A_191 = vector.shape_cast %get3A_190 : vector<1x16xf32> to vector<16xf32>
    %get3A_192 = arith.constant 0 : i32
    %get3A_193 = arith.index_cast %get3A_192 : i32 to index
    %get3A_194 = arith.constant 32 : index
    %get3A_195 = tpu.vector_load %arg10[%get3A_193, %get3A_194] {strides = array<i32>} : memref<8x128xf32, #tpu.memory_space<vmem>>, vector<1x16xf32>,
    %get3A_196 = vector.shape_cast %get3A_195 : vector<1x16xf32> to vector<16xf32>
    %get3A_197 = arith.constant 0 : i32
    %get3A_198 = arith.index_cast %get3A_197 : i32 to index
    %get3A_199 = arith.constant 48 : index
    %get3A_200 = tpu.vector_load %arg10[%get3A_198, %get3A_199] {strides = array<i32>} : memref<8x128xf32, #tpu.memory_space<vmem>>, vector<1x16xf32>,
    %get3A_201 = vector.shape_cast %get3A_200 : vector<1x16xf32> to vector<16xf32>
    %get3A_202 = arith.constant 0 : i32
    %get3A_203 = arith.index_cast %get3A_202 : i32 to index
    %get3A_204 = arith.constant 64 : index
    %get3A_205 = tpu.vector_load %arg10[%get3A_203, %get3A_204] {strides = array<i32>} : memref<8x128xf32, #tpu.memory_space<vmem>>, vector<1x16xf32>,
    %get3A_206 = vector.shape_cast %get3A_205 : vector<1x16xf32> to vector<16xf32>
    %parallel_loop3A = arith.constant 0 : i32
    %parallel_loop3A_207 = arith.constant 32 : i32
    %parallel_loop3A_208 = arith.constant 1 : i32
    scf.for %parallel_loop3A_1063 = %parallel_loop3A to %parallel_loop3A_207 step %parallel_loop3A_208  : i32 {
      %parallel_loop3A_1064 = arith.constant 16 : i32
      %parallel_loop3A_1065 = arith.muli %parallel_loop3A_1063, %parallel_loop3A_1064 : i32
      %parallel_loop3A_1066 = arith.constant 0 : i32
      %parallel_loop3A_1067 = arith.index_cast %parallel_loop3A_1066 : i32 to index
      %parallel_loop3A_1068 = arith.index_cast %parallel_loop3A_1065 : i32 to index
      %parallel_loop3A_1069 = tpu.vector_load %arg11[%parallel_loop3A_1067, %parallel_loop3A_1068] {strides = array<i32>} : memref<24x512xf32, #tpu.memory_space<vmem>>, vector<1x16xf32>,
      %parallel_loop3A_1070 = vector.shape_cast %parallel_loop3A_1069 : vector<1x16xf32> to vector<16xf32>
      %parallel_loop3A_1071 = arith.constant 0 : i32
      %parallel_loop3A_1072 = arith.index_cast %parallel_loop3A_1071 : i32 to index
      %parallel_loop3A_1073 = arith.index_cast %parallel_loop3A_1065 : i32 to index
      %parallel_loop3A_1074 = tpu.vector_load %arg12[%parallel_loop3A_1072, %parallel_loop3A_1073] {strides = array<i32>} : memref<24x512xf32, #tpu.memory_space<vmem>>, vector<1x16xf32>,
      %parallel_loop3A_1075 = vector.shape_cast %parallel_loop3A_1074 : vector<1x16xf32> to vector<16xf32>
      %parallel_loop3A_1076 = arith.constant 0 : i32
      %parallel_loop3A_1077 = arith.index_cast %parallel_loop3A_1076 : i32 to index
      %parallel_loop3A_1078 = arith.index_cast %parallel_loop3A_1065 : i32 to index
      %parallel_loop3A_1079 = tpu.vector_load %arg13[%parallel_loop3A_1077, %parallel_loop3A_1078] {strides = array<i32>} : memref<24x512xf32, #tpu.memory_space<vmem>>, vector<1x16xf32>,
      %parallel_loop3A_1080 = vector.shape_cast %parallel_loop3A_1079 : vector<1x16xf32> to vector<16xf32>
      %parallel_loop3A_1081 = arith.mulf %get3A_186, %parallel_loop3A_1070 : vector<16xf32>
      %parallel_loop3A_1082 = arith.mulf %get3A_191, %parallel_loop3A_1075 : vector<16xf32>
      %parallel_loop3A_1083 = arith.subf %parallel_loop3A_1081, %parallel_loop3A_1082 : vector<16xf32>
      %parallel_loop3A_1084 = arith.constant -5.000000e-01 : f32
      %parallel_loop3A_1085 = arith.constant 5.000000e-01 : f32
      %parallel_loop3A_1086 = vector.broadcast %parallel_loop3A_1084 : f32 to vector<16xf32>
      %parallel_loop3A_1087 = arith.maximumf %parallel_loop3A_1086, %parallel_loop3A_1083 : vector<16xf32>
      %parallel_loop3A_1088 = vector.broadcast %parallel_loop3A_1085 : f32 to vector<16xf32>
      %parallel_loop3A_1089 = arith.minimumf %parallel_loop3A_1088, %parallel_loop3A_1087 : vector<16xf32>
      %parallel_loop3A_1090 = arith.constant 0 : i32
      %parallel_loop3A_1091 = arith.index_cast %parallel_loop3A_1090 : i32 to index
      %parallel_loop3A_1092 = arith.index_cast %parallel_loop3A_1065 : i32 to index
      %parallel_loop3A_1093 = tpu.vector_load %arg15[%parallel_loop3A_1091, %parallel_loop3A_1092] {strides = array<i32>} : memref<24x512xf32, #tpu.memory_space<vmem>>, vector<1x16xf32>,
      %parallel_loop3A_1094 = vector.shape_cast %parallel_loop3A_1093 : vector<1x16xf32> to vector<16xf32>
      %parallel_loop3A_1095 = vector.shape_cast %parallel_loop3A_1089 : vector<16xf32> to vector<1x16xf32>
      tpu.vector_store %arg15[%parallel_loop3A_1091, %parallel_loop3A_1092], %parallel_loop3A_1095 {strides = array<i32>} : memref<24x512xf32, #tpu.memory_space<vmem>>, vector<1x16xf32>,
      %parallel_loop3A_1096 = arith.mulf %get3A_196, %parallel_loop3A_1089 : vector<16xf32>
      %parallel_loop3A_1097 = arith.mulf %get3A_201, %parallel_loop3A_1070 : vector<16xf32>
      %parallel_loop3A_1098 = arith.addf %parallel_loop3A_1096, %parallel_loop3A_1097 : vector<16xf32>
      %parallel_loop3A_1099 = arith.mulf %get3A_206, %parallel_loop3A_1080 : vector<16xf32>
      %parallel_loop3A_1100 = arith.addf %parallel_loop3A_1098, %parallel_loop3A_1099 : vector<16xf32>
      %parallel_loop3A_1101 = arith.constant 0 : i32
      %parallel_loop3A_1102 = arith.index_cast %parallel_loop3A_1101 : i32 to index
      %parallel_loop3A_1103 = arith.index_cast %parallel_loop3A_1065 : i32 to index
      %parallel_loop3A_1104 = tpu.vector_load %arg14[%parallel_loop3A_1102, %parallel_loop3A_1103] {strides = array<i32>} : memref<24x512xf32, #tpu.memory_space<vmem>>, vector<1x16xf32>,
      %parallel_loop3A_1105 = vector.shape_cast %parallel_loop3A_1104 : vector<1x16xf32> to vector<16xf32>
      %parallel_loop3A_1106 = vector.shape_cast %parallel_loop3A_1100 : vector<16xf32> to vector<1x16xf32>
      tpu.vector_store %arg14[%parallel_loop3A_1102, %parallel_loop3A_1103], %parallel_loop3A_1106 {strides = array<i32>} : memref<24x512xf32, #tpu.memory_space<vmem>>, vector<1x16xf32>,
    } {sc.loop_unroll_factor = 4 : i64, sc.parallel_access}
    %get3A_209 = arith.constant 1 : i32
    %get3A_210 = arith.index_cast %get3A_209 : i32 to index
    %get3A_211 = arith.constant 0 : index
    %get3A_212 = tpu.vector_load %arg10[%get3A_210, %get3A_211] {strides = array<i32>} : memref<8x128xf32, #tpu.memory_space<vmem>>, vector<1x16xf32>,
    %get3A_213 = vector.shape_cast %get3A_212 : vector<1x16xf32> to vector<16xf32>
    %get3A_214 = arith.constant 1 : i32
    %get3A_215 = arith.index_cast %get3A_214 : i32 to index
    %get3A_216 = arith.constant 16 : index
    %get3A_217 = tpu.vector_load %arg10[%get3A_215, %get3A_216] {strides = array<i32>} : memref<8x128xf32, #tpu.memory_space<vmem>>, vector<1x16xf32>,
    %get3A_218 = vector.shape_cast %get3A_217 : vector<1x16xf32> to vector<16xf32>
    %get3A_219 = arith.constant 1 : i32
    %get3A_220 = arith.index_cast %get3A_219 : i32 to index
    %get3A_221 = arith.constant 32 : index
    %get3A_222 = tpu.vector_load %arg10[%get3A_220, %get3A_221] {strides = array<i32>} : memref<8x128xf32, #tpu.memory_space<vmem>>, vector<1x16xf32>,
    %get3A_223 = vector.shape_cast %get3A_222 : vector<1x16xf32> to vector<16xf32>
    %get3A_224 = arith.constant 1 : i32
    %get3A_225 = arith.index_cast %get3A_224 : i32 to index
    %get3A_226 = arith.constant 48 : index
    %get3A_227 = tpu.vector_load %arg10[%get3A_225, %get3A_226] {strides = array<i32>} : memref<8x128xf32, #tpu.memory_space<vmem>>, vector<1x16xf32>,
    %get3A_228 = vector.shape_cast %get3A_227 : vector<1x16xf32> to vector<16xf32>
    %get3A_229 = arith.constant 1 : i32
    %get3A_230 = arith.index_cast %get3A_229 : i32 to index
    %get3A_231 = arith.constant 64 : index
    %get3A_232 = tpu.vector_load %arg10[%get3A_230, %get3A_231] {strides = array<i32>} : memref<8x128xf32, #tpu.memory_space<vmem>>, vector<1x16xf32>,
    %get3A_233 = vector.shape_cast %get3A_232 : vector<1x16xf32> to vector<16xf32>
    %parallel_loop3A_234 = arith.constant 0 : i32
    %parallel_loop3A_235 = arith.constant 32 : i32
    %parallel_loop3A_236 = arith.constant 1 : i32
    scf.for %parallel_loop3A_1063 = %parallel_loop3A_234 to %parallel_loop3A_235 step %parallel_loop3A_236  : i32 {
      %parallel_loop3A_1064 = arith.constant 16 : i32
      %parallel_loop3A_1065 = arith.muli %parallel_loop3A_1063, %parallel_loop3A_1064 : i32
      %parallel_loop3A_1066 = arith.constant 1 : i32
      %parallel_loop3A_1067 = arith.index_cast %parallel_loop3A_1066 : i32 to index
      %parallel_loop3A_1068 = arith.index_cast %parallel_loop3A_1065 : i32 to index
      %parallel_loop3A_1069 = tpu.vector_load %arg11[%parallel_loop3A_1067, %parallel_loop3A_1068] {strides = array<i32>} : memref<24x512xf32, #tpu.memory_space<vmem>>, vector<1x16xf32>,
      %parallel_loop3A_1070 = vector.shape_cast %parallel_loop3A_1069 : vector<1x16xf32> to vector<16xf32>
      %parallel_loop3A_1071 = arith.constant 1 : i32
      %parallel_loop3A_1072 = arith.index_cast %parallel_loop3A_1071 : i32 to index
      %parallel_loop3A_1073 = arith.index_cast %parallel_loop3A_1065 : i32 to index
      %parallel_loop3A_1074 = tpu.vector_load %arg12[%parallel_loop3A_1072, %parallel_loop3A_1073] {strides = array<i32>} : memref<24x512xf32, #tpu.memory_space<vmem>>, vector<1x16xf32>,
      %parallel_loop3A_1075 = vector.shape_cast %parallel_loop3A_1074 : vector<1x16xf32> to vector<16xf32>
      %parallel_loop3A_1076 = arith.constant 1 : i32
      %parallel_loop3A_1077 = arith.index_cast %parallel_loop3A_1076 : i32 to index
      %parallel_loop3A_1078 = arith.index_cast %parallel_loop3A_1065 : i32 to index
      %parallel_loop3A_1079 = tpu.vector_load %arg13[%parallel_loop3A_1077, %parallel_loop3A_1078] {strides = array<i32>} : memref<24x512xf32, #tpu.memory_space<vmem>>, vector<1x16xf32>,
      %parallel_loop3A_1080 = vector.shape_cast %parallel_loop3A_1079 : vector<1x16xf32> to vector<16xf32>
      %parallel_loop3A_1081 = arith.mulf %get3A_213, %parallel_loop3A_1070 : vector<16xf32>
      %parallel_loop3A_1082 = arith.mulf %get3A_218, %parallel_loop3A_1075 : vector<16xf32>
      %parallel_loop3A_1083 = arith.subf %parallel_loop3A_1081, %parallel_loop3A_1082 : vector<16xf32>
      %parallel_loop3A_1084 = arith.constant -5.000000e-01 : f32
      %parallel_loop3A_1085 = arith.constant 5.000000e-01 : f32
      %parallel_loop3A_1086 = vector.broadcast %parallel_loop3A_1084 : f32 to vector<16xf32>
      %parallel_loop3A_1087 = arith.maximumf %parallel_loop3A_1086, %parallel_loop3A_1083 : vector<16xf32>
      %parallel_loop3A_1088 = vector.broadcast %parallel_loop3A_1085 : f32 to vector<16xf32>
      %parallel_loop3A_1089 = arith.minimumf %parallel_loop3A_1088, %parallel_loop3A_1087 : vector<16xf32>
      %parallel_loop3A_1090 = arith.constant 1 : i32
      %parallel_loop3A_1091 = arith.index_cast %parallel_loop3A_1090 : i32 to index
      %parallel_loop3A_1092 = arith.index_cast %parallel_loop3A_1065 : i32 to index
      %parallel_loop3A_1093 = tpu.vector_load %arg15[%parallel_loop3A_1091, %parallel_loop3A_1092] {strides = array<i32>} : memref<24x512xf32, #tpu.memory_space<vmem>>, vector<1x16xf32>,
      %parallel_loop3A_1094 = vector.shape_cast %parallel_loop3A_1093 : vector<1x16xf32> to vector<16xf32>
      %parallel_loop3A_1095 = vector.shape_cast %parallel_loop3A_1089 : vector<16xf32> to vector<1x16xf32>
      tpu.vector_store %arg15[%parallel_loop3A_1091, %parallel_loop3A_1092], %parallel_loop3A_1095 {strides = array<i32>} : memref<24x512xf32, #tpu.memory_space<vmem>>, vector<1x16xf32>,
      %parallel_loop3A_1096 = arith.mulf %get3A_223, %parallel_loop3A_1089 : vector<16xf32>
      %parallel_loop3A_1097 = arith.mulf %get3A_228, %parallel_loop3A_1070 : vector<16xf32>
      %parallel_loop3A_1098 = arith.addf %parallel_loop3A_1096, %parallel_loop3A_1097 : vector<16xf32>
      %parallel_loop3A_1099 = arith.mulf %get3A_233, %parallel_loop3A_1080 : vector<16xf32>
      %parallel_loop3A_1100 = arith.addf %parallel_loop3A_1098, %parallel_loop3A_1099 : vector<16xf32>
      %parallel_loop3A_1101 = arith.constant 1 : i32
      %parallel_loop3A_1102 = arith.index_cast %parallel_loop3A_1101 : i32 to index
      %parallel_loop3A_1103 = arith.index_cast %parallel_loop3A_1065 : i32 to index
      %parallel_loop3A_1104 = tpu.vector_load %arg14[%parallel_loop3A_1102, %parallel_loop3A_1103] {strides = array<i32>} : memref<24x512xf32, #tpu.memory_space<vmem>>, vector<1x16xf32>,
      %parallel_loop3A_1105 = vector.shape_cast %parallel_loop3A_1104 : vector<1x16xf32> to vector<16xf32>
      %parallel_loop3A_1106 = vector.shape_cast %parallel_loop3A_1100 : vector<16xf32> to vector<1x16xf32>
      tpu.vector_store %arg14[%parallel_loop3A_1102, %parallel_loop3A_1103], %parallel_loop3A_1106 {strides = array<i32>} : memref<24x512xf32, #tpu.memory_space<vmem>>, vector<1x16xf32>,
    } {sc.loop_unroll_factor = 4 : i64, sc.parallel_access}
    %get3A_237 = arith.constant 2 : i32
    %get3A_238 = arith.index_cast %get3A_237 : i32 to index
    %get3A_239 = arith.constant 0 : index
    %get3A_240 = tpu.vector_load %arg10[%get3A_238, %get3A_239] {strides = array<i32>} : memref<8x128xf32, #tpu.memory_space<vmem>>, vector<1x16xf32>,
    %get3A_241 = vector.shape_cast %get3A_240 : vector<1x16xf32> to vector<16xf32>
    %get3A_242 = arith.constant 2 : i32
    %get3A_243 = arith.index_cast %get3A_242 : i32 to index
    %get3A_244 = arith.constant 16 : index
    %get3A_245 = tpu.vector_load %arg10[%get3A_243, %get3A_244] {strides = array<i32>} : memref<8x128xf32, #tpu.memory_space<vmem>>, vector<1x16xf32>,
    %get3A_246 = vector.shape_cast %get3A_245 : vector<1x16xf32> to vector<16xf32>
    %get3A_247 = arith.constant 2 : i32
    %get3A_248 = arith.index_cast %get3A_247 : i32 to index
    %get3A_249 = arith.constant 32 : index
    %get3A_250 = tpu.vector_load %arg10[%get3A_248, %get3A_249] {strides = array<i32>} : memref<8x128xf32, #tpu.memory_space<vmem>>, vector<1x16xf32>,
    %get3A_251 = vector.shape_cast %get3A_250 : vector<1x16xf32> to vector<16xf32>
    %get3A_252 = arith.constant 2 : i32
    %get3A_253 = arith.index_cast %get3A_252 : i32 to index
    %get3A_254 = arith.constant 48 : index
    %get3A_255 = tpu.vector_load %arg10[%get3A_253, %get3A_254] {strides = array<i32>} : memref<8x128xf32, #tpu.memory_space<vmem>>, vector<1x16xf32>,
    %get3A_256 = vector.shape_cast %get3A_255 : vector<1x16xf32> to vector<16xf32>
    %get3A_257 = arith.constant 2 : i32
    %get3A_258 = arith.index_cast %get3A_257 : i32 to index
    %get3A_259 = arith.constant 64 : index
    %get3A_260 = tpu.vector_load %arg10[%get3A_258, %get3A_259] {strides = array<i32>} : memref<8x128xf32, #tpu.memory_space<vmem>>, vector<1x16xf32>,
    %get3A_261 = vector.shape_cast %get3A_260 : vector<1x16xf32> to vector<16xf32>
    %parallel_loop3A_262 = arith.constant 0 : i32
    %parallel_loop3A_263 = arith.constant 32 : i32
    %parallel_loop3A_264 = arith.constant 1 : i32
    scf.for %parallel_loop3A_1063 = %parallel_loop3A_262 to %parallel_loop3A_263 step %parallel_loop3A_264  : i32 {
      %parallel_loop3A_1064 = arith.constant 16 : i32
      %parallel_loop3A_1065 = arith.muli %parallel_loop3A_1063, %parallel_loop3A_1064 : i32
      %parallel_loop3A_1066 = arith.constant 2 : i32
      %parallel_loop3A_1067 = arith.index_cast %parallel_loop3A_1066 : i32 to index
      %parallel_loop3A_1068 = arith.index_cast %parallel_loop3A_1065 : i32 to index
      %parallel_loop3A_1069 = tpu.vector_load %arg11[%parallel_loop3A_1067, %parallel_loop3A_1068] {strides = array<i32>} : memref<24x512xf32, #tpu.memory_space<vmem>>, vector<1x16xf32>,
      %parallel_loop3A_1070 = vector.shape_cast %parallel_loop3A_1069 : vector<1x16xf32> to vector<16xf32>
      %parallel_loop3A_1071 = arith.constant 2 : i32
      %parallel_loop3A_1072 = arith.index_cast %parallel_loop3A_1071 : i32 to index
      %parallel_loop3A_1073 = arith.index_cast %parallel_loop3A_1065 : i32 to index
      %parallel_loop3A_1074 = tpu.vector_load %arg12[%parallel_loop3A_1072, %parallel_loop3A_1073] {strides = array<i32>} : memref<24x512xf32, #tpu.memory_space<vmem>>, vector<1x16xf32>,
      %parallel_loop3A_1075 = vector.shape_cast %parallel_loop3A_1074 : vector<1x16xf32> to vector<16xf32>
      %parallel_loop3A_1076 = arith.constant 2 : i32
      %parallel_loop3A_1077 = arith.index_cast %parallel_loop3A_1076 : i32 to index
      %parallel_loop3A_1078 = arith.index_cast %parallel_loop3A_1065 : i32 to index
      %parallel_loop3A_1079 = tpu.vector_load %arg13[%parallel_loop3A_1077, %parallel_loop3A_1078] {strides = array<i32>} : memref<24x512xf32, #tpu.memory_space<vmem>>, vector<1x16xf32>,
      %parallel_loop3A_1080 = vector.shape_cast %parallel_loop3A_1079 : vector<1x16xf32> to vector<16xf32>
      %parallel_loop3A_1081 = arith.mulf %get3A_241, %parallel_loop3A_1070 : vector<16xf32>
      %parallel_loop3A_1082 = arith.mulf %get3A_246, %parallel_loop3A_1075 : vector<16xf32>
      %parallel_loop3A_1083 = arith.subf %parallel_loop3A_1081, %parallel_loop3A_1082 : vector<16xf32>
      %parallel_loop3A_1084 = arith.constant -5.000000e-01 : f32
      %parallel_loop3A_1085 = arith.constant 5.000000e-01 : f32
      %parallel_loop3A_1086 = vector.broadcast %parallel_loop3A_1084 : f32 to vector<16xf32>
      %parallel_loop3A_1087 = arith.maximumf %parallel_loop3A_1086, %parallel_loop3A_1083 : vector<16xf32>
      %parallel_loop3A_1088 = vector.broadcast %parallel_loop3A_1085 : f32 to vector<16xf32>
      %parallel_loop3A_1089 = arith.minimumf %parallel_loop3A_1088, %parallel_loop3A_1087 : vector<16xf32>
      %parallel_loop3A_1090 = arith.constant 2 : i32
      %parallel_loop3A_1091 = arith.index_cast %parallel_loop3A_1090 : i32 to index
      %parallel_loop3A_1092 = arith.index_cast %parallel_loop3A_1065 : i32 to index
      %parallel_loop3A_1093 = tpu.vector_load %arg15[%parallel_loop3A_1091, %parallel_loop3A_1092] {strides = array<i32>} : memref<24x512xf32, #tpu.memory_space<vmem>>, vector<1x16xf32>,
      %parallel_loop3A_1094 = vector.shape_cast %parallel_loop3A_1093 : vector<1x16xf32> to vector<16xf32>
      %parallel_loop3A_1095 = vector.shape_cast %parallel_loop3A_1089 : vector<16xf32> to vector<1x16xf32>
      tpu.vector_store %arg15[%parallel_loop3A_1091, %parallel_loop3A_1092], %parallel_loop3A_1095 {strides = array<i32>} : memref<24x512xf32, #tpu.memory_space<vmem>>, vector<1x16xf32>,
      %parallel_loop3A_1096 = arith.mulf %get3A_251, %parallel_loop3A_1089 : vector<16xf32>
      %parallel_loop3A_1097 = arith.mulf %get3A_256, %parallel_loop3A_1070 : vector<16xf32>
      %parallel_loop3A_1098 = arith.addf %parallel_loop3A_1096, %parallel_loop3A_1097 : vector<16xf32>
      %parallel_loop3A_1099 = arith.mulf %get3A_261, %parallel_loop3A_1080 : vector<16xf32>
      %parallel_loop3A_1100 = arith.addf %parallel_loop3A_1098, %parallel_loop3A_1099 : vector<16xf32>
      %parallel_loop3A_1101 = arith.constant 2 : i32
      %parallel_loop3A_1102 = arith.index_cast %parallel_loop3A_1101 : i32 to index
      %parallel_loop3A_1103 = arith.index_cast %parallel_loop3A_1065 : i32 to index
      %parallel_loop3A_1104 = tpu.vector_load %arg14[%parallel_loop3A_1102, %parallel_loop3A_1103] {strides = array<i32>} : memref<24x512xf32, #tpu.memory_space<vmem>>, vector<1x16xf32>,
      %parallel_loop3A_1105 = vector.shape_cast %parallel_loop3A_1104 : vector<1x16xf32> to vector<16xf32>
      %parallel_loop3A_1106 = vector.shape_cast %parallel_loop3A_1100 : vector<16xf32> to vector<1x16xf32>
      tpu.vector_store %arg14[%parallel_loop3A_1102, %parallel_loop3A_1103], %parallel_loop3A_1106 {strides = array<i32>} : memref<24x512xf32, #tpu.memory_space<vmem>>, vector<1x16xf32>,
    } {sc.loop_unroll_factor = 4 : i64, sc.parallel_access}
    %get3A_265 = arith.constant 3 : i32
    %get3A_266 = arith.index_cast %get3A_265 : i32 to index
    %get3A_267 = arith.constant 0 : index
    %get3A_268 = tpu.vector_load %arg10[%get3A_266, %get3A_267] {strides = array<i32>} : memref<8x128xf32, #tpu.memory_space<vmem>>, vector<1x16xf32>,
    %get3A_269 = vector.shape_cast %get3A_268 : vector<1x16xf32> to vector<16xf32>
    %get3A_270 = arith.constant 3 : i32
    %get3A_271 = arith.index_cast %get3A_270 : i32 to index
    %get3A_272 = arith.constant 16 : index
    %get3A_273 = tpu.vector_load %arg10[%get3A_271, %get3A_272] {strides = array<i32>} : memref<8x128xf32, #tpu.memory_space<vmem>>, vector<1x16xf32>,
    %get3A_274 = vector.shape_cast %get3A_273 : vector<1x16xf32> to vector<16xf32>
    %get3A_275 = arith.constant 3 : i32
    %get3A_276 = arith.index_cast %get3A_275 : i32 to index
    %get3A_277 = arith.constant 32 : index
    %get3A_278 = tpu.vector_load %arg10[%get3A_276, %get3A_277] {strides = array<i32>} : memref<8x128xf32, #tpu.memory_space<vmem>>, vector<1x16xf32>,
    %get3A_279 = vector.shape_cast %get3A_278 : vector<1x16xf32> to vector<16xf32>
    %get3A_280 = arith.constant 3 : i32
    %get3A_281 = arith.index_cast %get3A_280 : i32 to index
    %get3A_282 = arith.constant 48 : index
    %get3A_283 = tpu.vector_load %arg10[%get3A_281, %get3A_282] {strides = array<i32>} : memref<8x128xf32, #tpu.memory_space<vmem>>, vector<1x16xf32>,
    %get3A_284 = vector.shape_cast %get3A_283 : vector<1x16xf32> to vector<16xf32>
    %get3A_285 = arith.constant 3 : i32
    %get3A_286 = arith.index_cast %get3A_285 : i32 to index
    %get3A_287 = arith.constant 64 : index
    %get3A_288 = tpu.vector_load %arg10[%get3A_286, %get3A_287] {strides = array<i32>} : memref<8x128xf32, #tpu.memory_space<vmem>>, vector<1x16xf32>,
    %get3A_289 = vector.shape_cast %get3A_288 : vector<1x16xf32> to vector<16xf32>
    %parallel_loop3A_290 = arith.constant 0 : i32
    %parallel_loop3A_291 = arith.constant 32 : i32
    %parallel_loop3A_292 = arith.constant 1 : i32
    scf.for %parallel_loop3A_1063 = %parallel_loop3A_290 to %parallel_loop3A_291 step %parallel_loop3A_292  : i32 {
      %parallel_loop3A_1064 = arith.constant 16 : i32
      %parallel_loop3A_1065 = arith.muli %parallel_loop3A_1063, %parallel_loop3A_1064 : i32
      %parallel_loop3A_1066 = arith.constant 3 : i32
      %parallel_loop3A_1067 = arith.index_cast %parallel_loop3A_1066 : i32 to index
      %parallel_loop3A_1068 = arith.index_cast %parallel_loop3A_1065 : i32 to index
      %parallel_loop3A_1069 = tpu.vector_load %arg11[%parallel_loop3A_1067, %parallel_loop3A_1068] {strides = array<i32>} : memref<24x512xf32, #tpu.memory_space<vmem>>, vector<1x16xf32>,
      %parallel_loop3A_1070 = vector.shape_cast %parallel_loop3A_1069 : vector<1x16xf32> to vector<16xf32>
      %parallel_loop3A_1071 = arith.constant 3 : i32
      %parallel_loop3A_1072 = arith.index_cast %parallel_loop3A_1071 : i32 to index
      %parallel_loop3A_1073 = arith.index_cast %parallel_loop3A_1065 : i32 to index
      %parallel_loop3A_1074 = tpu.vector_load %arg12[%parallel_loop3A_1072, %parallel_loop3A_1073] {strides = array<i32>} : memref<24x512xf32, #tpu.memory_space<vmem>>, vector<1x16xf32>,
      %parallel_loop3A_1075 = vector.shape_cast %parallel_loop3A_1074 : vector<1x16xf32> to vector<16xf32>
      %parallel_loop3A_1076 = arith.constant 3 : i32
      %parallel_loop3A_1077 = arith.index_cast %parallel_loop3A_1076 : i32 to index
      %parallel_loop3A_1078 = arith.index_cast %parallel_loop3A_1065 : i32 to index
      %parallel_loop3A_1079 = tpu.vector_load %arg13[%parallel_loop3A_1077, %parallel_loop3A_1078] {strides = array<i32>} : memref<24x512xf32, #tpu.memory_space<vmem>>, vector<1x16xf32>,
      %parallel_loop3A_1080 = vector.shape_cast %parallel_loop3A_1079 : vector<1x16xf32> to vector<16xf32>
      %parallel_loop3A_1081 = arith.mulf %get3A_269, %parallel_loop3A_1070 : vector<16xf32>
      %parallel_loop3A_1082 = arith.mulf %get3A_274, %parallel_loop3A_1075 : vector<16xf32>
      %parallel_loop3A_1083 = arith.subf %parallel_loop3A_1081, %parallel_loop3A_1082 : vector<16xf32>
      %parallel_loop3A_1084 = arith.constant -5.000000e-01 : f32
      %parallel_loop3A_1085 = arith.constant 5.000000e-01 : f32
      %parallel_loop3A_1086 = vector.broadcast %parallel_loop3A_1084 : f32 to vector<16xf32>
      %parallel_loop3A_1087 = arith.maximumf %parallel_loop3A_1086, %parallel_loop3A_1083 : vector<16xf32>
      %parallel_loop3A_1088 = vector.broadcast %parallel_loop3A_1085 : f32 to vector<16xf32>
      %parallel_loop3A_1089 = arith.minimumf %parallel_loop3A_1088, %parallel_loop3A_1087 : vector<16xf32>
      %parallel_loop3A_1090 = arith.constant 3 : i32
      %parallel_loop3A_1091 = arith.index_cast %parallel_loop3A_1090 : i32 to index
      %parallel_loop3A_1092 = arith.index_cast %parallel_loop3A_1065 : i32 to index
      %parallel_loop3A_1093 = tpu.vector_load %arg15[%parallel_loop3A_1091, %parallel_loop3A_1092] {strides = array<i32>} : memref<24x512xf32, #tpu.memory_space<vmem>>, vector<1x16xf32>,
      %parallel_loop3A_1094 = vector.shape_cast %parallel_loop3A_1093 : vector<1x16xf32> to vector<16xf32>
      %parallel_loop3A_1095 = vector.shape_cast %parallel_loop3A_1089 : vector<16xf32> to vector<1x16xf32>
      tpu.vector_store %arg15[%parallel_loop3A_1091, %parallel_loop3A_1092], %parallel_loop3A_1095 {strides = array<i32>} : memref<24x512xf32, #tpu.memory_space<vmem>>, vector<1x16xf32>,
      %parallel_loop3A_1096 = arith.mulf %get3A_279, %parallel_loop3A_1089 : vector<16xf32>
      %parallel_loop3A_1097 = arith.mulf %get3A_284, %parallel_loop3A_1070 : vector<16xf32>
      %parallel_loop3A_1098 = arith.addf %parallel_loop3A_1096, %parallel_loop3A_1097 : vector<16xf32>
      %parallel_loop3A_1099 = arith.mulf %get3A_289, %parallel_loop3A_1080 : vector<16xf32>
      %parallel_loop3A_1100 = arith.addf %parallel_loop3A_1098, %parallel_loop3A_1099 : vector<16xf32>
      %parallel_loop3A_1101 = arith.constant 3 : i32
      %parallel_loop3A_1102 = arith.index_cast %parallel_loop3A_1101 : i32 to index
      %parallel_loop3A_1103 = arith.index_cast %parallel_loop3A_1065 : i32 to index
      %parallel_loop3A_1104 = tpu.vector_load %arg14[%parallel_loop3A_1102, %parallel_loop3A_1103] {strides = array<i32>} : memref<24x512xf32, #tpu.memory_space<vmem>>, vector<1x16xf32>,
      %parallel_loop3A_1105 = vector.shape_cast %parallel_loop3A_1104 : vector<1x16xf32> to vector<16xf32>
      %parallel_loop3A_1106 = vector.shape_cast %parallel_loop3A_1100 : vector<16xf32> to vector<1x16xf32>
      tpu.vector_store %arg14[%parallel_loop3A_1102, %parallel_loop3A_1103], %parallel_loop3A_1106 {strides = array<i32>} : memref<24x512xf32, #tpu.memory_space<vmem>>, vector<1x16xf32>,
    } {sc.loop_unroll_factor = 4 : i64, sc.parallel_access}
    %get3A_293 = arith.constant 4 : i32
    %get3A_294 = arith.index_cast %get3A_293 : i32 to index
    %get3A_295 = arith.constant 0 : index
    %get3A_296 = tpu.vector_load %arg10[%get3A_294, %get3A_295] {strides = array<i32>} : memref<8x128xf32, #tpu.memory_space<vmem>>, vector<1x16xf32>,
    %get3A_297 = vector.shape_cast %get3A_296 : vector<1x16xf32> to vector<16xf32>
    %get3A_298 = arith.constant 4 : i32
    %get3A_299 = arith.index_cast %get3A_298 : i32 to index
    %get3A_300 = arith.constant 16 : index
    %get3A_301 = tpu.vector_load %arg10[%get3A_299, %get3A_300] {strides = array<i32>} : memref<8x128xf32, #tpu.memory_space<vmem>>, vector<1x16xf32>,
    %get3A_302 = vector.shape_cast %get3A_301 : vector<1x16xf32> to vector<16xf32>
    %get3A_303 = arith.constant 4 : i32
    %get3A_304 = arith.index_cast %get3A_303 : i32 to index
    %get3A_305 = arith.constant 32 : index
    %get3A_306 = tpu.vector_load %arg10[%get3A_304, %get3A_305] {strides = array<i32>} : memref<8x128xf32, #tpu.memory_space<vmem>>, vector<1x16xf32>,
    %get3A_307 = vector.shape_cast %get3A_306 : vector<1x16xf32> to vector<16xf32>
    %get3A_308 = arith.constant 4 : i32
    %get3A_309 = arith.index_cast %get3A_308 : i32 to index
    %get3A_310 = arith.constant 48 : index
    %get3A_311 = tpu.vector_load %arg10[%get3A_309, %get3A_310] {strides = array<i32>} : memref<8x128xf32, #tpu.memory_space<vmem>>, vector<1x16xf32>,
    %get3A_312 = vector.shape_cast %get3A_311 : vector<1x16xf32> to vector<16xf32>
    %get3A_313 = arith.constant 4 : i32
    %get3A_314 = arith.index_cast %get3A_313 : i32 to index
    %get3A_315 = arith.constant 64 : index
    %get3A_316 = tpu.vector_load %arg10[%get3A_314, %get3A_315] {strides = array<i32>} : memref<8x128xf32, #tpu.memory_space<vmem>>, vector<1x16xf32>,
    %get3A_317 = vector.shape_cast %get3A_316 : vector<1x16xf32> to vector<16xf32>
    %parallel_loop3A_318 = arith.constant 0 : i32
    %parallel_loop3A_319 = arith.constant 32 : i32
    %parallel_loop3A_320 = arith.constant 1 : i32
    scf.for %parallel_loop3A_1063 = %parallel_loop3A_318 to %parallel_loop3A_319 step %parallel_loop3A_320  : i32 {
      %parallel_loop3A_1064 = arith.constant 16 : i32
      %parallel_loop3A_1065 = arith.muli %parallel_loop3A_1063, %parallel_loop3A_1064 : i32
      %parallel_loop3A_1066 = arith.constant 4 : i32
      %parallel_loop3A_1067 = arith.index_cast %parallel_loop3A_1066 : i32 to index
      %parallel_loop3A_1068 = arith.index_cast %parallel_loop3A_1065 : i32 to index
      %parallel_loop3A_1069 = tpu.vector_load %arg11[%parallel_loop3A_1067, %parallel_loop3A_1068] {strides = array<i32>} : memref<24x512xf32, #tpu.memory_space<vmem>>, vector<1x16xf32>,
      %parallel_loop3A_1070 = vector.shape_cast %parallel_loop3A_1069 : vector<1x16xf32> to vector<16xf32>
      %parallel_loop3A_1071 = arith.constant 4 : i32
      %parallel_loop3A_1072 = arith.index_cast %parallel_loop3A_1071 : i32 to index
      %parallel_loop3A_1073 = arith.index_cast %parallel_loop3A_1065 : i32 to index
      %parallel_loop3A_1074 = tpu.vector_load %arg12[%parallel_loop3A_1072, %parallel_loop3A_1073] {strides = array<i32>} : memref<24x512xf32, #tpu.memory_space<vmem>>, vector<1x16xf32>,
      %parallel_loop3A_1075 = vector.shape_cast %parallel_loop3A_1074 : vector<1x16xf32> to vector<16xf32>
      %parallel_loop3A_1076 = arith.constant 4 : i32
      %parallel_loop3A_1077 = arith.index_cast %parallel_loop3A_1076 : i32 to index
      %parallel_loop3A_1078 = arith.index_cast %parallel_loop3A_1065 : i32 to index
      %parallel_loop3A_1079 = tpu.vector_load %arg13[%parallel_loop3A_1077, %parallel_loop3A_1078] {strides = array<i32>} : memref<24x512xf32, #tpu.memory_space<vmem>>, vector<1x16xf32>,
      %parallel_loop3A_1080 = vector.shape_cast %parallel_loop3A_1079 : vector<1x16xf32> to vector<16xf32>
      %parallel_loop3A_1081 = arith.mulf %get3A_297, %parallel_loop3A_1070 : vector<16xf32>
      %parallel_loop3A_1082 = arith.mulf %get3A_302, %parallel_loop3A_1075 : vector<16xf32>
      %parallel_loop3A_1083 = arith.subf %parallel_loop3A_1081, %parallel_loop3A_1082 : vector<16xf32>
      %parallel_loop3A_1084 = arith.constant -5.000000e-01 : f32
      %parallel_loop3A_1085 = arith.constant 5.000000e-01 : f32
      %parallel_loop3A_1086 = vector.broadcast %parallel_loop3A_1084 : f32 to vector<16xf32>
      %parallel_loop3A_1087 = arith.maximumf %parallel_loop3A_1086, %parallel_loop3A_1083 : vector<16xf32>
      %parallel_loop3A_1088 = vector.broadcast %parallel_loop3A_1085 : f32 to vector<16xf32>
      %parallel_loop3A_1089 = arith.minimumf %parallel_loop3A_1088, %parallel_loop3A_1087 : vector<16xf32>
      %parallel_loop3A_1090 = arith.constant 4 : i32
      %parallel_loop3A_1091 = arith.index_cast %parallel_loop3A_1090 : i32 to index
      %parallel_loop3A_1092 = arith.index_cast %parallel_loop3A_1065 : i32 to index
      %parallel_loop3A_1093 = tpu.vector_load %arg15[%parallel_loop3A_1091, %parallel_loop3A_1092] {strides = array<i32>} : memref<24x512xf32, #tpu.memory_space<vmem>>, vector<1x16xf32>,
      %parallel_loop3A_1094 = vector.shape_cast %parallel_loop3A_1093 : vector<1x16xf32> to vector<16xf32>
      %parallel_loop3A_1095 = vector.shape_cast %parallel_loop3A_1089 : vector<16xf32> to vector<1x16xf32>
      tpu.vector_store %arg15[%parallel_loop3A_1091, %parallel_loop3A_1092], %parallel_loop3A_1095 {strides = array<i32>} : memref<24x512xf32, #tpu.memory_space<vmem>>, vector<1x16xf32>,
      %parallel_loop3A_1096 = arith.mulf %get3A_307, %parallel_loop3A_1089 : vector<16xf32>
      %parallel_loop3A_1097 = arith.mulf %get3A_312, %parallel_loop3A_1070 : vector<16xf32>
      %parallel_loop3A_1098 = arith.addf %parallel_loop3A_1096, %parallel_loop3A_1097 : vector<16xf32>
      %parallel_loop3A_1099 = arith.mulf %get3A_317, %parallel_loop3A_1080 : vector<16xf32>
      %parallel_loop3A_1100 = arith.addf %parallel_loop3A_1098, %parallel_loop3A_1099 : vector<16xf32>
      %parallel_loop3A_1101 = arith.constant 4 : i32
      %parallel_loop3A_1102 = arith.index_cast %parallel_loop3A_1101 : i32 to index
      %parallel_loop3A_1103 = arith.index_cast %parallel_loop3A_1065 : i32 to index
      %parallel_loop3A_1104 = tpu.vector_load %arg14[%parallel_loop3A_1102, %parallel_loop3A_1103] {strides = array<i32>} : memref<24x512xf32, #tpu.memory_space<vmem>>, vector<1x16xf32>,
      %parallel_loop3A_1105 = vector.shape_cast %parallel_loop3A_1104 : vector<1x16xf32> to vector<16xf32>
      %parallel_loop3A_1106 = vector.shape_cast %parallel_loop3A_1100 : vector<16xf32> to vector<1x16xf32>
      tpu.vector_store %arg14[%parallel_loop3A_1102, %parallel_loop3A_1103], %parallel_loop3A_1106 {strides = array<i32>} : memref<24x512xf32, #tpu.memory_space<vmem>>, vector<1x16xf32>,
    } {sc.loop_unroll_factor = 4 : i64, sc.parallel_access}
    %get3A_321 = arith.constant 5 : i32
    %get3A_322 = arith.index_cast %get3A_321 : i32 to index
    %get3A_323 = arith.constant 0 : index
    %get3A_324 = tpu.vector_load %arg10[%get3A_322, %get3A_323] {strides = array<i32>} : memref<8x128xf32, #tpu.memory_space<vmem>>, vector<1x16xf32>,
    %get3A_325 = vector.shape_cast %get3A_324 : vector<1x16xf32> to vector<16xf32>
    %get3A_326 = arith.constant 5 : i32
    %get3A_327 = arith.index_cast %get3A_326 : i32 to index
    %get3A_328 = arith.constant 16 : index
    %get3A_329 = tpu.vector_load %arg10[%get3A_327, %get3A_328] {strides = array<i32>} : memref<8x128xf32, #tpu.memory_space<vmem>>, vector<1x16xf32>,
    %get3A_330 = vector.shape_cast %get3A_329 : vector<1x16xf32> to vector<16xf32>
    %get3A_331 = arith.constant 5 : i32
    %get3A_332 = arith.index_cast %get3A_331 : i32 to index
    %get3A_333 = arith.constant 32 : index
    %get3A_334 = tpu.vector_load %arg10[%get3A_332, %get3A_333] {strides = array<i32>} : memref<8x128xf32, #tpu.memory_space<vmem>>, vector<1x16xf32>,
    %get3A_335 = vector.shape_cast %get3A_334 : vector<1x16xf32> to vector<16xf32>
    %get3A_336 = arith.constant 5 : i32
    %get3A_337 = arith.index_cast %get3A_336 : i32 to index
    %get3A_338 = arith.constant 48 : index
    %get3A_339 = tpu.vector_load %arg10[%get3A_337, %get3A_338] {strides = array<i32>} : memref<8x128xf32, #tpu.memory_space<vmem>>, vector<1x16xf32>,
    %get3A_340 = vector.shape_cast %get3A_339 : vector<1x16xf32> to vector<16xf32>
    %get3A_341 = arith.constant 5 : i32
    %get3A_342 = arith.index_cast %get3A_341 : i32 to index
    %get3A_343 = arith.constant 64 : index
    %get3A_344 = tpu.vector_load %arg10[%get3A_342, %get3A_343] {strides = array<i32>} : memref<8x128xf32, #tpu.memory_space<vmem>>, vector<1x16xf32>,
    %get3A_345 = vector.shape_cast %get3A_344 : vector<1x16xf32> to vector<16xf32>
    %parallel_loop3A_346 = arith.constant 0 : i32
    %parallel_loop3A_347 = arith.constant 32 : i32
    %parallel_loop3A_348 = arith.constant 1 : i32
    scf.for %parallel_loop3A_1063 = %parallel_loop3A_346 to %parallel_loop3A_347 step %parallel_loop3A_348  : i32 {
      %parallel_loop3A_1064 = arith.constant 16 : i32
      %parallel_loop3A_1065 = arith.muli %parallel_loop3A_1063, %parallel_loop3A_1064 : i32
      %parallel_loop3A_1066 = arith.constant 5 : i32
      %parallel_loop3A_1067 = arith.index_cast %parallel_loop3A_1066 : i32 to index
      %parallel_loop3A_1068 = arith.index_cast %parallel_loop3A_1065 : i32 to index
      %parallel_loop3A_1069 = tpu.vector_load %arg11[%parallel_loop3A_1067, %parallel_loop3A_1068] {strides = array<i32>} : memref<24x512xf32, #tpu.memory_space<vmem>>, vector<1x16xf32>,
      %parallel_loop3A_1070 = vector.shape_cast %parallel_loop3A_1069 : vector<1x16xf32> to vector<16xf32>
      %parallel_loop3A_1071 = arith.constant 5 : i32
      %parallel_loop3A_1072 = arith.index_cast %parallel_loop3A_1071 : i32 to index
      %parallel_loop3A_1073 = arith.index_cast %parallel_loop3A_1065 : i32 to index
      %parallel_loop3A_1074 = tpu.vector_load %arg12[%parallel_loop3A_1072, %parallel_loop3A_1073] {strides = array<i32>} : memref<24x512xf32, #tpu.memory_space<vmem>>, vector<1x16xf32>,
      %parallel_loop3A_1075 = vector.shape_cast %parallel_loop3A_1074 : vector<1x16xf32> to vector<16xf32>
      %parallel_loop3A_1076 = arith.constant 5 : i32
      %parallel_loop3A_1077 = arith.index_cast %parallel_loop3A_1076 : i32 to index
      %parallel_loop3A_1078 = arith.index_cast %parallel_loop3A_1065 : i32 to index
      %parallel_loop3A_1079 = tpu.vector_load %arg13[%parallel_loop3A_1077, %parallel_loop3A_1078] {strides = array<i32>} : memref<24x512xf32, #tpu.memory_space<vmem>>, vector<1x16xf32>,
      %parallel_loop3A_1080 = vector.shape_cast %parallel_loop3A_1079 : vector<1x16xf32> to vector<16xf32>
      %parallel_loop3A_1081 = arith.mulf %get3A_325, %parallel_loop3A_1070 : vector<16xf32>
      %parallel_loop3A_1082 = arith.mulf %get3A_330, %parallel_loop3A_1075 : vector<16xf32>
      %parallel_loop3A_1083 = arith.subf %parallel_loop3A_1081, %parallel_loop3A_1082 : vector<16xf32>
      %parallel_loop3A_1084 = arith.constant -5.000000e-01 : f32
      %parallel_loop3A_1085 = arith.constant 5.000000e-01 : f32
      %parallel_loop3A_1086 = vector.broadcast %parallel_loop3A_1084 : f32 to vector<16xf32>
      %parallel_loop3A_1087 = arith.maximumf %parallel_loop3A_1086, %parallel_loop3A_1083 : vector<16xf32>
      %parallel_loop3A_1088 = vector.broadcast %parallel_loop3A_1085 : f32 to vector<16xf32>
      %parallel_loop3A_1089 = arith.minimumf %parallel_loop3A_1088, %parallel_loop3A_1087 : vector<16xf32>
      %parallel_loop3A_1090 = arith.constant 5 : i32
      %parallel_loop3A_1091 = arith.index_cast %parallel_loop3A_1090 : i32 to index
      %parallel_loop3A_1092 = arith.index_cast %parallel_loop3A_1065 : i32 to index
      %parallel_loop3A_1093 = tpu.vector_load %arg15[%parallel_loop3A_1091, %parallel_loop3A_1092] {strides = array<i32>} : memref<24x512xf32, #tpu.memory_space<vmem>>, vector<1x16xf32>,
      %parallel_loop3A_1094 = vector.shape_cast %parallel_loop3A_1093 : vector<1x16xf32> to vector<16xf32>
      %parallel_loop3A_1095 = vector.shape_cast %parallel_loop3A_1089 : vector<16xf32> to vector<1x16xf32>
      tpu.vector_store %arg15[%parallel_loop3A_1091, %parallel_loop3A_1092], %parallel_loop3A_1095 {strides = array<i32>} : memref<24x512xf32, #tpu.memory_space<vmem>>, vector<1x16xf32>,
      %parallel_loop3A_1096 = arith.mulf %get3A_335, %parallel_loop3A_1089 : vector<16xf32>
      %parallel_loop3A_1097 = arith.mulf %get3A_340, %parallel_loop3A_1070 : vector<16xf32>
      %parallel_loop3A_1098 = arith.addf %parallel_loop3A_1096, %parallel_loop3A_1097 : vector<16xf32>
      %parallel_loop3A_1099 = arith.mulf %get3A_345, %parallel_loop3A_1080 : vector<16xf32>
      %parallel_loop3A_1100 = arith.addf %parallel_loop3A_1098, %parallel_loop3A_1099 : vector<16xf32>
      %parallel_loop3A_1101 = arith.constant 5 : i32
      %parallel_loop3A_1102 = arith.index_cast %parallel_loop3A_1101 : i32 to index
      %parallel_loop3A_1103 = arith.index_cast %parallel_loop3A_1065 : i32 to index
      %parallel_loop3A_1104 = tpu.vector_load %arg14[%parallel_loop3A_1102, %parallel_loop3A_1103] {strides = array<i32>} : memref<24x512xf32, #tpu.memory_space<vmem>>, vector<1x16xf32>,
      %parallel_loop3A_1105 = vector.shape_cast %parallel_loop3A_1104 : vector<1x16xf32> to vector<16xf32>
      %parallel_loop3A_1106 = vector.shape_cast %parallel_loop3A_1100 : vector<16xf32> to vector<1x16xf32>
      tpu.vector_store %arg14[%parallel_loop3A_1102, %parallel_loop3A_1103], %parallel_loop3A_1106 {strides = array<i32>} : memref<24x512xf32, #tpu.memory_space<vmem>>, vector<1x16xf32>,
    } {sc.loop_unroll_factor = 4 : i64, sc.parallel_access}
    %get3A_349 = arith.constant 6 : i32
    %get3A_350 = arith.index_cast %get3A_349 : i32 to index
    %get3A_351 = arith.constant 0 : index
    %get3A_352 = tpu.vector_load %arg10[%get3A_350, %get3A_351] {strides = array<i32>} : memref<8x128xf32, #tpu.memory_space<vmem>>, vector<1x16xf32>,
    %get3A_353 = vector.shape_cast %get3A_352 : vector<1x16xf32> to vector<16xf32>
    %get3A_354 = arith.constant 6 : i32
    %get3A_355 = arith.index_cast %get3A_354 : i32 to index
    %get3A_356 = arith.constant 16 : index
    %get3A_357 = tpu.vector_load %arg10[%get3A_355, %get3A_356] {strides = array<i32>} : memref<8x128xf32, #tpu.memory_space<vmem>>, vector<1x16xf32>,
    %get3A_358 = vector.shape_cast %get3A_357 : vector<1x16xf32> to vector<16xf32>
    %get3A_359 = arith.constant 6 : i32
    %get3A_360 = arith.index_cast %get3A_359 : i32 to index
    %get3A_361 = arith.constant 32 : index
    %get3A_362 = tpu.vector_load %arg10[%get3A_360, %get3A_361] {strides = array<i32>} : memref<8x128xf32, #tpu.memory_space<vmem>>, vector<1x16xf32>,
    %get3A_363 = vector.shape_cast %get3A_362 : vector<1x16xf32> to vector<16xf32>
    %get3A_364 = arith.constant 6 : i32
    %get3A_365 = arith.index_cast %get3A_364 : i32 to index
    %get3A_366 = arith.constant 48 : index
    %get3A_367 = tpu.vector_load %arg10[%get3A_365, %get3A_366] {strides = array<i32>} : memref<8x128xf32, #tpu.memory_space<vmem>>, vector<1x16xf32>,
    %get3A_368 = vector.shape_cast %get3A_367 : vector<1x16xf32> to vector<16xf32>
    %get3A_369 = arith.constant 6 : i32
    %get3A_370 = arith.index_cast %get3A_369 : i32 to index
    %get3A_371 = arith.constant 64 : index
    %get3A_372 = tpu.vector_load %arg10[%get3A_370, %get3A_371] {strides = array<i32>} : memref<8x128xf32, #tpu.memory_space<vmem>>, vector<1x16xf32>,
    %get3A_373 = vector.shape_cast %get3A_372 : vector<1x16xf32> to vector<16xf32>
    %parallel_loop3A_374 = arith.constant 0 : i32
    %parallel_loop3A_375 = arith.constant 32 : i32
    %parallel_loop3A_376 = arith.constant 1 : i32
    scf.for %parallel_loop3A_1063 = %parallel_loop3A_374 to %parallel_loop3A_375 step %parallel_loop3A_376  : i32 {
      %parallel_loop3A_1064 = arith.constant 16 : i32
      %parallel_loop3A_1065 = arith.muli %parallel_loop3A_1063, %parallel_loop3A_1064 : i32
      %parallel_loop3A_1066 = arith.constant 6 : i32
      %parallel_loop3A_1067 = arith.index_cast %parallel_loop3A_1066 : i32 to index
      %parallel_loop3A_1068 = arith.index_cast %parallel_loop3A_1065 : i32 to index
      %parallel_loop3A_1069 = tpu.vector_load %arg11[%parallel_loop3A_1067, %parallel_loop3A_1068] {strides = array<i32>} : memref<24x512xf32, #tpu.memory_space<vmem>>, vector<1x16xf32>,
      %parallel_loop3A_1070 = vector.shape_cast %parallel_loop3A_1069 : vector<1x16xf32> to vector<16xf32>
      %parallel_loop3A_1071 = arith.constant 6 : i32
      %parallel_loop3A_1072 = arith.index_cast %parallel_loop3A_1071 : i32 to index
      %parallel_loop3A_1073 = arith.index_cast %parallel_loop3A_1065 : i32 to index
      %parallel_loop3A_1074 = tpu.vector_load %arg12[%parallel_loop3A_1072, %parallel_loop3A_1073] {strides = array<i32>} : memref<24x512xf32, #tpu.memory_space<vmem>>, vector<1x16xf32>,
      %parallel_loop3A_1075 = vector.shape_cast %parallel_loop3A_1074 : vector<1x16xf32> to vector<16xf32>
      %parallel_loop3A_1076 = arith.constant 6 : i32
      %parallel_loop3A_1077 = arith.index_cast %parallel_loop3A_1076 : i32 to index
      %parallel_loop3A_1078 = arith.index_cast %parallel_loop3A_1065 : i32 to index
      %parallel_loop3A_1079 = tpu.vector_load %arg13[%parallel_loop3A_1077, %parallel_loop3A_1078] {strides = array<i32>} : memref<24x512xf32, #tpu.memory_space<vmem>>, vector<1x16xf32>,
      %parallel_loop3A_1080 = vector.shape_cast %parallel_loop3A_1079 : vector<1x16xf32> to vector<16xf32>
      %parallel_loop3A_1081 = arith.mulf %get3A_353, %parallel_loop3A_1070 : vector<16xf32>
      %parallel_loop3A_1082 = arith.mulf %get3A_358, %parallel_loop3A_1075 : vector<16xf32>
      %parallel_loop3A_1083 = arith.subf %parallel_loop3A_1081, %parallel_loop3A_1082 : vector<16xf32>
      %parallel_loop3A_1084 = arith.constant -5.000000e-01 : f32
      %parallel_loop3A_1085 = arith.constant 5.000000e-01 : f32
      %parallel_loop3A_1086 = vector.broadcast %parallel_loop3A_1084 : f32 to vector<16xf32>
      %parallel_loop3A_1087 = arith.maximumf %parallel_loop3A_1086, %parallel_loop3A_1083 : vector<16xf32>
      %parallel_loop3A_1088 = vector.broadcast %parallel_loop3A_1085 : f32 to vector<16xf32>
      %parallel_loop3A_1089 = arith.minimumf %parallel_loop3A_1088, %parallel_loop3A_1087 : vector<16xf32>
      %parallel_loop3A_1090 = arith.constant 6 : i32
      %parallel_loop3A_1091 = arith.index_cast %parallel_loop3A_1090 : i32 to index
      %parallel_loop3A_1092 = arith.index_cast %parallel_loop3A_1065 : i32 to index
      %parallel_loop3A_1093 = tpu.vector_load %arg15[%parallel_loop3A_1091, %parallel_loop3A_1092] {strides = array<i32>} : memref<24x512xf32, #tpu.memory_space<vmem>>, vector<1x16xf32>,
      %parallel_loop3A_1094 = vector.shape_cast %parallel_loop3A_1093 : vector<1x16xf32> to vector<16xf32>
      %parallel_loop3A_1095 = vector.shape_cast %parallel_loop3A_1089 : vector<16xf32> to vector<1x16xf32>
      tpu.vector_store %arg15[%parallel_loop3A_1091, %parallel_loop3A_1092], %parallel_loop3A_1095 {strides = array<i32>} : memref<24x512xf32, #tpu.memory_space<vmem>>, vector<1x16xf32>,
      %parallel_loop3A_1096 = arith.mulf %get3A_363, %parallel_loop3A_1089 : vector<16xf32>
      %parallel_loop3A_1097 = arith.mulf %get3A_368, %parallel_loop3A_1070 : vector<16xf32>
      %parallel_loop3A_1098 = arith.addf %parallel_loop3A_1096, %parallel_loop3A_1097 : vector<16xf32>
      %parallel_loop3A_1099 = arith.mulf %get3A_373, %parallel_loop3A_1080 : vector<16xf32>
      %parallel_loop3A_1100 = arith.addf %parallel_loop3A_1098, %parallel_loop3A_1099 : vector<16xf32>
      %parallel_loop3A_1101 = arith.constant 6 : i32
      %parallel_loop3A_1102 = arith.index_cast %parallel_loop3A_1101 : i32 to index
      %parallel_loop3A_1103 = arith.index_cast %parallel_loop3A_1065 : i32 to index
      %parallel_loop3A_1104 = tpu.vector_load %arg14[%parallel_loop3A_1102, %parallel_loop3A_1103] {strides = array<i32>} : memref<24x512xf32, #tpu.memory_space<vmem>>, vector<1x16xf32>,
      %parallel_loop3A_1105 = vector.shape_cast %parallel_loop3A_1104 : vector<1x16xf32> to vector<16xf32>
      %parallel_loop3A_1106 = vector.shape_cast %parallel_loop3A_1100 : vector<16xf32> to vector<1x16xf32>
      tpu.vector_store %arg14[%parallel_loop3A_1102, %parallel_loop3A_1103], %parallel_loop3A_1106 {strides = array<i32>} : memref<24x512xf32, #tpu.memory_space<vmem>>, vector<1x16xf32>,
    } {sc.loop_unroll_factor = 4 : i64, sc.parallel_access}
    %get3A_377 = arith.constant 7 : i32
    %get3A_378 = arith.index_cast %get3A_377 : i32 to index
    %get3A_379 = arith.constant 0 : index
    %get3A_380 = tpu.vector_load %arg10[%get3A_378, %get3A_379] {strides = array<i32>} : memref<8x128xf32, #tpu.memory_space<vmem>>, vector<1x16xf32>,
    %get3A_381 = vector.shape_cast %get3A_380 : vector<1x16xf32> to vector<16xf32>
    %get3A_382 = arith.constant 7 : i32
    %get3A_383 = arith.index_cast %get3A_382 : i32 to index
    %get3A_384 = arith.constant 16 : index
    %get3A_385 = tpu.vector_load %arg10[%get3A_383, %get3A_384] {strides = array<i32>} : memref<8x128xf32, #tpu.memory_space<vmem>>, vector<1x16xf32>,
    %get3A_386 = vector.shape_cast %get3A_385 : vector<1x16xf32> to vector<16xf32>
    %get3A_387 = arith.constant 7 : i32
    %get3A_388 = arith.index_cast %get3A_387 : i32 to index
    %get3A_389 = arith.constant 32 : index
    %get3A_390 = tpu.vector_load %arg10[%get3A_388, %get3A_389] {strides = array<i32>} : memref<8x128xf32, #tpu.memory_space<vmem>>, vector<1x16xf32>,
    %get3A_391 = vector.shape_cast %get3A_390 : vector<1x16xf32> to vector<16xf32>
    %get3A_392 = arith.constant 7 : i32
    %get3A_393 = arith.index_cast %get3A_392 : i32 to index
    %get3A_394 = arith.constant 48 : index
    %get3A_395 = tpu.vector_load %arg10[%get3A_393, %get3A_394] {strides = array<i32>} : memref<8x128xf32, #tpu.memory_space<vmem>>, vector<1x16xf32>,
    %get3A_396 = vector.shape_cast %get3A_395 : vector<1x16xf32> to vector<16xf32>
    %get3A_397 = arith.constant 7 : i32
    %get3A_398 = arith.index_cast %get3A_397 : i32 to index
    %get3A_399 = arith.constant 64 : index
    %get3A_400 = tpu.vector_load %arg10[%get3A_398, %get3A_399] {strides = array<i32>} : memref<8x128xf32, #tpu.memory_space<vmem>>, vector<1x16xf32>,
    %get3A_401 = vector.shape_cast %get3A_400 : vector<1x16xf32> to vector<16xf32>
    %parallel_loop3A_402 = arith.constant 0 : i32
    %parallel_loop3A_403 = arith.constant 32 : i32
    %parallel_loop3A_404 = arith.constant 1 : i32
    scf.for %parallel_loop3A_1063 = %parallel_loop3A_402 to %parallel_loop3A_403 step %parallel_loop3A_404  : i32 {
      %parallel_loop3A_1064 = arith.constant 16 : i32
      %parallel_loop3A_1065 = arith.muli %parallel_loop3A_1063, %parallel_loop3A_1064 : i32
      %parallel_loop3A_1066 = arith.constant 7 : i32
      %parallel_loop3A_1067 = arith.index_cast %parallel_loop3A_1066 : i32 to index
      %parallel_loop3A_1068 = arith.index_cast %parallel_loop3A_1065 : i32 to index
      %parallel_loop3A_1069 = tpu.vector_load %arg11[%parallel_loop3A_1067, %parallel_loop3A_1068] {strides = array<i32>} : memref<24x512xf32, #tpu.memory_space<vmem>>, vector<1x16xf32>,
      %parallel_loop3A_1070 = vector.shape_cast %parallel_loop3A_1069 : vector<1x16xf32> to vector<16xf32>
      %parallel_loop3A_1071 = arith.constant 7 : i32
      %parallel_loop3A_1072 = arith.index_cast %parallel_loop3A_1071 : i32 to index
      %parallel_loop3A_1073 = arith.index_cast %parallel_loop3A_1065 : i32 to index
      %parallel_loop3A_1074 = tpu.vector_load %arg12[%parallel_loop3A_1072, %parallel_loop3A_1073] {strides = array<i32>} : memref<24x512xf32, #tpu.memory_space<vmem>>, vector<1x16xf32>,
      %parallel_loop3A_1075 = vector.shape_cast %parallel_loop3A_1074 : vector<1x16xf32> to vector<16xf32>
      %parallel_loop3A_1076 = arith.constant 7 : i32
      %parallel_loop3A_1077 = arith.index_cast %parallel_loop3A_1076 : i32 to index
      %parallel_loop3A_1078 = arith.index_cast %parallel_loop3A_1065 : i32 to index
      %parallel_loop3A_1079 = tpu.vector_load %arg13[%parallel_loop3A_1077, %parallel_loop3A_1078] {strides = array<i32>} : memref<24x512xf32, #tpu.memory_space<vmem>>, vector<1x16xf32>,
      %parallel_loop3A_1080 = vector.shape_cast %parallel_loop3A_1079 : vector<1x16xf32> to vector<16xf32>
      %parallel_loop3A_1081 = arith.mulf %get3A_381, %parallel_loop3A_1070 : vector<16xf32>
      %parallel_loop3A_1082 = arith.mulf %get3A_386, %parallel_loop3A_1075 : vector<16xf32>
      %parallel_loop3A_1083 = arith.subf %parallel_loop3A_1081, %parallel_loop3A_1082 : vector<16xf32>
      %parallel_loop3A_1084 = arith.constant -5.000000e-01 : f32
      %parallel_loop3A_1085 = arith.constant 5.000000e-01 : f32
      %parallel_loop3A_1086 = vector.broadcast %parallel_loop3A_1084 : f32 to vector<16xf32>
      %parallel_loop3A_1087 = arith.maximumf %parallel_loop3A_1086, %parallel_loop3A_1083 : vector<16xf32>
      %parallel_loop3A_1088 = vector.broadcast %parallel_loop3A_1085 : f32 to vector<16xf32>
      %parallel_loop3A_1089 = arith.minimumf %parallel_loop3A_1088, %parallel_loop3A_1087 : vector<16xf32>
      %parallel_loop3A_1090 = arith.constant 7 : i32
      %parallel_loop3A_1091 = arith.index_cast %parallel_loop3A_1090 : i32 to index
      %parallel_loop3A_1092 = arith.index_cast %parallel_loop3A_1065 : i32 to index
      %parallel_loop3A_1093 = tpu.vector_load %arg15[%parallel_loop3A_1091, %parallel_loop3A_1092] {strides = array<i32>} : memref<24x512xf32, #tpu.memory_space<vmem>>, vector<1x16xf32>,
      %parallel_loop3A_1094 = vector.shape_cast %parallel_loop3A_1093 : vector<1x16xf32> to vector<16xf32>
      %parallel_loop3A_1095 = vector.shape_cast %parallel_loop3A_1089 : vector<16xf32> to vector<1x16xf32>
      tpu.vector_store %arg15[%parallel_loop3A_1091, %parallel_loop3A_1092], %parallel_loop3A_1095 {strides = array<i32>} : memref<24x512xf32, #tpu.memory_space<vmem>>, vector<1x16xf32>,
      %parallel_loop3A_1096 = arith.mulf %get3A_391, %parallel_loop3A_1089 : vector<16xf32>
      %parallel_loop3A_1097 = arith.mulf %get3A_396, %parallel_loop3A_1070 : vector<16xf32>
      %parallel_loop3A_1098 = arith.addf %parallel_loop3A_1096, %parallel_loop3A_1097 : vector<16xf32>
      %parallel_loop3A_1099 = arith.mulf %get3A_401, %parallel_loop3A_1080 : vector<16xf32>
      %parallel_loop3A_1100 = arith.addf %parallel_loop3A_1098, %parallel_loop3A_1099 : vector<16xf32>
      %parallel_loop3A_1101 = arith.constant 7 : i32
      %parallel_loop3A_1102 = arith.index_cast %parallel_loop3A_1101 : i32 to index
      %parallel_loop3A_1103 = arith.index_cast %parallel_loop3A_1065 : i32 to index
      %parallel_loop3A_1104 = tpu.vector_load %arg14[%parallel_loop3A_1102, %parallel_loop3A_1103] {strides = array<i32>} : memref<24x512xf32, #tpu.memory_space<vmem>>, vector<1x16xf32>,
      %parallel_loop3A_1105 = vector.shape_cast %parallel_loop3A_1104 : vector<1x16xf32> to vector<16xf32>
      %parallel_loop3A_1106 = vector.shape_cast %parallel_loop3A_1100 : vector<16xf32> to vector<1x16xf32>
      tpu.vector_store %arg14[%parallel_loop3A_1102, %parallel_loop3A_1103], %parallel_loop3A_1106 {strides = array<i32>} : memref<24x512xf32, #tpu.memory_space<vmem>>, vector<1x16xf32>,
    } {sc.loop_unroll_factor = 4 : i64, sc.parallel_access}
    %mul3A_405 = arith.constant 8 : i32
    %mul3A_406 = arith.muli %select_n3A_9, %mul3A_405 : i32
    %add3A_407 = arith.constant 0 : i32
    %add3A_408 = arith.addi %add3A_407, %mul3A_406 : i32
    %dma_start3A_409 = arith.constant 0 : i32
    %dma_start3A_410 = arith.constant 0 : i32
    %dma_start3A_411 = arith.constant 0 : i32
    %dma_start3A_412 = tpu.memref_slice %arg14[%dma_start3A_410, %dma_start3A_411] : memref<24x512xf32, #tpu.memory_space<vmem>> -> memref<8x512xf32, #tpu.memory_space<vmem>>
    %dma_start3A_413 = tpu.memref_slice %arg7[%add3A_408, %mul3A_32] : memref<192x2048xf32, #tpu.memory_space<hbm>> -> memref<8x512xf32, #tpu.memory_space<hbm>>
    %dma_start3A_414 = tpu.memref_slice %arg20[%dma_start3A_409] : memref<3x!tpu.dma_semaphore, #tpu.memory_space<semaphore_mem>> -> memref<1x!tpu.dma_semaphore, #tpu.memory_space<semaphore_mem>>
    %dma_start3A_415 = tpu.memref_squeeze %dma_start3A_414 : memref<1x!tpu.dma_semaphore, #tpu.memory_space<semaphore_mem>> -> memref<!tpu.dma_semaphore, #tpu.memory_space<semaphore_mem>>
    %dma_start3A_416 = tpu.memref_slice %arg7[%add3A_408, %mul3A_32] : memref<192x2048xf32, #tpu.memory_space<hbm>> -> memref<8x512xf32, #tpu.memory_space<hbm>>
    %dma_start3A_417 = arith.constant 0 : i32
    %dma_start3A_418 = arith.constant 0 : i32
    %dma_start3A_419 = tpu.memref_slice %arg14[%dma_start3A_417, %dma_start3A_418] : memref<24x512xf32, #tpu.memory_space<vmem>> -> memref<8x512xf32, #tpu.memory_space<vmem>>
    tpu.enqueue_dma source(%dma_start3A_419 : memref<8x512xf32, #tpu.memory_space<vmem>>) target(%dma_start3A_416 : memref<8x512xf32, #tpu.memory_space<hbm>>) target_semaphore(%dma_start3A_415 : memref<!tpu.dma_semaphore, #tpu.memory_space<semaphore_mem>>)
    %dma_start3A_420 = arith.constant 0 : i32
    %dma_start3A_421 = arith.constant 0 : i32
    %dma_start3A_422 = arith.constant 0 : i32
    %dma_start3A_423 = tpu.memref_slice %arg15[%dma_start3A_421, %dma_start3A_422] : memref<24x512xf32, #tpu.memory_space<vmem>> -> memref<8x512xf32, #tpu.memory_space<vmem>>
    %dma_start3A_424 = tpu.memref_slice %arg8[%add3A_408, %mul3A_32] : memref<192x2048xf32, #tpu.memory_space<hbm>> -> memref<8x512xf32, #tpu.memory_space<hbm>>
    %dma_start3A_425 = tpu.memref_slice %arg21[%dma_start3A_420] : memref<3x!tpu.dma_semaphore, #tpu.memory_space<semaphore_mem>> -> memref<1x!tpu.dma_semaphore, #tpu.memory_space<semaphore_mem>>
    %dma_start3A_426 = tpu.memref_squeeze %dma_start3A_425 : memref<1x!tpu.dma_semaphore, #tpu.memory_space<semaphore_mem>> -> memref<!tpu.dma_semaphore, #tpu.memory_space<semaphore_mem>>
    %dma_start3A_427 = tpu.memref_slice %arg8[%add3A_408, %mul3A_32] : memref<192x2048xf32, #tpu.memory_space<hbm>> -> memref<8x512xf32, #tpu.memory_space<hbm>>
    %dma_start3A_428 = arith.constant 0 : i32
    %dma_start3A_429 = arith.constant 0 : i32
    %dma_start3A_430 = tpu.memref_slice %arg15[%dma_start3A_428, %dma_start3A_429] : memref<24x512xf32, #tpu.memory_space<vmem>> -> memref<8x512xf32, #tpu.memory_space<vmem>>
    tpu.enqueue_dma source(%dma_start3A_430 : memref<8x512xf32, #tpu.memory_space<vmem>>) target(%dma_start3A_427 : memref<8x512xf32, #tpu.memory_space<hbm>>) target_semaphore(%dma_start3A_426 : memref<!tpu.dma_semaphore, #tpu.memory_space<semaphore_mem>>)
    %dma_wait3A_431 = arith.constant 1 : i32
    %dma_wait3A_432 = arith.constant 8 : i32
    %dma_wait3A_433 = arith.constant 0 : i32
    %dma_wait3A_434 = tpu.memref_slice %arg11[%dma_wait3A_432, %dma_wait3A_433] : memref<24x512xf32, #tpu.memory_space<vmem>> -> memref<8x512xf32, #tpu.memory_space<vmem>>
    %dma_wait3A_435 = tpu.memref_slice %arg4[%add3A_77, %mul3A_32] : memref<192x2048xf32, #tpu.memory_space<hbm>> -> memref<8x512xf32, #tpu.memory_space<hbm>>
    %dma_wait3A_436 = tpu.memref_slice %arg17[%dma_wait3A_431] : memref<3x!tpu.dma_semaphore, #tpu.memory_space<semaphore_mem>> -> memref<1x!tpu.dma_semaphore, #tpu.memory_space<semaphore_mem>>
    %dma_wait3A_437 = tpu.memref_squeeze %dma_wait3A_436 : memref<1x!tpu.dma_semaphore, #tpu.memory_space<semaphore_mem>> -> memref<!tpu.dma_semaphore, #tpu.memory_space<semaphore_mem>>
    %dma_wait3A_438 = arith.constant 8 : i32
    %dma_wait3A_439 = arith.constant 0 : i32
    %dma_wait3A_440 = tpu.memref_slice %arg11[%dma_wait3A_438, %dma_wait3A_439] : memref<24x512xf32, #tpu.memory_space<vmem>> -> memref<8x512xf32, #tpu.memory_space<vmem>>
    %dma_wait3A_441 = tpu.memref_slice %arg4[%add3A_77, %mul3A_32] : memref<192x2048xf32, #tpu.memory_space<hbm>> -> memref<8x512xf32, #tpu.memory_space<hbm>>
    tpu.wait_dma2 semaphore(%dma_wait3A_437 : memref<!tpu.dma_semaphore, #tpu.memory_space<semaphore_mem>>) src(%dma_wait3A_441 : memref<8x512xf32, #tpu.memory_space<hbm>>) dst(%dma_wait3A_440 : memref<8x512xf32, #tpu.memory_space<vmem>>)
    %dma_wait3A_442 = arith.constant 1 : i32
    %dma_wait3A_443 = arith.constant 8 : i32
    %dma_wait3A_444 = arith.constant 0 : i32
    %dma_wait3A_445 = tpu.memref_slice %arg12[%dma_wait3A_443, %dma_wait3A_444] : memref<24x512xf32, #tpu.memory_space<vmem>> -> memref<8x512xf32, #tpu.memory_space<vmem>>
    %dma_wait3A_446 = tpu.memref_slice %arg5[%add3A_77, %mul3A_32] : memref<192x2048xf32, #tpu.memory_space<hbm>> -> memref<8x512xf32, #tpu.memory_space<hbm>>
    %dma_wait3A_447 = tpu.memref_slice %arg18[%dma_wait3A_442] : memref<3x!tpu.dma_semaphore, #tpu.memory_space<semaphore_mem>> -> memref<1x!tpu.dma_semaphore, #tpu.memory_space<semaphore_mem>>
    %dma_wait3A_448 = tpu.memref_squeeze %dma_wait3A_447 : memref<1x!tpu.dma_semaphore, #tpu.memory_space<semaphore_mem>> -> memref<!tpu.dma_semaphore, #tpu.memory_space<semaphore_mem>>
    %dma_wait3A_449 = arith.constant 8 : i32
    %dma_wait3A_450 = arith.constant 0 : i32
    %dma_wait3A_451 = tpu.memref_slice %arg12[%dma_wait3A_449, %dma_wait3A_450] : memref<24x512xf32, #tpu.memory_space<vmem>> -> memref<8x512xf32, #tpu.memory_space<vmem>>
    %dma_wait3A_452 = tpu.memref_slice %arg5[%add3A_77, %mul3A_32] : memref<192x2048xf32, #tpu.memory_space<hbm>> -> memref<8x512xf32, #tpu.memory_space<hbm>>
    tpu.wait_dma2 semaphore(%dma_wait3A_448 : memref<!tpu.dma_semaphore, #tpu.memory_space<semaphore_mem>>) src(%dma_wait3A_452 : memref<8x512xf32, #tpu.memory_space<hbm>>) dst(%dma_wait3A_451 : memref<8x512xf32, #tpu.memory_space<vmem>>)
    %dma_wait3A_453 = arith.constant 1 : i32
    %dma_wait3A_454 = arith.constant 8 : i32
    %dma_wait3A_455 = arith.constant 0 : i32
    %dma_wait3A_456 = tpu.memref_slice %arg13[%dma_wait3A_454, %dma_wait3A_455] : memref<24x512xf32, #tpu.memory_space<vmem>> -> memref<8x512xf32, #tpu.memory_space<vmem>>
    %dma_wait3A_457 = tpu.memref_slice %arg6[%add3A_77, %mul3A_32] : memref<192x2048xf32, #tpu.memory_space<hbm>> -> memref<8x512xf32, #tpu.memory_space<hbm>>
    %dma_wait3A_458 = tpu.memref_slice %arg19[%dma_wait3A_453] : memref<3x!tpu.dma_semaphore, #tpu.memory_space<semaphore_mem>> -> memref<1x!tpu.dma_semaphore, #tpu.memory_space<semaphore_mem>>
    %dma_wait3A_459 = tpu.memref_squeeze %dma_wait3A_458 : memref<1x!tpu.dma_semaphore, #tpu.memory_space<semaphore_mem>> -> memref<!tpu.dma_semaphore, #tpu.memory_space<semaphore_mem>>
    %dma_wait3A_460 = arith.constant 8 : i32
    %dma_wait3A_461 = arith.constant 0 : i32
    %dma_wait3A_462 = tpu.memref_slice %arg13[%dma_wait3A_460, %dma_wait3A_461] : memref<24x512xf32, #tpu.memory_space<vmem>> -> memref<8x512xf32, #tpu.memory_space<vmem>>
    %dma_wait3A_463 = tpu.memref_slice %arg6[%add3A_77, %mul3A_32] : memref<192x2048xf32, #tpu.memory_space<hbm>> -> memref<8x512xf32, #tpu.memory_space<hbm>>
    tpu.wait_dma2 semaphore(%dma_wait3A_459 : memref<!tpu.dma_semaphore, #tpu.memory_space<semaphore_mem>>) src(%dma_wait3A_463 : memref<8x512xf32, #tpu.memory_space<hbm>>) dst(%dma_wait3A_462 : memref<8x512xf32, #tpu.memory_space<vmem>>)
    %get3A_464 = arith.constant 0 : i32
    %get3A_465 = arith.index_cast %get3A_464 : i32 to index
    %get3A_466 = arith.constant 0 : index
    %get3A_467 = tpu.vector_load %arg10[%get3A_465, %get3A_466] {strides = array<i32>} : memref<8x128xf32, #tpu.memory_space<vmem>>, vector<1x16xf32>,
    %get3A_468 = vector.shape_cast %get3A_467 : vector<1x16xf32> to vector<16xf32>
    %get3A_469 = arith.constant 0 : i32
    %get3A_470 = arith.index_cast %get3A_469 : i32 to index
    %get3A_471 = arith.constant 16 : index
    %get3A_472 = tpu.vector_load %arg10[%get3A_470, %get3A_471] {strides = array<i32>} : memref<8x128xf32, #tpu.memory_space<vmem>>, vector<1x16xf32>,
    %get3A_473 = vector.shape_cast %get3A_472 : vector<1x16xf32> to vector<16xf32>
    %get3A_474 = arith.constant 0 : i32
    %get3A_475 = arith.index_cast %get3A_474 : i32 to index
    %get3A_476 = arith.constant 32 : index
    %get3A_477 = tpu.vector_load %arg10[%get3A_475, %get3A_476] {strides = array<i32>} : memref<8x128xf32, #tpu.memory_space<vmem>>, vector<1x16xf32>,
    %get3A_478 = vector.shape_cast %get3A_477 : vector<1x16xf32> to vector<16xf32>
    %get3A_479 = arith.constant 0 : i32
    %get3A_480 = arith.index_cast %get3A_479 : i32 to index
    %get3A_481 = arith.constant 48 : index
    %get3A_482 = tpu.vector_load %arg10[%get3A_480, %get3A_481] {strides = array<i32>} : memref<8x128xf32, #tpu.memory_space<vmem>>, vector<1x16xf32>,
    %get3A_483 = vector.shape_cast %get3A_482 : vector<1x16xf32> to vector<16xf32>
    %get3A_484 = arith.constant 0 : i32
    %get3A_485 = arith.index_cast %get3A_484 : i32 to index
    %get3A_486 = arith.constant 64 : index
    %get3A_487 = tpu.vector_load %arg10[%get3A_485, %get3A_486] {strides = array<i32>} : memref<8x128xf32, #tpu.memory_space<vmem>>, vector<1x16xf32>,
    %get3A_488 = vector.shape_cast %get3A_487 : vector<1x16xf32> to vector<16xf32>
    %parallel_loop3A_489 = arith.constant 0 : i32
    %parallel_loop3A_490 = arith.constant 32 : i32
    %parallel_loop3A_491 = arith.constant 1 : i32
    scf.for %parallel_loop3A_1063 = %parallel_loop3A_489 to %parallel_loop3A_490 step %parallel_loop3A_491  : i32 {
      %parallel_loop3A_1064 = arith.constant 16 : i32
      %parallel_loop3A_1065 = arith.muli %parallel_loop3A_1063, %parallel_loop3A_1064 : i32
      %parallel_loop3A_1066 = arith.constant 8 : i32
      %parallel_loop3A_1067 = arith.index_cast %parallel_loop3A_1066 : i32 to index
      %parallel_loop3A_1068 = arith.index_cast %parallel_loop3A_1065 : i32 to index
      %parallel_loop3A_1069 = tpu.vector_load %arg11[%parallel_loop3A_1067, %parallel_loop3A_1068] {strides = array<i32>} : memref<24x512xf32, #tpu.memory_space<vmem>>, vector<1x16xf32>,
      %parallel_loop3A_1070 = vector.shape_cast %parallel_loop3A_1069 : vector<1x16xf32> to vector<16xf32>
      %parallel_loop3A_1071 = arith.constant 8 : i32
      %parallel_loop3A_1072 = arith.index_cast %parallel_loop3A_1071 : i32 to index
      %parallel_loop3A_1073 = arith.index_cast %parallel_loop3A_1065 : i32 to index
      %parallel_loop3A_1074 = tpu.vector_load %arg12[%parallel_loop3A_1072, %parallel_loop3A_1073] {strides = array<i32>} : memref<24x512xf32, #tpu.memory_space<vmem>>, vector<1x16xf32>,
      %parallel_loop3A_1075 = vector.shape_cast %parallel_loop3A_1074 : vector<1x16xf32> to vector<16xf32>
      %parallel_loop3A_1076 = arith.constant 8 : i32
      %parallel_loop3A_1077 = arith.index_cast %parallel_loop3A_1076 : i32 to index
      %parallel_loop3A_1078 = arith.index_cast %parallel_loop3A_1065 : i32 to index
      %parallel_loop3A_1079 = tpu.vector_load %arg13[%parallel_loop3A_1077, %parallel_loop3A_1078] {strides = array<i32>} : memref<24x512xf32, #tpu.memory_space<vmem>>, vector<1x16xf32>,
      %parallel_loop3A_1080 = vector.shape_cast %parallel_loop3A_1079 : vector<1x16xf32> to vector<16xf32>
      %parallel_loop3A_1081 = arith.mulf %get3A_468, %parallel_loop3A_1070 : vector<16xf32>
      %parallel_loop3A_1082 = arith.mulf %get3A_473, %parallel_loop3A_1075 : vector<16xf32>
      %parallel_loop3A_1083 = arith.subf %parallel_loop3A_1081, %parallel_loop3A_1082 : vector<16xf32>
      %parallel_loop3A_1084 = arith.constant -5.000000e-01 : f32
      %parallel_loop3A_1085 = arith.constant 5.000000e-01 : f32
      %parallel_loop3A_1086 = vector.broadcast %parallel_loop3A_1084 : f32 to vector<16xf32>
      %parallel_loop3A_1087 = arith.maximumf %parallel_loop3A_1086, %parallel_loop3A_1083 : vector<16xf32>
      %parallel_loop3A_1088 = vector.broadcast %parallel_loop3A_1085 : f32 to vector<16xf32>
      %parallel_loop3A_1089 = arith.minimumf %parallel_loop3A_1088, %parallel_loop3A_1087 : vector<16xf32>
      %parallel_loop3A_1090 = arith.constant 8 : i32
      %parallel_loop3A_1091 = arith.index_cast %parallel_loop3A_1090 : i32 to index
      %parallel_loop3A_1092 = arith.index_cast %parallel_loop3A_1065 : i32 to index
      %parallel_loop3A_1093 = tpu.vector_load %arg15[%parallel_loop3A_1091, %parallel_loop3A_1092] {strides = array<i32>} : memref<24x512xf32, #tpu.memory_space<vmem>>, vector<1x16xf32>,
      %parallel_loop3A_1094 = vector.shape_cast %parallel_loop3A_1093 : vector<1x16xf32> to vector<16xf32>
      %parallel_loop3A_1095 = vector.shape_cast %parallel_loop3A_1089 : vector<16xf32> to vector<1x16xf32>
      tpu.vector_store %arg15[%parallel_loop3A_1091, %parallel_loop3A_1092], %parallel_loop3A_1095 {strides = array<i32>} : memref<24x512xf32, #tpu.memory_space<vmem>>, vector<1x16xf32>,
      %parallel_loop3A_1096 = arith.mulf %get3A_478, %parallel_loop3A_1089 : vector<16xf32>
      %parallel_loop3A_1097 = arith.mulf %get3A_483, %parallel_loop3A_1070 : vector<16xf32>
      %parallel_loop3A_1098 = arith.addf %parallel_loop3A_1096, %parallel_loop3A_1097 : vector<16xf32>
      %parallel_loop3A_1099 = arith.mulf %get3A_488, %parallel_loop3A_1080 : vector<16xf32>
      %parallel_loop3A_1100 = arith.addf %parallel_loop3A_1098, %parallel_loop3A_1099 : vector<16xf32>
      %parallel_loop3A_1101 = arith.constant 8 : i32
      %parallel_loop3A_1102 = arith.index_cast %parallel_loop3A_1101 : i32 to index
      %parallel_loop3A_1103 = arith.index_cast %parallel_loop3A_1065 : i32 to index
      %parallel_loop3A_1104 = tpu.vector_load %arg14[%parallel_loop3A_1102, %parallel_loop3A_1103] {strides = array<i32>} : memref<24x512xf32, #tpu.memory_space<vmem>>, vector<1x16xf32>,
      %parallel_loop3A_1105 = vector.shape_cast %parallel_loop3A_1104 : vector<1x16xf32> to vector<16xf32>
      %parallel_loop3A_1106 = vector.shape_cast %parallel_loop3A_1100 : vector<16xf32> to vector<1x16xf32>
      tpu.vector_store %arg14[%parallel_loop3A_1102, %parallel_loop3A_1103], %parallel_loop3A_1106 {strides = array<i32>} : memref<24x512xf32, #tpu.memory_space<vmem>>, vector<1x16xf32>,
    } {sc.loop_unroll_factor = 4 : i64, sc.parallel_access}
    %get3A_492 = arith.constant 1 : i32
    %get3A_493 = arith.index_cast %get3A_492 : i32 to index
    %get3A_494 = arith.constant 0 : index
    %get3A_495 = tpu.vector_load %arg10[%get3A_493, %get3A_494] {strides = array<i32>} : memref<8x128xf32, #tpu.memory_space<vmem>>, vector<1x16xf32>,
    %get3A_496 = vector.shape_cast %get3A_495 : vector<1x16xf32> to vector<16xf32>
    %get3A_497 = arith.constant 1 : i32
    %get3A_498 = arith.index_cast %get3A_497 : i32 to index
    %get3A_499 = arith.constant 16 : index
    %get3A_500 = tpu.vector_load %arg10[%get3A_498, %get3A_499] {strides = array<i32>} : memref<8x128xf32, #tpu.memory_space<vmem>>, vector<1x16xf32>,
    %get3A_501 = vector.shape_cast %get3A_500 : vector<1x16xf32> to vector<16xf32>
    %get3A_502 = arith.constant 1 : i32
    %get3A_503 = arith.index_cast %get3A_502 : i32 to index
    %get3A_504 = arith.constant 32 : index
    %get3A_505 = tpu.vector_load %arg10[%get3A_503, %get3A_504] {strides = array<i32>} : memref<8x128xf32, #tpu.memory_space<vmem>>, vector<1x16xf32>,
    %get3A_506 = vector.shape_cast %get3A_505 : vector<1x16xf32> to vector<16xf32>
    %get3A_507 = arith.constant 1 : i32
    %get3A_508 = arith.index_cast %get3A_507 : i32 to index
    %get3A_509 = arith.constant 48 : index
    %get3A_510 = tpu.vector_load %arg10[%get3A_508, %get3A_509] {strides = array<i32>} : memref<8x128xf32, #tpu.memory_space<vmem>>, vector<1x16xf32>,
    %get3A_511 = vector.shape_cast %get3A_510 : vector<1x16xf32> to vector<16xf32>
    %get3A_512 = arith.constant 1 : i32
    %get3A_513 = arith.index_cast %get3A_512 : i32 to index
    %get3A_514 = arith.constant 64 : index
    %get3A_515 = tpu.vector_load %arg10[%get3A_513, %get3A_514] {strides = array<i32>} : memref<8x128xf32, #tpu.memory_space<vmem>>, vector<1x16xf32>,
    %get3A_516 = vector.shape_cast %get3A_515 : vector<1x16xf32> to vector<16xf32>
    %parallel_loop3A_517 = arith.constant 0 : i32
    %parallel_loop3A_518 = arith.constant 32 : i32
    %parallel_loop3A_519 = arith.constant 1 : i32
    scf.for %parallel_loop3A_1063 = %parallel_loop3A_517 to %parallel_loop3A_518 step %parallel_loop3A_519  : i32 {
      %parallel_loop3A_1064 = arith.constant 16 : i32
      %parallel_loop3A_1065 = arith.muli %parallel_loop3A_1063, %parallel_loop3A_1064 : i32
      %parallel_loop3A_1066 = arith.constant 9 : i32
      %parallel_loop3A_1067 = arith.index_cast %parallel_loop3A_1066 : i32 to index
      %parallel_loop3A_1068 = arith.index_cast %parallel_loop3A_1065 : i32 to index
      %parallel_loop3A_1069 = tpu.vector_load %arg11[%parallel_loop3A_1067, %parallel_loop3A_1068] {strides = array<i32>} : memref<24x512xf32, #tpu.memory_space<vmem>>, vector<1x16xf32>,
      %parallel_loop3A_1070 = vector.shape_cast %parallel_loop3A_1069 : vector<1x16xf32> to vector<16xf32>
      %parallel_loop3A_1071 = arith.constant 9 : i32
      %parallel_loop3A_1072 = arith.index_cast %parallel_loop3A_1071 : i32 to index
      %parallel_loop3A_1073 = arith.index_cast %parallel_loop3A_1065 : i32 to index
      %parallel_loop3A_1074 = tpu.vector_load %arg12[%parallel_loop3A_1072, %parallel_loop3A_1073] {strides = array<i32>} : memref<24x512xf32, #tpu.memory_space<vmem>>, vector<1x16xf32>,
      %parallel_loop3A_1075 = vector.shape_cast %parallel_loop3A_1074 : vector<1x16xf32> to vector<16xf32>
      %parallel_loop3A_1076 = arith.constant 9 : i32
      %parallel_loop3A_1077 = arith.index_cast %parallel_loop3A_1076 : i32 to index
      %parallel_loop3A_1078 = arith.index_cast %parallel_loop3A_1065 : i32 to index
      %parallel_loop3A_1079 = tpu.vector_load %arg13[%parallel_loop3A_1077, %parallel_loop3A_1078] {strides = array<i32>} : memref<24x512xf32, #tpu.memory_space<vmem>>, vector<1x16xf32>,
      %parallel_loop3A_1080 = vector.shape_cast %parallel_loop3A_1079 : vector<1x16xf32> to vector<16xf32>
      %parallel_loop3A_1081 = arith.mulf %get3A_496, %parallel_loop3A_1070 : vector<16xf32>
      %parallel_loop3A_1082 = arith.mulf %get3A_501, %parallel_loop3A_1075 : vector<16xf32>
      %parallel_loop3A_1083 = arith.subf %parallel_loop3A_1081, %parallel_loop3A_1082 : vector<16xf32>
      %parallel_loop3A_1084 = arith.constant -5.000000e-01 : f32
      %parallel_loop3A_1085 = arith.constant 5.000000e-01 : f32
      %parallel_loop3A_1086 = vector.broadcast %parallel_loop3A_1084 : f32 to vector<16xf32>
      %parallel_loop3A_1087 = arith.maximumf %parallel_loop3A_1086, %parallel_loop3A_1083 : vector<16xf32>
      %parallel_loop3A_1088 = vector.broadcast %parallel_loop3A_1085 : f32 to vector<16xf32>
      %parallel_loop3A_1089 = arith.minimumf %parallel_loop3A_1088, %parallel_loop3A_1087 : vector<16xf32>
      %parallel_loop3A_1090 = arith.constant 9 : i32
      %parallel_loop3A_1091 = arith.index_cast %parallel_loop3A_1090 : i32 to index
      %parallel_loop3A_1092 = arith.index_cast %parallel_loop3A_1065 : i32 to index
      %parallel_loop3A_1093 = tpu.vector_load %arg15[%parallel_loop3A_1091, %parallel_loop3A_1092] {strides = array<i32>} : memref<24x512xf32, #tpu.memory_space<vmem>>, vector<1x16xf32>,
      %parallel_loop3A_1094 = vector.shape_cast %parallel_loop3A_1093 : vector<1x16xf32> to vector<16xf32>
      %parallel_loop3A_1095 = vector.shape_cast %parallel_loop3A_1089 : vector<16xf32> to vector<1x16xf32>
      tpu.vector_store %arg15[%parallel_loop3A_1091, %parallel_loop3A_1092], %parallel_loop3A_1095 {strides = array<i32>} : memref<24x512xf32, #tpu.memory_space<vmem>>, vector<1x16xf32>,
      %parallel_loop3A_1096 = arith.mulf %get3A_506, %parallel_loop3A_1089 : vector<16xf32>
      %parallel_loop3A_1097 = arith.mulf %get3A_511, %parallel_loop3A_1070 : vector<16xf32>
      %parallel_loop3A_1098 = arith.addf %parallel_loop3A_1096, %parallel_loop3A_1097 : vector<16xf32>
      %parallel_loop3A_1099 = arith.mulf %get3A_516, %parallel_loop3A_1080 : vector<16xf32>
      %parallel_loop3A_1100 = arith.addf %parallel_loop3A_1098, %parallel_loop3A_1099 : vector<16xf32>
      %parallel_loop3A_1101 = arith.constant 9 : i32
      %parallel_loop3A_1102 = arith.index_cast %parallel_loop3A_1101 : i32 to index
      %parallel_loop3A_1103 = arith.index_cast %parallel_loop3A_1065 : i32 to index
      %parallel_loop3A_1104 = tpu.vector_load %arg14[%parallel_loop3A_1102, %parallel_loop3A_1103] {strides = array<i32>} : memref<24x512xf32, #tpu.memory_space<vmem>>, vector<1x16xf32>,
      %parallel_loop3A_1105 = vector.shape_cast %parallel_loop3A_1104 : vector<1x16xf32> to vector<16xf32>
      %parallel_loop3A_1106 = vector.shape_cast %parallel_loop3A_1100 : vector<16xf32> to vector<1x16xf32>
      tpu.vector_store %arg14[%parallel_loop3A_1102, %parallel_loop3A_1103], %parallel_loop3A_1106 {strides = array<i32>} : memref<24x512xf32, #tpu.memory_space<vmem>>, vector<1x16xf32>,
    } {sc.loop_unroll_factor = 4 : i64, sc.parallel_access}
    %get3A_520 = arith.constant 2 : i32
    %get3A_521 = arith.index_cast %get3A_520 : i32 to index
    %get3A_522 = arith.constant 0 : index
    %get3A_523 = tpu.vector_load %arg10[%get3A_521, %get3A_522] {strides = array<i32>} : memref<8x128xf32, #tpu.memory_space<vmem>>, vector<1x16xf32>,
    %get3A_524 = vector.shape_cast %get3A_523 : vector<1x16xf32> to vector<16xf32>
    %get3A_525 = arith.constant 2 : i32
    %get3A_526 = arith.index_cast %get3A_525 : i32 to index
    %get3A_527 = arith.constant 16 : index
    %get3A_528 = tpu.vector_load %arg10[%get3A_526, %get3A_527] {strides = array<i32>} : memref<8x128xf32, #tpu.memory_space<vmem>>, vector<1x16xf32>,
    %get3A_529 = vector.shape_cast %get3A_528 : vector<1x16xf32> to vector<16xf32>
    %get3A_530 = arith.constant 2 : i32
    %get3A_531 = arith.index_cast %get3A_530 : i32 to index
    %get3A_532 = arith.constant 32 : index
    %get3A_533 = tpu.vector_load %arg10[%get3A_531, %get3A_532] {strides = array<i32>} : memref<8x128xf32, #tpu.memory_space<vmem>>, vector<1x16xf32>,
    %get3A_534 = vector.shape_cast %get3A_533 : vector<1x16xf32> to vector<16xf32>
    %get3A_535 = arith.constant 2 : i32
    %get3A_536 = arith.index_cast %get3A_535 : i32 to index
    %get3A_537 = arith.constant 48 : index
    %get3A_538 = tpu.vector_load %arg10[%get3A_536, %get3A_537] {strides = array<i32>} : memref<8x128xf32, #tpu.memory_space<vmem>>, vector<1x16xf32>,
    %get3A_539 = vector.shape_cast %get3A_538 : vector<1x16xf32> to vector<16xf32>
    %get3A_540 = arith.constant 2 : i32
    %get3A_541 = arith.index_cast %get3A_540 : i32 to index
    %get3A_542 = arith.constant 64 : index
    %get3A_543 = tpu.vector_load %arg10[%get3A_541, %get3A_542] {strides = array<i32>} : memref<8x128xf32, #tpu.memory_space<vmem>>, vector<1x16xf32>,
    %get3A_544 = vector.shape_cast %get3A_543 : vector<1x16xf32> to vector<16xf32>
    %parallel_loop3A_545 = arith.constant 0 : i32
    %parallel_loop3A_546 = arith.constant 32 : i32
    %parallel_loop3A_547 = arith.constant 1 : i32
    scf.for %parallel_loop3A_1063 = %parallel_loop3A_545 to %parallel_loop3A_546 step %parallel_loop3A_547  : i32 {
      %parallel_loop3A_1064 = arith.constant 16 : i32
      %parallel_loop3A_1065 = arith.muli %parallel_loop3A_1063, %parallel_loop3A_1064 : i32
      %parallel_loop3A_1066 = arith.constant 10 : i32
      %parallel_loop3A_1067 = arith.index_cast %parallel_loop3A_1066 : i32 to index
      %parallel_loop3A_1068 = arith.index_cast %parallel_loop3A_1065 : i32 to index
      %parallel_loop3A_1069 = tpu.vector_load %arg11[%parallel_loop3A_1067, %parallel_loop3A_1068] {strides = array<i32>} : memref<24x512xf32, #tpu.memory_space<vmem>>, vector<1x16xf32>,
      %parallel_loop3A_1070 = vector.shape_cast %parallel_loop3A_1069 : vector<1x16xf32> to vector<16xf32>
      %parallel_loop3A_1071 = arith.constant 10 : i32
      %parallel_loop3A_1072 = arith.index_cast %parallel_loop3A_1071 : i32 to index
      %parallel_loop3A_1073 = arith.index_cast %parallel_loop3A_1065 : i32 to index
      %parallel_loop3A_1074 = tpu.vector_load %arg12[%parallel_loop3A_1072, %parallel_loop3A_1073] {strides = array<i32>} : memref<24x512xf32, #tpu.memory_space<vmem>>, vector<1x16xf32>,
      %parallel_loop3A_1075 = vector.shape_cast %parallel_loop3A_1074 : vector<1x16xf32> to vector<16xf32>
      %parallel_loop3A_1076 = arith.constant 10 : i32
      %parallel_loop3A_1077 = arith.index_cast %parallel_loop3A_1076 : i32 to index
      %parallel_loop3A_1078 = arith.index_cast %parallel_loop3A_1065 : i32 to index
      %parallel_loop3A_1079 = tpu.vector_load %arg13[%parallel_loop3A_1077, %parallel_loop3A_1078] {strides = array<i32>} : memref<24x512xf32, #tpu.memory_space<vmem>>, vector<1x16xf32>,
      %parallel_loop3A_1080 = vector.shape_cast %parallel_loop3A_1079 : vector<1x16xf32> to vector<16xf32>
      %parallel_loop3A_1081 = arith.mulf %get3A_524, %parallel_loop3A_1070 : vector<16xf32>
      %parallel_loop3A_1082 = arith.mulf %get3A_529, %parallel_loop3A_1075 : vector<16xf32>
      %parallel_loop3A_1083 = arith.subf %parallel_loop3A_1081, %parallel_loop3A_1082 : vector<16xf32>
      %parallel_loop3A_1084 = arith.constant -5.000000e-01 : f32
      %parallel_loop3A_1085 = arith.constant 5.000000e-01 : f32
      %parallel_loop3A_1086 = vector.broadcast %parallel_loop3A_1084 : f32 to vector<16xf32>
      %parallel_loop3A_1087 = arith.maximumf %parallel_loop3A_1086, %parallel_loop3A_1083 : vector<16xf32>
      %parallel_loop3A_1088 = vector.broadcast %parallel_loop3A_1085 : f32 to vector<16xf32>
      %parallel_loop3A_1089 = arith.minimumf %parallel_loop3A_1088, %parallel_loop3A_1087 : vector<16xf32>
      %parallel_loop3A_1090 = arith.constant 10 : i32
      %parallel_loop3A_1091 = arith.index_cast %parallel_loop3A_1090 : i32 to index
      %parallel_loop3A_1092 = arith.index_cast %parallel_loop3A_1065 : i32 to index
      %parallel_loop3A_1093 = tpu.vector_load %arg15[%parallel_loop3A_1091, %parallel_loop3A_1092] {strides = array<i32>} : memref<24x512xf32, #tpu.memory_space<vmem>>, vector<1x16xf32>,
      %parallel_loop3A_1094 = vector.shape_cast %parallel_loop3A_1093 : vector<1x16xf32> to vector<16xf32>
      %parallel_loop3A_1095 = vector.shape_cast %parallel_loop3A_1089 : vector<16xf32> to vector<1x16xf32>
      tpu.vector_store %arg15[%parallel_loop3A_1091, %parallel_loop3A_1092], %parallel_loop3A_1095 {strides = array<i32>} : memref<24x512xf32, #tpu.memory_space<vmem>>, vector<1x16xf32>,
      %parallel_loop3A_1096 = arith.mulf %get3A_534, %parallel_loop3A_1089 : vector<16xf32>
      %parallel_loop3A_1097 = arith.mulf %get3A_539, %parallel_loop3A_1070 : vector<16xf32>
      %parallel_loop3A_1098 = arith.addf %parallel_loop3A_1096, %parallel_loop3A_1097 : vector<16xf32>
      %parallel_loop3A_1099 = arith.mulf %get3A_544, %parallel_loop3A_1080 : vector<16xf32>
      %parallel_loop3A_1100 = arith.addf %parallel_loop3A_1098, %parallel_loop3A_1099 : vector<16xf32>
      %parallel_loop3A_1101 = arith.constant 10 : i32
      %parallel_loop3A_1102 = arith.index_cast %parallel_loop3A_1101 : i32 to index
      %parallel_loop3A_1103 = arith.index_cast %parallel_loop3A_1065 : i32 to index
      %parallel_loop3A_1104 = tpu.vector_load %arg14[%parallel_loop3A_1102, %parallel_loop3A_1103] {strides = array<i32>} : memref<24x512xf32, #tpu.memory_space<vmem>>, vector<1x16xf32>,
      %parallel_loop3A_1105 = vector.shape_cast %parallel_loop3A_1104 : vector<1x16xf32> to vector<16xf32>
      %parallel_loop3A_1106 = vector.shape_cast %parallel_loop3A_1100 : vector<16xf32> to vector<1x16xf32>
      tpu.vector_store %arg14[%parallel_loop3A_1102, %parallel_loop3A_1103], %parallel_loop3A_1106 {strides = array<i32>} : memref<24x512xf32, #tpu.memory_space<vmem>>, vector<1x16xf32>,
    } {sc.loop_unroll_factor = 4 : i64, sc.parallel_access}
    %get3A_548 = arith.constant 3 : i32
    %get3A_549 = arith.index_cast %get3A_548 : i32 to index
    %get3A_550 = arith.constant 0 : index
    %get3A_551 = tpu.vector_load %arg10[%get3A_549, %get3A_550] {strides = array<i32>} : memref<8x128xf32, #tpu.memory_space<vmem>>, vector<1x16xf32>,
    %get3A_552 = vector.shape_cast %get3A_551 : vector<1x16xf32> to vector<16xf32>
    %get3A_553 = arith.constant 3 : i32
    %get3A_554 = arith.index_cast %get3A_553 : i32 to index
    %get3A_555 = arith.constant 16 : index
    %get3A_556 = tpu.vector_load %arg10[%get3A_554, %get3A_555] {strides = array<i32>} : memref<8x128xf32, #tpu.memory_space<vmem>>, vector<1x16xf32>,
    %get3A_557 = vector.shape_cast %get3A_556 : vector<1x16xf32> to vector<16xf32>
    %get3A_558 = arith.constant 3 : i32
    %get3A_559 = arith.index_cast %get3A_558 : i32 to index
    %get3A_560 = arith.constant 32 : index
    %get3A_561 = tpu.vector_load %arg10[%get3A_559, %get3A_560] {strides = array<i32>} : memref<8x128xf32, #tpu.memory_space<vmem>>, vector<1x16xf32>,
    %get3A_562 = vector.shape_cast %get3A_561 : vector<1x16xf32> to vector<16xf32>
    %get3A_563 = arith.constant 3 : i32
    %get3A_564 = arith.index_cast %get3A_563 : i32 to index
    %get3A_565 = arith.constant 48 : index
    %get3A_566 = tpu.vector_load %arg10[%get3A_564, %get3A_565] {strides = array<i32>} : memref<8x128xf32, #tpu.memory_space<vmem>>, vector<1x16xf32>,
    %get3A_567 = vector.shape_cast %get3A_566 : vector<1x16xf32> to vector<16xf32>
    %get3A_568 = arith.constant 3 : i32
    %get3A_569 = arith.index_cast %get3A_568 : i32 to index
    %get3A_570 = arith.constant 64 : index
    %get3A_571 = tpu.vector_load %arg10[%get3A_569, %get3A_570] {strides = array<i32>} : memref<8x128xf32, #tpu.memory_space<vmem>>, vector<1x16xf32>,
    %get3A_572 = vector.shape_cast %get3A_571 : vector<1x16xf32> to vector<16xf32>
    %parallel_loop3A_573 = arith.constant 0 : i32
    %parallel_loop3A_574 = arith.constant 32 : i32
    %parallel_loop3A_575 = arith.constant 1 : i32
    scf.for %parallel_loop3A_1063 = %parallel_loop3A_573 to %parallel_loop3A_574 step %parallel_loop3A_575  : i32 {
      %parallel_loop3A_1064 = arith.constant 16 : i32
      %parallel_loop3A_1065 = arith.muli %parallel_loop3A_1063, %parallel_loop3A_1064 : i32
      %parallel_loop3A_1066 = arith.constant 11 : i32
      %parallel_loop3A_1067 = arith.index_cast %parallel_loop3A_1066 : i32 to index
      %parallel_loop3A_1068 = arith.index_cast %parallel_loop3A_1065 : i32 to index
      %parallel_loop3A_1069 = tpu.vector_load %arg11[%parallel_loop3A_1067, %parallel_loop3A_1068] {strides = array<i32>} : memref<24x512xf32, #tpu.memory_space<vmem>>, vector<1x16xf32>,
      %parallel_loop3A_1070 = vector.shape_cast %parallel_loop3A_1069 : vector<1x16xf32> to vector<16xf32>
      %parallel_loop3A_1071 = arith.constant 11 : i32
      %parallel_loop3A_1072 = arith.index_cast %parallel_loop3A_1071 : i32 to index
      %parallel_loop3A_1073 = arith.index_cast %parallel_loop3A_1065 : i32 to index
      %parallel_loop3A_1074 = tpu.vector_load %arg12[%parallel_loop3A_1072, %parallel_loop3A_1073] {strides = array<i32>} : memref<24x512xf32, #tpu.memory_space<vmem>>, vector<1x16xf32>,
      %parallel_loop3A_1075 = vector.shape_cast %parallel_loop3A_1074 : vector<1x16xf32> to vector<16xf32>
      %parallel_loop3A_1076 = arith.constant 11 : i32
      %parallel_loop3A_1077 = arith.index_cast %parallel_loop3A_1076 : i32 to index
      %parallel_loop3A_1078 = arith.index_cast %parallel_loop3A_1065 : i32 to index
      %parallel_loop3A_1079 = tpu.vector_load %arg13[%parallel_loop3A_1077, %parallel_loop3A_1078] {strides = array<i32>} : memref<24x512xf32, #tpu.memory_space<vmem>>, vector<1x16xf32>,
      %parallel_loop3A_1080 = vector.shape_cast %parallel_loop3A_1079 : vector<1x16xf32> to vector<16xf32>
      %parallel_loop3A_1081 = arith.mulf %get3A_552, %parallel_loop3A_1070 : vector<16xf32>
      %parallel_loop3A_1082 = arith.mulf %get3A_557, %parallel_loop3A_1075 : vector<16xf32>
      %parallel_loop3A_1083 = arith.subf %parallel_loop3A_1081, %parallel_loop3A_1082 : vector<16xf32>
      %parallel_loop3A_1084 = arith.constant -5.000000e-01 : f32
      %parallel_loop3A_1085 = arith.constant 5.000000e-01 : f32
      %parallel_loop3A_1086 = vector.broadcast %parallel_loop3A_1084 : f32 to vector<16xf32>
      %parallel_loop3A_1087 = arith.maximumf %parallel_loop3A_1086, %parallel_loop3A_1083 : vector<16xf32>
      %parallel_loop3A_1088 = vector.broadcast %parallel_loop3A_1085 : f32 to vector<16xf32>
      %parallel_loop3A_1089 = arith.minimumf %parallel_loop3A_1088, %parallel_loop3A_1087 : vector<16xf32>
      %parallel_loop3A_1090 = arith.constant 11 : i32
      %parallel_loop3A_1091 = arith.index_cast %parallel_loop3A_1090 : i32 to index
      %parallel_loop3A_1092 = arith.index_cast %parallel_loop3A_1065 : i32 to index
      %parallel_loop3A_1093 = tpu.vector_load %arg15[%parallel_loop3A_1091, %parallel_loop3A_1092] {strides = array<i32>} : memref<24x512xf32, #tpu.memory_space<vmem>>, vector<1x16xf32>,
      %parallel_loop3A_1094 = vector.shape_cast %parallel_loop3A_1093 : vector<1x16xf32> to vector<16xf32>
      %parallel_loop3A_1095 = vector.shape_cast %parallel_loop3A_1089 : vector<16xf32> to vector<1x16xf32>
      tpu.vector_store %arg15[%parallel_loop3A_1091, %parallel_loop3A_1092], %parallel_loop3A_1095 {strides = array<i32>} : memref<24x512xf32, #tpu.memory_space<vmem>>, vector<1x16xf32>,
      %parallel_loop3A_1096 = arith.mulf %get3A_562, %parallel_loop3A_1089 : vector<16xf32>
      %parallel_loop3A_1097 = arith.mulf %get3A_567, %parallel_loop3A_1070 : vector<16xf32>
      %parallel_loop3A_1098 = arith.addf %parallel_loop3A_1096, %parallel_loop3A_1097 : vector<16xf32>
      %parallel_loop3A_1099 = arith.mulf %get3A_572, %parallel_loop3A_1080 : vector<16xf32>
      %parallel_loop3A_1100 = arith.addf %parallel_loop3A_1098, %parallel_loop3A_1099 : vector<16xf32>
      %parallel_loop3A_1101 = arith.constant 11 : i32
      %parallel_loop3A_1102 = arith.index_cast %parallel_loop3A_1101 : i32 to index
      %parallel_loop3A_1103 = arith.index_cast %parallel_loop3A_1065 : i32 to index
      %parallel_loop3A_1104 = tpu.vector_load %arg14[%parallel_loop3A_1102, %parallel_loop3A_1103] {strides = array<i32>} : memref<24x512xf32, #tpu.memory_space<vmem>>, vector<1x16xf32>,
      %parallel_loop3A_1105 = vector.shape_cast %parallel_loop3A_1104 : vector<1x16xf32> to vector<16xf32>
      %parallel_loop3A_1106 = vector.shape_cast %parallel_loop3A_1100 : vector<16xf32> to vector<1x16xf32>
      tpu.vector_store %arg14[%parallel_loop3A_1102, %parallel_loop3A_1103], %parallel_loop3A_1106 {strides = array<i32>} : memref<24x512xf32, #tpu.memory_space<vmem>>, vector<1x16xf32>,
    } {sc.loop_unroll_factor = 4 : i64, sc.parallel_access}
    %get3A_576 = arith.constant 4 : i32
    %get3A_577 = arith.index_cast %get3A_576 : i32 to index
    %get3A_578 = arith.constant 0 : index
    %get3A_579 = tpu.vector_load %arg10[%get3A_577, %get3A_578] {strides = array<i32>} : memref<8x128xf32, #tpu.memory_space<vmem>>, vector<1x16xf32>,
    %get3A_580 = vector.shape_cast %get3A_579 : vector<1x16xf32> to vector<16xf32>
    %get3A_581 = arith.constant 4 : i32
    %get3A_582 = arith.index_cast %get3A_581 : i32 to index
    %get3A_583 = arith.constant 16 : index
    %get3A_584 = tpu.vector_load %arg10[%get3A_582, %get3A_583] {strides = array<i32>} : memref<8x128xf32, #tpu.memory_space<vmem>>, vector<1x16xf32>,
    %get3A_585 = vector.shape_cast %get3A_584 : vector<1x16xf32> to vector<16xf32>
    %get3A_586 = arith.constant 4 : i32
    %get3A_587 = arith.index_cast %get3A_586 : i32 to index
    %get3A_588 = arith.constant 32 : index
    %get3A_589 = tpu.vector_load %arg10[%get3A_587, %get3A_588] {strides = array<i32>} : memref<8x128xf32, #tpu.memory_space<vmem>>, vector<1x16xf32>,
    %get3A_590 = vector.shape_cast %get3A_589 : vector<1x16xf32> to vector<16xf32>
    %get3A_591 = arith.constant 4 : i32
    %get3A_592 = arith.index_cast %get3A_591 : i32 to index
    %get3A_593 = arith.constant 48 : index
    %get3A_594 = tpu.vector_load %arg10[%get3A_592, %get3A_593] {strides = array<i32>} : memref<8x128xf32, #tpu.memory_space<vmem>>, vector<1x16xf32>,
    %get3A_595 = vector.shape_cast %get3A_594 : vector<1x16xf32> to vector<16xf32>
    %get3A_596 = arith.constant 4 : i32
    %get3A_597 = arith.index_cast %get3A_596 : i32 to index
    %get3A_598 = arith.constant 64 : index
    %get3A_599 = tpu.vector_load %arg10[%get3A_597, %get3A_598] {strides = array<i32>} : memref<8x128xf32, #tpu.memory_space<vmem>>, vector<1x16xf32>,
    %get3A_600 = vector.shape_cast %get3A_599 : vector<1x16xf32> to vector<16xf32>
    %parallel_loop3A_601 = arith.constant 0 : i32
    %parallel_loop3A_602 = arith.constant 32 : i32
    %parallel_loop3A_603 = arith.constant 1 : i32
    scf.for %parallel_loop3A_1063 = %parallel_loop3A_601 to %parallel_loop3A_602 step %parallel_loop3A_603  : i32 {
      %parallel_loop3A_1064 = arith.constant 16 : i32
      %parallel_loop3A_1065 = arith.muli %parallel_loop3A_1063, %parallel_loop3A_1064 : i32
      %parallel_loop3A_1066 = arith.constant 12 : i32
      %parallel_loop3A_1067 = arith.index_cast %parallel_loop3A_1066 : i32 to index
      %parallel_loop3A_1068 = arith.index_cast %parallel_loop3A_1065 : i32 to index
      %parallel_loop3A_1069 = tpu.vector_load %arg11[%parallel_loop3A_1067, %parallel_loop3A_1068] {strides = array<i32>} : memref<24x512xf32, #tpu.memory_space<vmem>>, vector<1x16xf32>,
      %parallel_loop3A_1070 = vector.shape_cast %parallel_loop3A_1069 : vector<1x16xf32> to vector<16xf32>
      %parallel_loop3A_1071 = arith.constant 12 : i32
      %parallel_loop3A_1072 = arith.index_cast %parallel_loop3A_1071 : i32 to index
      %parallel_loop3A_1073 = arith.index_cast %parallel_loop3A_1065 : i32 to index
      %parallel_loop3A_1074 = tpu.vector_load %arg12[%parallel_loop3A_1072, %parallel_loop3A_1073] {strides = array<i32>} : memref<24x512xf32, #tpu.memory_space<vmem>>, vector<1x16xf32>,
      %parallel_loop3A_1075 = vector.shape_cast %parallel_loop3A_1074 : vector<1x16xf32> to vector<16xf32>
      %parallel_loop3A_1076 = arith.constant 12 : i32
      %parallel_loop3A_1077 = arith.index_cast %parallel_loop3A_1076 : i32 to index
      %parallel_loop3A_1078 = arith.index_cast %parallel_loop3A_1065 : i32 to index
      %parallel_loop3A_1079 = tpu.vector_load %arg13[%parallel_loop3A_1077, %parallel_loop3A_1078] {strides = array<i32>} : memref<24x512xf32, #tpu.memory_space<vmem>>, vector<1x16xf32>,
      %parallel_loop3A_1080 = vector.shape_cast %parallel_loop3A_1079 : vector<1x16xf32> to vector<16xf32>
      %parallel_loop3A_1081 = arith.mulf %get3A_580, %parallel_loop3A_1070 : vector<16xf32>
      %parallel_loop3A_1082 = arith.mulf %get3A_585, %parallel_loop3A_1075 : vector<16xf32>
      %parallel_loop3A_1083 = arith.subf %parallel_loop3A_1081, %parallel_loop3A_1082 : vector<16xf32>
      %parallel_loop3A_1084 = arith.constant -5.000000e-01 : f32
      %parallel_loop3A_1085 = arith.constant 5.000000e-01 : f32
      %parallel_loop3A_1086 = vector.broadcast %parallel_loop3A_1084 : f32 to vector<16xf32>
      %parallel_loop3A_1087 = arith.maximumf %parallel_loop3A_1086, %parallel_loop3A_1083 : vector<16xf32>
      %parallel_loop3A_1088 = vector.broadcast %parallel_loop3A_1085 : f32 to vector<16xf32>
      %parallel_loop3A_1089 = arith.minimumf %parallel_loop3A_1088, %parallel_loop3A_1087 : vector<16xf32>
      %parallel_loop3A_1090 = arith.constant 12 : i32
      %parallel_loop3A_1091 = arith.index_cast %parallel_loop3A_1090 : i32 to index
      %parallel_loop3A_1092 = arith.index_cast %parallel_loop3A_1065 : i32 to index
      %parallel_loop3A_1093 = tpu.vector_load %arg15[%parallel_loop3A_1091, %parallel_loop3A_1092] {strides = array<i32>} : memref<24x512xf32, #tpu.memory_space<vmem>>, vector<1x16xf32>,
      %parallel_loop3A_1094 = vector.shape_cast %parallel_loop3A_1093 : vector<1x16xf32> to vector<16xf32>
      %parallel_loop3A_1095 = vector.shape_cast %parallel_loop3A_1089 : vector<16xf32> to vector<1x16xf32>
      tpu.vector_store %arg15[%parallel_loop3A_1091, %parallel_loop3A_1092], %parallel_loop3A_1095 {strides = array<i32>} : memref<24x512xf32, #tpu.memory_space<vmem>>, vector<1x16xf32>,
      %parallel_loop3A_1096 = arith.mulf %get3A_590, %parallel_loop3A_1089 : vector<16xf32>
      %parallel_loop3A_1097 = arith.mulf %get3A_595, %parallel_loop3A_1070 : vector<16xf32>
      %parallel_loop3A_1098 = arith.addf %parallel_loop3A_1096, %parallel_loop3A_1097 : vector<16xf32>
      %parallel_loop3A_1099 = arith.mulf %get3A_600, %parallel_loop3A_1080 : vector<16xf32>
      %parallel_loop3A_1100 = arith.addf %parallel_loop3A_1098, %parallel_loop3A_1099 : vector<16xf32>
      %parallel_loop3A_1101 = arith.constant 12 : i32
      %parallel_loop3A_1102 = arith.index_cast %parallel_loop3A_1101 : i32 to index
      %parallel_loop3A_1103 = arith.index_cast %parallel_loop3A_1065 : i32 to index
      %parallel_loop3A_1104 = tpu.vector_load %arg14[%parallel_loop3A_1102, %parallel_loop3A_1103] {strides = array<i32>} : memref<24x512xf32, #tpu.memory_space<vmem>>, vector<1x16xf32>,
      %parallel_loop3A_1105 = vector.shape_cast %parallel_loop3A_1104 : vector<1x16xf32> to vector<16xf32>
      %parallel_loop3A_1106 = vector.shape_cast %parallel_loop3A_1100 : vector<16xf32> to vector<1x16xf32>
      tpu.vector_store %arg14[%parallel_loop3A_1102, %parallel_loop3A_1103], %parallel_loop3A_1106 {strides = array<i32>} : memref<24x512xf32, #tpu.memory_space<vmem>>, vector<1x16xf32>,
    } {sc.loop_unroll_factor = 4 : i64, sc.parallel_access}
    %get3A_604 = arith.constant 5 : i32
    %get3A_605 = arith.index_cast %get3A_604 : i32 to index
    %get3A_606 = arith.constant 0 : index
    %get3A_607 = tpu.vector_load %arg10[%get3A_605, %get3A_606] {strides = array<i32>} : memref<8x128xf32, #tpu.memory_space<vmem>>, vector<1x16xf32>,
    %get3A_608 = vector.shape_cast %get3A_607 : vector<1x16xf32> to vector<16xf32>
    %get3A_609 = arith.constant 5 : i32
    %get3A_610 = arith.index_cast %get3A_609 : i32 to index
    %get3A_611 = arith.constant 16 : index
    %get3A_612 = tpu.vector_load %arg10[%get3A_610, %get3A_611] {strides = array<i32>} : memref<8x128xf32, #tpu.memory_space<vmem>>, vector<1x16xf32>,
    %get3A_613 = vector.shape_cast %get3A_612 : vector<1x16xf32> to vector<16xf32>
    %get3A_614 = arith.constant 5 : i32
    %get3A_615 = arith.index_cast %get3A_614 : i32 to index
    %get3A_616 = arith.constant 32 : index
    %get3A_617 = tpu.vector_load %arg10[%get3A_615, %get3A_616] {strides = array<i32>} : memref<8x128xf32, #tpu.memory_space<vmem>>, vector<1x16xf32>,
    %get3A_618 = vector.shape_cast %get3A_617 : vector<1x16xf32> to vector<16xf32>
    %get3A_619 = arith.constant 5 : i32
    %get3A_620 = arith.index_cast %get3A_619 : i32 to index
    %get3A_621 = arith.constant 48 : index
    %get3A_622 = tpu.vector_load %arg10[%get3A_620, %get3A_621] {strides = array<i32>} : memref<8x128xf32, #tpu.memory_space<vmem>>, vector<1x16xf32>,
    %get3A_623 = vector.shape_cast %get3A_622 : vector<1x16xf32> to vector<16xf32>
    %get3A_624 = arith.constant 5 : i32
    %get3A_625 = arith.index_cast %get3A_624 : i32 to index
    %get3A_626 = arith.constant 64 : index
    %get3A_627 = tpu.vector_load %arg10[%get3A_625, %get3A_626] {strides = array<i32>} : memref<8x128xf32, #tpu.memory_space<vmem>>, vector<1x16xf32>,
    %get3A_628 = vector.shape_cast %get3A_627 : vector<1x16xf32> to vector<16xf32>
    %parallel_loop3A_629 = arith.constant 0 : i32
    %parallel_loop3A_630 = arith.constant 32 : i32
    %parallel_loop3A_631 = arith.constant 1 : i32
    scf.for %parallel_loop3A_1063 = %parallel_loop3A_629 to %parallel_loop3A_630 step %parallel_loop3A_631  : i32 {
      %parallel_loop3A_1064 = arith.constant 16 : i32
      %parallel_loop3A_1065 = arith.muli %parallel_loop3A_1063, %parallel_loop3A_1064 : i32
      %parallel_loop3A_1066 = arith.constant 13 : i32
      %parallel_loop3A_1067 = arith.index_cast %parallel_loop3A_1066 : i32 to index
      %parallel_loop3A_1068 = arith.index_cast %parallel_loop3A_1065 : i32 to index
      %parallel_loop3A_1069 = tpu.vector_load %arg11[%parallel_loop3A_1067, %parallel_loop3A_1068] {strides = array<i32>} : memref<24x512xf32, #tpu.memory_space<vmem>>, vector<1x16xf32>,
      %parallel_loop3A_1070 = vector.shape_cast %parallel_loop3A_1069 : vector<1x16xf32> to vector<16xf32>
      %parallel_loop3A_1071 = arith.constant 13 : i32
      %parallel_loop3A_1072 = arith.index_cast %parallel_loop3A_1071 : i32 to index
      %parallel_loop3A_1073 = arith.index_cast %parallel_loop3A_1065 : i32 to index
      %parallel_loop3A_1074 = tpu.vector_load %arg12[%parallel_loop3A_1072, %parallel_loop3A_1073] {strides = array<i32>} : memref<24x512xf32, #tpu.memory_space<vmem>>, vector<1x16xf32>,
      %parallel_loop3A_1075 = vector.shape_cast %parallel_loop3A_1074 : vector<1x16xf32> to vector<16xf32>
      %parallel_loop3A_1076 = arith.constant 13 : i32
      %parallel_loop3A_1077 = arith.index_cast %parallel_loop3A_1076 : i32 to index
      %parallel_loop3A_1078 = arith.index_cast %parallel_loop3A_1065 : i32 to index
      %parallel_loop3A_1079 = tpu.vector_load %arg13[%parallel_loop3A_1077, %parallel_loop3A_1078] {strides = array<i32>} : memref<24x512xf32, #tpu.memory_space<vmem>>, vector<1x16xf32>,
      %parallel_loop3A_1080 = vector.shape_cast %parallel_loop3A_1079 : vector<1x16xf32> to vector<16xf32>
      %parallel_loop3A_1081 = arith.mulf %get3A_608, %parallel_loop3A_1070 : vector<16xf32>
      %parallel_loop3A_1082 = arith.mulf %get3A_613, %parallel_loop3A_1075 : vector<16xf32>
      %parallel_loop3A_1083 = arith.subf %parallel_loop3A_1081, %parallel_loop3A_1082 : vector<16xf32>
      %parallel_loop3A_1084 = arith.constant -5.000000e-01 : f32
      %parallel_loop3A_1085 = arith.constant 5.000000e-01 : f32
      %parallel_loop3A_1086 = vector.broadcast %parallel_loop3A_1084 : f32 to vector<16xf32>
      %parallel_loop3A_1087 = arith.maximumf %parallel_loop3A_1086, %parallel_loop3A_1083 : vector<16xf32>
      %parallel_loop3A_1088 = vector.broadcast %parallel_loop3A_1085 : f32 to vector<16xf32>
      %parallel_loop3A_1089 = arith.minimumf %parallel_loop3A_1088, %parallel_loop3A_1087 : vector<16xf32>
      %parallel_loop3A_1090 = arith.constant 13 : i32
      %parallel_loop3A_1091 = arith.index_cast %parallel_loop3A_1090 : i32 to index
      %parallel_loop3A_1092 = arith.index_cast %parallel_loop3A_1065 : i32 to index
      %parallel_loop3A_1093 = tpu.vector_load %arg15[%parallel_loop3A_1091, %parallel_loop3A_1092] {strides = array<i32>} : memref<24x512xf32, #tpu.memory_space<vmem>>, vector<1x16xf32>,
      %parallel_loop3A_1094 = vector.shape_cast %parallel_loop3A_1093 : vector<1x16xf32> to vector<16xf32>
      %parallel_loop3A_1095 = vector.shape_cast %parallel_loop3A_1089 : vector<16xf32> to vector<1x16xf32>
      tpu.vector_store %arg15[%parallel_loop3A_1091, %parallel_loop3A_1092], %parallel_loop3A_1095 {strides = array<i32>} : memref<24x512xf32, #tpu.memory_space<vmem>>, vector<1x16xf32>,
      %parallel_loop3A_1096 = arith.mulf %get3A_618, %parallel_loop3A_1089 : vector<16xf32>
      %parallel_loop3A_1097 = arith.mulf %get3A_623, %parallel_loop3A_1070 : vector<16xf32>
      %parallel_loop3A_1098 = arith.addf %parallel_loop3A_1096, %parallel_loop3A_1097 : vector<16xf32>
      %parallel_loop3A_1099 = arith.mulf %get3A_628, %parallel_loop3A_1080 : vector<16xf32>
      %parallel_loop3A_1100 = arith.addf %parallel_loop3A_1098, %parallel_loop3A_1099 : vector<16xf32>
      %parallel_loop3A_1101 = arith.constant 13 : i32
      %parallel_loop3A_1102 = arith.index_cast %parallel_loop3A_1101 : i32 to index
      %parallel_loop3A_1103 = arith.index_cast %parallel_loop3A_1065 : i32 to index
      %parallel_loop3A_1104 = tpu.vector_load %arg14[%parallel_loop3A_1102, %parallel_loop3A_1103] {strides = array<i32>} : memref<24x512xf32, #tpu.memory_space<vmem>>, vector<1x16xf32>,
      %parallel_loop3A_1105 = vector.shape_cast %parallel_loop3A_1104 : vector<1x16xf32> to vector<16xf32>
      %parallel_loop3A_1106 = vector.shape_cast %parallel_loop3A_1100 : vector<16xf32> to vector<1x16xf32>
      tpu.vector_store %arg14[%parallel_loop3A_1102, %parallel_loop3A_1103], %parallel_loop3A_1106 {strides = array<i32>} : memref<24x512xf32, #tpu.memory_space<vmem>>, vector<1x16xf32>,
    } {sc.loop_unroll_factor = 4 : i64, sc.parallel_access}
    %get3A_632 = arith.constant 6 : i32
    %get3A_633 = arith.index_cast %get3A_632 : i32 to index
    %get3A_634 = arith.constant 0 : index
    %get3A_635 = tpu.vector_load %arg10[%get3A_633, %get3A_634] {strides = array<i32>} : memref<8x128xf32, #tpu.memory_space<vmem>>, vector<1x16xf32>,
    %get3A_636 = vector.shape_cast %get3A_635 : vector<1x16xf32> to vector<16xf32>
    %get3A_637 = arith.constant 6 : i32
    %get3A_638 = arith.index_cast %get3A_637 : i32 to index
    %get3A_639 = arith.constant 16 : index
    %get3A_640 = tpu.vector_load %arg10[%get3A_638, %get3A_639] {strides = array<i32>} : memref<8x128xf32, #tpu.memory_space<vmem>>, vector<1x16xf32>,
    %get3A_641 = vector.shape_cast %get3A_640 : vector<1x16xf32> to vector<16xf32>
    %get3A_642 = arith.constant 6 : i32
    %get3A_643 = arith.index_cast %get3A_642 : i32 to index
    %get3A_644 = arith.constant 32 : index
    %get3A_645 = tpu.vector_load %arg10[%get3A_643, %get3A_644] {strides = array<i32>} : memref<8x128xf32, #tpu.memory_space<vmem>>, vector<1x16xf32>,
    %get3A_646 = vector.shape_cast %get3A_645 : vector<1x16xf32> to vector<16xf32>
    %get3A_647 = arith.constant 6 : i32
    %get3A_648 = arith.index_cast %get3A_647 : i32 to index
    %get3A_649 = arith.constant 48 : index
    %get3A_650 = tpu.vector_load %arg10[%get3A_648, %get3A_649] {strides = array<i32>} : memref<8x128xf32, #tpu.memory_space<vmem>>, vector<1x16xf32>,
    %get3A_651 = vector.shape_cast %get3A_650 : vector<1x16xf32> to vector<16xf32>
    %get3A_652 = arith.constant 6 : i32
    %get3A_653 = arith.index_cast %get3A_652 : i32 to index
    %get3A_654 = arith.constant 64 : index
    %get3A_655 = tpu.vector_load %arg10[%get3A_653, %get3A_654] {strides = array<i32>} : memref<8x128xf32, #tpu.memory_space<vmem>>, vector<1x16xf32>,
    %get3A_656 = vector.shape_cast %get3A_655 : vector<1x16xf32> to vector<16xf32>
    %parallel_loop3A_657 = arith.constant 0 : i32
    %parallel_loop3A_658 = arith.constant 32 : i32
    %parallel_loop3A_659 = arith.constant 1 : i32
    scf.for %parallel_loop3A_1063 = %parallel_loop3A_657 to %parallel_loop3A_658 step %parallel_loop3A_659  : i32 {
      %parallel_loop3A_1064 = arith.constant 16 : i32
      %parallel_loop3A_1065 = arith.muli %parallel_loop3A_1063, %parallel_loop3A_1064 : i32
      %parallel_loop3A_1066 = arith.constant 14 : i32
      %parallel_loop3A_1067 = arith.index_cast %parallel_loop3A_1066 : i32 to index
      %parallel_loop3A_1068 = arith.index_cast %parallel_loop3A_1065 : i32 to index
      %parallel_loop3A_1069 = tpu.vector_load %arg11[%parallel_loop3A_1067, %parallel_loop3A_1068] {strides = array<i32>} : memref<24x512xf32, #tpu.memory_space<vmem>>, vector<1x16xf32>,
      %parallel_loop3A_1070 = vector.shape_cast %parallel_loop3A_1069 : vector<1x16xf32> to vector<16xf32>
      %parallel_loop3A_1071 = arith.constant 14 : i32
      %parallel_loop3A_1072 = arith.index_cast %parallel_loop3A_1071 : i32 to index
      %parallel_loop3A_1073 = arith.index_cast %parallel_loop3A_1065 : i32 to index
      %parallel_loop3A_1074 = tpu.vector_load %arg12[%parallel_loop3A_1072, %parallel_loop3A_1073] {strides = array<i32>} : memref<24x512xf32, #tpu.memory_space<vmem>>, vector<1x16xf32>,
      %parallel_loop3A_1075 = vector.shape_cast %parallel_loop3A_1074 : vector<1x16xf32> to vector<16xf32>
      %parallel_loop3A_1076 = arith.constant 14 : i32
      %parallel_loop3A_1077 = arith.index_cast %parallel_loop3A_1076 : i32 to index
      %parallel_loop3A_1078 = arith.index_cast %parallel_loop3A_1065 : i32 to index
      %parallel_loop3A_1079 = tpu.vector_load %arg13[%parallel_loop3A_1077, %parallel_loop3A_1078] {strides = array<i32>} : memref<24x512xf32, #tpu.memory_space<vmem>>, vector<1x16xf32>,
      %parallel_loop3A_1080 = vector.shape_cast %parallel_loop3A_1079 : vector<1x16xf32> to vector<16xf32>
      %parallel_loop3A_1081 = arith.mulf %get3A_636, %parallel_loop3A_1070 : vector<16xf32>
      %parallel_loop3A_1082 = arith.mulf %get3A_641, %parallel_loop3A_1075 : vector<16xf32>
      %parallel_loop3A_1083 = arith.subf %parallel_loop3A_1081, %parallel_loop3A_1082 : vector<16xf32>
      %parallel_loop3A_1084 = arith.constant -5.000000e-01 : f32
      %parallel_loop3A_1085 = arith.constant 5.000000e-01 : f32
      %parallel_loop3A_1086 = vector.broadcast %parallel_loop3A_1084 : f32 to vector<16xf32>
      %parallel_loop3A_1087 = arith.maximumf %parallel_loop3A_1086, %parallel_loop3A_1083 : vector<16xf32>
      %parallel_loop3A_1088 = vector.broadcast %parallel_loop3A_1085 : f32 to vector<16xf32>
      %parallel_loop3A_1089 = arith.minimumf %parallel_loop3A_1088, %parallel_loop3A_1087 : vector<16xf32>
      %parallel_loop3A_1090 = arith.constant 14 : i32
      %parallel_loop3A_1091 = arith.index_cast %parallel_loop3A_1090 : i32 to index
      %parallel_loop3A_1092 = arith.index_cast %parallel_loop3A_1065 : i32 to index
      %parallel_loop3A_1093 = tpu.vector_load %arg15[%parallel_loop3A_1091, %parallel_loop3A_1092] {strides = array<i32>} : memref<24x512xf32, #tpu.memory_space<vmem>>, vector<1x16xf32>,
      %parallel_loop3A_1094 = vector.shape_cast %parallel_loop3A_1093 : vector<1x16xf32> to vector<16xf32>
      %parallel_loop3A_1095 = vector.shape_cast %parallel_loop3A_1089 : vector<16xf32> to vector<1x16xf32>
      tpu.vector_store %arg15[%parallel_loop3A_1091, %parallel_loop3A_1092], %parallel_loop3A_1095 {strides = array<i32>} : memref<24x512xf32, #tpu.memory_space<vmem>>, vector<1x16xf32>,
      %parallel_loop3A_1096 = arith.mulf %get3A_646, %parallel_loop3A_1089 : vector<16xf32>
      %parallel_loop3A_1097 = arith.mulf %get3A_651, %parallel_loop3A_1070 : vector<16xf32>
      %parallel_loop3A_1098 = arith.addf %parallel_loop3A_1096, %parallel_loop3A_1097 : vector<16xf32>
      %parallel_loop3A_1099 = arith.mulf %get3A_656, %parallel_loop3A_1080 : vector<16xf32>
      %parallel_loop3A_1100 = arith.addf %parallel_loop3A_1098, %parallel_loop3A_1099 : vector<16xf32>
      %parallel_loop3A_1101 = arith.constant 14 : i32
      %parallel_loop3A_1102 = arith.index_cast %parallel_loop3A_1101 : i32 to index
      %parallel_loop3A_1103 = arith.index_cast %parallel_loop3A_1065 : i32 to index
      %parallel_loop3A_1104 = tpu.vector_load %arg14[%parallel_loop3A_1102, %parallel_loop3A_1103] {strides = array<i32>} : memref<24x512xf32, #tpu.memory_space<vmem>>, vector<1x16xf32>,
      %parallel_loop3A_1105 = vector.shape_cast %parallel_loop3A_1104 : vector<1x16xf32> to vector<16xf32>
      %parallel_loop3A_1106 = vector.shape_cast %parallel_loop3A_1100 : vector<16xf32> to vector<1x16xf32>
      tpu.vector_store %arg14[%parallel_loop3A_1102, %parallel_loop3A_1103], %parallel_loop3A_1106 {strides = array<i32>} : memref<24x512xf32, #tpu.memory_space<vmem>>, vector<1x16xf32>,
    } {sc.loop_unroll_factor = 4 : i64, sc.parallel_access}
    %get3A_660 = arith.constant 7 : i32
    %get3A_661 = arith.index_cast %get3A_660 : i32 to index
    %get3A_662 = arith.constant 0 : index
    %get3A_663 = tpu.vector_load %arg10[%get3A_661, %get3A_662] {strides = array<i32>} : memref<8x128xf32, #tpu.memory_space<vmem>>, vector<1x16xf32>,
    %get3A_664 = vector.shape_cast %get3A_663 : vector<1x16xf32> to vector<16xf32>
    %get3A_665 = arith.constant 7 : i32
    %get3A_666 = arith.index_cast %get3A_665 : i32 to index
    %get3A_667 = arith.constant 16 : index
    %get3A_668 = tpu.vector_load %arg10[%get3A_666, %get3A_667] {strides = array<i32>} : memref<8x128xf32, #tpu.memory_space<vmem>>, vector<1x16xf32>,
    %get3A_669 = vector.shape_cast %get3A_668 : vector<1x16xf32> to vector<16xf32>
    %get3A_670 = arith.constant 7 : i32
    %get3A_671 = arith.index_cast %get3A_670 : i32 to index
    %get3A_672 = arith.constant 32 : index
    %get3A_673 = tpu.vector_load %arg10[%get3A_671, %get3A_672] {strides = array<i32>} : memref<8x128xf32, #tpu.memory_space<vmem>>, vector<1x16xf32>,
    %get3A_674 = vector.shape_cast %get3A_673 : vector<1x16xf32> to vector<16xf32>
    %get3A_675 = arith.constant 7 : i32
    %get3A_676 = arith.index_cast %get3A_675 : i32 to index
    %get3A_677 = arith.constant 48 : index
    %get3A_678 = tpu.vector_load %arg10[%get3A_676, %get3A_677] {strides = array<i32>} : memref<8x128xf32, #tpu.memory_space<vmem>>, vector<1x16xf32>,
    %get3A_679 = vector.shape_cast %get3A_678 : vector<1x16xf32> to vector<16xf32>
    %get3A_680 = arith.constant 7 : i32
    %get3A_681 = arith.index_cast %get3A_680 : i32 to index
    %get3A_682 = arith.constant 64 : index
    %get3A_683 = tpu.vector_load %arg10[%get3A_681, %get3A_682] {strides = array<i32>} : memref<8x128xf32, #tpu.memory_space<vmem>>, vector<1x16xf32>,
    %get3A_684 = vector.shape_cast %get3A_683 : vector<1x16xf32> to vector<16xf32>
    %parallel_loop3A_685 = arith.constant 0 : i32
    %parallel_loop3A_686 = arith.constant 32 : i32
    %parallel_loop3A_687 = arith.constant 1 : i32
    scf.for %parallel_loop3A_1063 = %parallel_loop3A_685 to %parallel_loop3A_686 step %parallel_loop3A_687  : i32 {
      %parallel_loop3A_1064 = arith.constant 16 : i32
      %parallel_loop3A_1065 = arith.muli %parallel_loop3A_1063, %parallel_loop3A_1064 : i32
      %parallel_loop3A_1066 = arith.constant 15 : i32
      %parallel_loop3A_1067 = arith.index_cast %parallel_loop3A_1066 : i32 to index
      %parallel_loop3A_1068 = arith.index_cast %parallel_loop3A_1065 : i32 to index
      %parallel_loop3A_1069 = tpu.vector_load %arg11[%parallel_loop3A_1067, %parallel_loop3A_1068] {strides = array<i32>} : memref<24x512xf32, #tpu.memory_space<vmem>>, vector<1x16xf32>,
      %parallel_loop3A_1070 = vector.shape_cast %parallel_loop3A_1069 : vector<1x16xf32> to vector<16xf32>
      %parallel_loop3A_1071 = arith.constant 15 : i32
      %parallel_loop3A_1072 = arith.index_cast %parallel_loop3A_1071 : i32 to index
      %parallel_loop3A_1073 = arith.index_cast %parallel_loop3A_1065 : i32 to index
      %parallel_loop3A_1074 = tpu.vector_load %arg12[%parallel_loop3A_1072, %parallel_loop3A_1073] {strides = array<i32>} : memref<24x512xf32, #tpu.memory_space<vmem>>, vector<1x16xf32>,
      %parallel_loop3A_1075 = vector.shape_cast %parallel_loop3A_1074 : vector<1x16xf32> to vector<16xf32>
      %parallel_loop3A_1076 = arith.constant 15 : i32
      %parallel_loop3A_1077 = arith.index_cast %parallel_loop3A_1076 : i32 to index
      %parallel_loop3A_1078 = arith.index_cast %parallel_loop3A_1065 : i32 to index
      %parallel_loop3A_1079 = tpu.vector_load %arg13[%parallel_loop3A_1077, %parallel_loop3A_1078] {strides = array<i32>} : memref<24x512xf32, #tpu.memory_space<vmem>>, vector<1x16xf32>,
      %parallel_loop3A_1080 = vector.shape_cast %parallel_loop3A_1079 : vector<1x16xf32> to vector<16xf32>
      %parallel_loop3A_1081 = arith.mulf %get3A_664, %parallel_loop3A_1070 : vector<16xf32>
      %parallel_loop3A_1082 = arith.mulf %get3A_669, %parallel_loop3A_1075 : vector<16xf32>
      %parallel_loop3A_1083 = arith.subf %parallel_loop3A_1081, %parallel_loop3A_1082 : vector<16xf32>
      %parallel_loop3A_1084 = arith.constant -5.000000e-01 : f32
      %parallel_loop3A_1085 = arith.constant 5.000000e-01 : f32
      %parallel_loop3A_1086 = vector.broadcast %parallel_loop3A_1084 : f32 to vector<16xf32>
      %parallel_loop3A_1087 = arith.maximumf %parallel_loop3A_1086, %parallel_loop3A_1083 : vector<16xf32>
      %parallel_loop3A_1088 = vector.broadcast %parallel_loop3A_1085 : f32 to vector<16xf32>
      %parallel_loop3A_1089 = arith.minimumf %parallel_loop3A_1088, %parallel_loop3A_1087 : vector<16xf32>
      %parallel_loop3A_1090 = arith.constant 15 : i32
      %parallel_loop3A_1091 = arith.index_cast %parallel_loop3A_1090 : i32 to index
      %parallel_loop3A_1092 = arith.index_cast %parallel_loop3A_1065 : i32 to index
      %parallel_loop3A_1093 = tpu.vector_load %arg15[%parallel_loop3A_1091, %parallel_loop3A_1092] {strides = array<i32>} : memref<24x512xf32, #tpu.memory_space<vmem>>, vector<1x16xf32>,
      %parallel_loop3A_1094 = vector.shape_cast %parallel_loop3A_1093 : vector<1x16xf32> to vector<16xf32>
      %parallel_loop3A_1095 = vector.shape_cast %parallel_loop3A_1089 : vector<16xf32> to vector<1x16xf32>
      tpu.vector_store %arg15[%parallel_loop3A_1091, %parallel_loop3A_1092], %parallel_loop3A_1095 {strides = array<i32>} : memref<24x512xf32, #tpu.memory_space<vmem>>, vector<1x16xf32>,
      %parallel_loop3A_1096 = arith.mulf %get3A_674, %parallel_loop3A_1089 : vector<16xf32>
      %parallel_loop3A_1097 = arith.mulf %get3A_679, %parallel_loop3A_1070 : vector<16xf32>
      %parallel_loop3A_1098 = arith.addf %parallel_loop3A_1096, %parallel_loop3A_1097 : vector<16xf32>
      %parallel_loop3A_1099 = arith.mulf %get3A_684, %parallel_loop3A_1080 : vector<16xf32>
      %parallel_loop3A_1100 = arith.addf %parallel_loop3A_1098, %parallel_loop3A_1099 : vector<16xf32>
      %parallel_loop3A_1101 = arith.constant 15 : i32
      %parallel_loop3A_1102 = arith.index_cast %parallel_loop3A_1101 : i32 to index
      %parallel_loop3A_1103 = arith.index_cast %parallel_loop3A_1065 : i32 to index
      %parallel_loop3A_1104 = tpu.vector_load %arg14[%parallel_loop3A_1102, %parallel_loop3A_1103] {strides = array<i32>} : memref<24x512xf32, #tpu.memory_space<vmem>>, vector<1x16xf32>,
      %parallel_loop3A_1105 = vector.shape_cast %parallel_loop3A_1104 : vector<1x16xf32> to vector<16xf32>
      %parallel_loop3A_1106 = vector.shape_cast %parallel_loop3A_1100 : vector<16xf32> to vector<1x16xf32>
      tpu.vector_store %arg14[%parallel_loop3A_1102, %parallel_loop3A_1103], %parallel_loop3A_1106 {strides = array<i32>} : memref<24x512xf32, #tpu.memory_space<vmem>>, vector<1x16xf32>,
    } {sc.loop_unroll_factor = 4 : i64, sc.parallel_access}
    %mul3A_688 = arith.constant 8 : i32
    %mul3A_689 = arith.muli %select_n3A_9, %mul3A_688 : i32
    %add3A_690 = arith.constant 64 : i32
    %add3A_691 = arith.addi %add3A_690, %mul3A_689 : i32
    %dma_start3A_692 = arith.constant 1 : i32
    %dma_start3A_693 = arith.constant 8 : i32
    %dma_start3A_694 = arith.constant 0 : i32
    %dma_start3A_695 = tpu.memref_slice %arg14[%dma_start3A_693, %dma_start3A_694] : memref<24x512xf32, #tpu.memory_space<vmem>> -> memref<8x512xf32, #tpu.memory_space<vmem>>
    %dma_start3A_696 = tpu.memref_slice %arg7[%add3A_691, %mul3A_32] : memref<192x2048xf32, #tpu.memory_space<hbm>> -> memref<8x512xf32, #tpu.memory_space<hbm>>
    %dma_start3A_697 = tpu.memref_slice %arg20[%dma_start3A_692] : memref<3x!tpu.dma_semaphore, #tpu.memory_space<semaphore_mem>> -> memref<1x!tpu.dma_semaphore, #tpu.memory_space<semaphore_mem>>
    %dma_start3A_698 = tpu.memref_squeeze %dma_start3A_697 : memref<1x!tpu.dma_semaphore, #tpu.memory_space<semaphore_mem>> -> memref<!tpu.dma_semaphore, #tpu.memory_space<semaphore_mem>>
    %dma_start3A_699 = tpu.memref_slice %arg7[%add3A_691, %mul3A_32] : memref<192x2048xf32, #tpu.memory_space<hbm>> -> memref<8x512xf32, #tpu.memory_space<hbm>>
    %dma_start3A_700 = arith.constant 8 : i32
    %dma_start3A_701 = arith.constant 0 : i32
    %dma_start3A_702 = tpu.memref_slice %arg14[%dma_start3A_700, %dma_start3A_701] : memref<24x512xf32, #tpu.memory_space<vmem>> -> memref<8x512xf32, #tpu.memory_space<vmem>>
    tpu.enqueue_dma source(%dma_start3A_702 : memref<8x512xf32, #tpu.memory_space<vmem>>) target(%dma_start3A_699 : memref<8x512xf32, #tpu.memory_space<hbm>>) target_semaphore(%dma_start3A_698 : memref<!tpu.dma_semaphore, #tpu.memory_space<semaphore_mem>>)
    %dma_start3A_703 = arith.constant 1 : i32
    %dma_start3A_704 = arith.constant 8 : i32
    %dma_start3A_705 = arith.constant 0 : i32
    %dma_start3A_706 = tpu.memref_slice %arg15[%dma_start3A_704, %dma_start3A_705] : memref<24x512xf32, #tpu.memory_space<vmem>> -> memref<8x512xf32, #tpu.memory_space<vmem>>
    %dma_start3A_707 = tpu.memref_slice %arg8[%add3A_691, %mul3A_32] : memref<192x2048xf32, #tpu.memory_space<hbm>> -> memref<8x512xf32, #tpu.memory_space<hbm>>
    %dma_start3A_708 = tpu.memref_slice %arg21[%dma_start3A_703] : memref<3x!tpu.dma_semaphore, #tpu.memory_space<semaphore_mem>> -> memref<1x!tpu.dma_semaphore, #tpu.memory_space<semaphore_mem>>
    %dma_start3A_709 = tpu.memref_squeeze %dma_start3A_708 : memref<1x!tpu.dma_semaphore, #tpu.memory_space<semaphore_mem>> -> memref<!tpu.dma_semaphore, #tpu.memory_space<semaphore_mem>>
    %dma_start3A_710 = tpu.memref_slice %arg8[%add3A_691, %mul3A_32] : memref<192x2048xf32, #tpu.memory_space<hbm>> -> memref<8x512xf32, #tpu.memory_space<hbm>>
    %dma_start3A_711 = arith.constant 8 : i32
    %dma_start3A_712 = arith.constant 0 : i32
    %dma_start3A_713 = tpu.memref_slice %arg15[%dma_start3A_711, %dma_start3A_712] : memref<24x512xf32, #tpu.memory_space<vmem>> -> memref<8x512xf32, #tpu.memory_space<vmem>>
    tpu.enqueue_dma source(%dma_start3A_713 : memref<8x512xf32, #tpu.memory_space<vmem>>) target(%dma_start3A_710 : memref<8x512xf32, #tpu.memory_space<hbm>>) target_semaphore(%dma_start3A_709 : memref<!tpu.dma_semaphore, #tpu.memory_space<semaphore_mem>>)
    %dma_wait3A_714 = arith.constant 2 : i32
    %dma_wait3A_715 = arith.constant 16 : i32
    %dma_wait3A_716 = arith.constant 0 : i32
    %dma_wait3A_717 = tpu.memref_slice %arg11[%dma_wait3A_715, %dma_wait3A_716] : memref<24x512xf32, #tpu.memory_space<vmem>> -> memref<8x512xf32, #tpu.memory_space<vmem>>
    %dma_wait3A_718 = tpu.memref_slice %arg4[%add3A_114, %mul3A_32] : memref<192x2048xf32, #tpu.memory_space<hbm>> -> memref<8x512xf32, #tpu.memory_space<hbm>>
    %dma_wait3A_719 = tpu.memref_slice %arg17[%dma_wait3A_714] : memref<3x!tpu.dma_semaphore, #tpu.memory_space<semaphore_mem>> -> memref<1x!tpu.dma_semaphore, #tpu.memory_space<semaphore_mem>>
    %dma_wait3A_720 = tpu.memref_squeeze %dma_wait3A_719 : memref<1x!tpu.dma_semaphore, #tpu.memory_space<semaphore_mem>> -> memref<!tpu.dma_semaphore, #tpu.memory_space<semaphore_mem>>
    %dma_wait3A_721 = arith.constant 16 : i32
    %dma_wait3A_722 = arith.constant 0 : i32
    %dma_wait3A_723 = tpu.memref_slice %arg11[%dma_wait3A_721, %dma_wait3A_722] : memref<24x512xf32, #tpu.memory_space<vmem>> -> memref<8x512xf32, #tpu.memory_space<vmem>>
    %dma_wait3A_724 = tpu.memref_slice %arg4[%add3A_114, %mul3A_32] : memref<192x2048xf32, #tpu.memory_space<hbm>> -> memref<8x512xf32, #tpu.memory_space<hbm>>
    tpu.wait_dma2 semaphore(%dma_wait3A_720 : memref<!tpu.dma_semaphore, #tpu.memory_space<semaphore_mem>>) src(%dma_wait3A_724 : memref<8x512xf32, #tpu.memory_space<hbm>>) dst(%dma_wait3A_723 : memref<8x512xf32, #tpu.memory_space<vmem>>)
    %dma_wait3A_725 = arith.constant 2 : i32
    %dma_wait3A_726 = arith.constant 16 : i32
    %dma_wait3A_727 = arith.constant 0 : i32
    %dma_wait3A_728 = tpu.memref_slice %arg12[%dma_wait3A_726, %dma_wait3A_727] : memref<24x512xf32, #tpu.memory_space<vmem>> -> memref<8x512xf32, #tpu.memory_space<vmem>>
    %dma_wait3A_729 = tpu.memref_slice %arg5[%add3A_114, %mul3A_32] : memref<192x2048xf32, #tpu.memory_space<hbm>> -> memref<8x512xf32, #tpu.memory_space<hbm>>
    %dma_wait3A_730 = tpu.memref_slice %arg18[%dma_wait3A_725] : memref<3x!tpu.dma_semaphore, #tpu.memory_space<semaphore_mem>> -> memref<1x!tpu.dma_semaphore, #tpu.memory_space<semaphore_mem>>
    %dma_wait3A_731 = tpu.memref_squeeze %dma_wait3A_730 : memref<1x!tpu.dma_semaphore, #tpu.memory_space<semaphore_mem>> -> memref<!tpu.dma_semaphore, #tpu.memory_space<semaphore_mem>>
    %dma_wait3A_732 = arith.constant 16 : i32
    %dma_wait3A_733 = arith.constant 0 : i32
    %dma_wait3A_734 = tpu.memref_slice %arg12[%dma_wait3A_732, %dma_wait3A_733] : memref<24x512xf32, #tpu.memory_space<vmem>> -> memref<8x512xf32, #tpu.memory_space<vmem>>
    %dma_wait3A_735 = tpu.memref_slice %arg5[%add3A_114, %mul3A_32] : memref<192x2048xf32, #tpu.memory_space<hbm>> -> memref<8x512xf32, #tpu.memory_space<hbm>>
    tpu.wait_dma2 semaphore(%dma_wait3A_731 : memref<!tpu.dma_semaphore, #tpu.memory_space<semaphore_mem>>) src(%dma_wait3A_735 : memref<8x512xf32, #tpu.memory_space<hbm>>) dst(%dma_wait3A_734 : memref<8x512xf32, #tpu.memory_space<vmem>>)
    %dma_wait3A_736 = arith.constant 2 : i32
    %dma_wait3A_737 = arith.constant 16 : i32
    %dma_wait3A_738 = arith.constant 0 : i32
    %dma_wait3A_739 = tpu.memref_slice %arg13[%dma_wait3A_737, %dma_wait3A_738] : memref<24x512xf32, #tpu.memory_space<vmem>> -> memref<8x512xf32, #tpu.memory_space<vmem>>
    %dma_wait3A_740 = tpu.memref_slice %arg6[%add3A_114, %mul3A_32] : memref<192x2048xf32, #tpu.memory_space<hbm>> -> memref<8x512xf32, #tpu.memory_space<hbm>>
    %dma_wait3A_741 = tpu.memref_slice %arg19[%dma_wait3A_736] : memref<3x!tpu.dma_semaphore, #tpu.memory_space<semaphore_mem>> -> memref<1x!tpu.dma_semaphore, #tpu.memory_space<semaphore_mem>>
    %dma_wait3A_742 = tpu.memref_squeeze %dma_wait3A_741 : memref<1x!tpu.dma_semaphore, #tpu.memory_space<semaphore_mem>> -> memref<!tpu.dma_semaphore, #tpu.memory_space<semaphore_mem>>
    %dma_wait3A_743 = arith.constant 16 : i32
    %dma_wait3A_744 = arith.constant 0 : i32
    %dma_wait3A_745 = tpu.memref_slice %arg13[%dma_wait3A_743, %dma_wait3A_744] : memref<24x512xf32, #tpu.memory_space<vmem>> -> memref<8x512xf32, #tpu.memory_space<vmem>>
    %dma_wait3A_746 = tpu.memref_slice %arg6[%add3A_114, %mul3A_32] : memref<192x2048xf32, #tpu.memory_space<hbm>> -> memref<8x512xf32, #tpu.memory_space<hbm>>
    tpu.wait_dma2 semaphore(%dma_wait3A_742 : memref<!tpu.dma_semaphore, #tpu.memory_space<semaphore_mem>>) src(%dma_wait3A_746 : memref<8x512xf32, #tpu.memory_space<hbm>>) dst(%dma_wait3A_745 : memref<8x512xf32, #tpu.memory_space<vmem>>)
    %get3A_747 = arith.constant 0 : i32
    %get3A_748 = arith.index_cast %get3A_747 : i32 to index
    %get3A_749 = arith.constant 0 : index
    %get3A_750 = tpu.vector_load %arg10[%get3A_748, %get3A_749] {strides = array<i32>} : memref<8x128xf32, #tpu.memory_space<vmem>>, vector<1x16xf32>,
    %get3A_751 = vector.shape_cast %get3A_750 : vector<1x16xf32> to vector<16xf32>
    %get3A_752 = arith.constant 0 : i32
    %get3A_753 = arith.index_cast %get3A_752 : i32 to index
    %get3A_754 = arith.constant 16 : index
    %get3A_755 = tpu.vector_load %arg10[%get3A_753, %get3A_754] {strides = array<i32>} : memref<8x128xf32, #tpu.memory_space<vmem>>, vector<1x16xf32>,
    %get3A_756 = vector.shape_cast %get3A_755 : vector<1x16xf32> to vector<16xf32>
    %get3A_757 = arith.constant 0 : i32
    %get3A_758 = arith.index_cast %get3A_757 : i32 to index
    %get3A_759 = arith.constant 32 : index
    %get3A_760 = tpu.vector_load %arg10[%get3A_758, %get3A_759] {strides = array<i32>} : memref<8x128xf32, #tpu.memory_space<vmem>>, vector<1x16xf32>,
    %get3A_761 = vector.shape_cast %get3A_760 : vector<1x16xf32> to vector<16xf32>
    %get3A_762 = arith.constant 0 : i32
    %get3A_763 = arith.index_cast %get3A_762 : i32 to index
    %get3A_764 = arith.constant 48 : index
    %get3A_765 = tpu.vector_load %arg10[%get3A_763, %get3A_764] {strides = array<i32>} : memref<8x128xf32, #tpu.memory_space<vmem>>, vector<1x16xf32>,
    %get3A_766 = vector.shape_cast %get3A_765 : vector<1x16xf32> to vector<16xf32>
    %get3A_767 = arith.constant 0 : i32
    %get3A_768 = arith.index_cast %get3A_767 : i32 to index
    %get3A_769 = arith.constant 64 : index
    %get3A_770 = tpu.vector_load %arg10[%get3A_768, %get3A_769] {strides = array<i32>} : memref<8x128xf32, #tpu.memory_space<vmem>>, vector<1x16xf32>,
    %get3A_771 = vector.shape_cast %get3A_770 : vector<1x16xf32> to vector<16xf32>
    %parallel_loop3A_772 = arith.constant 0 : i32
    %parallel_loop3A_773 = arith.constant 32 : i32
    %parallel_loop3A_774 = arith.constant 1 : i32
    scf.for %parallel_loop3A_1063 = %parallel_loop3A_772 to %parallel_loop3A_773 step %parallel_loop3A_774  : i32 {
      %parallel_loop3A_1064 = arith.constant 16 : i32
      %parallel_loop3A_1065 = arith.muli %parallel_loop3A_1063, %parallel_loop3A_1064 : i32
      %parallel_loop3A_1066 = arith.constant 16 : i32
      %parallel_loop3A_1067 = arith.index_cast %parallel_loop3A_1066 : i32 to index
      %parallel_loop3A_1068 = arith.index_cast %parallel_loop3A_1065 : i32 to index
      %parallel_loop3A_1069 = tpu.vector_load %arg11[%parallel_loop3A_1067, %parallel_loop3A_1068] {strides = array<i32>} : memref<24x512xf32, #tpu.memory_space<vmem>>, vector<1x16xf32>,
      %parallel_loop3A_1070 = vector.shape_cast %parallel_loop3A_1069 : vector<1x16xf32> to vector<16xf32>
      %parallel_loop3A_1071 = arith.constant 16 : i32
      %parallel_loop3A_1072 = arith.index_cast %parallel_loop3A_1071 : i32 to index
      %parallel_loop3A_1073 = arith.index_cast %parallel_loop3A_1065 : i32 to index
      %parallel_loop3A_1074 = tpu.vector_load %arg12[%parallel_loop3A_1072, %parallel_loop3A_1073] {strides = array<i32>} : memref<24x512xf32, #tpu.memory_space<vmem>>, vector<1x16xf32>,
      %parallel_loop3A_1075 = vector.shape_cast %parallel_loop3A_1074 : vector<1x16xf32> to vector<16xf32>
      %parallel_loop3A_1076 = arith.constant 16 : i32
      %parallel_loop3A_1077 = arith.index_cast %parallel_loop3A_1076 : i32 to index
      %parallel_loop3A_1078 = arith.index_cast %parallel_loop3A_1065 : i32 to index
      %parallel_loop3A_1079 = tpu.vector_load %arg13[%parallel_loop3A_1077, %parallel_loop3A_1078] {strides = array<i32>} : memref<24x512xf32, #tpu.memory_space<vmem>>, vector<1x16xf32>,
      %parallel_loop3A_1080 = vector.shape_cast %parallel_loop3A_1079 : vector<1x16xf32> to vector<16xf32>
      %parallel_loop3A_1081 = arith.mulf %get3A_751, %parallel_loop3A_1070 : vector<16xf32>
      %parallel_loop3A_1082 = arith.mulf %get3A_756, %parallel_loop3A_1075 : vector<16xf32>
      %parallel_loop3A_1083 = arith.subf %parallel_loop3A_1081, %parallel_loop3A_1082 : vector<16xf32>
      %parallel_loop3A_1084 = arith.constant -5.000000e-01 : f32
      %parallel_loop3A_1085 = arith.constant 5.000000e-01 : f32
      %parallel_loop3A_1086 = vector.broadcast %parallel_loop3A_1084 : f32 to vector<16xf32>
      %parallel_loop3A_1087 = arith.maximumf %parallel_loop3A_1086, %parallel_loop3A_1083 : vector<16xf32>
      %parallel_loop3A_1088 = vector.broadcast %parallel_loop3A_1085 : f32 to vector<16xf32>
      %parallel_loop3A_1089 = arith.minimumf %parallel_loop3A_1088, %parallel_loop3A_1087 : vector<16xf32>
      %parallel_loop3A_1090 = arith.constant 16 : i32
      %parallel_loop3A_1091 = arith.index_cast %parallel_loop3A_1090 : i32 to index
      %parallel_loop3A_1092 = arith.index_cast %parallel_loop3A_1065 : i32 to index
      %parallel_loop3A_1093 = tpu.vector_load %arg15[%parallel_loop3A_1091, %parallel_loop3A_1092] {strides = array<i32>} : memref<24x512xf32, #tpu.memory_space<vmem>>, vector<1x16xf32>,
      %parallel_loop3A_1094 = vector.shape_cast %parallel_loop3A_1093 : vector<1x16xf32> to vector<16xf32>
      %parallel_loop3A_1095 = vector.shape_cast %parallel_loop3A_1089 : vector<16xf32> to vector<1x16xf32>
      tpu.vector_store %arg15[%parallel_loop3A_1091, %parallel_loop3A_1092], %parallel_loop3A_1095 {strides = array<i32>} : memref<24x512xf32, #tpu.memory_space<vmem>>, vector<1x16xf32>,
      %parallel_loop3A_1096 = arith.mulf %get3A_761, %parallel_loop3A_1089 : vector<16xf32>
      %parallel_loop3A_1097 = arith.mulf %get3A_766, %parallel_loop3A_1070 : vector<16xf32>
      %parallel_loop3A_1098 = arith.addf %parallel_loop3A_1096, %parallel_loop3A_1097 : vector<16xf32>
      %parallel_loop3A_1099 = arith.mulf %get3A_771, %parallel_loop3A_1080 : vector<16xf32>
      %parallel_loop3A_1100 = arith.addf %parallel_loop3A_1098, %parallel_loop3A_1099 : vector<16xf32>
      %parallel_loop3A_1101 = arith.constant 16 : i32
      %parallel_loop3A_1102 = arith.index_cast %parallel_loop3A_1101 : i32 to index
      %parallel_loop3A_1103 = arith.index_cast %parallel_loop3A_1065 : i32 to index
      %parallel_loop3A_1104 = tpu.vector_load %arg14[%parallel_loop3A_1102, %parallel_loop3A_1103] {strides = array<i32>} : memref<24x512xf32, #tpu.memory_space<vmem>>, vector<1x16xf32>,
      %parallel_loop3A_1105 = vector.shape_cast %parallel_loop3A_1104 : vector<1x16xf32> to vector<16xf32>
      %parallel_loop3A_1106 = vector.shape_cast %parallel_loop3A_1100 : vector<16xf32> to vector<1x16xf32>
      tpu.vector_store %arg14[%parallel_loop3A_1102, %parallel_loop3A_1103], %parallel_loop3A_1106 {strides = array<i32>} : memref<24x512xf32, #tpu.memory_space<vmem>>, vector<1x16xf32>,
    } {sc.loop_unroll_factor = 4 : i64, sc.parallel_access}
    %get3A_775 = arith.constant 1 : i32
    %get3A_776 = arith.index_cast %get3A_775 : i32 to index
    %get3A_777 = arith.constant 0 : index
    %get3A_778 = tpu.vector_load %arg10[%get3A_776, %get3A_777] {strides = array<i32>} : memref<8x128xf32, #tpu.memory_space<vmem>>, vector<1x16xf32>,
    %get3A_779 = vector.shape_cast %get3A_778 : vector<1x16xf32> to vector<16xf32>
    %get3A_780 = arith.constant 1 : i32
    %get3A_781 = arith.index_cast %get3A_780 : i32 to index
    %get3A_782 = arith.constant 16 : index
    %get3A_783 = tpu.vector_load %arg10[%get3A_781, %get3A_782] {strides = array<i32>} : memref<8x128xf32, #tpu.memory_space<vmem>>, vector<1x16xf32>,
    %get3A_784 = vector.shape_cast %get3A_783 : vector<1x16xf32> to vector<16xf32>
    %get3A_785 = arith.constant 1 : i32
    %get3A_786 = arith.index_cast %get3A_785 : i32 to index
    %get3A_787 = arith.constant 32 : index
    %get3A_788 = tpu.vector_load %arg10[%get3A_786, %get3A_787] {strides = array<i32>} : memref<8x128xf32, #tpu.memory_space<vmem>>, vector<1x16xf32>,
    %get3A_789 = vector.shape_cast %get3A_788 : vector<1x16xf32> to vector<16xf32>
    %get3A_790 = arith.constant 1 : i32
    %get3A_791 = arith.index_cast %get3A_790 : i32 to index
    %get3A_792 = arith.constant 48 : index
    %get3A_793 = tpu.vector_load %arg10[%get3A_791, %get3A_792] {strides = array<i32>} : memref<8x128xf32, #tpu.memory_space<vmem>>, vector<1x16xf32>,
    %get3A_794 = vector.shape_cast %get3A_793 : vector<1x16xf32> to vector<16xf32>
    %get3A_795 = arith.constant 1 : i32
    %get3A_796 = arith.index_cast %get3A_795 : i32 to index
    %get3A_797 = arith.constant 64 : index
    %get3A_798 = tpu.vector_load %arg10[%get3A_796, %get3A_797] {strides = array<i32>} : memref<8x128xf32, #tpu.memory_space<vmem>>, vector<1x16xf32>,
    %get3A_799 = vector.shape_cast %get3A_798 : vector<1x16xf32> to vector<16xf32>
    %parallel_loop3A_800 = arith.constant 0 : i32
    %parallel_loop3A_801 = arith.constant 32 : i32
    %parallel_loop3A_802 = arith.constant 1 : i32
    scf.for %parallel_loop3A_1063 = %parallel_loop3A_800 to %parallel_loop3A_801 step %parallel_loop3A_802  : i32 {
      %parallel_loop3A_1064 = arith.constant 16 : i32
      %parallel_loop3A_1065 = arith.muli %parallel_loop3A_1063, %parallel_loop3A_1064 : i32
      %parallel_loop3A_1066 = arith.constant 17 : i32
      %parallel_loop3A_1067 = arith.index_cast %parallel_loop3A_1066 : i32 to index
      %parallel_loop3A_1068 = arith.index_cast %parallel_loop3A_1065 : i32 to index
      %parallel_loop3A_1069 = tpu.vector_load %arg11[%parallel_loop3A_1067, %parallel_loop3A_1068] {strides = array<i32>} : memref<24x512xf32, #tpu.memory_space<vmem>>, vector<1x16xf32>,
      %parallel_loop3A_1070 = vector.shape_cast %parallel_loop3A_1069 : vector<1x16xf32> to vector<16xf32>
      %parallel_loop3A_1071 = arith.constant 17 : i32
      %parallel_loop3A_1072 = arith.index_cast %parallel_loop3A_1071 : i32 to index
      %parallel_loop3A_1073 = arith.index_cast %parallel_loop3A_1065 : i32 to index
      %parallel_loop3A_1074 = tpu.vector_load %arg12[%parallel_loop3A_1072, %parallel_loop3A_1073] {strides = array<i32>} : memref<24x512xf32, #tpu.memory_space<vmem>>, vector<1x16xf32>,
      %parallel_loop3A_1075 = vector.shape_cast %parallel_loop3A_1074 : vector<1x16xf32> to vector<16xf32>
      %parallel_loop3A_1076 = arith.constant 17 : i32
      %parallel_loop3A_1077 = arith.index_cast %parallel_loop3A_1076 : i32 to index
      %parallel_loop3A_1078 = arith.index_cast %parallel_loop3A_1065 : i32 to index
      %parallel_loop3A_1079 = tpu.vector_load %arg13[%parallel_loop3A_1077, %parallel_loop3A_1078] {strides = array<i32>} : memref<24x512xf32, #tpu.memory_space<vmem>>, vector<1x16xf32>,
      %parallel_loop3A_1080 = vector.shape_cast %parallel_loop3A_1079 : vector<1x16xf32> to vector<16xf32>
      %parallel_loop3A_1081 = arith.mulf %get3A_779, %parallel_loop3A_1070 : vector<16xf32>
      %parallel_loop3A_1082 = arith.mulf %get3A_784, %parallel_loop3A_1075 : vector<16xf32>
      %parallel_loop3A_1083 = arith.subf %parallel_loop3A_1081, %parallel_loop3A_1082 : vector<16xf32>
      %parallel_loop3A_1084 = arith.constant -5.000000e-01 : f32
      %parallel_loop3A_1085 = arith.constant 5.000000e-01 : f32
      %parallel_loop3A_1086 = vector.broadcast %parallel_loop3A_1084 : f32 to vector<16xf32>
      %parallel_loop3A_1087 = arith.maximumf %parallel_loop3A_1086, %parallel_loop3A_1083 : vector<16xf32>
      %parallel_loop3A_1088 = vector.broadcast %parallel_loop3A_1085 : f32 to vector<16xf32>
      %parallel_loop3A_1089 = arith.minimumf %parallel_loop3A_1088, %parallel_loop3A_1087 : vector<16xf32>
      %parallel_loop3A_1090 = arith.constant 17 : i32
      %parallel_loop3A_1091 = arith.index_cast %parallel_loop3A_1090 : i32 to index
      %parallel_loop3A_1092 = arith.index_cast %parallel_loop3A_1065 : i32 to index
      %parallel_loop3A_1093 = tpu.vector_load %arg15[%parallel_loop3A_1091, %parallel_loop3A_1092] {strides = array<i32>} : memref<24x512xf32, #tpu.memory_space<vmem>>, vector<1x16xf32>,
      %parallel_loop3A_1094 = vector.shape_cast %parallel_loop3A_1093 : vector<1x16xf32> to vector<16xf32>
      %parallel_loop3A_1095 = vector.shape_cast %parallel_loop3A_1089 : vector<16xf32> to vector<1x16xf32>
      tpu.vector_store %arg15[%parallel_loop3A_1091, %parallel_loop3A_1092], %parallel_loop3A_1095 {strides = array<i32>} : memref<24x512xf32, #tpu.memory_space<vmem>>, vector<1x16xf32>,
      %parallel_loop3A_1096 = arith.mulf %get3A_789, %parallel_loop3A_1089 : vector<16xf32>
      %parallel_loop3A_1097 = arith.mulf %get3A_794, %parallel_loop3A_1070 : vector<16xf32>
      %parallel_loop3A_1098 = arith.addf %parallel_loop3A_1096, %parallel_loop3A_1097 : vector<16xf32>
      %parallel_loop3A_1099 = arith.mulf %get3A_799, %parallel_loop3A_1080 : vector<16xf32>
      %parallel_loop3A_1100 = arith.addf %parallel_loop3A_1098, %parallel_loop3A_1099 : vector<16xf32>
      %parallel_loop3A_1101 = arith.constant 17 : i32
      %parallel_loop3A_1102 = arith.index_cast %parallel_loop3A_1101 : i32 to index
      %parallel_loop3A_1103 = arith.index_cast %parallel_loop3A_1065 : i32 to index
      %parallel_loop3A_1104 = tpu.vector_load %arg14[%parallel_loop3A_1102, %parallel_loop3A_1103] {strides = array<i32>} : memref<24x512xf32, #tpu.memory_space<vmem>>, vector<1x16xf32>,
      %parallel_loop3A_1105 = vector.shape_cast %parallel_loop3A_1104 : vector<1x16xf32> to vector<16xf32>
      %parallel_loop3A_1106 = vector.shape_cast %parallel_loop3A_1100 : vector<16xf32> to vector<1x16xf32>
      tpu.vector_store %arg14[%parallel_loop3A_1102, %parallel_loop3A_1103], %parallel_loop3A_1106 {strides = array<i32>} : memref<24x512xf32, #tpu.memory_space<vmem>>, vector<1x16xf32>,
    } {sc.loop_unroll_factor = 4 : i64, sc.parallel_access}
    %get3A_803 = arith.constant 2 : i32
    %get3A_804 = arith.index_cast %get3A_803 : i32 to index
    %get3A_805 = arith.constant 0 : index
    %get3A_806 = tpu.vector_load %arg10[%get3A_804, %get3A_805] {strides = array<i32>} : memref<8x128xf32, #tpu.memory_space<vmem>>, vector<1x16xf32>,
    %get3A_807 = vector.shape_cast %get3A_806 : vector<1x16xf32> to vector<16xf32>
    %get3A_808 = arith.constant 2 : i32
    %get3A_809 = arith.index_cast %get3A_808 : i32 to index
    %get3A_810 = arith.constant 16 : index
    %get3A_811 = tpu.vector_load %arg10[%get3A_809, %get3A_810] {strides = array<i32>} : memref<8x128xf32, #tpu.memory_space<vmem>>, vector<1x16xf32>,
    %get3A_812 = vector.shape_cast %get3A_811 : vector<1x16xf32> to vector<16xf32>
    %get3A_813 = arith.constant 2 : i32
    %get3A_814 = arith.index_cast %get3A_813 : i32 to index
    %get3A_815 = arith.constant 32 : index
    %get3A_816 = tpu.vector_load %arg10[%get3A_814, %get3A_815] {strides = array<i32>} : memref<8x128xf32, #tpu.memory_space<vmem>>, vector<1x16xf32>,
    %get3A_817 = vector.shape_cast %get3A_816 : vector<1x16xf32> to vector<16xf32>
    %get3A_818 = arith.constant 2 : i32
    %get3A_819 = arith.index_cast %get3A_818 : i32 to index
    %get3A_820 = arith.constant 48 : index
    %get3A_821 = tpu.vector_load %arg10[%get3A_819, %get3A_820] {strides = array<i32>} : memref<8x128xf32, #tpu.memory_space<vmem>>, vector<1x16xf32>,
    %get3A_822 = vector.shape_cast %get3A_821 : vector<1x16xf32> to vector<16xf32>
    %get3A_823 = arith.constant 2 : i32
    %get3A_824 = arith.index_cast %get3A_823 : i32 to index
    %get3A_825 = arith.constant 64 : index
    %get3A_826 = tpu.vector_load %arg10[%get3A_824, %get3A_825] {strides = array<i32>} : memref<8x128xf32, #tpu.memory_space<vmem>>, vector<1x16xf32>,
    %get3A_827 = vector.shape_cast %get3A_826 : vector<1x16xf32> to vector<16xf32>
    %parallel_loop3A_828 = arith.constant 0 : i32
    %parallel_loop3A_829 = arith.constant 32 : i32
    %parallel_loop3A_830 = arith.constant 1 : i32
    scf.for %parallel_loop3A_1063 = %parallel_loop3A_828 to %parallel_loop3A_829 step %parallel_loop3A_830  : i32 {
      %parallel_loop3A_1064 = arith.constant 16 : i32
      %parallel_loop3A_1065 = arith.muli %parallel_loop3A_1063, %parallel_loop3A_1064 : i32
      %parallel_loop3A_1066 = arith.constant 18 : i32
      %parallel_loop3A_1067 = arith.index_cast %parallel_loop3A_1066 : i32 to index
      %parallel_loop3A_1068 = arith.index_cast %parallel_loop3A_1065 : i32 to index
      %parallel_loop3A_1069 = tpu.vector_load %arg11[%parallel_loop3A_1067, %parallel_loop3A_1068] {strides = array<i32>} : memref<24x512xf32, #tpu.memory_space<vmem>>, vector<1x16xf32>,
      %parallel_loop3A_1070 = vector.shape_cast %parallel_loop3A_1069 : vector<1x16xf32> to vector<16xf32>
      %parallel_loop3A_1071 = arith.constant 18 : i32
      %parallel_loop3A_1072 = arith.index_cast %parallel_loop3A_1071 : i32 to index
      %parallel_loop3A_1073 = arith.index_cast %parallel_loop3A_1065 : i32 to index
      %parallel_loop3A_1074 = tpu.vector_load %arg12[%parallel_loop3A_1072, %parallel_loop3A_1073] {strides = array<i32>} : memref<24x512xf32, #tpu.memory_space<vmem>>, vector<1x16xf32>,
      %parallel_loop3A_1075 = vector.shape_cast %parallel_loop3A_1074 : vector<1x16xf32> to vector<16xf32>
      %parallel_loop3A_1076 = arith.constant 18 : i32
      %parallel_loop3A_1077 = arith.index_cast %parallel_loop3A_1076 : i32 to index
      %parallel_loop3A_1078 = arith.index_cast %parallel_loop3A_1065 : i32 to index
      %parallel_loop3A_1079 = tpu.vector_load %arg13[%parallel_loop3A_1077, %parallel_loop3A_1078] {strides = array<i32>} : memref<24x512xf32, #tpu.memory_space<vmem>>, vector<1x16xf32>,
      %parallel_loop3A_1080 = vector.shape_cast %parallel_loop3A_1079 : vector<1x16xf32> to vector<16xf32>
      %parallel_loop3A_1081 = arith.mulf %get3A_807, %parallel_loop3A_1070 : vector<16xf32>
      %parallel_loop3A_1082 = arith.mulf %get3A_812, %parallel_loop3A_1075 : vector<16xf32>
      %parallel_loop3A_1083 = arith.subf %parallel_loop3A_1081, %parallel_loop3A_1082 : vector<16xf32>
      %parallel_loop3A_1084 = arith.constant -5.000000e-01 : f32
      %parallel_loop3A_1085 = arith.constant 5.000000e-01 : f32
      %parallel_loop3A_1086 = vector.broadcast %parallel_loop3A_1084 : f32 to vector<16xf32>
      %parallel_loop3A_1087 = arith.maximumf %parallel_loop3A_1086, %parallel_loop3A_1083 : vector<16xf32>
      %parallel_loop3A_1088 = vector.broadcast %parallel_loop3A_1085 : f32 to vector<16xf32>
      %parallel_loop3A_1089 = arith.minimumf %parallel_loop3A_1088, %parallel_loop3A_1087 : vector<16xf32>
      %parallel_loop3A_1090 = arith.constant 18 : i32
      %parallel_loop3A_1091 = arith.index_cast %parallel_loop3A_1090 : i32 to index
      %parallel_loop3A_1092 = arith.index_cast %parallel_loop3A_1065 : i32 to index
      %parallel_loop3A_1093 = tpu.vector_load %arg15[%parallel_loop3A_1091, %parallel_loop3A_1092] {strides = array<i32>} : memref<24x512xf32, #tpu.memory_space<vmem>>, vector<1x16xf32>,
      %parallel_loop3A_1094 = vector.shape_cast %parallel_loop3A_1093 : vector<1x16xf32> to vector<16xf32>
      %parallel_loop3A_1095 = vector.shape_cast %parallel_loop3A_1089 : vector<16xf32> to vector<1x16xf32>
      tpu.vector_store %arg15[%parallel_loop3A_1091, %parallel_loop3A_1092], %parallel_loop3A_1095 {strides = array<i32>} : memref<24x512xf32, #tpu.memory_space<vmem>>, vector<1x16xf32>,
      %parallel_loop3A_1096 = arith.mulf %get3A_817, %parallel_loop3A_1089 : vector<16xf32>
      %parallel_loop3A_1097 = arith.mulf %get3A_822, %parallel_loop3A_1070 : vector<16xf32>
      %parallel_loop3A_1098 = arith.addf %parallel_loop3A_1096, %parallel_loop3A_1097 : vector<16xf32>
      %parallel_loop3A_1099 = arith.mulf %get3A_827, %parallel_loop3A_1080 : vector<16xf32>
      %parallel_loop3A_1100 = arith.addf %parallel_loop3A_1098, %parallel_loop3A_1099 : vector<16xf32>
      %parallel_loop3A_1101 = arith.constant 18 : i32
      %parallel_loop3A_1102 = arith.index_cast %parallel_loop3A_1101 : i32 to index
      %parallel_loop3A_1103 = arith.index_cast %parallel_loop3A_1065 : i32 to index
      %parallel_loop3A_1104 = tpu.vector_load %arg14[%parallel_loop3A_1102, %parallel_loop3A_1103] {strides = array<i32>} : memref<24x512xf32, #tpu.memory_space<vmem>>, vector<1x16xf32>,
      %parallel_loop3A_1105 = vector.shape_cast %parallel_loop3A_1104 : vector<1x16xf32> to vector<16xf32>
      %parallel_loop3A_1106 = vector.shape_cast %parallel_loop3A_1100 : vector<16xf32> to vector<1x16xf32>
      tpu.vector_store %arg14[%parallel_loop3A_1102, %parallel_loop3A_1103], %parallel_loop3A_1106 {strides = array<i32>} : memref<24x512xf32, #tpu.memory_space<vmem>>, vector<1x16xf32>,
    } {sc.loop_unroll_factor = 4 : i64, sc.parallel_access}
    %get3A_831 = arith.constant 3 : i32
    %get3A_832 = arith.index_cast %get3A_831 : i32 to index
    %get3A_833 = arith.constant 0 : index
    %get3A_834 = tpu.vector_load %arg10[%get3A_832, %get3A_833] {strides = array<i32>} : memref<8x128xf32, #tpu.memory_space<vmem>>, vector<1x16xf32>,
    %get3A_835 = vector.shape_cast %get3A_834 : vector<1x16xf32> to vector<16xf32>
    %get3A_836 = arith.constant 3 : i32
    %get3A_837 = arith.index_cast %get3A_836 : i32 to index
    %get3A_838 = arith.constant 16 : index
    %get3A_839 = tpu.vector_load %arg10[%get3A_837, %get3A_838] {strides = array<i32>} : memref<8x128xf32, #tpu.memory_space<vmem>>, vector<1x16xf32>,
    %get3A_840 = vector.shape_cast %get3A_839 : vector<1x16xf32> to vector<16xf32>
    %get3A_841 = arith.constant 3 : i32
    %get3A_842 = arith.index_cast %get3A_841 : i32 to index
    %get3A_843 = arith.constant 32 : index
    %get3A_844 = tpu.vector_load %arg10[%get3A_842, %get3A_843] {strides = array<i32>} : memref<8x128xf32, #tpu.memory_space<vmem>>, vector<1x16xf32>,
    %get3A_845 = vector.shape_cast %get3A_844 : vector<1x16xf32> to vector<16xf32>
    %get3A_846 = arith.constant 3 : i32
    %get3A_847 = arith.index_cast %get3A_846 : i32 to index
    %get3A_848 = arith.constant 48 : index
    %get3A_849 = tpu.vector_load %arg10[%get3A_847, %get3A_848] {strides = array<i32>} : memref<8x128xf32, #tpu.memory_space<vmem>>, vector<1x16xf32>,
    %get3A_850 = vector.shape_cast %get3A_849 : vector<1x16xf32> to vector<16xf32>
    %get3A_851 = arith.constant 3 : i32
    %get3A_852 = arith.index_cast %get3A_851 : i32 to index
    %get3A_853 = arith.constant 64 : index
    %get3A_854 = tpu.vector_load %arg10[%get3A_852, %get3A_853] {strides = array<i32>} : memref<8x128xf32, #tpu.memory_space<vmem>>, vector<1x16xf32>,
    %get3A_855 = vector.shape_cast %get3A_854 : vector<1x16xf32> to vector<16xf32>
    %parallel_loop3A_856 = arith.constant 0 : i32
    %parallel_loop3A_857 = arith.constant 32 : i32
    %parallel_loop3A_858 = arith.constant 1 : i32
    scf.for %parallel_loop3A_1063 = %parallel_loop3A_856 to %parallel_loop3A_857 step %parallel_loop3A_858  : i32 {
      %parallel_loop3A_1064 = arith.constant 16 : i32
      %parallel_loop3A_1065 = arith.muli %parallel_loop3A_1063, %parallel_loop3A_1064 : i32
      %parallel_loop3A_1066 = arith.constant 19 : i32
      %parallel_loop3A_1067 = arith.index_cast %parallel_loop3A_1066 : i32 to index
      %parallel_loop3A_1068 = arith.index_cast %parallel_loop3A_1065 : i32 to index
      %parallel_loop3A_1069 = tpu.vector_load %arg11[%parallel_loop3A_1067, %parallel_loop3A_1068] {strides = array<i32>} : memref<24x512xf32, #tpu.memory_space<vmem>>, vector<1x16xf32>,
      %parallel_loop3A_1070 = vector.shape_cast %parallel_loop3A_1069 : vector<1x16xf32> to vector<16xf32>
      %parallel_loop3A_1071 = arith.constant 19 : i32
      %parallel_loop3A_1072 = arith.index_cast %parallel_loop3A_1071 : i32 to index
      %parallel_loop3A_1073 = arith.index_cast %parallel_loop3A_1065 : i32 to index
      %parallel_loop3A_1074 = tpu.vector_load %arg12[%parallel_loop3A_1072, %parallel_loop3A_1073] {strides = array<i32>} : memref<24x512xf32, #tpu.memory_space<vmem>>, vector<1x16xf32>,
      %parallel_loop3A_1075 = vector.shape_cast %parallel_loop3A_1074 : vector<1x16xf32> to vector<16xf32>
      %parallel_loop3A_1076 = arith.constant 19 : i32
      %parallel_loop3A_1077 = arith.index_cast %parallel_loop3A_1076 : i32 to index
      %parallel_loop3A_1078 = arith.index_cast %parallel_loop3A_1065 : i32 to index
      %parallel_loop3A_1079 = tpu.vector_load %arg13[%parallel_loop3A_1077, %parallel_loop3A_1078] {strides = array<i32>} : memref<24x512xf32, #tpu.memory_space<vmem>>, vector<1x16xf32>,
      %parallel_loop3A_1080 = vector.shape_cast %parallel_loop3A_1079 : vector<1x16xf32> to vector<16xf32>
      %parallel_loop3A_1081 = arith.mulf %get3A_835, %parallel_loop3A_1070 : vector<16xf32>
      %parallel_loop3A_1082 = arith.mulf %get3A_840, %parallel_loop3A_1075 : vector<16xf32>
      %parallel_loop3A_1083 = arith.subf %parallel_loop3A_1081, %parallel_loop3A_1082 : vector<16xf32>
      %parallel_loop3A_1084 = arith.constant -5.000000e-01 : f32
      %parallel_loop3A_1085 = arith.constant 5.000000e-01 : f32
      %parallel_loop3A_1086 = vector.broadcast %parallel_loop3A_1084 : f32 to vector<16xf32>
      %parallel_loop3A_1087 = arith.maximumf %parallel_loop3A_1086, %parallel_loop3A_1083 : vector<16xf32>
      %parallel_loop3A_1088 = vector.broadcast %parallel_loop3A_1085 : f32 to vector<16xf32>
      %parallel_loop3A_1089 = arith.minimumf %parallel_loop3A_1088, %parallel_loop3A_1087 : vector<16xf32>
      %parallel_loop3A_1090 = arith.constant 19 : i32
      %parallel_loop3A_1091 = arith.index_cast %parallel_loop3A_1090 : i32 to index
      %parallel_loop3A_1092 = arith.index_cast %parallel_loop3A_1065 : i32 to index
      %parallel_loop3A_1093 = tpu.vector_load %arg15[%parallel_loop3A_1091, %parallel_loop3A_1092] {strides = array<i32>} : memref<24x512xf32, #tpu.memory_space<vmem>>, vector<1x16xf32>,
      %parallel_loop3A_1094 = vector.shape_cast %parallel_loop3A_1093 : vector<1x16xf32> to vector<16xf32>
      %parallel_loop3A_1095 = vector.shape_cast %parallel_loop3A_1089 : vector<16xf32> to vector<1x16xf32>
      tpu.vector_store %arg15[%parallel_loop3A_1091, %parallel_loop3A_1092], %parallel_loop3A_1095 {strides = array<i32>} : memref<24x512xf32, #tpu.memory_space<vmem>>, vector<1x16xf32>,
      %parallel_loop3A_1096 = arith.mulf %get3A_845, %parallel_loop3A_1089 : vector<16xf32>
      %parallel_loop3A_1097 = arith.mulf %get3A_850, %parallel_loop3A_1070 : vector<16xf32>
      %parallel_loop3A_1098 = arith.addf %parallel_loop3A_1096, %parallel_loop3A_1097 : vector<16xf32>
      %parallel_loop3A_1099 = arith.mulf %get3A_855, %parallel_loop3A_1080 : vector<16xf32>
      %parallel_loop3A_1100 = arith.addf %parallel_loop3A_1098, %parallel_loop3A_1099 : vector<16xf32>
      %parallel_loop3A_1101 = arith.constant 19 : i32
      %parallel_loop3A_1102 = arith.index_cast %parallel_loop3A_1101 : i32 to index
      %parallel_loop3A_1103 = arith.index_cast %parallel_loop3A_1065 : i32 to index
      %parallel_loop3A_1104 = tpu.vector_load %arg14[%parallel_loop3A_1102, %parallel_loop3A_1103] {strides = array<i32>} : memref<24x512xf32, #tpu.memory_space<vmem>>, vector<1x16xf32>,
      %parallel_loop3A_1105 = vector.shape_cast %parallel_loop3A_1104 : vector<1x16xf32> to vector<16xf32>
      %parallel_loop3A_1106 = vector.shape_cast %parallel_loop3A_1100 : vector<16xf32> to vector<1x16xf32>
      tpu.vector_store %arg14[%parallel_loop3A_1102, %parallel_loop3A_1103], %parallel_loop3A_1106 {strides = array<i32>} : memref<24x512xf32, #tpu.memory_space<vmem>>, vector<1x16xf32>,
    } {sc.loop_unroll_factor = 4 : i64, sc.parallel_access}
    %get3A_859 = arith.constant 4 : i32
    %get3A_860 = arith.index_cast %get3A_859 : i32 to index
    %get3A_861 = arith.constant 0 : index
    %get3A_862 = tpu.vector_load %arg10[%get3A_860, %get3A_861] {strides = array<i32>} : memref<8x128xf32, #tpu.memory_space<vmem>>, vector<1x16xf32>,
    %get3A_863 = vector.shape_cast %get3A_862 : vector<1x16xf32> to vector<16xf32>
    %get3A_864 = arith.constant 4 : i32
    %get3A_865 = arith.index_cast %get3A_864 : i32 to index
    %get3A_866 = arith.constant 16 : index
    %get3A_867 = tpu.vector_load %arg10[%get3A_865, %get3A_866] {strides = array<i32>} : memref<8x128xf32, #tpu.memory_space<vmem>>, vector<1x16xf32>,
    %get3A_868 = vector.shape_cast %get3A_867 : vector<1x16xf32> to vector<16xf32>
    %get3A_869 = arith.constant 4 : i32
    %get3A_870 = arith.index_cast %get3A_869 : i32 to index
    %get3A_871 = arith.constant 32 : index
    %get3A_872 = tpu.vector_load %arg10[%get3A_870, %get3A_871] {strides = array<i32>} : memref<8x128xf32, #tpu.memory_space<vmem>>, vector<1x16xf32>,
    %get3A_873 = vector.shape_cast %get3A_872 : vector<1x16xf32> to vector<16xf32>
    %get3A_874 = arith.constant 4 : i32
    %get3A_875 = arith.index_cast %get3A_874 : i32 to index
    %get3A_876 = arith.constant 48 : index
    %get3A_877 = tpu.vector_load %arg10[%get3A_875, %get3A_876] {strides = array<i32>} : memref<8x128xf32, #tpu.memory_space<vmem>>, vector<1x16xf32>,
    %get3A_878 = vector.shape_cast %get3A_877 : vector<1x16xf32> to vector<16xf32>
    %get3A_879 = arith.constant 4 : i32
    %get3A_880 = arith.index_cast %get3A_879 : i32 to index
    %get3A_881 = arith.constant 64 : index
    %get3A_882 = tpu.vector_load %arg10[%get3A_880, %get3A_881] {strides = array<i32>} : memref<8x128xf32, #tpu.memory_space<vmem>>, vector<1x16xf32>,
    %get3A_883 = vector.shape_cast %get3A_882 : vector<1x16xf32> to vector<16xf32>
    %parallel_loop3A_884 = arith.constant 0 : i32
    %parallel_loop3A_885 = arith.constant 32 : i32
    %parallel_loop3A_886 = arith.constant 1 : i32
    scf.for %parallel_loop3A_1063 = %parallel_loop3A_884 to %parallel_loop3A_885 step %parallel_loop3A_886  : i32 {
      %parallel_loop3A_1064 = arith.constant 16 : i32
      %parallel_loop3A_1065 = arith.muli %parallel_loop3A_1063, %parallel_loop3A_1064 : i32
      %parallel_loop3A_1066 = arith.constant 20 : i32
      %parallel_loop3A_1067 = arith.index_cast %parallel_loop3A_1066 : i32 to index
      %parallel_loop3A_1068 = arith.index_cast %parallel_loop3A_1065 : i32 to index
      %parallel_loop3A_1069 = tpu.vector_load %arg11[%parallel_loop3A_1067, %parallel_loop3A_1068] {strides = array<i32>} : memref<24x512xf32, #tpu.memory_space<vmem>>, vector<1x16xf32>,
      %parallel_loop3A_1070 = vector.shape_cast %parallel_loop3A_1069 : vector<1x16xf32> to vector<16xf32>
      %parallel_loop3A_1071 = arith.constant 20 : i32
      %parallel_loop3A_1072 = arith.index_cast %parallel_loop3A_1071 : i32 to index
      %parallel_loop3A_1073 = arith.index_cast %parallel_loop3A_1065 : i32 to index
      %parallel_loop3A_1074 = tpu.vector_load %arg12[%parallel_loop3A_1072, %parallel_loop3A_1073] {strides = array<i32>} : memref<24x512xf32, #tpu.memory_space<vmem>>, vector<1x16xf32>,
      %parallel_loop3A_1075 = vector.shape_cast %parallel_loop3A_1074 : vector<1x16xf32> to vector<16xf32>
      %parallel_loop3A_1076 = arith.constant 20 : i32
      %parallel_loop3A_1077 = arith.index_cast %parallel_loop3A_1076 : i32 to index
      %parallel_loop3A_1078 = arith.index_cast %parallel_loop3A_1065 : i32 to index
      %parallel_loop3A_1079 = tpu.vector_load %arg13[%parallel_loop3A_1077, %parallel_loop3A_1078] {strides = array<i32>} : memref<24x512xf32, #tpu.memory_space<vmem>>, vector<1x16xf32>,
      %parallel_loop3A_1080 = vector.shape_cast %parallel_loop3A_1079 : vector<1x16xf32> to vector<16xf32>
      %parallel_loop3A_1081 = arith.mulf %get3A_863, %parallel_loop3A_1070 : vector<16xf32>
      %parallel_loop3A_1082 = arith.mulf %get3A_868, %parallel_loop3A_1075 : vector<16xf32>
      %parallel_loop3A_1083 = arith.subf %parallel_loop3A_1081, %parallel_loop3A_1082 : vector<16xf32>
      %parallel_loop3A_1084 = arith.constant -5.000000e-01 : f32
      %parallel_loop3A_1085 = arith.constant 5.000000e-01 : f32
      %parallel_loop3A_1086 = vector.broadcast %parallel_loop3A_1084 : f32 to vector<16xf32>
      %parallel_loop3A_1087 = arith.maximumf %parallel_loop3A_1086, %parallel_loop3A_1083 : vector<16xf32>
      %parallel_loop3A_1088 = vector.broadcast %parallel_loop3A_1085 : f32 to vector<16xf32>
      %parallel_loop3A_1089 = arith.minimumf %parallel_loop3A_1088, %parallel_loop3A_1087 : vector<16xf32>
      %parallel_loop3A_1090 = arith.constant 20 : i32
      %parallel_loop3A_1091 = arith.index_cast %parallel_loop3A_1090 : i32 to index
      %parallel_loop3A_1092 = arith.index_cast %parallel_loop3A_1065 : i32 to index
      %parallel_loop3A_1093 = tpu.vector_load %arg15[%parallel_loop3A_1091, %parallel_loop3A_1092] {strides = array<i32>} : memref<24x512xf32, #tpu.memory_space<vmem>>, vector<1x16xf32>,
      %parallel_loop3A_1094 = vector.shape_cast %parallel_loop3A_1093 : vector<1x16xf32> to vector<16xf32>
      %parallel_loop3A_1095 = vector.shape_cast %parallel_loop3A_1089 : vector<16xf32> to vector<1x16xf32>
      tpu.vector_store %arg15[%parallel_loop3A_1091, %parallel_loop3A_1092], %parallel_loop3A_1095 {strides = array<i32>} : memref<24x512xf32, #tpu.memory_space<vmem>>, vector<1x16xf32>,
      %parallel_loop3A_1096 = arith.mulf %get3A_873, %parallel_loop3A_1089 : vector<16xf32>
      %parallel_loop3A_1097 = arith.mulf %get3A_878, %parallel_loop3A_1070 : vector<16xf32>
      %parallel_loop3A_1098 = arith.addf %parallel_loop3A_1096, %parallel_loop3A_1097 : vector<16xf32>
      %parallel_loop3A_1099 = arith.mulf %get3A_883, %parallel_loop3A_1080 : vector<16xf32>
      %parallel_loop3A_1100 = arith.addf %parallel_loop3A_1098, %parallel_loop3A_1099 : vector<16xf32>
      %parallel_loop3A_1101 = arith.constant 20 : i32
      %parallel_loop3A_1102 = arith.index_cast %parallel_loop3A_1101 : i32 to index
      %parallel_loop3A_1103 = arith.index_cast %parallel_loop3A_1065 : i32 to index
      %parallel_loop3A_1104 = tpu.vector_load %arg14[%parallel_loop3A_1102, %parallel_loop3A_1103] {strides = array<i32>} : memref<24x512xf32, #tpu.memory_space<vmem>>, vector<1x16xf32>,
      %parallel_loop3A_1105 = vector.shape_cast %parallel_loop3A_1104 : vector<1x16xf32> to vector<16xf32>
      %parallel_loop3A_1106 = vector.shape_cast %parallel_loop3A_1100 : vector<16xf32> to vector<1x16xf32>
      tpu.vector_store %arg14[%parallel_loop3A_1102, %parallel_loop3A_1103], %parallel_loop3A_1106 {strides = array<i32>} : memref<24x512xf32, #tpu.memory_space<vmem>>, vector<1x16xf32>,
    } {sc.loop_unroll_factor = 4 : i64, sc.parallel_access}
    %get3A_887 = arith.constant 5 : i32
    %get3A_888 = arith.index_cast %get3A_887 : i32 to index
    %get3A_889 = arith.constant 0 : index
    %get3A_890 = tpu.vector_load %arg10[%get3A_888, %get3A_889] {strides = array<i32>} : memref<8x128xf32, #tpu.memory_space<vmem>>, vector<1x16xf32>,
    %get3A_891 = vector.shape_cast %get3A_890 : vector<1x16xf32> to vector<16xf32>
    %get3A_892 = arith.constant 5 : i32
    %get3A_893 = arith.index_cast %get3A_892 : i32 to index
    %get3A_894 = arith.constant 16 : index
    %get3A_895 = tpu.vector_load %arg10[%get3A_893, %get3A_894] {strides = array<i32>} : memref<8x128xf32, #tpu.memory_space<vmem>>, vector<1x16xf32>,
    %get3A_896 = vector.shape_cast %get3A_895 : vector<1x16xf32> to vector<16xf32>
    %get3A_897 = arith.constant 5 : i32
    %get3A_898 = arith.index_cast %get3A_897 : i32 to index
    %get3A_899 = arith.constant 32 : index
    %get3A_900 = tpu.vector_load %arg10[%get3A_898, %get3A_899] {strides = array<i32>} : memref<8x128xf32, #tpu.memory_space<vmem>>, vector<1x16xf32>,
    %get3A_901 = vector.shape_cast %get3A_900 : vector<1x16xf32> to vector<16xf32>
    %get3A_902 = arith.constant 5 : i32
    %get3A_903 = arith.index_cast %get3A_902 : i32 to index
    %get3A_904 = arith.constant 48 : index
    %get3A_905 = tpu.vector_load %arg10[%get3A_903, %get3A_904] {strides = array<i32>} : memref<8x128xf32, #tpu.memory_space<vmem>>, vector<1x16xf32>,
    %get3A_906 = vector.shape_cast %get3A_905 : vector<1x16xf32> to vector<16xf32>
    %get3A_907 = arith.constant 5 : i32
    %get3A_908 = arith.index_cast %get3A_907 : i32 to index
    %get3A_909 = arith.constant 64 : index
    %get3A_910 = tpu.vector_load %arg10[%get3A_908, %get3A_909] {strides = array<i32>} : memref<8x128xf32, #tpu.memory_space<vmem>>, vector<1x16xf32>,
    %get3A_911 = vector.shape_cast %get3A_910 : vector<1x16xf32> to vector<16xf32>
    %parallel_loop3A_912 = arith.constant 0 : i32
    %parallel_loop3A_913 = arith.constant 32 : i32
    %parallel_loop3A_914 = arith.constant 1 : i32
    scf.for %parallel_loop3A_1063 = %parallel_loop3A_912 to %parallel_loop3A_913 step %parallel_loop3A_914  : i32 {
      %parallel_loop3A_1064 = arith.constant 16 : i32
      %parallel_loop3A_1065 = arith.muli %parallel_loop3A_1063, %parallel_loop3A_1064 : i32
      %parallel_loop3A_1066 = arith.constant 21 : i32
      %parallel_loop3A_1067 = arith.index_cast %parallel_loop3A_1066 : i32 to index
      %parallel_loop3A_1068 = arith.index_cast %parallel_loop3A_1065 : i32 to index
      %parallel_loop3A_1069 = tpu.vector_load %arg11[%parallel_loop3A_1067, %parallel_loop3A_1068] {strides = array<i32>} : memref<24x512xf32, #tpu.memory_space<vmem>>, vector<1x16xf32>,
      %parallel_loop3A_1070 = vector.shape_cast %parallel_loop3A_1069 : vector<1x16xf32> to vector<16xf32>
      %parallel_loop3A_1071 = arith.constant 21 : i32
      %parallel_loop3A_1072 = arith.index_cast %parallel_loop3A_1071 : i32 to index
      %parallel_loop3A_1073 = arith.index_cast %parallel_loop3A_1065 : i32 to index
      %parallel_loop3A_1074 = tpu.vector_load %arg12[%parallel_loop3A_1072, %parallel_loop3A_1073] {strides = array<i32>} : memref<24x512xf32, #tpu.memory_space<vmem>>, vector<1x16xf32>,
      %parallel_loop3A_1075 = vector.shape_cast %parallel_loop3A_1074 : vector<1x16xf32> to vector<16xf32>
      %parallel_loop3A_1076 = arith.constant 21 : i32
      %parallel_loop3A_1077 = arith.index_cast %parallel_loop3A_1076 : i32 to index
      %parallel_loop3A_1078 = arith.index_cast %parallel_loop3A_1065 : i32 to index
      %parallel_loop3A_1079 = tpu.vector_load %arg13[%parallel_loop3A_1077, %parallel_loop3A_1078] {strides = array<i32>} : memref<24x512xf32, #tpu.memory_space<vmem>>, vector<1x16xf32>,
      %parallel_loop3A_1080 = vector.shape_cast %parallel_loop3A_1079 : vector<1x16xf32> to vector<16xf32>
      %parallel_loop3A_1081 = arith.mulf %get3A_891, %parallel_loop3A_1070 : vector<16xf32>
      %parallel_loop3A_1082 = arith.mulf %get3A_896, %parallel_loop3A_1075 : vector<16xf32>
      %parallel_loop3A_1083 = arith.subf %parallel_loop3A_1081, %parallel_loop3A_1082 : vector<16xf32>
      %parallel_loop3A_1084 = arith.constant -5.000000e-01 : f32
      %parallel_loop3A_1085 = arith.constant 5.000000e-01 : f32
      %parallel_loop3A_1086 = vector.broadcast %parallel_loop3A_1084 : f32 to vector<16xf32>
      %parallel_loop3A_1087 = arith.maximumf %parallel_loop3A_1086, %parallel_loop3A_1083 : vector<16xf32>
      %parallel_loop3A_1088 = vector.broadcast %parallel_loop3A_1085 : f32 to vector<16xf32>
      %parallel_loop3A_1089 = arith.minimumf %parallel_loop3A_1088, %parallel_loop3A_1087 : vector<16xf32>
      %parallel_loop3A_1090 = arith.constant 21 : i32
      %parallel_loop3A_1091 = arith.index_cast %parallel_loop3A_1090 : i32 to index
      %parallel_loop3A_1092 = arith.index_cast %parallel_loop3A_1065 : i32 to index
      %parallel_loop3A_1093 = tpu.vector_load %arg15[%parallel_loop3A_1091, %parallel_loop3A_1092] {strides = array<i32>} : memref<24x512xf32, #tpu.memory_space<vmem>>, vector<1x16xf32>,
      %parallel_loop3A_1094 = vector.shape_cast %parallel_loop3A_1093 : vector<1x16xf32> to vector<16xf32>
      %parallel_loop3A_1095 = vector.shape_cast %parallel_loop3A_1089 : vector<16xf32> to vector<1x16xf32>
      tpu.vector_store %arg15[%parallel_loop3A_1091, %parallel_loop3A_1092], %parallel_loop3A_1095 {strides = array<i32>} : memref<24x512xf32, #tpu.memory_space<vmem>>, vector<1x16xf32>,
      %parallel_loop3A_1096 = arith.mulf %get3A_901, %parallel_loop3A_1089 : vector<16xf32>
      %parallel_loop3A_1097 = arith.mulf %get3A_906, %parallel_loop3A_1070 : vector<16xf32>
      %parallel_loop3A_1098 = arith.addf %parallel_loop3A_1096, %parallel_loop3A_1097 : vector<16xf32>
      %parallel_loop3A_1099 = arith.mulf %get3A_911, %parallel_loop3A_1080 : vector<16xf32>
      %parallel_loop3A_1100 = arith.addf %parallel_loop3A_1098, %parallel_loop3A_1099 : vector<16xf32>
      %parallel_loop3A_1101 = arith.constant 21 : i32
      %parallel_loop3A_1102 = arith.index_cast %parallel_loop3A_1101 : i32 to index
      %parallel_loop3A_1103 = arith.index_cast %parallel_loop3A_1065 : i32 to index
      %parallel_loop3A_1104 = tpu.vector_load %arg14[%parallel_loop3A_1102, %parallel_loop3A_1103] {strides = array<i32>} : memref<24x512xf32, #tpu.memory_space<vmem>>, vector<1x16xf32>,
      %parallel_loop3A_1105 = vector.shape_cast %parallel_loop3A_1104 : vector<1x16xf32> to vector<16xf32>
      %parallel_loop3A_1106 = vector.shape_cast %parallel_loop3A_1100 : vector<16xf32> to vector<1x16xf32>
      tpu.vector_store %arg14[%parallel_loop3A_1102, %parallel_loop3A_1103], %parallel_loop3A_1106 {strides = array<i32>} : memref<24x512xf32, #tpu.memory_space<vmem>>, vector<1x16xf32>,
    } {sc.loop_unroll_factor = 4 : i64, sc.parallel_access}
    %get3A_915 = arith.constant 6 : i32
    %get3A_916 = arith.index_cast %get3A_915 : i32 to index
    %get3A_917 = arith.constant 0 : index
    %get3A_918 = tpu.vector_load %arg10[%get3A_916, %get3A_917] {strides = array<i32>} : memref<8x128xf32, #tpu.memory_space<vmem>>, vector<1x16xf32>,
    %get3A_919 = vector.shape_cast %get3A_918 : vector<1x16xf32> to vector<16xf32>
    %get3A_920 = arith.constant 6 : i32
    %get3A_921 = arith.index_cast %get3A_920 : i32 to index
    %get3A_922 = arith.constant 16 : index
    %get3A_923 = tpu.vector_load %arg10[%get3A_921, %get3A_922] {strides = array<i32>} : memref<8x128xf32, #tpu.memory_space<vmem>>, vector<1x16xf32>,
    %get3A_924 = vector.shape_cast %get3A_923 : vector<1x16xf32> to vector<16xf32>
    %get3A_925 = arith.constant 6 : i32
    %get3A_926 = arith.index_cast %get3A_925 : i32 to index
    %get3A_927 = arith.constant 32 : index
    %get3A_928 = tpu.vector_load %arg10[%get3A_926, %get3A_927] {strides = array<i32>} : memref<8x128xf32, #tpu.memory_space<vmem>>, vector<1x16xf32>,
    %get3A_929 = vector.shape_cast %get3A_928 : vector<1x16xf32> to vector<16xf32>
    %get3A_930 = arith.constant 6 : i32
    %get3A_931 = arith.index_cast %get3A_930 : i32 to index
    %get3A_932 = arith.constant 48 : index
    %get3A_933 = tpu.vector_load %arg10[%get3A_931, %get3A_932] {strides = array<i32>} : memref<8x128xf32, #tpu.memory_space<vmem>>, vector<1x16xf32>,
    %get3A_934 = vector.shape_cast %get3A_933 : vector<1x16xf32> to vector<16xf32>
    %get3A_935 = arith.constant 6 : i32
    %get3A_936 = arith.index_cast %get3A_935 : i32 to index
    %get3A_937 = arith.constant 64 : index
    %get3A_938 = tpu.vector_load %arg10[%get3A_936, %get3A_937] {strides = array<i32>} : memref<8x128xf32, #tpu.memory_space<vmem>>, vector<1x16xf32>,
    %get3A_939 = vector.shape_cast %get3A_938 : vector<1x16xf32> to vector<16xf32>
    %parallel_loop3A_940 = arith.constant 0 : i32
    %parallel_loop3A_941 = arith.constant 32 : i32
    %parallel_loop3A_942 = arith.constant 1 : i32
    scf.for %parallel_loop3A_1063 = %parallel_loop3A_940 to %parallel_loop3A_941 step %parallel_loop3A_942  : i32 {
      %parallel_loop3A_1064 = arith.constant 16 : i32
      %parallel_loop3A_1065 = arith.muli %parallel_loop3A_1063, %parallel_loop3A_1064 : i32
      %parallel_loop3A_1066 = arith.constant 22 : i32
      %parallel_loop3A_1067 = arith.index_cast %parallel_loop3A_1066 : i32 to index
      %parallel_loop3A_1068 = arith.index_cast %parallel_loop3A_1065 : i32 to index
      %parallel_loop3A_1069 = tpu.vector_load %arg11[%parallel_loop3A_1067, %parallel_loop3A_1068] {strides = array<i32>} : memref<24x512xf32, #tpu.memory_space<vmem>>, vector<1x16xf32>,
      %parallel_loop3A_1070 = vector.shape_cast %parallel_loop3A_1069 : vector<1x16xf32> to vector<16xf32>
      %parallel_loop3A_1071 = arith.constant 22 : i32
      %parallel_loop3A_1072 = arith.index_cast %parallel_loop3A_1071 : i32 to index
      %parallel_loop3A_1073 = arith.index_cast %parallel_loop3A_1065 : i32 to index
      %parallel_loop3A_1074 = tpu.vector_load %arg12[%parallel_loop3A_1072, %parallel_loop3A_1073] {strides = array<i32>} : memref<24x512xf32, #tpu.memory_space<vmem>>, vector<1x16xf32>,
      %parallel_loop3A_1075 = vector.shape_cast %parallel_loop3A_1074 : vector<1x16xf32> to vector<16xf32>
      %parallel_loop3A_1076 = arith.constant 22 : i32
      %parallel_loop3A_1077 = arith.index_cast %parallel_loop3A_1076 : i32 to index
      %parallel_loop3A_1078 = arith.index_cast %parallel_loop3A_1065 : i32 to index
      %parallel_loop3A_1079 = tpu.vector_load %arg13[%parallel_loop3A_1077, %parallel_loop3A_1078] {strides = array<i32>} : memref<24x512xf32, #tpu.memory_space<vmem>>, vector<1x16xf32>,
      %parallel_loop3A_1080 = vector.shape_cast %parallel_loop3A_1079 : vector<1x16xf32> to vector<16xf32>
      %parallel_loop3A_1081 = arith.mulf %get3A_919, %parallel_loop3A_1070 : vector<16xf32>
      %parallel_loop3A_1082 = arith.mulf %get3A_924, %parallel_loop3A_1075 : vector<16xf32>
      %parallel_loop3A_1083 = arith.subf %parallel_loop3A_1081, %parallel_loop3A_1082 : vector<16xf32>
      %parallel_loop3A_1084 = arith.constant -5.000000e-01 : f32
      %parallel_loop3A_1085 = arith.constant 5.000000e-01 : f32
      %parallel_loop3A_1086 = vector.broadcast %parallel_loop3A_1084 : f32 to vector<16xf32>
      %parallel_loop3A_1087 = arith.maximumf %parallel_loop3A_1086, %parallel_loop3A_1083 : vector<16xf32>
      %parallel_loop3A_1088 = vector.broadcast %parallel_loop3A_1085 : f32 to vector<16xf32>
      %parallel_loop3A_1089 = arith.minimumf %parallel_loop3A_1088, %parallel_loop3A_1087 : vector<16xf32>
      %parallel_loop3A_1090 = arith.constant 22 : i32
      %parallel_loop3A_1091 = arith.index_cast %parallel_loop3A_1090 : i32 to index
      %parallel_loop3A_1092 = arith.index_cast %parallel_loop3A_1065 : i32 to index
      %parallel_loop3A_1093 = tpu.vector_load %arg15[%parallel_loop3A_1091, %parallel_loop3A_1092] {strides = array<i32>} : memref<24x512xf32, #tpu.memory_space<vmem>>, vector<1x16xf32>,
      %parallel_loop3A_1094 = vector.shape_cast %parallel_loop3A_1093 : vector<1x16xf32> to vector<16xf32>
      %parallel_loop3A_1095 = vector.shape_cast %parallel_loop3A_1089 : vector<16xf32> to vector<1x16xf32>
      tpu.vector_store %arg15[%parallel_loop3A_1091, %parallel_loop3A_1092], %parallel_loop3A_1095 {strides = array<i32>} : memref<24x512xf32, #tpu.memory_space<vmem>>, vector<1x16xf32>,
      %parallel_loop3A_1096 = arith.mulf %get3A_929, %parallel_loop3A_1089 : vector<16xf32>
      %parallel_loop3A_1097 = arith.mulf %get3A_934, %parallel_loop3A_1070 : vector<16xf32>
      %parallel_loop3A_1098 = arith.addf %parallel_loop3A_1096, %parallel_loop3A_1097 : vector<16xf32>
      %parallel_loop3A_1099 = arith.mulf %get3A_939, %parallel_loop3A_1080 : vector<16xf32>
      %parallel_loop3A_1100 = arith.addf %parallel_loop3A_1098, %parallel_loop3A_1099 : vector<16xf32>
      %parallel_loop3A_1101 = arith.constant 22 : i32
      %parallel_loop3A_1102 = arith.index_cast %parallel_loop3A_1101 : i32 to index
      %parallel_loop3A_1103 = arith.index_cast %parallel_loop3A_1065 : i32 to index
      %parallel_loop3A_1104 = tpu.vector_load %arg14[%parallel_loop3A_1102, %parallel_loop3A_1103] {strides = array<i32>} : memref<24x512xf32, #tpu.memory_space<vmem>>, vector<1x16xf32>,
      %parallel_loop3A_1105 = vector.shape_cast %parallel_loop3A_1104 : vector<1x16xf32> to vector<16xf32>
      %parallel_loop3A_1106 = vector.shape_cast %parallel_loop3A_1100 : vector<16xf32> to vector<1x16xf32>
      tpu.vector_store %arg14[%parallel_loop3A_1102, %parallel_loop3A_1103], %parallel_loop3A_1106 {strides = array<i32>} : memref<24x512xf32, #tpu.memory_space<vmem>>, vector<1x16xf32>,
    } {sc.loop_unroll_factor = 4 : i64, sc.parallel_access}
    %get3A_943 = arith.constant 7 : i32
    %get3A_944 = arith.index_cast %get3A_943 : i32 to index
    %get3A_945 = arith.constant 0 : index
    %get3A_946 = tpu.vector_load %arg10[%get3A_944, %get3A_945] {strides = array<i32>} : memref<8x128xf32, #tpu.memory_space<vmem>>, vector<1x16xf32>,
    %get3A_947 = vector.shape_cast %get3A_946 : vector<1x16xf32> to vector<16xf32>
    %get3A_948 = arith.constant 7 : i32
    %get3A_949 = arith.index_cast %get3A_948 : i32 to index
    %get3A_950 = arith.constant 16 : index
    %get3A_951 = tpu.vector_load %arg10[%get3A_949, %get3A_950] {strides = array<i32>} : memref<8x128xf32, #tpu.memory_space<vmem>>, vector<1x16xf32>,
    %get3A_952 = vector.shape_cast %get3A_951 : vector<1x16xf32> to vector<16xf32>
    %get3A_953 = arith.constant 7 : i32
    %get3A_954 = arith.index_cast %get3A_953 : i32 to index
    %get3A_955 = arith.constant 32 : index
    %get3A_956 = tpu.vector_load %arg10[%get3A_954, %get3A_955] {strides = array<i32>} : memref<8x128xf32, #tpu.memory_space<vmem>>, vector<1x16xf32>,
    %get3A_957 = vector.shape_cast %get3A_956 : vector<1x16xf32> to vector<16xf32>
    %get3A_958 = arith.constant 7 : i32
    %get3A_959 = arith.index_cast %get3A_958 : i32 to index
    %get3A_960 = arith.constant 48 : index
    %get3A_961 = tpu.vector_load %arg10[%get3A_959, %get3A_960] {strides = array<i32>} : memref<8x128xf32, #tpu.memory_space<vmem>>, vector<1x16xf32>,
    %get3A_962 = vector.shape_cast %get3A_961 : vector<1x16xf32> to vector<16xf32>
    %get3A_963 = arith.constant 7 : i32
    %get3A_964 = arith.index_cast %get3A_963 : i32 to index
    %get3A_965 = arith.constant 64 : index
    %get3A_966 = tpu.vector_load %arg10[%get3A_964, %get3A_965] {strides = array<i32>} : memref<8x128xf32, #tpu.memory_space<vmem>>, vector<1x16xf32>,
    %get3A_967 = vector.shape_cast %get3A_966 : vector<1x16xf32> to vector<16xf32>
    %parallel_loop3A_968 = arith.constant 0 : i32
    %parallel_loop3A_969 = arith.constant 32 : i32
    %parallel_loop3A_970 = arith.constant 1 : i32
    scf.for %parallel_loop3A_1063 = %parallel_loop3A_968 to %parallel_loop3A_969 step %parallel_loop3A_970  : i32 {
      %parallel_loop3A_1064 = arith.constant 16 : i32
      %parallel_loop3A_1065 = arith.muli %parallel_loop3A_1063, %parallel_loop3A_1064 : i32
      %parallel_loop3A_1066 = arith.constant 23 : i32
      %parallel_loop3A_1067 = arith.index_cast %parallel_loop3A_1066 : i32 to index
      %parallel_loop3A_1068 = arith.index_cast %parallel_loop3A_1065 : i32 to index
      %parallel_loop3A_1069 = tpu.vector_load %arg11[%parallel_loop3A_1067, %parallel_loop3A_1068] {strides = array<i32>} : memref<24x512xf32, #tpu.memory_space<vmem>>, vector<1x16xf32>,
      %parallel_loop3A_1070 = vector.shape_cast %parallel_loop3A_1069 : vector<1x16xf32> to vector<16xf32>
      %parallel_loop3A_1071 = arith.constant 23 : i32
      %parallel_loop3A_1072 = arith.index_cast %parallel_loop3A_1071 : i32 to index
      %parallel_loop3A_1073 = arith.index_cast %parallel_loop3A_1065 : i32 to index
      %parallel_loop3A_1074 = tpu.vector_load %arg12[%parallel_loop3A_1072, %parallel_loop3A_1073] {strides = array<i32>} : memref<24x512xf32, #tpu.memory_space<vmem>>, vector<1x16xf32>,
      %parallel_loop3A_1075 = vector.shape_cast %parallel_loop3A_1074 : vector<1x16xf32> to vector<16xf32>
      %parallel_loop3A_1076 = arith.constant 23 : i32
      %parallel_loop3A_1077 = arith.index_cast %parallel_loop3A_1076 : i32 to index
      %parallel_loop3A_1078 = arith.index_cast %parallel_loop3A_1065 : i32 to index
      %parallel_loop3A_1079 = tpu.vector_load %arg13[%parallel_loop3A_1077, %parallel_loop3A_1078] {strides = array<i32>} : memref<24x512xf32, #tpu.memory_space<vmem>>, vector<1x16xf32>,
      %parallel_loop3A_1080 = vector.shape_cast %parallel_loop3A_1079 : vector<1x16xf32> to vector<16xf32>
      %parallel_loop3A_1081 = arith.mulf %get3A_947, %parallel_loop3A_1070 : vector<16xf32>
      %parallel_loop3A_1082 = arith.mulf %get3A_952, %parallel_loop3A_1075 : vector<16xf32>
      %parallel_loop3A_1083 = arith.subf %parallel_loop3A_1081, %parallel_loop3A_1082 : vector<16xf32>
      %parallel_loop3A_1084 = arith.constant -5.000000e-01 : f32
      %parallel_loop3A_1085 = arith.constant 5.000000e-01 : f32
      %parallel_loop3A_1086 = vector.broadcast %parallel_loop3A_1084 : f32 to vector<16xf32>
      %parallel_loop3A_1087 = arith.maximumf %parallel_loop3A_1086, %parallel_loop3A_1083 : vector<16xf32>
      %parallel_loop3A_1088 = vector.broadcast %parallel_loop3A_1085 : f32 to vector<16xf32>
      %parallel_loop3A_1089 = arith.minimumf %parallel_loop3A_1088, %parallel_loop3A_1087 : vector<16xf32>
      %parallel_loop3A_1090 = arith.constant 23 : i32
      %parallel_loop3A_1091 = arith.index_cast %parallel_loop3A_1090 : i32 to index
      %parallel_loop3A_1092 = arith.index_cast %parallel_loop3A_1065 : i32 to index
      %parallel_loop3A_1093 = tpu.vector_load %arg15[%parallel_loop3A_1091, %parallel_loop3A_1092] {strides = array<i32>} : memref<24x512xf32, #tpu.memory_space<vmem>>, vector<1x16xf32>,
      %parallel_loop3A_1094 = vector.shape_cast %parallel_loop3A_1093 : vector<1x16xf32> to vector<16xf32>
      %parallel_loop3A_1095 = vector.shape_cast %parallel_loop3A_1089 : vector<16xf32> to vector<1x16xf32>
      tpu.vector_store %arg15[%parallel_loop3A_1091, %parallel_loop3A_1092], %parallel_loop3A_1095 {strides = array<i32>} : memref<24x512xf32, #tpu.memory_space<vmem>>, vector<1x16xf32>,
      %parallel_loop3A_1096 = arith.mulf %get3A_957, %parallel_loop3A_1089 : vector<16xf32>
      %parallel_loop3A_1097 = arith.mulf %get3A_962, %parallel_loop3A_1070 : vector<16xf32>
      %parallel_loop3A_1098 = arith.addf %parallel_loop3A_1096, %parallel_loop3A_1097 : vector<16xf32>
      %parallel_loop3A_1099 = arith.mulf %get3A_967, %parallel_loop3A_1080 : vector<16xf32>
      %parallel_loop3A_1100 = arith.addf %parallel_loop3A_1098, %parallel_loop3A_1099 : vector<16xf32>
      %parallel_loop3A_1101 = arith.constant 23 : i32
      %parallel_loop3A_1102 = arith.index_cast %parallel_loop3A_1101 : i32 to index
      %parallel_loop3A_1103 = arith.index_cast %parallel_loop3A_1065 : i32 to index
      %parallel_loop3A_1104 = tpu.vector_load %arg14[%parallel_loop3A_1102, %parallel_loop3A_1103] {strides = array<i32>} : memref<24x512xf32, #tpu.memory_space<vmem>>, vector<1x16xf32>,
      %parallel_loop3A_1105 = vector.shape_cast %parallel_loop3A_1104 : vector<1x16xf32> to vector<16xf32>
      %parallel_loop3A_1106 = vector.shape_cast %parallel_loop3A_1100 : vector<16xf32> to vector<1x16xf32>
      tpu.vector_store %arg14[%parallel_loop3A_1102, %parallel_loop3A_1103], %parallel_loop3A_1106 {strides = array<i32>} : memref<24x512xf32, #tpu.memory_space<vmem>>, vector<1x16xf32>,
    } {sc.loop_unroll_factor = 4 : i64, sc.parallel_access}
    %mul3A_971 = arith.constant 8 : i32
    %mul3A_972 = arith.muli %select_n3A_9, %mul3A_971 : i32
    %add3A_973 = arith.constant 128 : i32
    %add3A_974 = arith.addi %add3A_973, %mul3A_972 : i32
    %dma_start3A_975 = arith.constant 2 : i32
    %dma_start3A_976 = arith.constant 16 : i32
    %dma_start3A_977 = arith.constant 0 : i32
    %dma_start3A_978 = tpu.memref_slice %arg14[%dma_start3A_976, %dma_start3A_977] : memref<24x512xf32, #tpu.memory_space<vmem>> -> memref<8x512xf32, #tpu.memory_space<vmem>>
    %dma_start3A_979 = tpu.memref_slice %arg7[%add3A_974, %mul3A_32] : memref<192x2048xf32, #tpu.memory_space<hbm>> -> memref<8x512xf32, #tpu.memory_space<hbm>>
    %dma_start3A_980 = tpu.memref_slice %arg20[%dma_start3A_975] : memref<3x!tpu.dma_semaphore, #tpu.memory_space<semaphore_mem>> -> memref<1x!tpu.dma_semaphore, #tpu.memory_space<semaphore_mem>>
    %dma_start3A_981 = tpu.memref_squeeze %dma_start3A_980 : memref<1x!tpu.dma_semaphore, #tpu.memory_space<semaphore_mem>> -> memref<!tpu.dma_semaphore, #tpu.memory_space<semaphore_mem>>
    %dma_start3A_982 = tpu.memref_slice %arg7[%add3A_974, %mul3A_32] : memref<192x2048xf32, #tpu.memory_space<hbm>> -> memref<8x512xf32, #tpu.memory_space<hbm>>
    %dma_start3A_983 = arith.constant 16 : i32
    %dma_start3A_984 = arith.constant 0 : i32
    %dma_start3A_985 = tpu.memref_slice %arg14[%dma_start3A_983, %dma_start3A_984] : memref<24x512xf32, #tpu.memory_space<vmem>> -> memref<8x512xf32, #tpu.memory_space<vmem>>
    tpu.enqueue_dma source(%dma_start3A_985 : memref<8x512xf32, #tpu.memory_space<vmem>>) target(%dma_start3A_982 : memref<8x512xf32, #tpu.memory_space<hbm>>) target_semaphore(%dma_start3A_981 : memref<!tpu.dma_semaphore, #tpu.memory_space<semaphore_mem>>)
    %dma_start3A_986 = arith.constant 2 : i32
    %dma_start3A_987 = arith.constant 16 : i32
    %dma_start3A_988 = arith.constant 0 : i32
    %dma_start3A_989 = tpu.memref_slice %arg15[%dma_start3A_987, %dma_start3A_988] : memref<24x512xf32, #tpu.memory_space<vmem>> -> memref<8x512xf32, #tpu.memory_space<vmem>>
    %dma_start3A_990 = tpu.memref_slice %arg8[%add3A_974, %mul3A_32] : memref<192x2048xf32, #tpu.memory_space<hbm>> -> memref<8x512xf32, #tpu.memory_space<hbm>>
    %dma_start3A_991 = tpu.memref_slice %arg21[%dma_start3A_986] : memref<3x!tpu.dma_semaphore, #tpu.memory_space<semaphore_mem>> -> memref<1x!tpu.dma_semaphore, #tpu.memory_space<semaphore_mem>>
    %dma_start3A_992 = tpu.memref_squeeze %dma_start3A_991 : memref<1x!tpu.dma_semaphore, #tpu.memory_space<semaphore_mem>> -> memref<!tpu.dma_semaphore, #tpu.memory_space<semaphore_mem>>
    %dma_start3A_993 = tpu.memref_slice %arg8[%add3A_974, %mul3A_32] : memref<192x2048xf32, #tpu.memory_space<hbm>> -> memref<8x512xf32, #tpu.memory_space<hbm>>
    %dma_start3A_994 = arith.constant 16 : i32
    %dma_start3A_995 = arith.constant 0 : i32
    %dma_start3A_996 = tpu.memref_slice %arg15[%dma_start3A_994, %dma_start3A_995] : memref<24x512xf32, #tpu.memory_space<vmem>> -> memref<8x512xf32, #tpu.memory_space<vmem>>
    tpu.enqueue_dma source(%dma_start3A_996 : memref<8x512xf32, #tpu.memory_space<vmem>>) target(%dma_start3A_993 : memref<8x512xf32, #tpu.memory_space<hbm>>) target_semaphore(%dma_start3A_992 : memref<!tpu.dma_semaphore, #tpu.memory_space<semaphore_mem>>)
    %dma_wait3A_997 = arith.constant 0 : i32
    %dma_wait3A_998 = arith.constant 0 : i32
    %dma_wait3A_999 = arith.constant 0 : i32
    %dma_wait3A_1000 = tpu.memref_slice %arg14[%dma_wait3A_998, %dma_wait3A_999] : memref<24x512xf32, #tpu.memory_space<vmem>> -> memref<8x512xf32, #tpu.memory_space<vmem>>
    %dma_wait3A_1001 = tpu.memref_slice %arg7[%add3A_408, %mul3A_32] : memref<192x2048xf32, #tpu.memory_space<hbm>> -> memref<8x512xf32, #tpu.memory_space<hbm>>
    %dma_wait3A_1002 = tpu.memref_slice %arg20[%dma_wait3A_997] : memref<3x!tpu.dma_semaphore, #tpu.memory_space<semaphore_mem>> -> memref<1x!tpu.dma_semaphore, #tpu.memory_space<semaphore_mem>>
    %dma_wait3A_1003 = tpu.memref_squeeze %dma_wait3A_1002 : memref<1x!tpu.dma_semaphore, #tpu.memory_space<semaphore_mem>> -> memref<!tpu.dma_semaphore, #tpu.memory_space<semaphore_mem>>
    %dma_wait3A_1004 = tpu.memref_slice %arg7[%add3A_408, %mul3A_32] : memref<192x2048xf32, #tpu.memory_space<hbm>> -> memref<8x512xf32, #tpu.memory_space<hbm>>
    %dma_wait3A_1005 = arith.constant 0 : i32
    %dma_wait3A_1006 = arith.constant 0 : i32
    %dma_wait3A_1007 = tpu.memref_slice %arg14[%dma_wait3A_1005, %dma_wait3A_1006] : memref<24x512xf32, #tpu.memory_space<vmem>> -> memref<8x512xf32, #tpu.memory_space<vmem>>
    tpu.wait_dma2 semaphore(%dma_wait3A_1003 : memref<!tpu.dma_semaphore, #tpu.memory_space<semaphore_mem>>) src(%dma_wait3A_1007 : memref<8x512xf32, #tpu.memory_space<vmem>>) dst(%dma_wait3A_1004 : memref<8x512xf32, #tpu.memory_space<hbm>>)
    %dma_wait3A_1008 = arith.constant 0 : i32
    %dma_wait3A_1009 = arith.constant 0 : i32
    %dma_wait3A_1010 = arith.constant 0 : i32
    %dma_wait3A_1011 = tpu.memref_slice %arg15[%dma_wait3A_1009, %dma_wait3A_1010] : memref<24x512xf32, #tpu.memory_space<vmem>> -> memref<8x512xf32, #tpu.memory_space<vmem>>
    %dma_wait3A_1012 = tpu.memref_slice %arg8[%add3A_408, %mul3A_32] : memref<192x2048xf32, #tpu.memory_space<hbm>> -> memref<8x512xf32, #tpu.memory_space<hbm>>
    %dma_wait3A_1013 = tpu.memref_slice %arg21[%dma_wait3A_1008] : memref<3x!tpu.dma_semaphore, #tpu.memory_space<semaphore_mem>> -> memref<1x!tpu.dma_semaphore, #tpu.memory_space<semaphore_mem>>
    %dma_wait3A_1014 = tpu.memref_squeeze %dma_wait3A_1013 : memref<1x!tpu.dma_semaphore, #tpu.memory_space<semaphore_mem>> -> memref<!tpu.dma_semaphore, #tpu.memory_space<semaphore_mem>>
    %dma_wait3A_1015 = tpu.memref_slice %arg8[%add3A_408, %mul3A_32] : memref<192x2048xf32, #tpu.memory_space<hbm>> -> memref<8x512xf32, #tpu.memory_space<hbm>>
    %dma_wait3A_1016 = arith.constant 0 : i32
    %dma_wait3A_1017 = arith.constant 0 : i32
    %dma_wait3A_1018 = tpu.memref_slice %arg15[%dma_wait3A_1016, %dma_wait3A_1017] : memref<24x512xf32, #tpu.memory_space<vmem>> -> memref<8x512xf32, #tpu.memory_space<vmem>>
    tpu.wait_dma2 semaphore(%dma_wait3A_1014 : memref<!tpu.dma_semaphore, #tpu.memory_space<semaphore_mem>>) src(%dma_wait3A_1018 : memref<8x512xf32, #tpu.memory_space<vmem>>) dst(%dma_wait3A_1015 : memref<8x512xf32, #tpu.memory_space<hbm>>)
    %dma_wait3A_1019 = arith.constant 1 : i32
    %dma_wait3A_1020 = arith.constant 8 : i32
    %dma_wait3A_1021 = arith.constant 0 : i32
    %dma_wait3A_1022 = tpu.memref_slice %arg14[%dma_wait3A_1020, %dma_wait3A_1021] : memref<24x512xf32, #tpu.memory_space<vmem>> -> memref<8x512xf32, #tpu.memory_space<vmem>>
    %dma_wait3A_1023 = tpu.memref_slice %arg7[%add3A_691, %mul3A_32] : memref<192x2048xf32, #tpu.memory_space<hbm>> -> memref<8x512xf32, #tpu.memory_space<hbm>>
    %dma_wait3A_1024 = tpu.memref_slice %arg20[%dma_wait3A_1019] : memref<3x!tpu.dma_semaphore, #tpu.memory_space<semaphore_mem>> -> memref<1x!tpu.dma_semaphore, #tpu.memory_space<semaphore_mem>>
    %dma_wait3A_1025 = tpu.memref_squeeze %dma_wait3A_1024 : memref<1x!tpu.dma_semaphore, #tpu.memory_space<semaphore_mem>> -> memref<!tpu.dma_semaphore, #tpu.memory_space<semaphore_mem>>
    %dma_wait3A_1026 = tpu.memref_slice %arg7[%add3A_691, %mul3A_32] : memref<192x2048xf32, #tpu.memory_space<hbm>> -> memref<8x512xf32, #tpu.memory_space<hbm>>
    %dma_wait3A_1027 = arith.constant 8 : i32
    %dma_wait3A_1028 = arith.constant 0 : i32
    %dma_wait3A_1029 = tpu.memref_slice %arg14[%dma_wait3A_1027, %dma_wait3A_1028] : memref<24x512xf32, #tpu.memory_space<vmem>> -> memref<8x512xf32, #tpu.memory_space<vmem>>
    tpu.wait_dma2 semaphore(%dma_wait3A_1025 : memref<!tpu.dma_semaphore, #tpu.memory_space<semaphore_mem>>) src(%dma_wait3A_1029 : memref<8x512xf32, #tpu.memory_space<vmem>>) dst(%dma_wait3A_1026 : memref<8x512xf32, #tpu.memory_space<hbm>>)
    %dma_wait3A_1030 = arith.constant 1 : i32
    %dma_wait3A_1031 = arith.constant 8 : i32
    %dma_wait3A_1032 = arith.constant 0 : i32
    %dma_wait3A_1033 = tpu.memref_slice %arg15[%dma_wait3A_1031, %dma_wait3A_1032] : memref<24x512xf32, #tpu.memory_space<vmem>> -> memref<8x512xf32, #tpu.memory_space<vmem>>
    %dma_wait3A_1034 = tpu.memref_slice %arg8[%add3A_691, %mul3A_32] : memref<192x2048xf32, #tpu.memory_space<hbm>> -> memref<8x512xf32, #tpu.memory_space<hbm>>
    %dma_wait3A_1035 = tpu.memref_slice %arg21[%dma_wait3A_1030] : memref<3x!tpu.dma_semaphore, #tpu.memory_space<semaphore_mem>> -> memref<1x!tpu.dma_semaphore, #tpu.memory_space<semaphore_mem>>
    %dma_wait3A_1036 = tpu.memref_squeeze %dma_wait3A_1035 : memref<1x!tpu.dma_semaphore, #tpu.memory_space<semaphore_mem>> -> memref<!tpu.dma_semaphore, #tpu.memory_space<semaphore_mem>>
    %dma_wait3A_1037 = tpu.memref_slice %arg8[%add3A_691, %mul3A_32] : memref<192x2048xf32, #tpu.memory_space<hbm>> -> memref<8x512xf32, #tpu.memory_space<hbm>>
    %dma_wait3A_1038 = arith.constant 8 : i32
    %dma_wait3A_1039 = arith.constant 0 : i32
    %dma_wait3A_1040 = tpu.memref_slice %arg15[%dma_wait3A_1038, %dma_wait3A_1039] : memref<24x512xf32, #tpu.memory_space<vmem>> -> memref<8x512xf32, #tpu.memory_space<vmem>>
    tpu.wait_dma2 semaphore(%dma_wait3A_1036 : memref<!tpu.dma_semaphore, #tpu.memory_space<semaphore_mem>>) src(%dma_wait3A_1040 : memref<8x512xf32, #tpu.memory_space<vmem>>) dst(%dma_wait3A_1037 : memref<8x512xf32, #tpu.memory_space<hbm>>)
    %dma_wait3A_1041 = arith.constant 2 : i32
    %dma_wait3A_1042 = arith.constant 16 : i32
    %dma_wait3A_1043 = arith.constant 0 : i32
    %dma_wait3A_1044 = tpu.memref_slice %arg14[%dma_wait3A_1042, %dma_wait3A_1043] : memref<24x512xf32, #tpu.memory_space<vmem>> -> memref<8x512xf32, #tpu.memory_space<vmem>>
    %dma_wait3A_1045 = tpu.memref_slice %arg7[%add3A_974, %mul3A_32] : memref<192x2048xf32, #tpu.memory_space<hbm>> -> memref<8x512xf32, #tpu.memory_space<hbm>>
    %dma_wait3A_1046 = tpu.memref_slice %arg20[%dma_wait3A_1041] : memref<3x!tpu.dma_semaphore, #tpu.memory_space<semaphore_mem>> -> memref<1x!tpu.dma_semaphore, #tpu.memory_space<semaphore_mem>>
    %dma_wait3A_1047 = tpu.memref_squeeze %dma_wait3A_1046 : memref<1x!tpu.dma_semaphore, #tpu.memory_space<semaphore_mem>> -> memref<!tpu.dma_semaphore, #tpu.memory_space<semaphore_mem>>
    %dma_wait3A_1048 = tpu.memref_slice %arg7[%add3A_974, %mul3A_32] : memref<192x2048xf32, #tpu.memory_space<hbm>> -> memref<8x512xf32, #tpu.memory_space<hbm>>
    %dma_wait3A_1049 = arith.constant 16 : i32
    %dma_wait3A_1050 = arith.constant 0 : i32
    %dma_wait3A_1051 = tpu.memref_slice %arg14[%dma_wait3A_1049, %dma_wait3A_1050] : memref<24x512xf32, #tpu.memory_space<vmem>> -> memref<8x512xf32, #tpu.memory_space<vmem>>
    tpu.wait_dma2 semaphore(%dma_wait3A_1047 : memref<!tpu.dma_semaphore, #tpu.memory_space<semaphore_mem>>) src(%dma_wait3A_1051 : memref<8x512xf32, #tpu.memory_space<vmem>>) dst(%dma_wait3A_1048 : memref<8x512xf32, #tpu.memory_space<hbm>>)
    %dma_wait3A_1052 = arith.constant 2 : i32
    %dma_wait3A_1053 = arith.constant 16 : i32
    %dma_wait3A_1054 = arith.constant 0 : i32
    %dma_wait3A_1055 = tpu.memref_slice %arg15[%dma_wait3A_1053, %dma_wait3A_1054] : memref<24x512xf32, #tpu.memory_space<vmem>> -> memref<8x512xf32, #tpu.memory_space<vmem>>
    %dma_wait3A_1056 = tpu.memref_slice %arg8[%add3A_974, %mul3A_32] : memref<192x2048xf32, #tpu.memory_space<hbm>> -> memref<8x512xf32, #tpu.memory_space<hbm>>
    %dma_wait3A_1057 = tpu.memref_slice %arg21[%dma_wait3A_1052] : memref<3x!tpu.dma_semaphore, #tpu.memory_space<semaphore_mem>> -> memref<1x!tpu.dma_semaphore, #tpu.memory_space<semaphore_mem>>
    %dma_wait3A_1058 = tpu.memref_squeeze %dma_wait3A_1057 : memref<1x!tpu.dma_semaphore, #tpu.memory_space<semaphore_mem>> -> memref<!tpu.dma_semaphore, #tpu.memory_space<semaphore_mem>>
    %dma_wait3A_1059 = tpu.memref_slice %arg8[%add3A_974, %mul3A_32] : memref<192x2048xf32, #tpu.memory_space<hbm>> -> memref<8x512xf32, #tpu.memory_space<hbm>>
    %dma_wait3A_1060 = arith.constant 16 : i32
    %dma_wait3A_1061 = arith.constant 0 : i32
    %dma_wait3A_1062 = tpu.memref_slice %arg15[%dma_wait3A_1060, %dma_wait3A_1061] : memref<24x512xf32, #tpu.memory_space<vmem>> -> memref<8x512xf32, #tpu.memory_space<vmem>>
    tpu.wait_dma2 semaphore(%dma_wait3A_1058 : memref<!tpu.dma_semaphore, #tpu.memory_space<semaphore_mem>>) src(%dma_wait3A_1062 : memref<8x512xf32, #tpu.memory_space<vmem>>) dst(%dma_wait3A_1059 : memref<8x512xf32, #tpu.memory_space<hbm>>)
    return
  }
}

</mosaic_0001>

<sc_bundles>
// kernel: kernel.3.cloned.1.call-start
scs
__scs_entry_jumppad:
0x0: {  	(pc) =	sbr.rel $0x88, $3  }
0x1: {  	(tag) =	ssettag $0x0;
	lr =	simm.s32 $0x1  }
0x2: {  	[smem:$0x3F9D] =	sst lr;
	_ =	strace $0xD0000000  }
0x3: {  	_ = 	snop  }
0x4: {  	_ = 	snop  }
0x5: {  	_ = 	snop  }
0x6: {  	_ = 	snop  }
0x7: {  	_ = 	snop  }
__scs_overlays_trampoline_lowered:
0x8: {  	[smem:$0x3FAC] =	sst s0  }
0x9: {  	[smem:$0x3FAD] =	sst s1  }
0xa: {  	[smem:$0x3FAE] =	sst s2  }
0xb: {  	[smem:$0x3FAF] =	sst s3  }
0xc: {  	[smem:$0x3FB0] =	sst s4  }
0xd: {  	[smem:$0x3FB1] =	sst s5  }
0xe: {  	[smem:$0x3FB2] =	sst s6  }
0xf: {  	[smem:$0x3FB3] =	sst s7  }
0x10: {  	[smem:$0x3FB4] =	sst s8  }
0x11: {  	[smem:$0x3FB5] =	sst s9;
	s0 =	simm.s32 @!p0 $0x0  }
0x12: {  	s1 =	sld [smem:$0x3F9B];
	s0 =	simm.s32 @p0 $0x1  }
0x13: {  	[smem:$0x3FB6] =	sst s0;
	s0 =	simm.s32 @!p1 $0x0  }
0x14: {  	s2 =	sld [smem:$0x3F9A];
	s0 =	simm.s32 @p1 $0x1  }
0x15: {  	[smem:$0x3FB7] =	sst s0;
	s0 =	simm.s32 @!p2 $0x0  }
0x16: {  	s3 =	sld [smem:$0x3FDB];
	s0 =	simm.s32 @p2 $0x1  }
0x17: {  	s4 =	simm.s32 $0x1BF5;
	[smem:$0x3FB9] =	sst s0  }
0x18: {  	s0 =	sld [smem:$0x3F9C];
	_ =	swait.ge [sflag:s4], $0x0  }
0x19: {  	s7 =	sld [smem:$0x3F9D]  }
0x1a: {  	s8 =	sadd.s32 $0xFFFFE003, lr  }
0x1b: {  	s9 =	sadd.s32 $0xFFFFFEF7, lr;
	s5 =	simm.s32 $0xFFFFFFFF;
	p2 =	slt.u32 s8, $0xFFFFF086  }
0x1c: {  	p1 =	slt.u32 s9, $0xF7A;
	s5 =	simm.s32 @!p2 $0x0  }
0x1d: {  	s5 =	simm.s32 @p1 $0x1;
	p0 =	seq.s32 s7, s2  }
0x1e: {  	s7 =	smul.u32 @!p0 $0xF7A, s2;
	p2 =	seq.s32 @!p0 s5, $0x0  }
0x1f: {  	s9 =	smul.u32 $0xF7A, s1;
	s8 =	simm.s32 @!p0 $0x1BF5;
	p2 =	por !p2, p0  }
0x20: {  	[sflag:s8] =	ssyncset.s32 @!p0 $0xFFFFF086;
	s6 =	sadd.s32 @!p0 s3, s7;
	s7 =	simm.s32 @!p0 $0x108  }
0x21: {  	s3 =	sadd.s32 s3, s9;
	s6 =	sadd.s32 @!p0 $0x88, s6;
	s7 =	simm.s32 @p2 $0x1082  }
0x22: {  	[simem:s7], [sflag:s8] =	dma.local @!p0 [hbm:s6], $0xF7A  }
0x23: {  	s9 =	sor.u32 $0xD0000000, s2;
	s6 =	simm.s32 $0x108;
	_ =	swait.ge @!p0 [sflag:s8], $0x0  }
0x24: {  	s3 =	sadd.s32 $0x88, s3;
	s6 =	simm.s32 @!p1 $0x1082;
	[sflag:s4] =	ssyncset.s32 $0xFFFFF086  }
0x25: {  	[simem:s6], [sflag:s4] =	dma.local [hbm:s3], $0xF7A  }
0x26: {  	[smem:$0x3F9D] =	sst s1;
	(tag) =	ssettag s2;
	_ =	strace s9  }
0x27: {  	s1 =	sld [smem:$0x3FAD]  }
0x28: {  	s2 =	sld [smem:$0x3FAE]  }
0x29: {  	s4 =	sld [smem:$0x3FB0]  }
0x2a: {  	p0 =	seq.s32 s5, $0x0;
	s5 =	sld [smem:$0x3FB1]  }
0x2b: {  	s6 =	sld [smem:$0x3FB2]  }
0x2c: {  	s7 =	sld [smem:$0x3FB3]  }
0x2d: {  	s3 =	simm.s32 $0x108;
	s8 =	sld [smem:$0x3FB4]  }
0x2e: {  	s3 =	simm.s32 @!p0 $0x1082;
	s9 =	sld [smem:$0x3FB5]  }
0x2f: {  	lr =	sadd.s32 s0, s3;
	s0 =	sld [smem:$0x3FAC]  }
0x30: {  	s3 =	sld [smem:$0x3FAF]  }
0x31: {  	[smem:$0x3FB8] =	sst s10  }
0x32: {  	s10 =	sld [smem:$0x3FB6];
	_ =	sdelay $0x3  }
0x33: {  	p0 =	seq.s32 s10, $0x1;
	s10 =	sld [smem:$0x3FB8];
	_ =	sdelay $0x3  }
0x34: {  	[smem:$0x3FB8] =	sst s10  }
0x35: {  	s10 =	sld [smem:$0x3FB7];
	_ =	sdelay $0x3  }
0x36: {  	p1 =	seq.s32 s10, $0x1;
	s10 =	sld [smem:$0x3FB8];
	_ =	sdelay $0x3  }
0x37: {  	[smem:$0x3FB8] =	sst s10  }
0x38: {  	s10 =	sld [smem:$0x3FB9]  }
0x39: {  	_ = 	snop;
	(pc) =	sbr.ind lr, $3  }
0x3a: {  	_ = 	snop  }
0x3b: {  	_ = 	snop  }
0x3c: {  	p2 =	seq.s32 s10, $0x1;
	s10 =	sld [smem:$0x3FB8]  }
0x3d: {  	_ =	shalt  }
0x3e: {  	_ =	shalt  }
0x3f: {  	_ =	shalt  }
0x40: {  	_ =	shalt  }
0x41: {  	_ =	shalt  }
0x42: {  	_ =	shalt  }
0x43: {  	_ =	shalt  }
0x44: {  	_ =	shalt  }
0x45: {  	_ =	shalt  }
0x46: {  	_ =	shalt  }
0x47: {  	_ =	shalt  }
0x48: {  	_ =	shalt  }
0x49: {  	_ =	shalt  }
0x4a: {  	_ =	shalt  }
0x4b: {  	_ =	shalt  }
0x4c: {  	_ =	shalt  }
0x4d: {  	_ =	shalt  }
0x4e: {  	_ =	shalt  }
0x4f: {  	_ =	shalt  }
0x50: {  	_ =	shalt  }
0x51: {  	_ =	shalt  }
0x52: {  	_ =	shalt  }
0x53: {  	_ =	shalt  }
0x54: {  	_ =	shalt  }
0x55: {  	_ =	shalt  }
0x56: {  	_ =	shalt  }
0x57: {  	_ =	shalt  }
0x58: {  	_ =	shalt  }
0x59: {  	_ =	shalt  }
0x5a: {  	_ =	shalt  }
0x5b: {  	_ =	shalt  }
0x5c: {  	_ =	shalt  }
0x5d: {  	_ =	shalt  }
0x5e: {  	_ =	shalt  }
0x5f: {  	_ =	shalt  }
0x60: {  	_ =	shalt  }
0x61: {  	_ =	shalt  }
0x62: {  	_ =	shalt  }
0x63: {  	_ =	shalt  }
0x64: {  	_ =	shalt  }
0x65: {  	_ =	shalt  }
0x66: {  	_ =	shalt  }
0x67: {  	_ =	shalt  }
0x68: {  	_ =	shalt  }
0x69: {  	_ =	shalt  }
0x6a: {  	_ =	shalt  }
0x6b: {  	_ =	shalt  }
0x6c: {  	_ =	shalt  }
0x6d: {  	_ =	shalt  }
0x6e: {  	_ =	shalt  }
0x6f: {  	_ =	shalt  }
0x70: {  	_ =	shalt  }
0x71: {  	_ =	shalt  }
0x72: {  	_ =	shalt  }
0x73: {  	_ =	shalt  }
0x74: {  	_ =	shalt  }
0x75: {  	_ =	shalt  }
0x76: {  	_ =	shalt  }
0x77: {  	_ =	shalt  }
0x78: {  	_ =	shalt  }
0x79: {  	_ =	shalt  }
0x7a: {  	_ =	shalt  }
0x7b: {  	_ =	shalt  }
0x7c: {  	_ =	shalt  }
0x7d: {  	_ =	shalt  }
0x7e: {  	_ =	shalt  }
0x7f: {  	_ =	shalt  }
0x80: {  	_ =	shalt  }
0x81: {  	_ =	shalt  }
0x82: {  	_ =	shalt  }
0x83: {  	_ =	shalt  }
0x84: {  	_ =	shalt  }
0x85: {  	_ =	shalt  }
0x86: {  	_ =	shalt  }
0x87: {  	_ =	shalt  }
.Lfunc_end0:
.L_simem_size_0:
called_computation_lowered:
.L_overlay_start_0:
0x88: {  	s2 =	sld [smem:$0x3FD9]  }
0x89: {  	s3 =	sld [smem:$0x3FFE];
	_ =	sdelay $0x1  }
0x8a: {  	s1 =	srdreg.scid  }
0x8b: {  	s0 =	sand.u32 $0x1, s1  }
0x8c: {  	s14 =	sshll.u32 s0, $0xA;
	s2 =	sadd.s32 s3, s2  }
0x8d: {  	s2 =	sadd.s32 s2, s14  }
0x8e: {  	[smem:$0x3FC4] =	sst s2  }
0x8f: {  	_ = 	snop  }
0x90: {  	s2 =	sld [smem:$0x3FC9]  }
0x91: {  	s15 =	sld [smem:$0x3FD0]  }
0x92: {  	s4 =	sld [smem:$0x3FC8]  }
0x93: {  	s5 =	sld [smem:$0x3FC7]  }
0x94: {  	s7 =	simm.s32 $0xA;
	s8 =	simm.s32 $0x10;
	s6 =	sld [smem:$0x3FC6]  }
0x95: {  	[smem:s8], [sflag:s7] =	dma.local [hbm:s15], $0x1  }
0x96: {  	_ =	swait.eq [sflag:s7], $0x1  }
0x97: {  	[sflag:s7] =	ssyncset.done $0x0  }
0x98: {  	s16 =	sld [smem:$0x10];
	[sflag:s7] =	ssyncadd.s32 $0xFFFFFFFF  }
0x99: {  	s17 =	sld [smem:$0x11];
	(tm) =	ssettm $0x1  }
0x9a: {  	s18 =	sld [smem:$0x3FFB];
	_ =	sdelay $0x3  }
0x9b: {  	_ =	strace s18  }
0x9c: {  	s8 =	sld [smem:$0x3FFC];
	_ =	sdelay $0x3  }
0x9d: {  	_ =	strace s8  }
0x9e: {  	s8 =	sld [smem:$0x3FFD];
	_ =	sdelay $0x3  }
0x9f: {  	_ =	strace s8  }
0xa0: {  	_ =	strace $0x8FFFFFFF  }
0xa1: {  	s19 =	sld [smem:$0x3FDB];
	_ =	sdelay $0x1  }
0xa2: {  	s9 =	simm.s32 $_scs_section_size  }
0xa3: {  	s10 =	simm.s32 $_size__tile_overlayer_lowered;
	s11 =	simm.s32 $_tile_overlayer_lowered  }
0xa4: {  	s22 =	simm.s32 $0x1BFF;
	s21 =	sshll.u32 s11, $0x1;
	s8 =	sadd.s32 s9, s19  }
0xa5: {  	s12 =	simm.s32 $0x0;
	s20 =	sshll.u32 s10, $0x1;
	s10 =	sadd.s32 s21, s8  }
0xa6: {  	[timem:s12], [sflag:s22] =	dma.local [hbm:s10], s20  }
0xa7: {  	_ =	swait.ge [sflag:s22], s20  }
0xa8: {  	s9 =	ssub.s32 $0x0, s20;
	[sflag:s22] =	ssyncset.done $0x0  }
0xa9: {  	[sflag:s22] =	ssyncadd.s32 s9;
	_ =	sdelay $0x1  }
0xaa: {  	s23 =	simm.s32 $0x1B8B  }
0xab: {  	_ =	swait.ge [sflag:s23], $0x1  }
0xac: {  	[sflag:s23] =	ssyncset.done $0x0  }
0xad: {  	s25 =	simm.s32 $0x1B8E;
	s24 =	sld [smem:$0x3FFE];
	[sflag:s23] =	ssyncadd.s32 $0xFFFFFFFF  }
0xae: {  	s26 =	simm.s32 $execute0_lowered;
	[smem:$0x3FD2] =	sst s25  }
0xaf: {  	s10 =	sshll.u32 s26, $0x1;
	_ =	strace $0x80000046;
	[dreg:$0x1] =	wrdreg $0xFFFFFFFF  }
0xb0: {  	s28 =	simm.s32 $_size_execute0_lowered;
	s8 =	sadd.s32 s8, s10;
	[dreg:$0x0] =	wrdreg $0x0  }
0xb1: {  	s10 =	sshll.u32 s28, $0x1;
	[dreg:$0x2] =	wrdreg s8  }
0xb2: {  	[dreg:$0x3] =	wrdreg s10  }
0xb3: {  	[dreg:$0x4] =	wrdreg $0xC0  }
0xb4: {  	_ =	task [dreg:s12], $0x5FFFF  }
0xb5: {  	[dreg:$0x1] =	wrdreg $0xFFFFFFFF  }
0xb6: {  	[dreg:$0x0] =	wrdreg $0x60  }
0xb7: {  	[dreg:$0x2] =	wrdreg s24  }
0xb8: {  	[dreg:$0x3] =	wrdreg s4  }
0xb9: {  	[dreg:$0x4] =	wrdreg s2  }
0xba: {  	[dreg:$0x5] =	wrdreg s5  }
0xbb: {  	[dreg:$0x6] =	wrdreg s6  }
0xbc: {  	[dreg:$0x7] =	wrdreg s16  }
0xbd: {  	[dreg:$0x8] =	wrdreg s17  }
0xbe: {  	[dreg:$0x9] =	wrdreg $0x9  }
0xbf: {  	_ =	task.clear_ibuf [dreg:s12], $0xAFFFF;
	_ =	strace $0x90000046  }
0xc0: {  	s29 =	simm.s32 $0x9;
	_ =	strace $0x80000048  }
0xc1: {  	_ =	swait.ge [sflag:s29], $0x1  }
0xc2: {  	[sflag:s29] =	ssyncadd.s32 $0xFFFFFFFF  }
0xc3: {  	_ =	strace $0x90000048  }
0xc4: {  	_ =	sfence  }
0xc5: {  	s30 =	sld [smem:$0x0];
	_ =	sdelay $0x2  }
0xc6: {  	s31 =	sshll.u32 s1, $0xD;
	s1 =	sshrl.u32 s1, $0x2  }
0xc7: {  	s3 =	sand.u32 $0x4000, s31;
	s1 =	sadd.s32 s1, s30  }
0xc8: {  	s0 =	sor.u32 s3, s0;
	s1 =	sshll.u32 s1, $0x11  }
0xc9: {  	s0 =	sor.u32 s1, s0  }
0xca: {  	s0 =	sadd.s32 $0x8F2B, s0  }
0xcb: {  	[sflag:s0] =	ssyncadd.remote.s32 $0x1  }
0xcc: {  	_ =	sfence.sel $0xFFFF  }
0xcd: {  	[dreg:$0x0] =	wrdreg $0xFFFFFFFF;
	(pc) =	sbr.abs _section_cstart, $3  }
0xce: {  	[dreg:$0x1] =	wrdreg $0xFFFFFFFF  }
0xcf: {  	_ =	task.clear_ibuf [dreg:s12], $0x2FFFF;
	_ =	strace $0x9FFFFFFF  }
0xd0: {  	(tm) =	ssettm $0x7FFFFFFF  }
0xd1: {  	_ =	shalt  }
tec
execute0_lowered:
.L_overlay_start_1:
0x0: {  	(tag) =	ssettag $0x1  }
0x1: {  	s0 =	rddreg [dreg:$0x0]  }
0x2: {  	s1 =	rddreg [dreg:$0x1]  }
0x3: {  	s3 =	rddreg [dreg:$0x2]  }
0x4: {  	s4 =	rddreg [dreg:$0x3]  }
0x5: {  	s5 =	rddreg [dreg:$0x4]  }
0x6: {  	s6 =	rddreg [dreg:$0x5]  }
0x7: {  	s7 =	rddreg [dreg:$0x6];
	s10 =	stileid.u32;
	s2 =	simm.s32 $0x0  }
0x8: {  	s8 =	srdreg.scid;
	s29 =	simm.s32 $0x3;
	s9 =	sshll.u32 s10, $0x1  }
0x9: {  	[smem:$0x7FF] =	sst s2;
	s8 =	sand.u32 $0x1, s8;
	s9 =	sand.u32 $0x6, s9  }
0xa: {  	s10 =	sshll.u32 s10, $0x7;
	s0 =	sadd.s32 $0x800, s0;
	s9 =	sor.u32 s8, s9  }
0xb: {  	_ =	strace $0x80000047;
	s10 =	sand.u32 $0x600, s10;
	s11 =	sshll.u32 s9, $0xB  }
0xc: {  	[dreg:$0x8] =	wrdreg s0;
	s1 =	sadd.s32 s1, s9;
	s10 =	sor.u32 s10, s11  }
0xd: {  	s30 =	simm.s32 $0x6;
	[dreg:$0x9] =	wrdreg s1;
	s12 =	sadd.s32 s3, s10  }
0xe: {  	s31 =	simm.s32 $0x9;
	s13 =	sadd.s32 s4, s10;
	[dreg:$0xa] =	wrdreg s12  }
0xf: {  	s28 =	simm.s32 $0x7;
	s14 =	sadd.s32 s5, s10;
	[dreg:$0xb] =	wrdreg s13  }
0x10: {  	s8 =	ssub.s32 $0x2, s8;
	s22 =	sadd.s32 s6, s10;
	[dreg:$0xc] =	wrdreg s14  }
0x11: {  	s15 =	sor.u32 $0x4000, s10;
	s23 =	sadd.s32 s7, s10;
	[dreg:$0x13] =	wrdreg s22  }
0x12: {  	s26 =	sshrl.u32 s8, $0x1;
	s16 =	sadd.s32 s3, s15;
	[dreg:$0x14] =	wrdreg s23  }
0x13: {  	s0 =	ssub.s32 s8, s26;
	s17 =	sadd.s32 s4, s15;
	[dreg:$0xd] =	wrdreg s16  }
0x14: {  	s18 =	sor.u32 $0x8000, s10;
	s19 =	sadd.s32 s5, s15;
	[dreg:$0xe] =	wrdreg s17  }
0x15: {  	s8 =	simm.s32 $0x0;
	s3 =	sadd.s32 s3, s18;
	[dreg:$0xf] =	wrdreg s19  }
0x16: {  	s20 =	sadd.s32 s4, s18;
	s21 =	sadd.s32 s5, s18;
	[dreg:$0x10] =	wrdreg s3  }
0x17: {  	s24 =	sadd.s32 s6, s15;
	s1 =	sadd.s32 s7, s15;
	[dreg:$0x11] =	wrdreg s20  }
0x18: {  	s25 =	sadd.s32 s6, s18;
	s26 =	sadd.s32 s7, s18;
	[dreg:$0x12] =	wrdreg s21  }
0x19: {  	s22 =	simm.s32 $0x8;
	s23 =	simm.s32 $0x1;
	[dreg:$0x15] =	wrdreg s24  }
0x1a: {  	s4 =	simm.s32 $0xC;
	s5 =	simm.s32 $0xF;
	[dreg:$0x16] =	wrdreg s1  }
0x1b: {  	s6 =	simm.s32 $0xD;
	s7 =	simm.s32 $0x10;
	[dreg:$0x17] =	wrdreg s25  }
0x1c: {  	[dreg:$0x18] =	wrdreg s26;
	s20 =	smax.u32 s0, $0x1;
	s21 =	simm.s32 $0x11  }
0x1d: {  	s24 =	simm.s32 $0x2;
	s25 =	simm.s32 $0x5;
	s26 =	simm.s32 $0x4  }
0x1e: {  	s0 =	simm.s32 $0xA;
	s1 =	simm.s32 $0xB;
	s3 =	simm.s32 $0xE  }
.LBB2_1:
0x1f: {  	s9 =	rddreg [dreg:$0x9]  }
0x20: {  	[tilespmem:s2], [sflag:$0x11] =	stream.linear.gather [hbm4b:s9+s2], $0x8, $0x38;
	[tilespmem:$0xF480] =	vst v63  }
0x21: {  	_ =	swait.ge [sflag:s21], $0x8  }
0x22: {  	[sflag:s21] =	ssyncset.done $0x0  }
0x23: {  	s10 =	simm.s32 $0x80;
	s19 =	rddreg [dreg:$0x8];
	[sflag:s21] =	ssyncadd.s32 $0xFFFFFFF8  }
0x24: {  	[tilespmem:s10], [sflag:$0x1] =	stream.indirect.gather [hbm4b:s19+s22], $0x80, s2, s22, $0xb8;
	[tilespmem:$0xF480] =	vst v63  }
0x25: {  	s11 =	simm.s32 $0x480;
	s10 =	rddreg [dreg:$0xa]  }
0x26: {  	[tilespmem:s11], [sflag:$0x2] =	stream.linear.gather [hbm4b:s10+s2], $0x1000, $0x38;
	[tilespmem:$0xF480] =	vst v63  }
0x27: {  	s13 =	simm.s32 $0x3480;
	s12 =	rddreg [dreg:$0xb]  }
0x28: {  	[tilespmem:s13], [sflag:$0x5] =	stream.linear.gather [hbm4b:s12+s2], $0x1000, $0x38;
	[tilespmem:$0xF480] =	vst v63  }
0x29: {  	s15 =	simm.s32 $0x6480;
	s14 =	rddreg [dreg:$0xc]  }
0x2a: {  	[tilespmem:s15], [sflag:$0x8] =	stream.linear.gather [hbm4b:s14+s2], $0x1000, $0x38;
	[tilespmem:$0xF480] =	vst v63  }
0x2b: {  	s17 =	simm.s32 $0x1480;
	s16 =	rddreg [dreg:$0xd]  }
0x2c: {  	[tilespmem:s17], [sflag:$0x3] =	stream.linear.gather [hbm4b:s16+s2], $0x1000, $0x38;
	[tilespmem:$0xF480] =	vst v63  }
0x2d: {  	s18 =	rddreg [dreg:$0xe];
	s19 =	simm.s32 $0x4480  }
0x2e: {  	[tilespmem:s19], [sflag:$0x6] =	stream.linear.gather [hbm4b:s18+s2], $0x1000, $0x38;
	[tilespmem:$0xF480] =	vst v63  }
0x2f: {  	s10 =	rddreg [dreg:$0xf];
	s11 =	simm.s32 $0x7480  }
0x30: {  	[tilespmem:s11], [sflag:$0x9] =	stream.linear.gather [hbm4b:s10+s2], $0x1000, $0x38;
	[tilespmem:$0xF480] =	vst v63  }
0x31: {  	s12 =	rddreg [dreg:$0x10];
	s13 =	simm.s32 $0x2480  }
0x32: {  	[tilespmem:s13], [sflag:$0x4] =	stream.linear.gather [hbm4b:s12+s2], $0x1000, $0x38;
	[tilespmem:$0xF480] =	vst v63  }
0x33: {  	s14 =	rddreg [dreg:$0x11];
	s15 =	simm.s32 $0x5480  }
0x34: {  	[tilespmem:s15], [sflag:$0x7] =	stream.linear.gather [hbm4b:s14+s2], $0x1000, $0x38;
	[tilespmem:$0xF480] =	vst v63  }
0x35: {  	s16 =	rddreg [dreg:$0x12];
	s17 =	simm.s32 $0x8480  }
0x36: {  	[tilespmem:s17], [sflag:$0xA] =	stream.linear.gather [hbm4b:s16+s2], $0x1000, $0x38;
	[tilespmem:$0xF480] =	vst v63  }
0x37: {  	_ =	swait.ge [sflag:s23], $0x400  }
0x38: {  	[sflag:s23] =	ssyncset.done $0x0  }
0x39: {  	[sflag:s23] =	ssyncadd.s32 $0xFFFFFC00  }
0x3a: {  	_ =	swait.ge [sflag:s24], $0x1000  }
0x3b: {  	[sflag:s24] =	ssyncset.done $0x0  }
0x3c: {  	[sflag:s24] =	ssyncadd.s32 $0xFFFFF000  }
0x3d: {  	_ =	swait.ge [sflag:s25], $0x1000  }
0x3e: {  	[sflag:s25] =	ssyncset.done $0x0  }
0x3f: {  	[sflag:s25] =	ssyncadd.s32 $0xFFFFF000  }
0x40: {  	_ =	swait.ge [sflag:s22], $0x1000  }
0x41: {  	[sflag:s22] =	ssyncset.done $0x0  }
0x42: {  	[sflag:s22] =	ssyncadd.s32 $0xFFFFF000  }
0x43: {  	v4 =	vld [tilespmem:$0x80]  }
0x44: {  	v2 =	vld [tilespmem:$0x90]  }
0x45: {  	v0 =	vld [tilespmem:$0xA0]  }
0x46: {  	s18 =	sand.u32 $0x40, s2;
	s19 =	sand.u32 $0xC00, s2;
	v3 =	vld [tilespmem:$0xB0]  }
0x47: {  	s9 =	sor.u32 s18, s19;
	v1 =	vld [tilespmem:$0xC0]  }
0x48: {  	v5 =	vld [tilespmem:s9+$0x4B0]  }
0x49: {  	v6 =	vld [tilespmem:s9+$0x34B0]  }
0x4a: {  	v7 =	vld [tilespmem:s9+$0x480]  }
0x4b: {  	v8 =	vld [tilespmem:s9+$0x3480]  }
0x4c: {  	v9 =	vld [tilespmem:s9+$0x490]  }
0x4d: {  	v10 =	vld [tilespmem:s9+$0x3490]  }
0x4e: {  	v17 =	vld [tilespmem:s9+$0x4A0];
	v13 =	vmul.f32 v5, v4;
	v14 =	vmul.f32 v6, v2  }
0x4f: {  	v12 =	vld [tilespmem:s9+$0x34A0];
	v15 =	vmul.f32 v7, v4  }
0x50: {  	v11 =	vld [tilespmem:s9+$0x6480];
	v6 =	vmul.f32 v7, v3;
	v8 =	vmul.f32 v8, v2;
	v14 =	vsub.f32 v13, v14  }
0x51: {  	v16 =	vmul.f32 v9, v4;
	v7 =	vmul.f32 v9, v3;
	v13 =	vld [tilespmem:s9+$0x64B0]  }
0x52: {  	v9 =	vld [tilespmem:s9+$0x6490];
	v18 =	vmul.f32 v10, v2;
	v15 =	vsub.f32 v15, v8;
	v19 =	vmax.f32 v14, $-5.000000000e-01  }
0x53: {  	s10 =	simm.s32 $0x0;
	s11 =	simm.s32 $0x200;
	s12 =	simm.s32 $0x40;
	v10 =	vld [tilespmem:s9+$0x64A0];
	v8 =	vmul.f32 v17, v3;
	v14 =	vmul.f32 v17, v4;
	v17 =	vmin.f32 v19, $5.000000000e-01  }
.LBB2_2:
0x54: {  	s13 =	sand.u32 $0x40, s12;
	s14 =	sand.u32 $0xC00, s11;
	v16 =	vsub.f32 v16, v18;
	[tilespmem:s9+$0xC4B0] =	vst v17;
	v17 =	vmul.f32 v17, v0;
	v18 =	vmul.f32 v5, v3  }
0x55: {  	s10 =	sadd.s32 $0x4, s10;
	v15 =	vmax.f32 v15, $-5.000000000e-01;
	v12 =	vmul.f32 v12, v2;
	s13 =	sor.u32 s13, s14;
	v11 =	vmul.f32 v11, v1  }
0x56: {  	p0 =	slt.u32 s10, $0x1C;
	v5 =	vld [tilespmem:s13+$0x4B0];
	v16 =	vmax.f32 v16, $-5.000000000e-01;
	v17 =	vadd.f32 v17, v18;
	v13 =	vmul.f32 v13, v1  }
0x57: {  	v15 =	vmin.f32 v15, $5.000000000e-01;
	v12 =	vsub.f32 v14, v12;
	v18 =	vld [tilespmem:s13+$0x34B0];
	v16 =	vmin.f32 v16, $5.000000000e-01  }
0x58: {  	v14 =	vld [tilespmem:s13+$0x480];
	[tilespmem:s9+$0xC480] =	vst v15;
	v15 =	vmul.f32 v15, v0;
	v19 =	vmul.f32 v16, v0;
	v13 =	vadd.f32 v17, v13  }
0x59: {  	v9 =	vmul.f32 v9, v1;
	v12 =	vmax.f32 v12, $-5.000000000e-01;
	v10 =	vmul.f32 v10, v1;
	v17 =	vld [tilespmem:s13+$0x3480];
	[tilespmem:s9+$0xC490] =	vst v16  }
0x5a: {  	v12 =	vmin.f32 v12, $5.000000000e-01;
	v20 =	vld [tilespmem:s13+$0x490];
	v6 =	vadd.f32 v15, v6;
	v7 =	vadd.f32 v19, v7;
	[tilespmem:s9+$0x94B0] =	vst v13  }
0x5b: {  	v13 =	vmul.f32 v12, v0;
	v19 =	vld [tilespmem:s13+$0x3490];
	[tilespmem:s9+$0xC4A0] =	vst v12  }
0x5c: {  	v15 =	vmul.f32 v5, v4;
	v21 =	vld [tilespmem:s13+$0x4A0];
	v16 =	vmul.f32 v18, v2;
	v18 =	vadd.f32 v6, v11  }
.Ltmp0:
0x5d: {  	v8 =	vadd.f32 v13, v8;
	v22 =	vmul.f32 v14, v4;
	v6 =	vmul.f32 v14, v3;
	v12 =	vld [tilespmem:s13+$0x34A0];
	(pc) =	sbr.rel @p0 .LBB2_2-.Ltmp0, $4  }
0x5e: {  	v23 =	vadd.f32 v7, v9;
	v11 =	vld [tilespmem:s13+$0x6480];
	v14 =	vmul.f32 v17, v2;
	v17 =	vsub.f32 v15, v16;
	[tilespmem:s9+$0x9480] =	vst v18  }
0x5f: {  	v16 =	vmul.f32 v20, v4;
	v7 =	vmul.f32 v20, v3;
	v13 =	vld [tilespmem:s13+$0x64B0];
	v20 =	vadd.f32 v8, v10  }
0x60: {  	v15 =	vsub.f32 v22, v14;
	v9 =	vld [tilespmem:s13+$0x6490];
	v18 =	vmul.f32 v19, v2;
	v17 =	vmax.f32 v17, $-5.000000000e-01;
	[tilespmem:s9+$0x9490] =	vst v23  }
0x61: {  	s11 =	sadd.s32 $0x200, s11;
	s12 =	sadd.s32 $0x40, s12;
	v10 =	vld [tilespmem:s13+$0x64A0];
	v14 =	vmul.f32 v21, v4;
	v8 =	vmul.f32 v21, v3;
	v17 =	vmin.f32 v17, $5.000000000e-01;
	[tilespmem:s9+$0x94A0] =	vst v20;
	s9 =	smov.u32 s13  }
0x62: {  	v4 =	vsub.f32 v16, v18;
	v2 =	vmul.f32 v12, v2  }
0x63: {  	v12 =	vmul.f32 v17, v0;
	v3 =	vmul.f32 v5, v3;
	v5 =	vmax.f32 v15, $-5.000000000e-01  }
0x64: {  	v5 =	vmin.f32 v5, $5.000000000e-01;
	v2 =	vsub.f32 v14, v2  }
0x65: {  	v4 =	vmax.f32 v4, $-5.000000000e-01;
	v3 =	vadd.f32 v12, v3;
	v12 =	vmul.f32 v13, v1  }
0x66: {  	v13 =	vmul.f32 v5, v0;
	v4 =	vmin.f32 v4, $5.000000000e-01;
	v2 =	vmax.f32 v2, $-5.000000000e-01  }
0x67: {  	[tilespmem:s9+$0xC4B0] =	vst v17;
	v11 =	vmul.f32 v11, v1;
	v14 =	vmul.f32 v4, v0;
	v2 =	vmin.f32 v2, $5.000000000e-01  }
0x68: {  	[tilespmem:s9+$0xC480] =	vst v5;
	v3 =	vadd.f32 v3, v12;
	v5 =	vadd.f32 v13, v6;
	v0 =	vmul.f32 v2, v0  }
0x69: {  	[tilespmem:s9+$0xC490] =	vst v4;
	v4 =	vmul.f32 v9, v1;
	v6 =	vadd.f32 v14, v7  }
0x6a: {  	v1 =	vmul.f32 v10, v1;
	[tilespmem:s9+$0x94B0] =	vst v3;
	v3 =	vadd.f32 v5, v11;
	v0 =	vadd.f32 v0, v8  }
0x6b: {  	[tilespmem:s9+$0xC4A0] =	vst v2;
	v2 =	vadd.f32 v6, v4  }
0x6c: {  	[tilespmem:s9+$0x9480] =	vst v3;
	v0 =	vadd.f32 v0, v1  }
0x6d: {  	[tilespmem:s9+$0x9490] =	vst v2  }
0x6e: {  	[tilespmem:s9+$0x94A0] =	vst v0  }
0x6f: {  	v4 =	vld [tilespmem:$0x100]  }
0x70: {  	v2 =	vld [tilespmem:$0x110]  }
0x71: {  	s19 =	simm.s32 $0x0;
	v0 =	vld [tilespmem:$0x120]  }
0x72: {  	s10 =	sand.u32 $0x40, s19;
	s9 =	sand.u32 $0xC00, s19;
	v3 =	vld [tilespmem:$0x130]  }
0x73: {  	v1 =	vld [tilespmem:$0x140];
	s9 =	sor.u32 s10, s9  }
0x74: {  	v5 =	vld [tilespmem:s9+$0x530]  }
0x75: {  	v6 =	vld [tilespmem:s9+$0x3530]  }
0x76: {  	v7 =	vld [tilespmem:s9+$0x500]  }
0x77: {  	v8 =	vld [tilespmem:s9+$0x3500]  }
0x78: {  	v9 =	vld [tilespmem:s9+$0x510]  }
0x79: {  	v10 =	vld [tilespmem:s9+$0x3510]  }
0x7a: {  	v17 =	vld [tilespmem:s9+$0x520];
	v13 =	vmul.f32 v5, v4;
	v14 =	vmul.f32 v6, v2  }
0x7b: {  	v12 =	vld [tilespmem:s9+$0x3520];
	v15 =	vmul.f32 v7, v4  }
0x7c: {  	v11 =	vld [tilespmem:s9+$0x6500];
	v6 =	vmul.f32 v7, v3;
	v8 =	vmul.f32 v8, v2;
	v14 =	vsub.f32 v13, v14  }
0x7d: {  	v16 =	vmul.f32 v9, v4;
	v7 =	vmul.f32 v9, v3;
	v13 =	vld [tilespmem:s9+$0x6530]  }
0x7e: {  	v9 =	vld [tilespmem:s9+$0x6510];
	v18 =	vmul.f32 v10, v2;
	v15 =	vsub.f32 v15, v8;
	v19 =	vmax.f32 v14, $-5.000000000e-01  }
0x7f: {  	s11 =	simm.s32 $0x200;
	s12 =	simm.s32 $0x40;
	s10 =	simm.s32 $0x0;
	v10 =	vld [tilespmem:s9+$0x6520];
	v8 =	vmul.f32 v17, v3;
	v14 =	vmul.f32 v17, v4;
	v17 =	vmin.f32 v19, $5.000000000e-01  }
.LBB2_4:
0x80: {  	s13 =	sand.u32 $0x40, s12;
	s14 =	sand.u32 $0xC00, s11;
	v16 =	vsub.f32 v16, v18;
	[tilespmem:s9+$0xC530] =	vst v17;
	v17 =	vmul.f32 v17, v0;
	v18 =	vmul.f32 v5, v3  }
0x81: {  	s10 =	sadd.s32 $0x4, s10;
	v15 =	vmax.f32 v15, $-5.000000000e-01;
	v12 =	vmul.f32 v12, v2;
	s13 =	sor.u32 s13, s14;
	v11 =	vmul.f32 v11, v1  }
0x82: {  	p0 =	slt.u32 s10, $0x1C;
	v5 =	vld [tilespmem:s13+$0x530];
	v16 =	vmax.f32 v16, $-5.000000000e-01;
	v17 =	vadd.f32 v17, v18;
	v13 =	vmul.f32 v13, v1  }
0x83: {  	v15 =	vmin.f32 v15, $5.000000000e-01;
	v12 =	vsub.f32 v14, v12;
	v18 =	vld [tilespmem:s13+$0x3530];
	v16 =	vmin.f32 v16, $5.000000000e-01  }
0x84: {  	v14 =	vld [tilespmem:s13+$0x500];
	[tilespmem:s9+$0xC500] =	vst v15;
	v15 =	vmul.f32 v15, v0;
	v19 =	vmul.f32 v16, v0;
	v13 =	vadd.f32 v17, v13  }
0x85: {  	v9 =	vmul.f32 v9, v1;
	v12 =	vmax.f32 v12, $-5.000000000e-01;
	v10 =	vmul.f32 v10, v1;
	v17 =	vld [tilespmem:s13+$0x3500];
	[tilespmem:s9+$0xC510] =	vst v16  }
0x86: {  	v12 =	vmin.f32 v12, $5.000000000e-01;
	v20 =	vld [tilespmem:s13+$0x510];
	v6 =	vadd.f32 v15, v6;
	v7 =	vadd.f32 v19, v7;
	[tilespmem:s9+$0x9530] =	vst v13  }
0x87: {  	v13 =	vmul.f32 v12, v0;
	v19 =	vld [tilespmem:s13+$0x3510];
	[tilespmem:s9+$0xC520] =	vst v12  }
0x88: {  	v15 =	vmul.f32 v5, v4;
	v21 =	vld [tilespmem:s13+$0x520];
	v16 =	vmul.f32 v18, v2;
	v18 =	vadd.f32 v6, v11  }
.Ltmp1:
0x89: {  	v8 =	vadd.f32 v13, v8;
	v22 =	vmul.f32 v14, v4;
	v6 =	vmul.f32 v14, v3;
	v12 =	vld [tilespmem:s13+$0x3520];
	(pc) =	sbr.rel @p0 .LBB2_4-.Ltmp1, $4  }
0x8a: {  	v23 =	vadd.f32 v7, v9;
	v11 =	vld [tilespmem:s13+$0x6500];
	v14 =	vmul.f32 v17, v2;
	v17 =	vsub.f32 v15, v16;
	[tilespmem:s9+$0x9500] =	vst v18  }
0x8b: {  	v16 =	vmul.f32 v20, v4;
	v7 =	vmul.f32 v20, v3;
	v13 =	vld [tilespmem:s13+$0x6530];
	v20 =	vadd.f32 v8, v10  }
0x8c: {  	v15 =	vsub.f32 v22, v14;
	v9 =	vld [tilespmem:s13+$0x6510];
	v18 =	vmul.f32 v19, v2;
	v17 =	vmax.f32 v17, $-5.000000000e-01;
	[tilespmem:s9+$0x9510] =	vst v23  }
0x8d: {  	s11 =	sadd.s32 $0x200, s11;
	s12 =	sadd.s32 $0x40, s12;
	v10 =	vld [tilespmem:s13+$0x6520];
	v14 =	vmul.f32 v21, v4;
	v8 =	vmul.f32 v21, v3;
	v17 =	vmin.f32 v17, $5.000000000e-01;
	[tilespmem:s9+$0x9520] =	vst v20;
	s9 =	smov.u32 s13  }
0x8e: {  	v4 =	vsub.f32 v16, v18;
	v2 =	vmul.f32 v12, v2  }
0x8f: {  	v12 =	vmul.f32 v17, v0;
	v3 =	vmul.f32 v5, v3;
	v5 =	vmax.f32 v15, $-5.000000000e-01  }
0x90: {  	v5 =	vmin.f32 v5, $5.000000000e-01;
	v2 =	vsub.f32 v14, v2  }
0x91: {  	v4 =	vmax.f32 v4, $-5.000000000e-01;
	v3 =	vadd.f32 v12, v3;
	v12 =	vmul.f32 v13, v1  }
0x92: {  	v13 =	vmul.f32 v5, v0;
	v4 =	vmin.f32 v4, $5.000000000e-01;
	v2 =	vmax.f32 v2, $-5.000000000e-01  }
0x93: {  	[tilespmem:s9+$0xC530] =	vst v17;
	v11 =	vmul.f32 v11, v1;
	v14 =	vmul.f32 v4, v0;
	v2 =	vmin.f32 v2, $5.000000000e-01  }
0x94: {  	[tilespmem:s9+$0xC500] =	vst v5;
	v3 =	vadd.f32 v3, v12;
	v5 =	vadd.f32 v13, v6;
	v0 =	vmul.f32 v2, v0  }
0x95: {  	[tilespmem:s9+$0xC510] =	vst v4;
	v4 =	vmul.f32 v9, v1;
	v6 =	vadd.f32 v14, v7  }
0x96: {  	v1 =	vmul.f32 v10, v1;
	[tilespmem:s9+$0x9530] =	vst v3;
	v3 =	vadd.f32 v5, v11;
	v0 =	vadd.f32 v0, v8  }
0x97: {  	[tilespmem:s9+$0xC520] =	vst v2;
	v2 =	vadd.f32 v6, v4  }
0x98: {  	[tilespmem:s9+$0x9500] =	vst v3;
	v0 =	vadd.f32 v0, v1  }
0x99: {  	[tilespmem:s9+$0x9510] =	vst v2  }
0x9a: {  	[tilespmem:s9+$0x9520] =	vst v0  }
0x9b: {  	v4 =	vld [tilespmem:$0x180]  }
0x9c: {  	v2 =	vld [tilespmem:$0x190]  }
0x9d: {  	s19 =	simm.s32 $0x0;
	v0 =	vld [tilespmem:$0x1A0]  }
0x9e: {  	s10 =	sand.u32 $0x40, s19;
	s9 =	sand.u32 $0xC00, s19;
	v3 =	vld [tilespmem:$0x1B0]  }
0x9f: {  	v1 =	vld [tilespmem:$0x1C0];
	s9 =	sor.u32 s10, s9  }
0xa0: {  	v5 =	vld [tilespmem:s9+$0x5B0]  }
0xa1: {  	v6 =	vld [tilespmem:s9+$0x35B0]  }
0xa2: {  	v7 =	vld [tilespmem:s9+$0x580]  }
0xa3: {  	v8 =	vld [tilespmem:s9+$0x3580]  }
0xa4: {  	v9 =	vld [tilespmem:s9+$0x590]  }
0xa5: {  	v10 =	vld [tilespmem:s9+$0x3590]  }
0xa6: {  	v17 =	vld [tilespmem:s9+$0x5A0];
	v13 =	vmul.f32 v5, v4;
	v14 =	vmul.f32 v6, v2  }
0xa7: {  	v12 =	vld [tilespmem:s9+$0x35A0];
	v15 =	vmul.f32 v7, v4  }
0xa8: {  	v11 =	vld [tilespmem:s9+$0x6580];
	v6 =	vmul.f32 v7, v3;
	v8 =	vmul.f32 v8, v2;
	v14 =	vsub.f32 v13, v14  }
0xa9: {  	v16 =	vmul.f32 v9, v4;
	v7 =	vmul.f32 v9, v3;
	v13 =	vld [tilespmem:s9+$0x65B0]  }
0xaa: {  	v9 =	vld [tilespmem:s9+$0x6590];
	v18 =	vmul.f32 v10, v2;
	v15 =	vsub.f32 v15, v8;
	v19 =	vmax.f32 v14, $-5.000000000e-01  }
0xab: {  	s11 =	simm.s32 $0x200;
	s12 =	simm.s32 $0x40;
	s10 =	simm.s32 $0x0;
	v10 =	vld [tilespmem:s9+$0x65A0];
	v8 =	vmul.f32 v17, v3;
	v14 =	vmul.f32 v17, v4;
	v17 =	vmin.f32 v19, $5.000000000e-01  }
.LBB2_6:
0xac: {  	s13 =	sand.u32 $0x40, s12;
	s14 =	sand.u32 $0xC00, s11;
	v16 =	vsub.f32 v16, v18;
	[tilespmem:s9+$0xC5B0] =	vst v17;
	v17 =	vmul.f32 v17, v0;
	v18 =	vmul.f32 v5, v3  }
0xad: {  	s10 =	sadd.s32 $0x4, s10;
	v15 =	vmax.f32 v15, $-5.000000000e-01;
	v12 =	vmul.f32 v12, v2;
	s13 =	sor.u32 s13, s14;
	v11 =	vmul.f32 v11, v1  }
0xae: {  	p0 =	slt.u32 s10, $0x1C;
	v5 =	vld [tilespmem:s13+$0x5B0];
	v16 =	vmax.f32 v16, $-5.000000000e-01;
	v17 =	vadd.f32 v17, v18;
	v13 =	vmul.f32 v13, v1  }
0xaf: {  	v15 =	vmin.f32 v15, $5.000000000e-01;
	v12 =	vsub.f32 v14, v12;
	v18 =	vld [tilespmem:s13+$0x35B0];
	v16 =	vmin.f32 v16, $5.000000000e-01  }
0xb0: {  	v14 =	vld [tilespmem:s13+$0x580];
	[tilespmem:s9+$0xC580] =	vst v15;
	v15 =	vmul.f32 v15, v0;
	v19 =	vmul.f32 v16, v0;
	v13 =	vadd.f32 v17, v13  }
0xb1: {  	v9 =	vmul.f32 v9, v1;
	v12 =	vmax.f32 v12, $-5.000000000e-01;
	v10 =	vmul.f32 v10, v1;
	v17 =	vld [tilespmem:s13+$0x3580];
	[tilespmem:s9+$0xC590] =	vst v16  }
0xb2: {  	v12 =	vmin.f32 v12, $5.000000000e-01;
	v20 =	vld [tilespmem:s13+$0x590];
	v6 =	vadd.f32 v15, v6;
	v7 =	vadd.f32 v19, v7;
	[tilespmem:s9+$0x95B0] =	vst v13  }
0xb3: {  	v13 =	vmul.f32 v12, v0;
	v19 =	vld [tilespmem:s13+$0x3590];
	[tilespmem:s9+$0xC5A0] =	vst v12  }
0xb4: {  	v15 =	vmul.f32 v5, v4;
	v21 =	vld [tilespmem:s13+$0x5A0];
	v16 =	vmul.f32 v18, v2;
	v18 =	vadd.f32 v6, v11  }
.Ltmp2:
0xb5: {  	v8 =	vadd.f32 v13, v8;
	v22 =	vmul.f32 v14, v4;
	v6 =	vmul.f32 v14, v3;
	v12 =	vld [tilespmem:s13+$0x35A0];
	(pc) =	sbr.rel @p0 .LBB2_6-.Ltmp2, $4  }
0xb6: {  	v23 =	vadd.f32 v7, v9;
	v11 =	vld [tilespmem:s13+$0x6580];
	v14 =	vmul.f32 v17, v2;
	v17 =	vsub.f32 v15, v16;
	[tilespmem:s9+$0x9580] =	vst v18  }
0xb7: {  	v16 =	vmul.f32 v20, v4;
	v7 =	vmul.f32 v20, v3;
	v13 =	vld [tilespmem:s13+$0x65B0];
	v20 =	vadd.f32 v8, v10  }
0xb8: {  	v15 =	vsub.f32 v22, v14;
	v9 =	vld [tilespmem:s13+$0x6590];
	v18 =	vmul.f32 v19, v2;
	v17 =	vmax.f32 v17, $-5.000000000e-01;
	[tilespmem:s9+$0x9590] =	vst v23  }
0xb9: {  	s11 =	sadd.s32 $0x200, s11;
	s12 =	sadd.s32 $0x40, s12;
	v10 =	vld [tilespmem:s13+$0x65A0];
	v14 =	vmul.f32 v21, v4;
	v8 =	vmul.f32 v21, v3;
	v17 =	vmin.f32 v17, $5.000000000e-01;
	[tilespmem:s9+$0x95A0] =	vst v20;
	s9 =	smov.u32 s13  }
0xba: {  	v4 =	vsub.f32 v16, v18;
	v2 =	vmul.f32 v12, v2  }
0xbb: {  	v12 =	vmul.f32 v17, v0;
	v3 =	vmul.f32 v5, v3;
	v5 =	vmax.f32 v15, $-5.000000000e-01  }
0xbc: {  	v5 =	vmin.f32 v5, $5.000000000e-01;
	v2 =	vsub.f32 v14, v2  }
0xbd: {  	v4 =	vmax.f32 v4, $-5.000000000e-01;
	v3 =	vadd.f32 v12, v3;
	v12 =	vmul.f32 v13, v1  }
0xbe: {  	v13 =	vmul.f32 v5, v0;
	v4 =	vmin.f32 v4, $5.000000000e-01;
	v2 =	vmax.f32 v2, $-5.000000000e-01  }
0xbf: {  	[tilespmem:s9+$0xC5B0] =	vst v17;
	v11 =	vmul.f32 v11, v1;
	v14 =	vmul.f32 v4, v0;
	v2 =	vmin.f32 v2, $5.000000000e-01  }
0xc0: {  	[tilespmem:s9+$0xC580] =	vst v5;
	v3 =	vadd.f32 v3, v12;
	v5 =	vadd.f32 v13, v6;
	v0 =	vmul.f32 v2, v0  }
0xc1: {  	[tilespmem:s9+$0xC590] =	vst v4;
	v4 =	vmul.f32 v9, v1;
	v6 =	vadd.f32 v14, v7  }
0xc2: {  	v1 =	vmul.f32 v10, v1;
	[tilespmem:s9+$0x95B0] =	vst v3;
	v3 =	vadd.f32 v5, v11;
	v0 =	vadd.f32 v0, v8  }
0xc3: {  	[tilespmem:s9+$0xC5A0] =	vst v2;
	v2 =	vadd.f32 v6, v4  }
0xc4: {  	[tilespmem:s9+$0x9580] =	vst v3;
	v0 =	vadd.f32 v0, v1  }
0xc5: {  	[tilespmem:s9+$0x9590] =	vst v2  }
0xc6: {  	s19 =	simm.s32 $0x0;
	[tilespmem:s9+$0x95A0] =	vst v0  }
0xc7: {  	s9 =	sand.u32 $0xFFFFFC00, s19;
	v4 =	vld [tilespmem:$0x200]  }
0xc8: {  	v2 =	vld [tilespmem:$0x210];
	s9 =	sadd.s32 $0x0, s9  }
0xc9: {  	v3 =	vld [tilespmem:$0x230];
	s15 =	sor.u32 $0x1B0, s9  }
0xca: {  	v5 =	vld [tilespmem:s15+$0x480]  }
0xcb: {  	s14 =	sor.u32 $0x180, s9;
	v0 =	vld [tilespmem:s15+$0x3480]  }
0xcc: {  	v1 =	vld [tilespmem:s14+$0x480]  }
0xcd: {  	s17 =	sor.u32 $0x190, s9;
	v6 =	vld [tilespmem:s14+$0x3480]  }
0xce: {  	v7 =	vld [tilespmem:s17+$0x480]  }
0xcf: {  	s9 =	sor.u32 $0x1A0, s9;
	v8 =	vld [tilespmem:s17+$0x3480]  }
0xd0: {  	v14 =	vld [tilespmem:s9+$0x3480]  }
0xd1: {  	v9 =	vld [tilespmem:s9+$0x480]  }
0xd2: {  	v15 =	vld [tilespmem:s15+$0x6480];
	v10 =	vmul.f32 v5, v4;
	v11 =	vmul.f32 v0, v2  }
0xd3: {  	v0 =	vld [tilespmem:$0x220];
	v12 =	vmul.f32 v1, v4;
	v13 =	vmul.f32 v1, v3  }
0xd4: {  	v1 =	vld [tilespmem:$0x240];
	v6 =	vmul.f32 v6, v2;
	v8 =	vmul.f32 v8, v2;
	v10 =	vsub.f32 v10, v11  }
0xd5: {  	s10 =	simm.s32 $0x200;
	v18 =	vmul.f32 v5, v3;
	v14 =	vmul.f32 v14, v2  }
0xd6: {  	s10 =	sand.u32 $0xFFFFFC00, s10;
	v16 =	vld [tilespmem:s14+$0x6480];
	v11 =	vmul.f32 v7, v4;
	v7 =	vmul.f32 v7, v3;
	v10 =	vmax.f32 v10, $-5.000000000e-01  }
0xd7: {  	s13 =	sadd.s32 $0x40, s10;
	v17 =	vld [tilespmem:s17+$0x6480];
	v6 =	vsub.f32 v12, v6;
	v12 =	vmul.f32 v9, v4;
	v10 =	vmin.f32 v10, $5.000000000e-01  }
0xd8: {  	s10 =	sor.u32 $0x1B0, s13;
	v19 =	vld [tilespmem:s9+$0x6480];
	v9 =	vmul.f32 v9, v3;
	v8 =	vsub.f32 v11, v8;
	v11 =	vmul.f32 v10, v0  }
0xd9: {  	v5 =	vld [tilespmem:s10+$0x480];
	v6 =	vmax.f32 v6, $-5.000000000e-01;
	v12 =	vsub.f32 v12, v14;
	v15 =	vmul.f32 v15, v1  }
0xda: {  	s11 =	sor.u32 $0x180, s13;
	v6 =	vmin.f32 v6, $5.000000000e-01;
	v8 =	vmax.f32 v8, $-5.000000000e-01;
	v11 =	vadd.f32 v11, v18;
	v18 =	vld [tilespmem:s10+$0x3480]  }
0xdb: {  	v14 =	vmul.f32 v16, v1;
	v16 =	vld [tilespmem:s11+$0x480];
	v20 =	vmul.f32 v6, v0;
	v8 =	vmin.f32 v8, $5.000000000e-01  }
0xdc: {  	s12 =	sor.u32 $0x190, s13;
	v22 =	vld [tilespmem:s11+$0x3480];
	v21 =	vmul.f32 v8, v0;
	v15 =	vadd.f32 v11, v15;
	v11 =	vmax.f32 v12, $-5.000000000e-01  }
0xdd: {  	[tilespmem:s15+$0xC480] =	vst v10;
	v10 =	vadd.f32 v20, v13;
	v13 =	vld [tilespmem:s12+$0x480];
	v12 =	vmul.f32 v17, v1;
	v17 =	vmin.f32 v11, $5.000000000e-01  }
0xde: {  	s13 =	sor.u32 $0x1A0, s13;
	v61 =	vld [tilespmem:s12+$0x3480];
	v19 =	vmul.f32 v19, v1;
	[tilespmem:s14+$0xC480] =	vst v6;
	v7 =	vadd.f32 v21, v7;
	v62 =	vmul.f32 v17, v0  }
0xdf: {  	[tilespmem:s17+$0xC480] =	vst v8;
	v8 =	vadd.f32 v10, v14;
	v14 =	vmul.f32 v5, v4;
	v11 =	vld [tilespmem:s13+$0x480];
	v18 =	vmul.f32 v18, v2  }
0xe0: {  	v23 =	vmul.f32 v16, v4;
	v6 =	vmul.f32 v16, v3;
	v10 =	vld [tilespmem:s13+$0x3480];
	[tilespmem:s15+$0x9480] =	vst v15;
	v16 =	vadd.f32 v62, v9  }
0xe1: {  	[tilespmem:s9+$0xC480] =	vst v17;
	v17 =	vmul.f32 v22, v2;
	v63 =	vadd.f32 v7, v12;
	v9 =	vld [tilespmem:s11+$0x6480];
	v18 =	vsub.f32 v14, v18  }
0xe2: {  	[tilespmem:s14+$0x9480] =	vst v8;
	v12 =	vld [tilespmem:s10+$0x6480];
	v15 =	vmul.f32 v13, v4;
	v7 =	vmul.f32 v13, v3;
	v14 =	vadd.f32 v16, v19  }
0xe3: {  	s16 =	simm.s32 $0x400;
	s14 =	simm.s32 $0x40;
	s15 =	simm.s32 $0x4;
	v8 =	vld [tilespmem:s12+$0x6480];
	v13 =	vsub.f32 v23, v17;
	[tilespmem:s17+$0x9480] =	vst v63;
	v16 =	vmul.f32 v61, v2;
	v17 =	vmax.f32 v18, $-5.000000000e-01  }
.LBB2_8:
0xe4: {  	s17 =	sand.u32 $0xFFFFFC00, s16;
	v18 =	vld [tilespmem:s13+$0x6480];
	v19 =	vmul.f32 v11, v4;
	v20 =	vmul.f32 v11, v3;
	v11 =	vmin.f32 v17, $5.000000000e-01;
	s14 =	sadd.s32 $0x40, s14;
	[tilespmem:s9+$0x9480] =	vst v14;
	s9 =	smov.u32 s13  }
0xe5: {  	s15 =	sadd.s32 $0x4, s15;
	s13 =	sadd.s32 s17, s14;
	v14 =	vsub.f32 v15, v16;
	[tilespmem:s10+$0xC480] =	vst v11;
	v11 =	vmul.f32 v11, v0;
	v15 =	vmul.f32 v5, v3  }
0xe6: {  	p0 =	slt.u32 s15, $0x1C;
	v13 =	vmax.f32 v13, $-5.000000000e-01;
	v10 =	vmul.f32 v10, v2;
	s18 =	sor.u32 $0x180, s13;
	s19 =	sor.u32 $0x1B0, s13;
	v9 =	vmul.f32 v9, v1  }
0xe7: {  	s17 =	sor.u32 $0x190, s13;
	s13 =	sor.u32 $0x1A0, s13;
	v5 =	vld [tilespmem:s19+$0x480];
	v14 =	vmax.f32 v14, $-5.000000000e-01;
	v11 =	vadd.f32 v11, v15;
	v12 =	vmul.f32 v12, v1  }
0xe8: {  	v13 =	vmin.f32 v13, $5.000000000e-01;
	v10 =	vsub.f32 v19, v10;
	v15 =	vld [tilespmem:s19+$0x3480];
	v14 =	vmin.f32 v14, $5.000000000e-01  }
0xe9: {  	v16 =	vld [tilespmem:s18+$0x480];
	[tilespmem:s11+$0xC480] =	vst v13;
	v13 =	vmul.f32 v13, v0;
	v17 =	vmul.f32 v14, v0;
	v11 =	vadd.f32 v11, v12  }
0xea: {  	v8 =	vmul.f32 v8, v1;
	v10 =	vmax.f32 v10, $-5.000000000e-01;
	v12 =	vld [tilespmem:s18+$0x3480];
	[tilespmem:s12+$0xC480] =	vst v14;
	v14 =	vmul.f32 v18, v1  }
0xeb: {  	v10 =	vmin.f32 v10, $5.000000000e-01;
	v18 =	vld [tilespmem:s17+$0x480];
	v6 =	vadd.f32 v13, v6;
	v7 =	vadd.f32 v17, v7;
	[tilespmem:s10+$0x9480] =	vst v11;
	s10 =	smov.u32 s19  }
0xec: {  	v13 =	vmul.f32 v10, v0;
	v17 =	vld [tilespmem:s17+$0x3480];
	[tilespmem:s9+$0xC480] =	vst v10  }
.Ltmp3:
0xed: {  	v19 =	vmul.f32 v5, v4;
	v11 =	vld [tilespmem:s13+$0x480];
	v15 =	vmul.f32 v15, v2;
	v21 =	vadd.f32 v6, v9;
	(pc) =	sbr.rel @p0 .LBB2_8-.Ltmp3, $4  }
0xee: {  	v13 =	vadd.f32 v13, v20;
	v22 =	vmul.f32 v16, v4;
	v6 =	vmul.f32 v16, v3;
	v10 =	vld [tilespmem:s13+$0x3480]  }
0xef: {  	v20 =	vadd.f32 v7, v8;
	v9 =	vld [tilespmem:s18+$0x6480];
	v16 =	vmul.f32 v12, v2;
	v19 =	vsub.f32 v19, v15;
	[tilespmem:s11+$0x9480] =	vst v21;
	s11 =	smov.u32 s18  }
0xf0: {  	v14 =	vadd.f32 v13, v14;
	v15 =	vmul.f32 v18, v4;
	v7 =	vmul.f32 v18, v3;
	v12 =	vld [tilespmem:s10+$0x6480]  }
0xf1: {  	s16 =	sadd.s32 $0x200, s16;
	v13 =	vsub.f32 v22, v16;
	v8 =	vld [tilespmem:s17+$0x6480];
	v16 =	vmul.f32 v17, v2;
	v17 =	vmax.f32 v19, $-5.000000000e-01;
	[tilespmem:s12+$0x9480] =	vst v20;
	s12 =	smov.u32 s17  }
0xf2: {  	v4 =	vmul.f32 v11, v4;
	v11 =	vmul.f32 v11, v3  }
0xf3: {  	v17 =	vmin.f32 v17, $5.000000000e-01;
	v3 =	vmul.f32 v5, v3;
	v2 =	vmul.f32 v10, v2  }
0xf4: {  	v15 =	vsub.f32 v15, v16;
	v10 =	vmul.f32 v17, v0;
	v5 =	vmax.f32 v13, $-5.000000000e-01  }
0xf5: {  	v5 =	vmin.f32 v5, $5.000000000e-01;
	v2 =	vsub.f32 v4, v2  }
0xf6: {  	v13 =	vmax.f32 v15, $-5.000000000e-01;
	v4 =	vld [tilespmem:s13+$0x6480];
	v3 =	vadd.f32 v10, v3;
	v10 =	vmul.f32 v12, v1  }
0xf7: {  	[tilespmem:s9+$0x9480] =	vst v14;
	v12 =	vmin.f32 v13, $5.000000000e-01;
	v13 =	vmul.f32 v5, v0;
	v2 =	vmax.f32 v2, $-5.000000000e-01  }
0xf8: {  	[tilespmem:s10+$0xC480] =	vst v17;
	v9 =	vmul.f32 v9, v1;
	v14 =	vmul.f32 v12, v0;
	v2 =	vmin.f32 v2, $5.000000000e-01  }
0xf9: {  	[tilespmem:s11+$0xC480] =	vst v5;
	v3 =	vadd.f32 v3, v10;
	v5 =	vadd.f32 v13, v6;
	v0 =	vmul.f32 v2, v0  }
0xfa: {  	[tilespmem:s12+$0xC480] =	vst v12;
	v6 =	vmul.f32 v8, v1;
	v7 =	vadd.f32 v14, v7  }
0xfb: {  	[tilespmem:s10+$0x9480] =	vst v3;
	v1 =	vmul.f32 v4, v1;
	v3 =	vadd.f32 v5, v9;
	v0 =	vadd.f32 v0, v11  }
0xfc: {  	[tilespmem:s13+$0xC480] =	vst v2;
	v2 =	vadd.f32 v7, v6  }
0xfd: {  	[tilespmem:s11+$0x9480] =	vst v3;
	v0 =	vadd.f32 v0, v1  }
0xfe: {  	p0 =	por $0x0, $0x0;
	s9 =	simm.s32 $0x1;
	[tilespmem:s12+$0x9480] =	vst v2  }
0xff: {  	s9 =	simm.s32 @!p0 $0x0;
	[tilespmem:s13+$0x9480] =	vst v0  }
0x100: {  	s9 =	sshll.u32 s9, $0x6;
	v4 =	vld [tilespmem:$0x280]  }
0x101: {  	s18 =	sadd.s32 $0x0, s9;
	v2 =	vld [tilespmem:$0x290]  }
0x102: {  	s15 =	sor.u32 $0x230, s18;
	v3 =	vld [tilespmem:$0x2B0]  }
0x103: {  	v5 =	vld [tilespmem:s15+$0x480]  }
0x104: {  	s17 =	sor.u32 $0x200, s18;
	v0 =	vld [tilespmem:s15+$0x3480]  }
0x105: {  	v1 =	vld [tilespmem:s17+$0x480]  }
0x106: {  	s9 =	sor.u32 $0x210, s18;
	v6 =	vld [tilespmem:s17+$0x3480]  }
0x107: {  	v7 =	vld [tilespmem:s9+$0x480]  }
0x108: {  	s10 =	sor.u32 $0x220, s18;
	v8 =	vld [tilespmem:s9+$0x3480]  }
0x109: {  	v14 =	vld [tilespmem:s10+$0x3480]  }
0x10a: {  	v9 =	vld [tilespmem:s10+$0x480]  }
0x10b: {  	v15 =	vld [tilespmem:s15+$0x6480];
	v10 =	vmul.f32 v5, v4;
	v11 =	vmul.f32 v0, v2  }
0x10c: {  	v16 =	vld [tilespmem:s17+$0x6480];
	v12 =	vmul.f32 v1, v4;
	v13 =	vmul.f32 v1, v3  }
0x10d: {  	p0 =	por !p0, !p0;
	s11 =	simm.s32 $0x1;
	v1 =	vld [tilespmem:$0x2C0];
	v6 =	vmul.f32 v6, v2;
	v8 =	vmul.f32 v8, v2  }
0x10e: {  	s11 =	simm.s32 @!p0 $0x0;
	v0 =	vld [tilespmem:$0x2A0];
	v18 =	vmul.f32 v5, v3;
	v14 =	vmul.f32 v14, v2  }
0x10f: {  	s11 =	sshll.u32 s11, $0x6;
	v17 =	vld [tilespmem:s9+$0x6480];
	v10 =	vsub.f32 v10, v11;
	v11 =	vmul.f32 v7, v4;
	v6 =	vsub.f32 v12, v6  }
0x110: {  	s19 =	sadd.s32 $0x200, s11;
	v7 =	vmul.f32 v7, v3;
	v12 =	vmul.f32 v9, v4  }
0x111: {  	v19 =	vld [tilespmem:s10+$0x6480];
	s12 =	sor.u32 $0x200, s19;
	v10 =	vmax.f32 v10, $-5.000000000e-01;
	v8 =	vsub.f32 v11, v8;
	v6 =	vmax.f32 v6, $-5.000000000e-01  }
0x112: {  	s11 =	sor.u32 $0x230, s19;
	v22 =	vld [tilespmem:s12+$0x3480];
	v12 =	vsub.f32 v12, v14;
	v10 =	vmin.f32 v10, $5.000000000e-01;
	v15 =	vmul.f32 v15, v1  }
0x113: {  	v5 =	vld [tilespmem:s11+$0x480];
	v6 =	vmin.f32 v6, $5.000000000e-01;
	v14 =	vmul.f32 v16, v1;
	v11 =	vmul.f32 v10, v0  }
0x114: {  	v16 =	vld [tilespmem:s12+$0x480];
	v23 =	vmul.f32 v17, v1;
	v8 =	vmax.f32 v8, $-5.000000000e-01;
	v20 =	vmul.f32 v6, v0  }
0x115: {  	s14 =	sor.u32 $0x210, s19;
	v12 =	vmax.f32 v12, $-5.000000000e-01;
	v8 =	vmin.f32 v8, $5.000000000e-01;
	v11 =	vadd.f32 v11, v18;
	v18 =	vld [tilespmem:s11+$0x3480]  }
0x116: {  	v17 =	vmin.f32 v12, $5.000000000e-01;
	v21 =	vmul.f32 v8, v0;
	v13 =	vadd.f32 v20, v13;
	v20 =	vld [tilespmem:s14+$0x480]  }
0x117: {  	s13 =	sor.u32 $0x220, s19;
	v9 =	vmul.f32 v9, v3;
	[tilespmem:s15+$0xC480] =	vst v10;
	v63 =	vmul.f32 v17, v0;
	v11 =	vadd.f32 v11, v15  }
0x118: {  	v19 =	vmul.f32 v19, v1;
	[tilespmem:s17+$0xC480] =	vst v6;
	v10 =	vld [tilespmem:s13+$0x480];
	v7 =	vadd.f32 v21, v7;
	v14 =	vadd.f32 v13, v14  }
0x119: {  	v12 =	vld [tilespmem:s14+$0x3480];
	[tilespmem:s9+$0xC480] =	vst v8;
	v13 =	vmul.f32 v5, v4;
	v15 =	vmul.f32 v16, v4;
	v21 =	vadd.f32 v63, v9  }
0x11a: {  	[tilespmem:s10+$0xC480] =	vst v17;
	v8 =	vld [tilespmem:s12+$0x6480];
	v6 =	vmul.f32 v16, v3;
	v24 =	vmul.f32 v18, v2  }
0x11b: {  	v9 =	vld [tilespmem:s13+$0x3480];
	[tilespmem:s17+$0x9480] =	vst v14;
	v14 =	vadd.f32 v21, v19;
	v18 =	vmul.f32 v22, v2;
	v16 =	vmul.f32 v20, v4  }
0x11c: {  	s16 =	simm.s32 $0x200;
	p0 =	por !p0, !p0;
	[tilespmem:s15+$0x9480] =	vst v11;
	s15 =	simm.s32 $0x4;
	v11 =	vld [tilespmem:s11+$0x6480];
	v17 =	vsub.f32 v13, v24;
	v13 =	vadd.f32 v7, v23;
	v7 =	vmul.f32 v20, v3  }
.LBB2_10:
0x11d: {  	s17 =	simm.s32 $0x1  }
0x11e: {  	v15 =	vsub.f32 v15, v18;
	v18 =	vld [tilespmem:s14+$0x6480];
	v12 =	vmul.f32 v12, v2;
	v17 =	vmax.f32 v17, $-5.000000000e-01;
	[tilespmem:s9+$0x9480] =	vst v13;
	s9 =	smov.u32 s14;
	s17 =	simm.s32 @!p0 $0x0  }
0x11f: {  	s15 =	sadd.s32 $0x4, s15;
	s16 =	sadd.s32 $0x200, s16;
	v19 =	vmul.f32 v10, v4;
	v20 =	vmul.f32 v10, v3;
	v10 =	vmin.f32 v17, $5.000000000e-01;
	s14 =	sshll.u32 s17, $0x6;
	v13 =	vld [tilespmem:s13+$0x6480];
	[tilespmem:s10+$0x9480] =	vst v14  }
0x120: {  	p1 =	slt.u32 s15, $0x1C;
	v12 =	vsub.f32 v16, v12;
	v14 =	vmul.f32 v5, v3;
	s10 =	smov.u32 s13;
	s17 =	sadd.s32 s14, s16;
	[tilespmem:s11+$0xC480] =	vst v10;
	v10 =	vmul.f32 v10, v0  }
0x121: {  	v15 =	vmax.f32 v15, $-5.000000000e-01;
	v9 =	vmul.f32 v9, v2;
	v8 =	vmul.f32 v8, v1;
	s18 =	sor.u32 $0x200, s17;
	s14 =	sor.u32 $0x210, s17;
	s19 =	sor.u32 $0x230, s17  }
0x122: {  	s13 =	sor.u32 $0x220, s17;
	v12 =	vmax.f32 v12, $-5.000000000e-01;
	v11 =	vmul.f32 v11, v1;
	v5 =	vld [tilespmem:s19+$0x480];
	v10 =	vadd.f32 v10, v14  }
0x123: {  	v15 =	vmin.f32 v15, $5.000000000e-01;
	v9 =	vsub.f32 v19, v9;
	v12 =	vmin.f32 v12, $5.000000000e-01;
	v14 =	vld [tilespmem:s19+$0x3480]  }
0x124: {  	v17 =	vmul.f32 v12, v0;
	v16 =	vld [tilespmem:s18+$0x480];
	[tilespmem:s12+$0xC480] =	vst v15;
	v15 =	vmul.f32 v15, v0;
	v10 =	vadd.f32 v10, v11  }
0x125: {  	v19 =	vmul.f32 v18, v1;
	v9 =	vmax.f32 v9, $-5.000000000e-01;
	v21 =	vmul.f32 v13, v1;
	v11 =	vld [tilespmem:s18+$0x3480];
	[tilespmem:s9+$0xC480] =	vst v12  }
0x126: {  	v9 =	vmin.f32 v9, $5.000000000e-01;
	v7 =	vadd.f32 v17, v7;
	v22 =	vld [tilespmem:s14+$0x480];
	v6 =	vadd.f32 v15, v6;
	[tilespmem:s11+$0x9480] =	vst v10;
	s11 =	smov.u32 s19  }
.Ltmp4:
0x127: {  	v13 =	vmul.f32 v9, v0;
	v12 =	vld [tilespmem:s14+$0x3480];
	[tilespmem:s10+$0xC480] =	vst v9;
	(pc) =	sbr.rel @p1 .LBB2_10-.Ltmp4, $4  }
0x128: {  	v17 =	vmul.f32 v5, v4;
	v10 =	vld [tilespmem:s13+$0x480];
	v14 =	vmul.f32 v14, v2;
	v23 =	vadd.f32 v6, v8  }
0x129: {  	v20 =	vadd.f32 v13, v20;
	v15 =	vmul.f32 v16, v4;
	v6 =	vmul.f32 v16, v3;
	v9 =	vld [tilespmem:s13+$0x3480]  }
0x12a: {  	v13 =	vadd.f32 v7, v19;
	v8 =	vld [tilespmem:s18+$0x6480];
	v18 =	vmul.f32 v11, v2;
	v17 =	vsub.f32 v17, v14;
	[tilespmem:s12+$0x9480] =	vst v23;
	s12 =	smov.u32 s18  }
0x12b: {  	p0 =	por !p0, !p0;
	v14 =	vadd.f32 v20, v21;
	v16 =	vmul.f32 v22, v4;
	v7 =	vmul.f32 v22, v3;
	v11 =	vld [tilespmem:s11+$0x6480]  }
0x12c: {  	v15 =	vsub.f32 v15, v18;
	v12 =	vmul.f32 v12, v2  }
0x12d: {  	v17 =	vmax.f32 v17, $-5.000000000e-01;
	v4 =	vmul.f32 v10, v4;
	v10 =	vmul.f32 v10, v3  }
0x12e: {  	v17 =	vmin.f32 v17, $5.000000000e-01;
	v12 =	vsub.f32 v16, v12;
	v2 =	vmul.f32 v9, v2  }
0x12f: {  	v3 =	vmul.f32 v5, v3;
	v9 =	vmul.f32 v17, v0  }
0x130: {  	v5 =	vld [tilespmem:s14+$0x6480];
	v15 =	vmax.f32 v15, $-5.000000000e-01;
	v12 =	vmax.f32 v12, $-5.000000000e-01;
	v2 =	vsub.f32 v4, v2  }
0x131: {  	[tilespmem:s9+$0x9480] =	vst v13;
	v4 =	vld [tilespmem:s13+$0x6480];
	v3 =	vadd.f32 v9, v3;
	v9 =	vmul.f32 v11, v1;
	v11 =	vmin.f32 v15, $5.000000000e-01  }
0x132: {  	[tilespmem:s10+$0x9480] =	vst v14;
	v12 =	vmin.f32 v12, $5.000000000e-01;
	v13 =	vmul.f32 v11, v0;
	v2 =	vmax.f32 v2, $-5.000000000e-01  }
0x133: {  	[tilespmem:s11+$0xC480] =	vst v17;
	v8 =	vmul.f32 v8, v1;
	v14 =	vmul.f32 v12, v0;
	v2 =	vmin.f32 v2, $5.000000000e-01  }
0x134: {  	[tilespmem:s12+$0xC480] =	vst v11;
	v3 =	vadd.f32 v3, v9;
	v6 =	vadd.f32 v13, v6;
	v0 =	vmul.f32 v2, v0  }
0x135: {  	[tilespmem:s14+$0xC480] =	vst v12;
	v5 =	vmul.f32 v5, v1;
	v7 =	vadd.f32 v14, v7  }
0x136: {  	[tilespmem:s11+$0x9480] =	vst v3;
	v1 =	vmul.f32 v4, v1;
	v3 =	vadd.f32 v6, v8;
	v0 =	vadd.f32 v0, v10  }
0x137: {  	[tilespmem:s13+$0xC480] =	vst v2;
	v2 =	vadd.f32 v7, v5  }
0x138: {  	[tilespmem:s12+$0x9480] =	vst v3;
	v0 =	vadd.f32 v0, v1  }
0x139: {  	p0 =	por $0x0, $0x0;
	s9 =	simm.s32 $0x1;
	[tilespmem:s14+$0x9480] =	vst v2  }
0x13a: {  	s9 =	simm.s32 @!p0 $0x0;
	[tilespmem:s13+$0x9480] =	vst v0  }
0x13b: {  	s9 =	sshll.u32 s9, $0x6;
	v4 =	vld [tilespmem:$0x300]  }
0x13c: {  	s18 =	sadd.s32 $0x0, s9;
	v2 =	vld [tilespmem:$0x310]  }
0x13d: {  	s15 =	sor.u32 $0x2B0, s18;
	v3 =	vld [tilespmem:$0x330]  }
0x13e: {  	v5 =	vld [tilespmem:s15+$0x480]  }
0x13f: {  	s17 =	sor.u32 $0x280, s18;
	v0 =	vld [tilespmem:s15+$0x3480]  }
0x140: {  	v1 =	vld [tilespmem:s17+$0x480]  }
0x141: {  	s9 =	sor.u32 $0x290, s18;
	v6 =	vld [tilespmem:s17+$0x3480]  }
0x142: {  	v7 =	vld [tilespmem:s9+$0x480]  }
0x143: {  	s10 =	sor.u32 $0x2A0, s18;
	v8 =	vld [tilespmem:s9+$0x3480]  }
0x144: {  	v14 =	vld [tilespmem:s10+$0x3480]  }
0x145: {  	v9 =	vld [tilespmem:s10+$0x480]  }
0x146: {  	v15 =	vld [tilespmem:s15+$0x6480];
	v10 =	vmul.f32 v5, v4;
	v11 =	vmul.f32 v0, v2  }
0x147: {  	v16 =	vld [tilespmem:s17+$0x6480];
	v12 =	vmul.f32 v1, v4;
	v13 =	vmul.f32 v1, v3  }
0x148: {  	p0 =	por !p0, !p0;
	s11 =	simm.s32 $0x1;
	v1 =	vld [tilespmem:$0x340];
	v6 =	vmul.f32 v6, v2;
	v8 =	vmul.f32 v8, v2  }
0x149: {  	s11 =	simm.s32 @!p0 $0x0;
	v0 =	vld [tilespmem:$0x320];
	v18 =	vmul.f32 v5, v3;
	v14 =	vmul.f32 v14, v2  }
0x14a: {  	s11 =	sshll.u32 s11, $0x6;
	v17 =	vld [tilespmem:s9+$0x6480];
	v10 =	vsub.f32 v10, v11;
	v11 =	vmul.f32 v7, v4;
	v6 =	vsub.f32 v12, v6  }
0x14b: {  	s19 =	sadd.s32 $0x200, s11;
	v7 =	vmul.f32 v7, v3;
	v12 =	vmul.f32 v9, v4  }
0x14c: {  	s12 =	sor.u32 $0x280, s19;
	v19 =	vld [tilespmem:s10+$0x6480];
	v10 =	vmax.f32 v10, $-5.000000000e-01;
	v8 =	vsub.f32 v11, v8;
	v6 =	vmax.f32 v6, $-5.000000000e-01  }
0x14d: {  	s11 =	sor.u32 $0x2B0, s19;
	v22 =	vld [tilespmem:s12+$0x3480];
	v12 =	vsub.f32 v12, v14;
	v10 =	vmin.f32 v10, $5.000000000e-01;
	v15 =	vmul.f32 v15, v1  }
0x14e: {  	v5 =	vld [tilespmem:s11+$0x480];
	v6 =	vmin.f32 v6, $5.000000000e-01;
	v14 =	vmul.f32 v16, v1;
	v11 =	vmul.f32 v10, v0  }
0x14f: {  	v16 =	vld [tilespmem:s12+$0x480];
	v23 =	vmul.f32 v17, v1;
	v8 =	vmax.f32 v8, $-5.000000000e-01;
	v20 =	vmul.f32 v6, v0  }
0x150: {  	s14 =	sor.u32 $0x290, s19;
	v12 =	vmax.f32 v12, $-5.000000000e-01;
	v8 =	vmin.f32 v8, $5.000000000e-01;
	v11 =	vadd.f32 v11, v18;
	v18 =	vld [tilespmem:s11+$0x3480]  }
0x151: {  	v17 =	vmin.f32 v12, $5.000000000e-01;
	v21 =	vmul.f32 v8, v0;
	v13 =	vadd.f32 v20, v13;
	v20 =	vld [tilespmem:s14+$0x480]  }
0x152: {  	s13 =	sor.u32 $0x2A0, s19;
	v9 =	vmul.f32 v9, v3;
	[tilespmem:s15+$0xC480] =	vst v10;
	v63 =	vmul.f32 v17, v0;
	v11 =	vadd.f32 v11, v15  }
0x153: {  	v19 =	vmul.f32 v19, v1;
	[tilespmem:s17+$0xC480] =	vst v6;
	v10 =	vld [tilespmem:s13+$0x480];
	v7 =	vadd.f32 v21, v7;
	v14 =	vadd.f32 v13, v14  }
0x154: {  	v12 =	vld [tilespmem:s14+$0x3480];
	[tilespmem:s9+$0xC480] =	vst v8;
	v13 =	vmul.f32 v5, v4;
	v15 =	vmul.f32 v16, v4;
	v21 =	vadd.f32 v63, v9  }
0x155: {  	[tilespmem:s10+$0xC480] =	vst v17;
	v8 =	vld [tilespmem:s12+$0x6480];
	v6 =	vmul.f32 v16, v3;
	v24 =	vmul.f32 v18, v2  }
0x156: {  	v9 =	vld [tilespmem:s13+$0x3480];
	[tilespmem:s17+$0x9480] =	vst v14;
	v14 =	vadd.f32 v21, v19;
	v18 =	vmul.f32 v22, v2;
	v16 =	vmul.f32 v20, v4  }
0x157: {  	s16 =	simm.s32 $0x200;
	p0 =	por !p0, !p0;
	[tilespmem:s15+$0x9480] =	vst v11;
	s15 =	simm.s32 $0x4;
	v11 =	vld [tilespmem:s11+$0x6480];
	v17 =	vsub.f32 v13, v24;
	v13 =	vadd.f32 v7, v23;
	v7 =	vmul.f32 v20, v3  }
.LBB2_12:
0x158: {  	s17 =	simm.s32 $0x1  }
0x159: {  	v15 =	vsub.f32 v15, v18;
	v18 =	vld [tilespmem:s14+$0x6480];
	v12 =	vmul.f32 v12, v2;
	v17 =	vmax.f32 v17, $-5.000000000e-01;
	[tilespmem:s9+$0x9480] =	vst v13;
	s9 =	smov.u32 s14;
	s17 =	simm.s32 @!p0 $0x0  }
0x15a: {  	s15 =	sadd.s32 $0x4, s15;
	s16 =	sadd.s32 $0x200, s16;
	v19 =	vmul.f32 v10, v4;
	v20 =	vmul.f32 v10, v3;
	v10 =	vmin.f32 v17, $5.000000000e-01;
	s14 =	sshll.u32 s17, $0x6;
	v13 =	vld [tilespmem:s13+$0x6480];
	[tilespmem:s10+$0x9480] =	vst v14  }
0x15b: {  	p1 =	slt.u32 s15, $0x1C;
	v12 =	vsub.f32 v16, v12;
	v14 =	vmul.f32 v5, v3;
	s10 =	smov.u32 s13;
	s17 =	sadd.s32 s14, s16;
	[tilespmem:s11+$0xC480] =	vst v10;
	v10 =	vmul.f32 v10, v0  }
0x15c: {  	v15 =	vmax.f32 v15, $-5.000000000e-01;
	v9 =	vmul.f32 v9, v2;
	v8 =	vmul.f32 v8, v1;
	s18 =	sor.u32 $0x280, s17;
	s14 =	sor.u32 $0x290, s17;
	s19 =	sor.u32 $0x2B0, s17  }
0x15d: {  	s13 =	sor.u32 $0x2A0, s17;
	v12 =	vmax.f32 v12, $-5.000000000e-01;
	v11 =	vmul.f32 v11, v1;
	v5 =	vld [tilespmem:s19+$0x480];
	v10 =	vadd.f32 v10, v14  }
0x15e: {  	v15 =	vmin.f32 v15, $5.000000000e-01;
	v9 =	vsub.f32 v19, v9;
	v12 =	vmin.f32 v12, $5.000000000e-01;
	v14 =	vld [tilespmem:s19+$0x3480]  }
0x15f: {  	v17 =	vmul.f32 v12, v0;
	v16 =	vld [tilespmem:s18+$0x480];
	[tilespmem:s12+$0xC480] =	vst v15;
	v15 =	vmul.f32 v15, v0;
	v10 =	vadd.f32 v10, v11  }
0x160: {  	v19 =	vmul.f32 v18, v1;
	v9 =	vmax.f32 v9, $-5.000000000e-01;
	v21 =	vmul.f32 v13, v1;
	v11 =	vld [tilespmem:s18+$0x3480];
	[tilespmem:s9+$0xC480] =	vst v12  }
0x161: {  	v9 =	vmin.f32 v9, $5.000000000e-01;
	v7 =	vadd.f32 v17, v7;
	v22 =	vld [tilespmem:s14+$0x480];
	v6 =	vadd.f32 v15, v6;
	[tilespmem:s11+$0x9480] =	vst v10;
	s11 =	smov.u32 s19  }
.Ltmp5:
0x162: {  	v13 =	vmul.f32 v9, v0;
	v12 =	vld [tilespmem:s14+$0x3480];
	[tilespmem:s10+$0xC480] =	vst v9;
	(pc) =	sbr.rel @p1 .LBB2_12-.Ltmp5, $4  }
0x163: {  	v17 =	vmul.f32 v5, v4;
	v10 =	vld [tilespmem:s13+$0x480];
	v14 =	vmul.f32 v14, v2;
	v23 =	vadd.f32 v6, v8  }
0x164: {  	v20 =	vadd.f32 v13, v20;
	v15 =	vmul.f32 v16, v4;
	v6 =	vmul.f32 v16, v3;
	v9 =	vld [tilespmem:s13+$0x3480]  }
0x165: {  	v13 =	vadd.f32 v7, v19;
	v8 =	vld [tilespmem:s18+$0x6480];
	v18 =	vmul.f32 v11, v2;
	v17 =	vsub.f32 v17, v14;
	[tilespmem:s12+$0x9480] =	vst v23;
	s12 =	smov.u32 s18  }
0x166: {  	p0 =	por !p0, !p0;
	v14 =	vadd.f32 v20, v21;
	v16 =	vmul.f32 v22, v4;
	v7 =	vmul.f32 v22, v3;
	v11 =	vld [tilespmem:s11+$0x6480]  }
0x167: {  	v15 =	vsub.f32 v15, v18;
	v12 =	vmul.f32 v12, v2  }
0x168: {  	v17 =	vmax.f32 v17, $-5.000000000e-01;
	v4 =	vmul.f32 v10, v4;
	v10 =	vmul.f32 v10, v3  }
0x169: {  	v17 =	vmin.f32 v17, $5.000000000e-01;
	v12 =	vsub.f32 v16, v12;
	v2 =	vmul.f32 v9, v2  }
0x16a: {  	v3 =	vmul.f32 v5, v3;
	v9 =	vmul.f32 v17, v0  }
0x16b: {  	v5 =	vld [tilespmem:s14+$0x6480];
	v15 =	vmax.f32 v15, $-5.000000000e-01;
	v12 =	vmax.f32 v12, $-5.000000000e-01;
	v2 =	vsub.f32 v4, v2  }
0x16c: {  	[tilespmem:s9+$0x9480] =	vst v13;
	v4 =	vld [tilespmem:s13+$0x6480];
	v3 =	vadd.f32 v9, v3;
	v9 =	vmul.f32 v11, v1;
	v11 =	vmin.f32 v15, $5.000000000e-01  }
0x16d: {  	[tilespmem:s10+$0x9480] =	vst v14;
	v12 =	vmin.f32 v12, $5.000000000e-01;
	v13 =	vmul.f32 v11, v0;
	v2 =	vmax.f32 v2, $-5.000000000e-01  }
0x16e: {  	[tilespmem:s11+$0xC480] =	vst v17;
	v8 =	vmul.f32 v8, v1;
	v14 =	vmul.f32 v12, v0;
	v2 =	vmin.f32 v2, $5.000000000e-01  }
0x16f: {  	[tilespmem:s12+$0xC480] =	vst v11;
	v3 =	vadd.f32 v3, v9;
	v6 =	vadd.f32 v13, v6;
	v0 =	vmul.f32 v2, v0  }
0x170: {  	[tilespmem:s14+$0xC480] =	vst v12;
	v5 =	vmul.f32 v5, v1;
	v7 =	vadd.f32 v14, v7  }
0x171: {  	[tilespmem:s11+$0x9480] =	vst v3;
	v1 =	vmul.f32 v4, v1;
	v3 =	vadd.f32 v6, v8;
	v0 =	vadd.f32 v0, v10  }
0x172: {  	[tilespmem:s13+$0xC480] =	vst v2;
	v2 =	vadd.f32 v7, v5  }
0x173: {  	[tilespmem:s12+$0x9480] =	vst v3;
	v0 =	vadd.f32 v0, v1  }
0x174: {  	p0 =	por $0x0, $0x0;
	s9 =	simm.s32 $0x1;
	[tilespmem:s14+$0x9480] =	vst v2  }
0x175: {  	s9 =	simm.s32 @!p0 $0x0;
	[tilespmem:s13+$0x9480] =	vst v0  }
0x176: {  	s9 =	sshll.u32 s9, $0x6;
	v4 =	vld [tilespmem:$0x380]  }
0x177: {  	s18 =	sadd.s32 $0x0, s9;
	v2 =	vld [tilespmem:$0x390]  }
0x178: {  	s15 =	sor.u32 $0x330, s18;
	v3 =	vld [tilespmem:$0x3B0]  }
0x179: {  	v5 =	vld [tilespmem:s15+$0x480]  }
0x17a: {  	s17 =	sor.u32 $0x300, s18;
	v0 =	vld [tilespmem:s15+$0x3480]  }
0x17b: {  	v1 =	vld [tilespmem:s17+$0x480]  }
0x17c: {  	s9 =	sor.u32 $0x310, s18;
	v6 =	vld [tilespmem:s17+$0x3480]  }
0x17d: {  	v7 =	vld [tilespmem:s9+$0x480]  }
0x17e: {  	s10 =	sor.u32 $0x320, s18;
	v8 =	vld [tilespmem:s9+$0x3480]  }
0x17f: {  	v14 =	vld [tilespmem:s10+$0x3480]  }
0x180: {  	v9 =	vld [tilespmem:s10+$0x480]  }
0x181: {  	v15 =	vld [tilespmem:s15+$0x6480];
	v10 =	vmul.f32 v5, v4;
	v11 =	vmul.f32 v0, v2  }
0x182: {  	v16 =	vld [tilespmem:s17+$0x6480];
	v12 =	vmul.f32 v1, v4;
	v13 =	vmul.f32 v1, v3  }
0x183: {  	p0 =	por !p0, !p0;
	s11 =	simm.s32 $0x1;
	v1 =	vld [tilespmem:$0x3C0];
	v6 =	vmul.f32 v6, v2;
	v8 =	vmul.f32 v8, v2  }
0x184: {  	s11 =	simm.s32 @!p0 $0x0;
	v0 =	vld [tilespmem:$0x3A0];
	v18 =	vmul.f32 v5, v3;
	v14 =	vmul.f32 v14, v2  }
0x185: {  	s11 =	sshll.u32 s11, $0x6;
	v17 =	vld [tilespmem:s9+$0x6480];
	v10 =	vsub.f32 v10, v11;
	v11 =	vmul.f32 v7, v4;
	v6 =	vsub.f32 v12, v6  }
0x186: {  	s19 =	sadd.s32 $0x200, s11;
	v7 =	vmul.f32 v7, v3;
	v12 =	vmul.f32 v9, v4  }
0x187: {  	s12 =	sor.u32 $0x300, s19;
	v19 =	vld [tilespmem:s10+$0x6480];
	v10 =	vmax.f32 v10, $-5.000000000e-01;
	v8 =	vsub.f32 v11, v8;
	v6 =	vmax.f32 v6, $-5.000000000e-01  }
0x188: {  	s11 =	sor.u32 $0x330, s19;
	v22 =	vld [tilespmem:s12+$0x3480];
	v12 =	vsub.f32 v12, v14;
	v10 =	vmin.f32 v10, $5.000000000e-01;
	v15 =	vmul.f32 v15, v1  }
0x189: {  	v5 =	vld [tilespmem:s11+$0x480];
	v6 =	vmin.f32 v6, $5.000000000e-01;
	v14 =	vmul.f32 v16, v1;
	v11 =	vmul.f32 v10, v0  }
0x18a: {  	v16 =	vld [tilespmem:s12+$0x480];
	v23 =	vmul.f32 v17, v1;
	v8 =	vmax.f32 v8, $-5.000000000e-01;
	v20 =	vmul.f32 v6, v0  }
0x18b: {  	s14 =	sor.u32 $0x310, s19;
	v12 =	vmax.f32 v12, $-5.000000000e-01;
	v8 =	vmin.f32 v8, $5.000000000e-01;
	v11 =	vadd.f32 v11, v18;
	v18 =	vld [tilespmem:s11+$0x3480]  }
0x18c: {  	v17 =	vmin.f32 v12, $5.000000000e-01;
	v21 =	vmul.f32 v8, v0;
	v13 =	vadd.f32 v20, v13;
	v20 =	vld [tilespmem:s14+$0x480]  }
0x18d: {  	s13 =	sor.u32 $0x320, s19;
	v9 =	vmul.f32 v9, v3;
	[tilespmem:s15+$0xC480] =	vst v10;
	v63 =	vmul.f32 v17, v0;
	v11 =	vadd.f32 v11, v15  }
0x18e: {  	v19 =	vmul.f32 v19, v1;
	[tilespmem:s17+$0xC480] =	vst v6;
	v10 =	vld [tilespmem:s13+$0x480];
	v7 =	vadd.f32 v21, v7;
	v14 =	vadd.f32 v13, v14  }
0x18f: {  	v12 =	vld [tilespmem:s14+$0x3480];
	[tilespmem:s9+$0xC480] =	vst v8;
	v13 =	vmul.f32 v5, v4;
	v15 =	vmul.f32 v16, v4;
	v21 =	vadd.f32 v63, v9  }
0x190: {  	[tilespmem:s10+$0xC480] =	vst v17;
	v8 =	vld [tilespmem:s12+$0x6480];
	v6 =	vmul.f32 v16, v3;
	v24 =	vmul.f32 v18, v2  }
0x191: {  	v9 =	vld [tilespmem:s13+$0x3480];
	[tilespmem:s17+$0x9480] =	vst v14;
	v14 =	vadd.f32 v21, v19;
	v18 =	vmul.f32 v22, v2;
	v16 =	vmul.f32 v20, v4  }
0x192: {  	s16 =	simm.s32 $0x200;
	p0 =	por !p0, !p0;
	[tilespmem:s15+$0x9480] =	vst v11;
	s15 =	simm.s32 $0x4;
	v11 =	vld [tilespmem:s11+$0x6480];
	v17 =	vsub.f32 v13, v24;
	v13 =	vadd.f32 v7, v23;
	v7 =	vmul.f32 v20, v3  }
.LBB2_14:
0x193: {  	s17 =	simm.s32 $0x1  }
0x194: {  	v15 =	vsub.f32 v15, v18;
	v18 =	vld [tilespmem:s14+$0x6480];
	v12 =	vmul.f32 v12, v2;
	v17 =	vmax.f32 v17, $-5.000000000e-01;
	[tilespmem:s9+$0x9480] =	vst v13;
	s9 =	smov.u32 s14;
	s17 =	simm.s32 @!p0 $0x0  }
0x195: {  	s15 =	sadd.s32 $0x4, s15;
	s16 =	sadd.s32 $0x200, s16;
	v19 =	vmul.f32 v10, v4;
	v20 =	vmul.f32 v10, v3;
	v10 =	vmin.f32 v17, $5.000000000e-01;
	s14 =	sshll.u32 s17, $0x6;
	v13 =	vld [tilespmem:s13+$0x6480];
	[tilespmem:s10+$0x9480] =	vst v14  }
0x196: {  	p1 =	slt.u32 s15, $0x1C;
	v12 =	vsub.f32 v16, v12;
	v14 =	vmul.f32 v5, v3;
	s10 =	smov.u32 s13;
	s17 =	sadd.s32 s14, s16;
	[tilespmem:s11+$0xC480] =	vst v10;
	v10 =	vmul.f32 v10, v0  }
0x197: {  	v15 =	vmax.f32 v15, $-5.000000000e-01;
	v9 =	vmul.f32 v9, v2;
	v8 =	vmul.f32 v8, v1;
	s18 =	sor.u32 $0x300, s17;
	s14 =	sor.u32 $0x310, s17;
	s19 =	sor.u32 $0x330, s17  }
0x198: {  	s13 =	sor.u32 $0x320, s17;
	v12 =	vmax.f32 v12, $-5.000000000e-01;
	v11 =	vmul.f32 v11, v1;
	v5 =	vld [tilespmem:s19+$0x480];
	v10 =	vadd.f32 v10, v14  }
0x199: {  	v15 =	vmin.f32 v15, $5.000000000e-01;
	v9 =	vsub.f32 v19, v9;
	v12 =	vmin.f32 v12, $5.000000000e-01;
	v14 =	vld [tilespmem:s19+$0x3480]  }
0x19a: {  	v17 =	vmul.f32 v12, v0;
	v16 =	vld [tilespmem:s18+$0x480];
	[tilespmem:s12+$0xC480] =	vst v15;
	v15 =	vmul.f32 v15, v0;
	v10 =	vadd.f32 v10, v11  }
0x19b: {  	v19 =	vmul.f32 v18, v1;
	v9 =	vmax.f32 v9, $-5.000000000e-01;
	v21 =	vmul.f32 v13, v1;
	v11 =	vld [tilespmem:s18+$0x3480];
	[tilespmem:s9+$0xC480] =	vst v12  }
0x19c: {  	v9 =	vmin.f32 v9, $5.000000000e-01;
	v7 =	vadd.f32 v17, v7;
	v22 =	vld [tilespmem:s14+$0x480];
	v6 =	vadd.f32 v15, v6;
	[tilespmem:s11+$0x9480] =	vst v10;
	s11 =	smov.u32 s19  }
.Ltmp6:
0x19d: {  	v13 =	vmul.f32 v9, v0;
	v12 =	vld [tilespmem:s14+$0x3480];
	[tilespmem:s10+$0xC480] =	vst v9;
	(pc) =	sbr.rel @p1 .LBB2_14-.Ltmp6, $4  }
0x19e: {  	v17 =	vmul.f32 v5, v4;
	v10 =	vld [tilespmem:s13+$0x480];
	v14 =	vmul.f32 v14, v2;
	v23 =	vadd.f32 v6, v8  }
0x19f: {  	v20 =	vadd.f32 v13, v20;
	v15 =	vmul.f32 v16, v4;
	v6 =	vmul.f32 v16, v3;
	v9 =	vld [tilespmem:s13+$0x3480]  }
0x1a0: {  	v13 =	vadd.f32 v7, v19;
	v8 =	vld [tilespmem:s18+$0x6480];
	v18 =	vmul.f32 v11, v2;
	v17 =	vsub.f32 v17, v14;
	[tilespmem:s12+$0x9480] =	vst v23;
	s12 =	smov.u32 s18  }
0x1a1: {  	p0 =	por !p0, !p0;
	v14 =	vadd.f32 v20, v21;
	v16 =	vmul.f32 v22, v4;
	v7 =	vmul.f32 v22, v3;
	v11 =	vld [tilespmem:s11+$0x6480]  }
0x1a2: {  	v15 =	vsub.f32 v15, v18;
	v12 =	vmul.f32 v12, v2  }
0x1a3: {  	v17 =	vmax.f32 v17, $-5.000000000e-01;
	v4 =	vmul.f32 v10, v4;
	v10 =	vmul.f32 v10, v3  }
0x1a4: {  	v17 =	vmin.f32 v17, $5.000000000e-01;
	v12 =	vsub.f32 v16, v12;
	v2 =	vmul.f32 v9, v2  }
0x1a5: {  	v3 =	vmul.f32 v5, v3;
	v9 =	vmul.f32 v17, v0  }
0x1a6: {  	v5 =	vld [tilespmem:s14+$0x6480];
	v15 =	vmax.f32 v15, $-5.000000000e-01;
	v12 =	vmax.f32 v12, $-5.000000000e-01;
	v2 =	vsub.f32 v4, v2  }
0x1a7: {  	[tilespmem:s9+$0x9480] =	vst v13;
	v4 =	vld [tilespmem:s13+$0x6480];
	v3 =	vadd.f32 v9, v3;
	v9 =	vmul.f32 v11, v1;
	v11 =	vmin.f32 v15, $5.000000000e-01  }
0x1a8: {  	[tilespmem:s10+$0x9480] =	vst v14;
	v12 =	vmin.f32 v12, $5.000000000e-01;
	v13 =	vmul.f32 v11, v0;
	v2 =	vmax.f32 v2, $-5.000000000e-01  }
0x1a9: {  	[tilespmem:s11+$0xC480] =	vst v17;
	v8 =	vmul.f32 v8, v1;
	v14 =	vmul.f32 v12, v0;
	v2 =	vmin.f32 v2, $5.000000000e-01  }
0x1aa: {  	[tilespmem:s12+$0xC480] =	vst v11;
	v3 =	vadd.f32 v3, v9;
	v6 =	vadd.f32 v13, v6;
	v0 =	vmul.f32 v2, v0  }
0x1ab: {  	[tilespmem:s14+$0xC480] =	vst v12;
	v5 =	vmul.f32 v5, v1;
	v7 =	vadd.f32 v14, v7  }
0x1ac: {  	[tilespmem:s11+$0x9480] =	vst v3;
	v1 =	vmul.f32 v4, v1;
	v3 =	vadd.f32 v6, v8;
	v0 =	vadd.f32 v0, v10  }
0x1ad: {  	[tilespmem:s13+$0xC480] =	vst v2;
	v2 =	vadd.f32 v7, v5  }
0x1ae: {  	[tilespmem:s12+$0x9480] =	vst v3;
	v0 =	vadd.f32 v0, v1  }
0x1af: {  	[tilespmem:s14+$0x9480] =	vst v2  }
0x1b0: {  	[tilespmem:s13+$0x9480] =	vst v0  }
0x1b1: {  	v3 =	vld [tilespmem:$0x400]  }
0x1b2: {  	v2 =	vld [tilespmem:$0x410]  }
0x1b3: {  	s19 =	simm.s32 $0x0;
	v0 =	vld [tilespmem:$0x420]  }
0x1b4: {  	s11 =	sor.u32 $0x3B0, s19;
	v4 =	vld [tilespmem:$0x430]  }
0x1b5: {  	v17 =	vld [tilespmem:s11+$0x480]  }
0x1b6: {  	s9 =	sor.u32 $0x380, s19;
	v1 =	vld [tilespmem:s11+$0x3480]  }
0x1b7: {  	v5 =	vld [tilespmem:s9+$0x480]  }
0x1b8: {  	s10 =	sor.u32 $0x390, s19;
	v6 =	vld [tilespmem:s9+$0x3480]  }
0x1b9: {  	v7 =	vld [tilespmem:s10+$0x480]  }
0x1ba: {  	s12 =	sor.u32 $0x3A0, s19;
	v8 =	vld [tilespmem:s10+$0x3480]  }
0x1bb: {  	v9 =	vld [tilespmem:s12+$0x480]  }
0x1bc: {  	v11 =	vld [tilespmem:s12+$0x3480];
	v10 =	vmul.f32 v17, v3;
	v12 =	vmul.f32 v1, v2  }
0x1bd: {  	v1 =	vld [tilespmem:$0x440];
	v13 =	vmul.f32 v5, v3  }
0x1be: {  	v5 =	vmul.f32 v5, v4;
	v6 =	vmul.f32 v6, v2;
	v15 =	vsub.f32 v10, v12;
	v10 =	vld [tilespmem:s9+$0x6480]  }
0x1bf: {  	v16 =	vmul.f32 v7, v3;
	v7 =	vmul.f32 v7, v4;
	v12 =	vld [tilespmem:s11+$0x6480]  }
0x1c0: {  	v18 =	vmul.f32 v8, v2;
	v17 =	vmul.f32 v17, v4;
	v15 =	vmax.f32 v15, $-5.000000000e-01  }
0x1c1: {  	v8 =	vld [tilespmem:s10+$0x6480];
	v14 =	vsub.f32 v13, v6;
	v13 =	vmul.f32 v9, v3;
	v19 =	vmin.f32 v15, $5.000000000e-01  }
0x1c2: {  	s14 =	simm.s32 $0x240;
	s13 =	simm.s32 $0x0;
	v6 =	vmul.f32 v9, v4;
	v9 =	vld [tilespmem:s12+$0x6480];
	v15 =	vsub.f32 v16, v18;
	[tilespmem:s11+$0xC480] =	vst v19;
	v16 =	vmul.f32 v19, v0  }
.LBB2_16:
0x1c3: {  	s16 =	sor.u32 $0x390, s14;
	s15 =	sor.u32 $0x3A0, s14;
	s17 =	sor.u32 $0x3B0, s14;
	v14 =	vmax.f32 v14, $-5.000000000e-01;
	v10 =	vmul.f32 v10, v1;
	v11 =	vmul.f32 v11, v2  }
0x1c4: {  	s18 =	sor.u32 $0x380, s14;
	s13 =	sadd.s32 $0x4, s13;
	v18 =	vld [tilespmem:s17+$0x480];
	v15 =	vmax.f32 v15, $-5.000000000e-01;
	v16 =	vadd.f32 v16, v17;
	v12 =	vmul.f32 v12, v1  }
0x1c5: {  	p0 =	slt.u32 s13, $0x1C;
	v14 =	vmin.f32 v14, $5.000000000e-01;
	v17 =	vld [tilespmem:s17+$0x3480];
	v15 =	vmin.f32 v15, $5.000000000e-01;
	v11 =	vsub.f32 v13, v11  }
0x1c6: {  	v13 =	vld [tilespmem:s18+$0x480];
	[tilespmem:s9+$0xC480] =	vst v14;
	v14 =	vmul.f32 v14, v0;
	v19 =	vmul.f32 v15, v0;
	v12 =	vadd.f32 v16, v12  }
0x1c7: {  	v8 =	vmul.f32 v8, v1;
	v9 =	vmul.f32 v9, v1;
	v16 =	vld [tilespmem:s18+$0x3480];
	[tilespmem:s10+$0xC480] =	vst v15;
	v11 =	vmax.f32 v11, $-5.000000000e-01  }
0x1c8: {  	v15 =	vld [tilespmem:s16+$0x480];
	v5 =	vadd.f32 v14, v5;
	v7 =	vadd.f32 v19, v7;
	v11 =	vmin.f32 v11, $5.000000000e-01;
	[tilespmem:s11+$0x9480] =	vst v12;
	s11 =	smov.u32 s17  }
0x1c9: {  	v19 =	vld [tilespmem:s16+$0x3480];
	[tilespmem:s12+$0xC480] =	vst v11;
	v12 =	vmul.f32 v11, v0  }
0x1ca: {  	v14 =	vmul.f32 v18, v3;
	v20 =	vld [tilespmem:s15+$0x480];
	v17 =	vmul.f32 v17, v2;
	v21 =	vadd.f32 v5, v10  }
0x1cb: {  	v22 =	vmul.f32 v13, v3;
	v5 =	vmul.f32 v13, v4;
	v11 =	vld [tilespmem:s15+$0x3480];
	v6 =	vadd.f32 v12, v6  }
.Ltmp7:
0x1cc: {  	v10 =	vld [tilespmem:s18+$0x6480];
	v13 =	vmul.f32 v16, v2;
	v16 =	vsub.f32 v14, v17;
	[tilespmem:s9+$0x9480] =	vst v21;
	v17 =	vadd.f32 v7, v8;
	s9 =	smov.u32 s18;
	(pc) =	sbr.rel @p0 .LBB2_16-.Ltmp7, $4  }
0x1cd: {  	v21 =	vmul.f32 v15, v3;
	v7 =	vmul.f32 v15, v4;
	v12 =	vld [tilespmem:s11+$0x6480];
	v15 =	vadd.f32 v6, v9  }
0x1ce: {  	v14 =	vsub.f32 v22, v13;
	v8 =	vld [tilespmem:s16+$0x6480];
	v19 =	vmul.f32 v19, v2;
	v16 =	vmax.f32 v16, $-5.000000000e-01;
	[tilespmem:s10+$0x9480] =	vst v17;
	s10 =	smov.u32 s16  }
0x1cf: {  	v9 =	vld [tilespmem:s15+$0x6480];
	v13 =	vmul.f32 v20, v3;
	v6 =	vmul.f32 v20, v4;
	v16 =	vmin.f32 v16, $5.000000000e-01;
	[tilespmem:s12+$0x9480] =	vst v15;
	s12 =	smov.u32 s15  }
0x1d0: {  	s14 =	sadd.s32 $0x240, s14;
	v17 =	vmul.f32 v18, v4;
	v15 =	vsub.f32 v21, v19;
	[tilespmem:s11+$0xC480] =	vst v16;
	v16 =	vmul.f32 v16, v0  }
0x1d1: {  	v2 =	vmul.f32 v11, v2;
	_ =	sdelay $0x1  }
0x1d2: {  	v3 =	vmax.f32 v14, $-5.000000000e-01;
	v4 =	vmax.f32 v15, $-5.000000000e-01;
	v2 =	vsub.f32 v13, v2  }
0x1d3: {  	v11 =	vadd.f32 v16, v17;
	v12 =	vmul.f32 v12, v1;
	v3 =	vmin.f32 v3, $5.000000000e-01  }
0x1d4: {  	v4 =	vmin.f32 v4, $5.000000000e-01;
	v13 =	vmul.f32 v3, v0;
	v2 =	vmax.f32 v2, $-5.000000000e-01  }
0x1d5: {  	v10 =	vmul.f32 v10, v1;
	v14 =	vmul.f32 v4, v0;
	v2 =	vmin.f32 v2, $5.000000000e-01  }
0x1d6: {  	[tilespmem:s9+$0xC480] =	vst v3;
	v3 =	vadd.f32 v11, v12;
	v5 =	vadd.f32 v13, v5;
	v0 =	vmul.f32 v2, v0  }
0x1d7: {  	[tilespmem:s10+$0xC480] =	vst v4;
	v4 =	vmul.f32 v8, v1;
	v7 =	vadd.f32 v14, v7  }
0x1d8: {  	v1 =	vmul.f32 v9, v1;
	[tilespmem:s11+$0x9480] =	vst v3;
	v3 =	vadd.f32 v5, v10;
	v0 =	vadd.f32 v0, v6  }
0x1d9: {  	[tilespmem:s12+$0xC480] =	vst v2;
	v2 =	vadd.f32 v7, v4  }
0x1da: {  	[tilespmem:s9+$0x9480] =	vst v3;
	v0 =	vadd.f32 v0, v1  }
0x1db: {  	[tilespmem:s10+$0x9480] =	vst v2  }
0x1dc: {  	[tilespmem:s12+$0x9480] =	vst v0  }
0x1dd: {  	s15 =	simm.s32 $0x0;
	s16 =	simm.s32 $0x9480;
	s10 =	rddreg [dreg:$0x13]  }
0x1de: {  	[hbm4b:s10+s15] =	stream.linear.scatter [tilespmem:s16], [sflag:$0xB], $0x1000, $0x38;
	[tilespmem:$0xF480] =	vst v63  }
0x1df: {  	s18 =	simm.s32 $0xC480;
	s17 =	rddreg [dreg:$0x14]  }
0x1e0: {  	[hbm4b:s17+s15] =	stream.linear.scatter [tilespmem:s18], [sflag:$0xE], $0x1000, $0x38;
	[tilespmem:$0xF480] =	vst v63  }
0x1e1: {  	_ =	swait.ge [sflag:s29], $0x1000  }
0x1e2: {  	[sflag:s29] =	ssyncset.done $0x0  }
0x1e3: {  	[sflag:s29] =	ssyncadd.s32 $0xFFFFF000  }
0x1e4: {  	_ =	swait.ge [sflag:s30], $0x1000  }
0x1e5: {  	[sflag:s30] =	ssyncset.done $0x0  }
0x1e6: {  	[sflag:s30] =	ssyncadd.s32 $0xFFFFF000  }
0x1e7: {  	_ =	swait.ge [sflag:s31], $0x1000  }
0x1e8: {  	[sflag:s31] =	ssyncset.done $0x0  }
0x1e9: {  	[sflag:s31] =	ssyncadd.s32 $0xFFFFF000  }
0x1ea: {  	v4 =	vld [tilespmem:$0x80]  }
0x1eb: {  	v2 =	vld [tilespmem:$0x90]  }
0x1ec: {  	v0 =	vld [tilespmem:$0xA0]  }
0x1ed: {  	s19 =	sand.u32 $0x40, s15;
	s9 =	sand.u32 $0xC00, s15;
	v3 =	vld [tilespmem:$0xB0]  }
0x1ee: {  	s9 =	sor.u32 s19, s9;
	v1 =	vld [tilespmem:$0xC0]  }
0x1ef: {  	v5 =	vld [tilespmem:s9+$0x14B0]  }
0x1f0: {  	v6 =	vld [tilespmem:s9+$0x44B0]  }
0x1f1: {  	v7 =	vld [tilespmem:s9+$0x1480]  }
0x1f2: {  	v8 =	vld [tilespmem:s9+$0x4480]  }
0x1f3: {  	v9 =	vld [tilespmem:s9+$0x1490]  }
0x1f4: {  	v10 =	vld [tilespmem:s9+$0x4490]  }
0x1f5: {  	v17 =	vld [tilespmem:s9+$0x14A0];
	v13 =	vmul.f32 v5, v4;
	v14 =	vmul.f32 v6, v2  }
0x1f6: {  	v12 =	vld [tilespmem:s9+$0x44A0];
	v15 =	vmul.f32 v7, v4  }
0x1f7: {  	v11 =	vld [tilespmem:s9+$0x7480];
	v6 =	vmul.f32 v7, v3;
	v8 =	vmul.f32 v8, v2;
	v14 =	vsub.f32 v13, v14  }
0x1f8: {  	v16 =	vmul.f32 v9, v4;
	v7 =	vmul.f32 v9, v3;
	v13 =	vld [tilespmem:s9+$0x74B0]  }
0x1f9: {  	v9 =	vld [tilespmem:s9+$0x7490];
	v18 =	vmul.f32 v10, v2;
	v15 =	vsub.f32 v15, v8;
	v19 =	vmax.f32 v14, $-5.000000000e-01  }
0x1fa: {  	s11 =	simm.s32 $0x200;
	s12 =	simm.s32 $0x40;
	s10 =	simm.s32 $0x0;
	v10 =	vld [tilespmem:s9+$0x74A0];
	v8 =	vmul.f32 v17, v3;
	v14 =	vmul.f32 v17, v4;
	v17 =	vmin.f32 v19, $5.000000000e-01  }
.LBB2_18:
0x1fb: {  	s13 =	sand.u32 $0x40, s12;
	s14 =	sand.u32 $0xC00, s11;
	v16 =	vsub.f32 v16, v18;
	[tilespmem:s9+$0xD4B0] =	vst v17;
	v17 =	vmul.f32 v17, v0;
	v18 =	vmul.f32 v5, v3  }
0x1fc: {  	s10 =	sadd.s32 $0x4, s10;
	v15 =	vmax.f32 v15, $-5.000000000e-01;
	v12 =	vmul.f32 v12, v2;
	s13 =	sor.u32 s13, s14;
	v11 =	vmul.f32 v11, v1  }
0x1fd: {  	p0 =	slt.u32 s10, $0x1C;
	v5 =	vld [tilespmem:s13+$0x14B0];
	v16 =	vmax.f32 v16, $-5.000000000e-01;
	v17 =	vadd.f32 v17, v18;
	v13 =	vmul.f32 v13, v1  }
0x1fe: {  	v15 =	vmin.f32 v15, $5.000000000e-01;
	v12 =	vsub.f32 v14, v12;
	v18 =	vld [tilespmem:s13+$0x44B0];
	v16 =	vmin.f32 v16, $5.000000000e-01  }
0x1ff: {  	v14 =	vld [tilespmem:s13+$0x1480];
	[tilespmem:s9+$0xD480] =	vst v15;
	v15 =	vmul.f32 v15, v0;
	v19 =	vmul.f32 v16, v0;
	v13 =	vadd.f32 v17, v13  }
0x200: {  	v9 =	vmul.f32 v9, v1;
	v12 =	vmax.f32 v12, $-5.000000000e-01;
	v10 =	vmul.f32 v10, v1;
	v17 =	vld [tilespmem:s13+$0x4480];
	[tilespmem:s9+$0xD490] =	vst v16  }
0x201: {  	v12 =	vmin.f32 v12, $5.000000000e-01;
	v20 =	vld [tilespmem:s13+$0x1490];
	v6 =	vadd.f32 v15, v6;
	v7 =	vadd.f32 v19, v7;
	[tilespmem:s9+$0xA4B0] =	vst v13  }
0x202: {  	v13 =	vmul.f32 v12, v0;
	v19 =	vld [tilespmem:s13+$0x4490];
	[tilespmem:s9+$0xD4A0] =	vst v12  }
0x203: {  	v15 =	vmul.f32 v5, v4;
	v21 =	vld [tilespmem:s13+$0x14A0];
	v16 =	vmul.f32 v18, v2;
	v18 =	vadd.f32 v6, v11  }
.Ltmp8:
0x204: {  	v8 =	vadd.f32 v13, v8;
	v22 =	vmul.f32 v14, v4;
	v6 =	vmul.f32 v14, v3;
	v12 =	vld [tilespmem:s13+$0x44A0];
	(pc) =	sbr.rel @p0 .LBB2_18-.Ltmp8, $4  }
0x205: {  	v23 =	vadd.f32 v7, v9;
	v11 =	vld [tilespmem:s13+$0x7480];
	v14 =	vmul.f32 v17, v2;
	v17 =	vsub.f32 v15, v16;
	[tilespmem:s9+$0xA480] =	vst v18  }
0x206: {  	v16 =	vmul.f32 v20, v4;
	v7 =	vmul.f32 v20, v3;
	v13 =	vld [tilespmem:s13+$0x74B0];
	v20 =	vadd.f32 v8, v10  }
0x207: {  	v15 =	vsub.f32 v22, v14;
	v9 =	vld [tilespmem:s13+$0x7490];
	v18 =	vmul.f32 v19, v2;
	v17 =	vmax.f32 v17, $-5.000000000e-01;
	[tilespmem:s9+$0xA490] =	vst v23  }
0x208: {  	s11 =	sadd.s32 $0x200, s11;
	s12 =	sadd.s32 $0x40, s12;
	v10 =	vld [tilespmem:s13+$0x74A0];
	v14 =	vmul.f32 v21, v4;
	v8 =	vmul.f32 v21, v3;
	v17 =	vmin.f32 v17, $5.000000000e-01;
	[tilespmem:s9+$0xA4A0] =	vst v20;
	s9 =	smov.u32 s13  }
0x209: {  	v4 =	vsub.f32 v16, v18;
	v2 =	vmul.f32 v12, v2  }
0x20a: {  	v12 =	vmul.f32 v17, v0;
	v3 =	vmul.f32 v5, v3;
	v5 =	vmax.f32 v15, $-5.000000000e-01  }
0x20b: {  	v5 =	vmin.f32 v5, $5.000000000e-01;
	v2 =	vsub.f32 v14, v2  }
0x20c: {  	v4 =	vmax.f32 v4, $-5.000000000e-01;
	v3 =	vadd.f32 v12, v3;
	v12 =	vmul.f32 v13, v1  }
0x20d: {  	v13 =	vmul.f32 v5, v0;
	v4 =	vmin.f32 v4, $5.000000000e-01;
	v2 =	vmax.f32 v2, $-5.000000000e-01  }
0x20e: {  	[tilespmem:s9+$0xD4B0] =	vst v17;
	v11 =	vmul.f32 v11, v1;
	v14 =	vmul.f32 v4, v0;
	v2 =	vmin.f32 v2, $5.000000000e-01  }
0x20f: {  	[tilespmem:s9+$0xD480] =	vst v5;
	v3 =	vadd.f32 v3, v12;
	v5 =	vadd.f32 v13, v6;
	v0 =	vmul.f32 v2, v0  }
0x210: {  	[tilespmem:s9+$0xD490] =	vst v4;
	v4 =	vmul.f32 v9, v1;
	v6 =	vadd.f32 v14, v7  }
0x211: {  	v1 =	vmul.f32 v10, v1;
	[tilespmem:s9+$0xA4B0] =	vst v3;
	v3 =	vadd.f32 v5, v11;
	v0 =	vadd.f32 v0, v8  }
0x212: {  	[tilespmem:s9+$0xD4A0] =	vst v2;
	v2 =	vadd.f32 v6, v4  }
0x213: {  	[tilespmem:s9+$0xA480] =	vst v3;
	v0 =	vadd.f32 v0, v1  }
0x214: {  	[tilespmem:s9+$0xA490] =	vst v2  }
0x215: {  	[tilespmem:s9+$0xA4A0] =	vst v0  }
0x216: {  	v4 =	vld [tilespmem:$0x100]  }
0x217: {  	v2 =	vld [tilespmem:$0x110]  }
0x218: {  	s19 =	simm.s32 $0x0;
	v0 =	vld [tilespmem:$0x120]  }
0x219: {  	s10 =	sand.u32 $0x40, s19;
	s9 =	sand.u32 $0xC00, s19;
	v3 =	vld [tilespmem:$0x130]  }
0x21a: {  	v1 =	vld [tilespmem:$0x140];
	s9 =	sor.u32 s10, s9  }
0x21b: {  	v5 =	vld [tilespmem:s9+$0x1530]  }
0x21c: {  	v6 =	vld [tilespmem:s9+$0x4530]  }
0x21d: {  	v7 =	vld [tilespmem:s9+$0x1500]  }
0x21e: {  	v8 =	vld [tilespmem:s9+$0x4500]  }
0x21f: {  	v9 =	vld [tilespmem:s9+$0x1510]  }
0x220: {  	v10 =	vld [tilespmem:s9+$0x4510]  }
0x221: {  	v17 =	vld [tilespmem:s9+$0x1520];
	v13 =	vmul.f32 v5, v4;
	v14 =	vmul.f32 v6, v2  }
0x222: {  	v12 =	vld [tilespmem:s9+$0x4520];
	v15 =	vmul.f32 v7, v4  }
0x223: {  	v11 =	vld [tilespmem:s9+$0x7500];
	v6 =	vmul.f32 v7, v3;
	v8 =	vmul.f32 v8, v2;
	v14 =	vsub.f32 v13, v14  }
0x224: {  	v16 =	vmul.f32 v9, v4;
	v7 =	vmul.f32 v9, v3;
	v13 =	vld [tilespmem:s9+$0x7530]  }
0x225: {  	v9 =	vld [tilespmem:s9+$0x7510];
	v18 =	vmul.f32 v10, v2;
	v15 =	vsub.f32 v15, v8;
	v19 =	vmax.f32 v14, $-5.000000000e-01  }
0x226: {  	s11 =	simm.s32 $0x200;
	s12 =	simm.s32 $0x40;
	s10 =	simm.s32 $0x0;
	v10 =	vld [tilespmem:s9+$0x7520];
	v8 =	vmul.f32 v17, v3;
	v14 =	vmul.f32 v17, v4;
	v17 =	vmin.f32 v19, $5.000000000e-01  }
.LBB2_20:
0x227: {  	s13 =	sand.u32 $0x40, s12;
	s14 =	sand.u32 $0xC00, s11;
	v16 =	vsub.f32 v16, v18;
	[tilespmem:s9+$0xD530] =	vst v17;
	v17 =	vmul.f32 v17, v0;
	v18 =	vmul.f32 v5, v3  }
0x228: {  	s10 =	sadd.s32 $0x4, s10;
	v15 =	vmax.f32 v15, $-5.000000000e-01;
	v12 =	vmul.f32 v12, v2;
	s13 =	sor.u32 s13, s14;
	v11 =	vmul.f32 v11, v1  }
0x229: {  	p0 =	slt.u32 s10, $0x1C;
	v5 =	vld [tilespmem:s13+$0x1530];
	v16 =	vmax.f32 v16, $-5.000000000e-01;
	v17 =	vadd.f32 v17, v18;
	v13 =	vmul.f32 v13, v1  }
0x22a: {  	v15 =	vmin.f32 v15, $5.000000000e-01;
	v12 =	vsub.f32 v14, v12;
	v18 =	vld [tilespmem:s13+$0x4530];
	v16 =	vmin.f32 v16, $5.000000000e-01  }
0x22b: {  	v14 =	vld [tilespmem:s13+$0x1500];
	[tilespmem:s9+$0xD500] =	vst v15;
	v15 =	vmul.f32 v15, v0;
	v19 =	vmul.f32 v16, v0;
	v13 =	vadd.f32 v17, v13  }
0x22c: {  	v9 =	vmul.f32 v9, v1;
	v12 =	vmax.f32 v12, $-5.000000000e-01;
	v10 =	vmul.f32 v10, v1;
	v17 =	vld [tilespmem:s13+$0x4500];
	[tilespmem:s9+$0xD510] =	vst v16  }
0x22d: {  	v12 =	vmin.f32 v12, $5.000000000e-01;
	v20 =	vld [tilespmem:s13+$0x1510];
	v6 =	vadd.f32 v15, v6;
	v7 =	vadd.f32 v19, v7;
	[tilespmem:s9+$0xA530] =	vst v13  }
0x22e: {  	v13 =	vmul.f32 v12, v0;
	v19 =	vld [tilespmem:s13+$0x4510];
	[tilespmem:s9+$0xD520] =	vst v12  }
0x22f: {  	v15 =	vmul.f32 v5, v4;
	v21 =	vld [tilespmem:s13+$0x1520];
	v16 =	vmul.f32 v18, v2;
	v18 =	vadd.f32 v6, v11  }
.Ltmp9:
0x230: {  	v8 =	vadd.f32 v13, v8;
	v22 =	vmul.f32 v14, v4;
	v6 =	vmul.f32 v14, v3;
	v12 =	vld [tilespmem:s13+$0x4520];
	(pc) =	sbr.rel @p0 .LBB2_20-.Ltmp9, $4  }
0x231: {  	v23 =	vadd.f32 v7, v9;
	v11 =	vld [tilespmem:s13+$0x7500];
	v14 =	vmul.f32 v17, v2;
	v17 =	vsub.f32 v15, v16;
	[tilespmem:s9+$0xA500] =	vst v18  }
0x232: {  	v16 =	vmul.f32 v20, v4;
	v7 =	vmul.f32 v20, v3;
	v13 =	vld [tilespmem:s13+$0x7530];
	v20 =	vadd.f32 v8, v10  }
0x233: {  	v15 =	vsub.f32 v22, v14;
	v9 =	vld [tilespmem:s13+$0x7510];
	v18 =	vmul.f32 v19, v2;
	v17 =	vmax.f32 v17, $-5.000000000e-01;
	[tilespmem:s9+$0xA510] =	vst v23  }
0x234: {  	s11 =	sadd.s32 $0x200, s11;
	s12 =	sadd.s32 $0x40, s12;
	v10 =	vld [tilespmem:s13+$0x7520];
	v14 =	vmul.f32 v21, v4;
	v8 =	vmul.f32 v21, v3;
	v17 =	vmin.f32 v17, $5.000000000e-01;
	[tilespmem:s9+$0xA520] =	vst v20;
	s9 =	smov.u32 s13  }
0x235: {  	v4 =	vsub.f32 v16, v18;
	v2 =	vmul.f32 v12, v2  }
0x236: {  	v12 =	vmul.f32 v17, v0;
	v3 =	vmul.f32 v5, v3;
	v5 =	vmax.f32 v15, $-5.000000000e-01  }
0x237: {  	v5 =	vmin.f32 v5, $5.000000000e-01;
	v2 =	vsub.f32 v14, v2  }
0x238: {  	v4 =	vmax.f32 v4, $-5.000000000e-01;
	v3 =	vadd.f32 v12, v3;
	v12 =	vmul.f32 v13, v1  }
0x239: {  	v13 =	vmul.f32 v5, v0;
	v4 =	vmin.f32 v4, $5.000000000e-01;
	v2 =	vmax.f32 v2, $-5.000000000e-01  }
0x23a: {  	[tilespmem:s9+$0xD530] =	vst v17;
	v11 =	vmul.f32 v11, v1;
	v14 =	vmul.f32 v4, v0;
	v2 =	vmin.f32 v2, $5.000000000e-01  }
0x23b: {  	[tilespmem:s9+$0xD500] =	vst v5;
	v3 =	vadd.f32 v3, v12;
	v5 =	vadd.f32 v13, v6;
	v0 =	vmul.f32 v2, v0  }
0x23c: {  	[tilespmem:s9+$0xD510] =	vst v4;
	v4 =	vmul.f32 v9, v1;
	v6 =	vadd.f32 v14, v7  }
0x23d: {  	v1 =	vmul.f32 v10, v1;
	[tilespmem:s9+$0xA530] =	vst v3;
	v3 =	vadd.f32 v5, v11;
	v0 =	vadd.f32 v0, v8  }
0x23e: {  	[tilespmem:s9+$0xD520] =	vst v2;
	v2 =	vadd.f32 v6, v4  }
0x23f: {  	[tilespmem:s9+$0xA500] =	vst v3;
	v0 =	vadd.f32 v0, v1  }
0x240: {  	[tilespmem:s9+$0xA510] =	vst v2  }
0x241: {  	[tilespmem:s9+$0xA520] =	vst v0  }
0x242: {  	v4 =	vld [tilespmem:$0x180]  }
0x243: {  	v2 =	vld [tilespmem:$0x190]  }
0x244: {  	s19 =	simm.s32 $0x0;
	v0 =	vld [tilespmem:$0x1A0]  }
0x245: {  	s10 =	sand.u32 $0x40, s19;
	s9 =	sand.u32 $0xC00, s19;
	v3 =	vld [tilespmem:$0x1B0]  }
0x246: {  	v1 =	vld [tilespmem:$0x1C0];
	s9 =	sor.u32 s10, s9  }
0x247: {  	v5 =	vld [tilespmem:s9+$0x15B0]  }
0x248: {  	v6 =	vld [tilespmem:s9+$0x45B0]  }
0x249: {  	v7 =	vld [tilespmem:s9+$0x1580]  }
0x24a: {  	v8 =	vld [tilespmem:s9+$0x4580]  }
0x24b: {  	v9 =	vld [tilespmem:s9+$0x1590]  }
0x24c: {  	v10 =	vld [tilespmem:s9+$0x4590]  }
0x24d: {  	v17 =	vld [tilespmem:s9+$0x15A0];
	v13 =	vmul.f32 v5, v4;
	v14 =	vmul.f32 v6, v2  }
0x24e: {  	v12 =	vld [tilespmem:s9+$0x45A0];
	v15 =	vmul.f32 v7, v4  }
0x24f: {  	v11 =	vld [tilespmem:s9+$0x7580];
	v6 =	vmul.f32 v7, v3;
	v8 =	vmul.f32 v8, v2;
	v14 =	vsub.f32 v13, v14  }
0x250: {  	v16 =	vmul.f32 v9, v4;
	v7 =	vmul.f32 v9, v3;
	v13 =	vld [tilespmem:s9+$0x75B0]  }
0x251: {  	v9 =	vld [tilespmem:s9+$0x7590];
	v18 =	vmul.f32 v10, v2;
	v15 =	vsub.f32 v15, v8;
	v19 =	vmax.f32 v14, $-5.000000000e-01  }
0x252: {  	s11 =	simm.s32 $0x200;
	s12 =	simm.s32 $0x40;
	s10 =	simm.s32 $0x0;
	v10 =	vld [tilespmem:s9+$0x75A0];
	v8 =	vmul.f32 v17, v3;
	v14 =	vmul.f32 v17, v4;
	v17 =	vmin.f32 v19, $5.000000000e-01  }
.LBB2_22:
0x253: {  	s13 =	sand.u32 $0x40, s12;
	s14 =	sand.u32 $0xC00, s11;
	v16 =	vsub.f32 v16, v18;
	[tilespmem:s9+$0xD5B0] =	vst v17;
	v17 =	vmul.f32 v17, v0;
	v18 =	vmul.f32 v5, v3  }
0x254: {  	s10 =	sadd.s32 $0x4, s10;
	v15 =	vmax.f32 v15, $-5.000000000e-01;
	v12 =	vmul.f32 v12, v2;
	s13 =	sor.u32 s13, s14;
	v11 =	vmul.f32 v11, v1  }
0x255: {  	p0 =	slt.u32 s10, $0x1C;
	v5 =	vld [tilespmem:s13+$0x15B0];
	v16 =	vmax.f32 v16, $-5.000000000e-01;
	v17 =	vadd.f32 v17, v18;
	v13 =	vmul.f32 v13, v1  }
0x256: {  	v15 =	vmin.f32 v15, $5.000000000e-01;
	v12 =	vsub.f32 v14, v12;
	v18 =	vld [tilespmem:s13+$0x45B0];
	v16 =	vmin.f32 v16, $5.000000000e-01  }
0x257: {  	v14 =	vld [tilespmem:s13+$0x1580];
	[tilespmem:s9+$0xD580] =	vst v15;
	v15 =	vmul.f32 v15, v0;
	v19 =	vmul.f32 v16, v0;
	v13 =	vadd.f32 v17, v13  }
0x258: {  	v9 =	vmul.f32 v9, v1;
	v12 =	vmax.f32 v12, $-5.000000000e-01;
	v10 =	vmul.f32 v10, v1;
	v17 =	vld [tilespmem:s13+$0x4580];
	[tilespmem:s9+$0xD590] =	vst v16  }
0x259: {  	v12 =	vmin.f32 v12, $5.000000000e-01;
	v20 =	vld [tilespmem:s13+$0x1590];
	v6 =	vadd.f32 v15, v6;
	v7 =	vadd.f32 v19, v7;
	[tilespmem:s9+$0xA5B0] =	vst v13  }
0x25a: {  	v13 =	vmul.f32 v12, v0;
	v19 =	vld [tilespmem:s13+$0x4590];
	[tilespmem:s9+$0xD5A0] =	vst v12  }
0x25b: {  	v15 =	vmul.f32 v5, v4;
	v21 =	vld [tilespmem:s13+$0x15A0];
	v16 =	vmul.f32 v18, v2;
	v18 =	vadd.f32 v6, v11  }
.Ltmp10:
0x25c: {  	v8 =	vadd.f32 v13, v8;
	v22 =	vmul.f32 v14, v4;
	v6 =	vmul.f32 v14, v3;
	v12 =	vld [tilespmem:s13+$0x45A0];
	(pc) =	sbr.rel @p0 .LBB2_22-.Ltmp10, $4  }
0x25d: {  	v23 =	vadd.f32 v7, v9;
	v11 =	vld [tilespmem:s13+$0x7580];
	v14 =	vmul.f32 v17, v2;
	v17 =	vsub.f32 v15, v16;
	[tilespmem:s9+$0xA580] =	vst v18  }
0x25e: {  	v16 =	vmul.f32 v20, v4;
	v7 =	vmul.f32 v20, v3;
	v13 =	vld [tilespmem:s13+$0x75B0];
	v20 =	vadd.f32 v8, v10  }
0x25f: {  	v15 =	vsub.f32 v22, v14;
	v9 =	vld [tilespmem:s13+$0x7590];
	v18 =	vmul.f32 v19, v2;
	v17 =	vmax.f32 v17, $-5.000000000e-01;
	[tilespmem:s9+$0xA590] =	vst v23  }
0x260: {  	s11 =	sadd.s32 $0x200, s11;
	s12 =	sadd.s32 $0x40, s12;
	v10 =	vld [tilespmem:s13+$0x75A0];
	v14 =	vmul.f32 v21, v4;
	v8 =	vmul.f32 v21, v3;
	v17 =	vmin.f32 v17, $5.000000000e-01;
	[tilespmem:s9+$0xA5A0] =	vst v20;
	s9 =	smov.u32 s13  }
0x261: {  	v4 =	vsub.f32 v16, v18;
	v2 =	vmul.f32 v12, v2  }
0x262: {  	v12 =	vmul.f32 v17, v0;
	v3 =	vmul.f32 v5, v3;
	v5 =	vmax.f32 v15, $-5.000000000e-01  }
0x263: {  	v5 =	vmin.f32 v5, $5.000000000e-01;
	v2 =	vsub.f32 v14, v2  }
0x264: {  	v4 =	vmax.f32 v4, $-5.000000000e-01;
	v3 =	vadd.f32 v12, v3;
	v12 =	vmul.f32 v13, v1  }
0x265: {  	v13 =	vmul.f32 v5, v0;
	v4 =	vmin.f32 v4, $5.000000000e-01;
	v2 =	vmax.f32 v2, $-5.000000000e-01  }
0x266: {  	[tilespmem:s9+$0xD5B0] =	vst v17;
	v11 =	vmul.f32 v11, v1;
	v14 =	vmul.f32 v4, v0;
	v2 =	vmin.f32 v2, $5.000000000e-01  }
0x267: {  	[tilespmem:s9+$0xD580] =	vst v5;
	v3 =	vadd.f32 v3, v12;
	v5 =	vadd.f32 v13, v6;
	v0 =	vmul.f32 v2, v0  }
0x268: {  	[tilespmem:s9+$0xD590] =	vst v4;
	v4 =	vmul.f32 v9, v1;
	v6 =	vadd.f32 v14, v7  }
0x269: {  	v1 =	vmul.f32 v10, v1;
	[tilespmem:s9+$0xA5B0] =	vst v3;
	v3 =	vadd.f32 v5, v11;
	v0 =	vadd.f32 v0, v8  }
0x26a: {  	[tilespmem:s9+$0xD5A0] =	vst v2;
	v2 =	vadd.f32 v6, v4  }
0x26b: {  	[tilespmem:s9+$0xA580] =	vst v3;
	v0 =	vadd.f32 v0, v1  }
0x26c: {  	[tilespmem:s9+$0xA590] =	vst v2  }
0x26d: {  	s19 =	simm.s32 $0x0;
	[tilespmem:s9+$0xA5A0] =	vst v0  }
0x26e: {  	s9 =	sand.u32 $0xFFFFFC00, s19;
	v4 =	vld [tilespmem:$0x200]  }
0x26f: {  	v2 =	vld [tilespmem:$0x210];
	s9 =	sadd.s32 $0x0, s9  }
0x270: {  	v3 =	vld [tilespmem:$0x230];
	s15 =	sor.u32 $0x11B0, s9  }
0x271: {  	v5 =	vld [tilespmem:s15+$0x480]  }
0x272: {  	s14 =	sor.u32 $0x1180, s9;
	v0 =	vld [tilespmem:s15+$0x3480]  }
0x273: {  	v1 =	vld [tilespmem:s14+$0x480]  }
0x274: {  	s17 =	sor.u32 $0x1190, s9;
	v6 =	vld [tilespmem:s14+$0x3480]  }
0x275: {  	v7 =	vld [tilespmem:s17+$0x480]  }
0x276: {  	s9 =	sor.u32 $0x11A0, s9;
	v8 =	vld [tilespmem:s17+$0x3480]  }
0x277: {  	v14 =	vld [tilespmem:s9+$0x3480]  }
0x278: {  	v9 =	vld [tilespmem:s9+$0x480]  }
0x279: {  	v15 =	vld [tilespmem:s15+$0x6480];
	v10 =	vmul.f32 v5, v4;
	v11 =	vmul.f32 v0, v2  }
0x27a: {  	v0 =	vld [tilespmem:$0x220];
	v12 =	vmul.f32 v1, v4;
	v13 =	vmul.f32 v1, v3  }
0x27b: {  	v1 =	vld [tilespmem:$0x240];
	v6 =	vmul.f32 v6, v2;
	v8 =	vmul.f32 v8, v2;
	v10 =	vsub.f32 v10, v11  }
0x27c: {  	s10 =	simm.s32 $0x200;
	v18 =	vmul.f32 v5, v3;
	v14 =	vmul.f32 v14, v2  }
0x27d: {  	s10 =	sand.u32 $0xFFFFFC00, s10;
	v16 =	vld [tilespmem:s14+$0x6480];
	v11 =	vmul.f32 v7, v4;
	v7 =	vmul.f32 v7, v3;
	v10 =	vmax.f32 v10, $-5.000000000e-01  }
0x27e: {  	s13 =	sadd.s32 $0x40, s10;
	v17 =	vld [tilespmem:s17+$0x6480];
	v6 =	vsub.f32 v12, v6;
	v12 =	vmul.f32 v9, v4;
	v10 =	vmin.f32 v10, $5.000000000e-01  }
0x27f: {  	s10 =	sor.u32 $0x11B0, s13;
	v19 =	vld [tilespmem:s9+$0x6480];
	v9 =	vmul.f32 v9, v3;
	v8 =	vsub.f32 v11, v8;
	v11 =	vmul.f32 v10, v0  }
0x280: {  	v5 =	vld [tilespmem:s10+$0x480];
	v6 =	vmax.f32 v6, $-5.000000000e-01;
	v12 =	vsub.f32 v12, v14;
	v15 =	vmul.f32 v15, v1  }
0x281: {  	s11 =	sor.u32 $0x1180, s13;
	v6 =	vmin.f32 v6, $5.000000000e-01;
	v8 =	vmax.f32 v8, $-5.000000000e-01;
	v11 =	vadd.f32 v11, v18;
	v18 =	vld [tilespmem:s10+$0x3480]  }
0x282: {  	v14 =	vmul.f32 v16, v1;
	v16 =	vld [tilespmem:s11+$0x480];
	v20 =	vmul.f32 v6, v0;
	v8 =	vmin.f32 v8, $5.000000000e-01  }
0x283: {  	s12 =	sor.u32 $0x1190, s13;
	v22 =	vld [tilespmem:s11+$0x3480];
	v21 =	vmul.f32 v8, v0;
	v15 =	vadd.f32 v11, v15;
	v11 =	vmax.f32 v12, $-5.000000000e-01  }
0x284: {  	[tilespmem:s15+$0xC480] =	vst v10;
	v10 =	vadd.f32 v20, v13;
	v13 =	vld [tilespmem:s12+$0x480];
	v12 =	vmul.f32 v17, v1;
	v17 =	vmin.f32 v11, $5.000000000e-01  }
0x285: {  	s13 =	sor.u32 $0x11A0, s13;
	v61 =	vld [tilespmem:s12+$0x3480];
	v19 =	vmul.f32 v19, v1;
	[tilespmem:s14+$0xC480] =	vst v6;
	v7 =	vadd.f32 v21, v7;
	v62 =	vmul.f32 v17, v0  }
0x286: {  	[tilespmem:s17+$0xC480] =	vst v8;
	v8 =	vadd.f32 v10, v14;
	v14 =	vmul.f32 v5, v4;
	v11 =	vld [tilespmem:s13+$0x480];
	v18 =	vmul.f32 v18, v2  }
0x287: {  	v23 =	vmul.f32 v16, v4;
	v6 =	vmul.f32 v16, v3;
	v10 =	vld [tilespmem:s13+$0x3480];
	[tilespmem:s15+$0x9480] =	vst v15;
	v16 =	vadd.f32 v62, v9  }
0x288: {  	[tilespmem:s9+$0xC480] =	vst v17;
	v17 =	vmul.f32 v22, v2;
	v63 =	vadd.f32 v7, v12;
	v9 =	vld [tilespmem:s11+$0x6480];
	v18 =	vsub.f32 v14, v18  }
0x289: {  	[tilespmem:s14+$0x9480] =	vst v8;
	v12 =	vld [tilespmem:s10+$0x6480];
	v15 =	vmul.f32 v13, v4;
	v7 =	vmul.f32 v13, v3;
	v14 =	vadd.f32 v16, v19  }
0x28a: {  	s16 =	simm.s32 $0x400;
	s14 =	simm.s32 $0x40;
	s15 =	simm.s32 $0x4;
	v8 =	vld [tilespmem:s12+$0x6480];
	v13 =	vsub.f32 v23, v17;
	[tilespmem:s17+$0x9480] =	vst v63;
	v16 =	vmul.f32 v61, v2;
	v17 =	vmax.f32 v18, $-5.000000000e-01  }
.LBB2_24:
0x28b: {  	s17 =	sand.u32 $0xFFFFFC00, s16;
	v18 =	vld [tilespmem:s13+$0x6480];
	v19 =	vmul.f32 v11, v4;
	v20 =	vmul.f32 v11, v3;
	v11 =	vmin.f32 v17, $5.000000000e-01;
	s14 =	sadd.s32 $0x40, s14;
	[tilespmem:s9+$0x9480] =	vst v14;
	s9 =	smov.u32 s13  }
0x28c: {  	s15 =	sadd.s32 $0x4, s15;
	s13 =	sadd.s32 s17, s14;
	v14 =	vsub.f32 v15, v16;
	[tilespmem:s10+$0xC480] =	vst v11;
	v11 =	vmul.f32 v11, v0;
	v15 =	vmul.f32 v5, v3  }
0x28d: {  	p0 =	slt.u32 s15, $0x1C;
	v13 =	vmax.f32 v13, $-5.000000000e-01;
	v10 =	vmul.f32 v10, v2;
	s18 =	sor.u32 $0x1180, s13;
	s19 =	sor.u32 $0x11B0, s13;
	v9 =	vmul.f32 v9, v1  }
0x28e: {  	s17 =	sor.u32 $0x1190, s13;
	s13 =	sor.u32 $0x11A0, s13;
	v5 =	vld [tilespmem:s19+$0x480];
	v14 =	vmax.f32 v14, $-5.000000000e-01;
	v11 =	vadd.f32 v11, v15;
	v12 =	vmul.f32 v12, v1  }
0x28f: {  	v13 =	vmin.f32 v13, $5.000000000e-01;
	v10 =	vsub.f32 v19, v10;
	v15 =	vld [tilespmem:s19+$0x3480];
	v14 =	vmin.f32 v14, $5.000000000e-01  }
0x290: {  	v16 =	vld [tilespmem:s18+$0x480];
	[tilespmem:s11+$0xC480] =	vst v13;
	v13 =	vmul.f32 v13, v0;
	v17 =	vmul.f32 v14, v0;
	v11 =	vadd.f32 v11, v12  }
0x291: {  	v8 =	vmul.f32 v8, v1;
	v10 =	vmax.f32 v10, $-5.000000000e-01;
	v12 =	vld [tilespmem:s18+$0x3480];
	[tilespmem:s12+$0xC480] =	vst v14;
	v14 =	vmul.f32 v18, v1  }
0x292: {  	v10 =	vmin.f32 v10, $5.000000000e-01;
	v18 =	vld [tilespmem:s17+$0x480];
	v6 =	vadd.f32 v13, v6;
	v7 =	vadd.f32 v17, v7;
	[tilespmem:s10+$0x9480] =	vst v11;
	s10 =	smov.u32 s19  }
0x293: {  	v13 =	vmul.f32 v10, v0;
	v17 =	vld [tilespmem:s17+$0x3480];
	[tilespmem:s9+$0xC480] =	vst v10  }
.Ltmp11:
0x294: {  	v19 =	vmul.f32 v5, v4;
	v11 =	vld [tilespmem:s13+$0x480];
	v15 =	vmul.f32 v15, v2;
	v21 =	vadd.f32 v6, v9;
	(pc) =	sbr.rel @p0 .LBB2_24-.Ltmp11, $4  }
0x295: {  	v13 =	vadd.f32 v13, v20;
	v22 =	vmul.f32 v16, v4;
	v6 =	vmul.f32 v16, v3;
	v10 =	vld [tilespmem:s13+$0x3480]  }
0x296: {  	v20 =	vadd.f32 v7, v8;
	v9 =	vld [tilespmem:s18+$0x6480];
	v16 =	vmul.f32 v12, v2;
	v19 =	vsub.f32 v19, v15;
	[tilespmem:s11+$0x9480] =	vst v21;
	s11 =	smov.u32 s18  }
0x297: {  	v14 =	vadd.f32 v13, v14;
	v15 =	vmul.f32 v18, v4;
	v7 =	vmul.f32 v18, v3;
	v12 =	vld [tilespmem:s10+$0x6480]  }
0x298: {  	s16 =	sadd.s32 $0x200, s16;
	v13 =	vsub.f32 v22, v16;
	v8 =	vld [tilespmem:s17+$0x6480];
	v16 =	vmul.f32 v17, v2;
	v17 =	vmax.f32 v19, $-5.000000000e-01;
	[tilespmem:s12+$0x9480] =	vst v20;
	s12 =	smov.u32 s17  }
0x299: {  	v4 =	vmul.f32 v11, v4;
	v11 =	vmul.f32 v11, v3  }
0x29a: {  	v17 =	vmin.f32 v17, $5.000000000e-01;
	v3 =	vmul.f32 v5, v3;
	v2 =	vmul.f32 v10, v2  }
0x29b: {  	v15 =	vsub.f32 v15, v16;
	v10 =	vmul.f32 v17, v0;
	v5 =	vmax.f32 v13, $-5.000000000e-01  }
0x29c: {  	v5 =	vmin.f32 v5, $5.000000000e-01;
	v2 =	vsub.f32 v4, v2  }
0x29d: {  	v13 =	vmax.f32 v15, $-5.000000000e-01;
	v4 =	vld [tilespmem:s13+$0x6480];
	v3 =	vadd.f32 v10, v3;
	v10 =	vmul.f32 v12, v1  }
0x29e: {  	[tilespmem:s9+$0x9480] =	vst v14;
	v12 =	vmin.f32 v13, $5.000000000e-01;
	v13 =	vmul.f32 v5, v0;
	v2 =	vmax.f32 v2, $-5.000000000e-01  }
0x29f: {  	[tilespmem:s10+$0xC480] =	vst v17;
	v9 =	vmul.f32 v9, v1;
	v14 =	vmul.f32 v12, v0;
	v2 =	vmin.f32 v2, $5.000000000e-01  }
0x2a0: {  	[tilespmem:s11+$0xC480] =	vst v5;
	v3 =	vadd.f32 v3, v10;
	v5 =	vadd.f32 v13, v6;
	v0 =	vmul.f32 v2, v0  }
0x2a1: {  	[tilespmem:s12+$0xC480] =	vst v12;
	v6 =	vmul.f32 v8, v1;
	v7 =	vadd.f32 v14, v7  }
0x2a2: {  	[tilespmem:s10+$0x9480] =	vst v3;
	v1 =	vmul.f32 v4, v1;
	v3 =	vadd.f32 v5, v9;
	v0 =	vadd.f32 v0, v11  }
0x2a3: {  	[tilespmem:s13+$0xC480] =	vst v2;
	v2 =	vadd.f32 v7, v6  }
0x2a4: {  	[tilespmem:s11+$0x9480] =	vst v3;
	v0 =	vadd.f32 v0, v1  }
0x2a5: {  	p0 =	por $0x0, $0x0;
	s9 =	simm.s32 $0x1;
	[tilespmem:s12+$0x9480] =	vst v2  }
0x2a6: {  	s9 =	simm.s32 @!p0 $0x0;
	[tilespmem:s13+$0x9480] =	vst v0  }
0x2a7: {  	s9 =	sshll.u32 s9, $0x6;
	v4 =	vld [tilespmem:$0x280]  }
0x2a8: {  	s18 =	sadd.s32 $0x0, s9;
	v2 =	vld [tilespmem:$0x290]  }
0x2a9: {  	s15 =	sor.u32 $0x1230, s18;
	v3 =	vld [tilespmem:$0x2B0]  }
0x2aa: {  	v5 =	vld [tilespmem:s15+$0x480]  }
0x2ab: {  	s17 =	sor.u32 $0x1200, s18;
	v0 =	vld [tilespmem:s15+$0x3480]  }
0x2ac: {  	v1 =	vld [tilespmem:s17+$0x480]  }
0x2ad: {  	s9 =	sor.u32 $0x1210, s18;
	v6 =	vld [tilespmem:s17+$0x3480]  }
0x2ae: {  	v7 =	vld [tilespmem:s9+$0x480]  }
0x2af: {  	s10 =	sor.u32 $0x1220, s18;
	v8 =	vld [tilespmem:s9+$0x3480]  }
0x2b0: {  	v14 =	vld [tilespmem:s10+$0x3480]  }
0x2b1: {  	v9 =	vld [tilespmem:s10+$0x480]  }
0x2b2: {  	v15 =	vld [tilespmem:s15+$0x6480];
	v10 =	vmul.f32 v5, v4;
	v11 =	vmul.f32 v0, v2  }
0x2b3: {  	v16 =	vld [tilespmem:s17+$0x6480];
	v12 =	vmul.f32 v1, v4;
	v13 =	vmul.f32 v1, v3  }
0x2b4: {  	p0 =	por !p0, !p0;
	s11 =	simm.s32 $0x1;
	v1 =	vld [tilespmem:$0x2C0];
	v6 =	vmul.f32 v6, v2;
	v8 =	vmul.f32 v8, v2  }
0x2b5: {  	s11 =	simm.s32 @!p0 $0x0;
	v0 =	vld [tilespmem:$0x2A0];
	v18 =	vmul.f32 v5, v3;
	v14 =	vmul.f32 v14, v2  }
0x2b6: {  	s11 =	sshll.u32 s11, $0x6;
	v17 =	vld [tilespmem:s9+$0x6480];
	v10 =	vsub.f32 v10, v11;
	v11 =	vmul.f32 v7, v4;
	v6 =	vsub.f32 v12, v6  }
0x2b7: {  	s19 =	sadd.s32 $0x200, s11;
	v7 =	vmul.f32 v7, v3;
	v12 =	vmul.f32 v9, v4  }
0x2b8: {  	v19 =	vld [tilespmem:s10+$0x6480];
	s12 =	sor.u32 $0x1200, s19;
	v10 =	vmax.f32 v10, $-5.000000000e-01;
	v8 =	vsub.f32 v11, v8;
	v6 =	vmax.f32 v6, $-5.000000000e-01  }
0x2b9: {  	s11 =	sor.u32 $0x1230, s19;
	v22 =	vld [tilespmem:s12+$0x3480];
	v12 =	vsub.f32 v12, v14;
	v10 =	vmin.f32 v10, $5.000000000e-01;
	v15 =	vmul.f32 v15, v1  }
0x2ba: {  	v5 =	vld [tilespmem:s11+$0x480];
	v6 =	vmin.f32 v6, $5.000000000e-01;
	v14 =	vmul.f32 v16, v1;
	v11 =	vmul.f32 v10, v0  }
0x2bb: {  	v16 =	vld [tilespmem:s12+$0x480];
	v23 =	vmul.f32 v17, v1;
	v8 =	vmax.f32 v8, $-5.000000000e-01;
	v20 =	vmul.f32 v6, v0  }
0x2bc: {  	s14 =	sor.u32 $0x1210, s19;
	v12 =	vmax.f32 v12, $-5.000000000e-01;
	v8 =	vmin.f32 v8, $5.000000000e-01;
	v11 =	vadd.f32 v11, v18;
	v18 =	vld [tilespmem:s11+$0x3480]  }
0x2bd: {  	v17 =	vmin.f32 v12, $5.000000000e-01;
	v21 =	vmul.f32 v8, v0;
	v13 =	vadd.f32 v20, v13;
	v20 =	vld [tilespmem:s14+$0x480]  }
0x2be: {  	s13 =	sor.u32 $0x1220, s19;
	v9 =	vmul.f32 v9, v3;
	[tilespmem:s15+$0xC480] =	vst v10;
	v63 =	vmul.f32 v17, v0;
	v11 =	vadd.f32 v11, v15  }
0x2bf: {  	v19 =	vmul.f32 v19, v1;
	[tilespmem:s17+$0xC480] =	vst v6;
	v10 =	vld [tilespmem:s13+$0x480];
	v7 =	vadd.f32 v21, v7;
	v14 =	vadd.f32 v13, v14  }
0x2c0: {  	v12 =	vld [tilespmem:s14+$0x3480];
	[tilespmem:s9+$0xC480] =	vst v8;
	v13 =	vmul.f32 v5, v4;
	v15 =	vmul.f32 v16, v4;
	v21 =	vadd.f32 v63, v9  }
0x2c1: {  	[tilespmem:s10+$0xC480] =	vst v17;
	v8 =	vld [tilespmem:s12+$0x6480];
	v6 =	vmul.f32 v16, v3;
	v24 =	vmul.f32 v18, v2  }
0x2c2: {  	v9 =	vld [tilespmem:s13+$0x3480];
	[tilespmem:s17+$0x9480] =	vst v14;
	v14 =	vadd.f32 v21, v19;
	v18 =	vmul.f32 v22, v2;
	v16 =	vmul.f32 v20, v4  }
0x2c3: {  	s16 =	simm.s32 $0x200;
	p0 =	por !p0, !p0;
	[tilespmem:s15+$0x9480] =	vst v11;
	s15 =	simm.s32 $0x4;
	v11 =	vld [tilespmem:s11+$0x6480];
	v17 =	vsub.f32 v13, v24;
	v13 =	vadd.f32 v7, v23;
	v7 =	vmul.f32 v20, v3  }
.LBB2_26:
0x2c4: {  	s17 =	simm.s32 $0x1  }
0x2c5: {  	v15 =	vsub.f32 v15, v18;
	v18 =	vld [tilespmem:s14+$0x6480];
	v12 =	vmul.f32 v12, v2;
	v17 =	vmax.f32 v17, $-5.000000000e-01;
	[tilespmem:s9+$0x9480] =	vst v13;
	s9 =	smov.u32 s14;
	s17 =	simm.s32 @!p0 $0x0  }
0x2c6: {  	s15 =	sadd.s32 $0x4, s15;
	s16 =	sadd.s32 $0x200, s16;
	v19 =	vmul.f32 v10, v4;
	v20 =	vmul.f32 v10, v3;
	v10 =	vmin.f32 v17, $5.000000000e-01;
	s14 =	sshll.u32 s17, $0x6;
	v13 =	vld [tilespmem:s13+$0x6480];
	[tilespmem:s10+$0x9480] =	vst v14  }
0x2c7: {  	p1 =	slt.u32 s15, $0x1C;
	v12 =	vsub.f32 v16, v12;
	v14 =	vmul.f32 v5, v3;
	s10 =	smov.u32 s13;
	s17 =	sadd.s32 s14, s16;
	[tilespmem:s11+$0xC480] =	vst v10;
	v10 =	vmul.f32 v10, v0  }
0x2c8: {  	v15 =	vmax.f32 v15, $-5.000000000e-01;
	v9 =	vmul.f32 v9, v2;
	v8 =	vmul.f32 v8, v1;
	s18 =	sor.u32 $0x1200, s17;
	s14 =	sor.u32 $0x1210, s17;
	s19 =	sor.u32 $0x1230, s17  }
0x2c9: {  	s13 =	sor.u32 $0x1220, s17;
	v12 =	vmax.f32 v12, $-5.000000000e-01;
	v11 =	vmul.f32 v11, v1;
	v5 =	vld [tilespmem:s19+$0x480];
	v10 =	vadd.f32 v10, v14  }
0x2ca: {  	v15 =	vmin.f32 v15, $5.000000000e-01;
	v9 =	vsub.f32 v19, v9;
	v12 =	vmin.f32 v12, $5.000000000e-01;
	v14 =	vld [tilespmem:s19+$0x3480]  }
0x2cb: {  	v17 =	vmul.f32 v12, v0;
	v16 =	vld [tilespmem:s18+$0x480];
	[tilespmem:s12+$0xC480] =	vst v15;
	v15 =	vmul.f32 v15, v0;
	v10 =	vadd.f32 v10, v11  }
0x2cc: {  	v19 =	vmul.f32 v18, v1;
	v9 =	vmax.f32 v9, $-5.000000000e-01;
	v21 =	vmul.f32 v13, v1;
	v11 =	vld [tilespmem:s18+$0x3480];
	[tilespmem:s9+$0xC480] =	vst v12  }
0x2cd: {  	v9 =	vmin.f32 v9, $5.000000000e-01;
	v7 =	vadd.f32 v17, v7;
	v22 =	vld [tilespmem:s14+$0x480];
	v6 =	vadd.f32 v15, v6;
	[tilespmem:s11+$0x9480] =	vst v10;
	s11 =	smov.u32 s19  }
.Ltmp12:
0x2ce: {  	v13 =	vmul.f32 v9, v0;
	v12 =	vld [tilespmem:s14+$0x3480];
	[tilespmem:s10+$0xC480] =	vst v9;
	(pc) =	sbr.rel @p1 .LBB2_26-.Ltmp12, $4  }
0x2cf: {  	v17 =	vmul.f32 v5, v4;
	v10 =	vld [tilespmem:s13+$0x480];
	v14 =	vmul.f32 v14, v2;
	v23 =	vadd.f32 v6, v8  }
0x2d0: {  	v20 =	vadd.f32 v13, v20;
	v15 =	vmul.f32 v16, v4;
	v6 =	vmul.f32 v16, v3;
	v9 =	vld [tilespmem:s13+$0x3480]  }
0x2d1: {  	v13 =	vadd.f32 v7, v19;
	v8 =	vld [tilespmem:s18+$0x6480];
	v18 =	vmul.f32 v11, v2;
	v17 =	vsub.f32 v17, v14;
	[tilespmem:s12+$0x9480] =	vst v23;
	s12 =	smov.u32 s18  }
0x2d2: {  	p0 =	por !p0, !p0;
	v14 =	vadd.f32 v20, v21;
	v16 =	vmul.f32 v22, v4;
	v7 =	vmul.f32 v22, v3;
	v11 =	vld [tilespmem:s11+$0x6480]  }
0x2d3: {  	v15 =	vsub.f32 v15, v18;
	v12 =	vmul.f32 v12, v2  }
0x2d4: {  	v17 =	vmax.f32 v17, $-5.000000000e-01;
	v4 =	vmul.f32 v10, v4;
	v10 =	vmul.f32 v10, v3  }
0x2d5: {  	v17 =	vmin.f32 v17, $5.000000000e-01;
	v12 =	vsub.f32 v16, v12;
	v2 =	vmul.f32 v9, v2  }
0x2d6: {  	v3 =	vmul.f32 v5, v3;
	v9 =	vmul.f32 v17, v0  }
0x2d7: {  	v5 =	vld [tilespmem:s14+$0x6480];
	v15 =	vmax.f32 v15, $-5.000000000e-01;
	v12 =	vmax.f32 v12, $-5.000000000e-01;
	v2 =	vsub.f32 v4, v2  }
0x2d8: {  	[tilespmem:s9+$0x9480] =	vst v13;
	v4 =	vld [tilespmem:s13+$0x6480];
	v3 =	vadd.f32 v9, v3;
	v9 =	vmul.f32 v11, v1;
	v11 =	vmin.f32 v15, $5.000000000e-01  }
0x2d9: {  	[tilespmem:s10+$0x9480] =	vst v14;
	v12 =	vmin.f32 v12, $5.000000000e-01;
	v13 =	vmul.f32 v11, v0;
	v2 =	vmax.f32 v2, $-5.000000000e-01  }
0x2da: {  	[tilespmem:s11+$0xC480] =	vst v17;
	v8 =	vmul.f32 v8, v1;
	v14 =	vmul.f32 v12, v0;
	v2 =	vmin.f32 v2, $5.000000000e-01  }
0x2db: {  	[tilespmem:s12+$0xC480] =	vst v11;
	v3 =	vadd.f32 v3, v9;
	v6 =	vadd.f32 v13, v6;
	v0 =	vmul.f32 v2, v0  }
0x2dc: {  	[tilespmem:s14+$0xC480] =	vst v12;
	v5 =	vmul.f32 v5, v1;
	v7 =	vadd.f32 v14, v7  }
0x2dd: {  	[tilespmem:s11+$0x9480] =	vst v3;
	v1 =	vmul.f32 v4, v1;
	v3 =	vadd.f32 v6, v8;
	v0 =	vadd.f32 v0, v10  }
0x2de: {  	[tilespmem:s13+$0xC480] =	vst v2;
	v2 =	vadd.f32 v7, v5  }
0x2df: {  	[tilespmem:s12+$0x9480] =	vst v3;
	v0 =	vadd.f32 v0, v1  }
0x2e0: {  	p0 =	por $0x0, $0x0;
	s9 =	simm.s32 $0x1;
	[tilespmem:s14+$0x9480] =	vst v2  }
0x2e1: {  	s9 =	simm.s32 @!p0 $0x0;
	[tilespmem:s13+$0x9480] =	vst v0  }
0x2e2: {  	s9 =	sshll.u32 s9, $0x6;
	v4 =	vld [tilespmem:$0x300]  }
0x2e3: {  	s18 =	sadd.s32 $0x0, s9;
	v2 =	vld [tilespmem:$0x310]  }
0x2e4: {  	s15 =	sor.u32 $0x12B0, s18;
	v3 =	vld [tilespmem:$0x330]  }
0x2e5: {  	v5 =	vld [tilespmem:s15+$0x480]  }
0x2e6: {  	s17 =	sor.u32 $0x1280, s18;
	v0 =	vld [tilespmem:s15+$0x3480]  }
0x2e7: {  	v1 =	vld [tilespmem:s17+$0x480]  }
0x2e8: {  	s9 =	sor.u32 $0x1290, s18;
	v6 =	vld [tilespmem:s17+$0x3480]  }
0x2e9: {  	v7 =	vld [tilespmem:s9+$0x480]  }
0x2ea: {  	s10 =	sor.u32 $0x12A0, s18;
	v8 =	vld [tilespmem:s9+$0x3480]  }
0x2eb: {  	v14 =	vld [tilespmem:s10+$0x3480]  }
0x2ec: {  	v9 =	vld [tilespmem:s10+$0x480]  }
0x2ed: {  	v15 =	vld [tilespmem:s15+$0x6480];
	v10 =	vmul.f32 v5, v4;
	v11 =	vmul.f32 v0, v2  }
0x2ee: {  	v16 =	vld [tilespmem:s17+$0x6480];
	v12 =	vmul.f32 v1, v4;
	v13 =	vmul.f32 v1, v3  }
0x2ef: {  	p0 =	por !p0, !p0;
	s11 =	simm.s32 $0x1;
	v1 =	vld [tilespmem:$0x340];
	v6 =	vmul.f32 v6, v2;
	v8 =	vmul.f32 v8, v2  }
0x2f0: {  	s11 =	simm.s32 @!p0 $0x0;
	v0 =	vld [tilespmem:$0x320];
	v18 =	vmul.f32 v5, v3;
	v14 =	vmul.f32 v14, v2  }
0x2f1: {  	s11 =	sshll.u32 s11, $0x6;
	v17 =	vld [tilespmem:s9+$0x6480];
	v10 =	vsub.f32 v10, v11;
	v11 =	vmul.f32 v7, v4;
	v6 =	vsub.f32 v12, v6  }
0x2f2: {  	s19 =	sadd.s32 $0x200, s11;
	v7 =	vmul.f32 v7, v3;
	v12 =	vmul.f32 v9, v4  }
0x2f3: {  	s12 =	sor.u32 $0x1280, s19;
	v19 =	vld [tilespmem:s10+$0x6480];
	v10 =	vmax.f32 v10, $-5.000000000e-01;
	v8 =	vsub.f32 v11, v8;
	v6 =	vmax.f32 v6, $-5.000000000e-01  }
0x2f4: {  	s11 =	sor.u32 $0x12B0, s19;
	v22 =	vld [tilespmem:s12+$0x3480];
	v12 =	vsub.f32 v12, v14;
	v10 =	vmin.f32 v10, $5.000000000e-01;
	v15 =	vmul.f32 v15, v1  }
0x2f5: {  	v5 =	vld [tilespmem:s11+$0x480];
	v6 =	vmin.f32 v6, $5.000000000e-01;
	v14 =	vmul.f32 v16, v1;
	v11 =	vmul.f32 v10, v0  }
0x2f6: {  	v16 =	vld [tilespmem:s12+$0x480];
	v23 =	vmul.f32 v17, v1;
	v8 =	vmax.f32 v8, $-5.000000000e-01;
	v20 =	vmul.f32 v6, v0  }
0x2f7: {  	s14 =	sor.u32 $0x1290, s19;
	v12 =	vmax.f32 v12, $-5.000000000e-01;
	v8 =	vmin.f32 v8, $5.000000000e-01;
	v11 =	vadd.f32 v11, v18;
	v18 =	vld [tilespmem:s11+$0x3480]  }
0x2f8: {  	v17 =	vmin.f32 v12, $5.000000000e-01;
	v21 =	vmul.f32 v8, v0;
	v13 =	vadd.f32 v20, v13;
	v20 =	vld [tilespmem:s14+$0x480]  }
0x2f9: {  	s13 =	sor.u32 $0x12A0, s19;
	v9 =	vmul.f32 v9, v3;
	[tilespmem:s15+$0xC480] =	vst v10;
	v63 =	vmul.f32 v17, v0;
	v11 =	vadd.f32 v11, v15  }
0x2fa: {  	v19 =	vmul.f32 v19, v1;
	[tilespmem:s17+$0xC480] =	vst v6;
	v10 =	vld [tilespmem:s13+$0x480];
	v7 =	vadd.f32 v21, v7;
	v14 =	vadd.f32 v13, v14  }
0x2fb: {  	v12 =	vld [tilespmem:s14+$0x3480];
	[tilespmem:s9+$0xC480] =	vst v8;
	v13 =	vmul.f32 v5, v4;
	v15 =	vmul.f32 v16, v4;
	v21 =	vadd.f32 v63, v9  }
0x2fc: {  	[tilespmem:s10+$0xC480] =	vst v17;
	v8 =	vld [tilespmem:s12+$0x6480];
	v6 =	vmul.f32 v16, v3;
	v24 =	vmul.f32 v18, v2  }
0x2fd: {  	v9 =	vld [tilespmem:s13+$0x3480];
	[tilespmem:s17+$0x9480] =	vst v14;
	v14 =	vadd.f32 v21, v19;
	v18 =	vmul.f32 v22, v2;
	v16 =	vmul.f32 v20, v4  }
0x2fe: {  	s16 =	simm.s32 $0x200;
	p0 =	por !p0, !p0;
	[tilespmem:s15+$0x9480] =	vst v11;
	s15 =	simm.s32 $0x4;
	v11 =	vld [tilespmem:s11+$0x6480];
	v17 =	vsub.f32 v13, v24;
	v13 =	vadd.f32 v7, v23;
	v7 =	vmul.f32 v20, v3  }
.LBB2_28:
0x2ff: {  	s17 =	simm.s32 $0x1  }
0x300: {  	v15 =	vsub.f32 v15, v18;
	v18 =	vld [tilespmem:s14+$0x6480];
	v12 =	vmul.f32 v12, v2;
	v17 =	vmax.f32 v17, $-5.000000000e-01;
	[tilespmem:s9+$0x9480] =	vst v13;
	s9 =	smov.u32 s14;
	s17 =	simm.s32 @!p0 $0x0  }
0x301: {  	s15 =	sadd.s32 $0x4, s15;
	s16 =	sadd.s32 $0x200, s16;
	v19 =	vmul.f32 v10, v4;
	v20 =	vmul.f32 v10, v3;
	v10 =	vmin.f32 v17, $5.000000000e-01;
	s14 =	sshll.u32 s17, $0x6;
	v13 =	vld [tilespmem:s13+$0x6480];
	[tilespmem:s10+$0x9480] =	vst v14  }
0x302: {  	p1 =	slt.u32 s15, $0x1C;
	v12 =	vsub.f32 v16, v12;
	v14 =	vmul.f32 v5, v3;
	s10 =	smov.u32 s13;
	s17 =	sadd.s32 s14, s16;
	[tilespmem:s11+$0xC480] =	vst v10;
	v10 =	vmul.f32 v10, v0  }
0x303: {  	v15 =	vmax.f32 v15, $-5.000000000e-01;
	v9 =	vmul.f32 v9, v2;
	v8 =	vmul.f32 v8, v1;
	s18 =	sor.u32 $0x1280, s17;
	s14 =	sor.u32 $0x1290, s17;
	s19 =	sor.u32 $0x12B0, s17  }
0x304: {  	s13 =	sor.u32 $0x12A0, s17;
	v12 =	vmax.f32 v12, $-5.000000000e-01;
	v11 =	vmul.f32 v11, v1;
	v5 =	vld [tilespmem:s19+$0x480];
	v10 =	vadd.f32 v10, v14  }
0x305: {  	v15 =	vmin.f32 v15, $5.000000000e-01;
	v9 =	vsub.f32 v19, v9;
	v12 =	vmin.f32 v12, $5.000000000e-01;
	v14 =	vld [tilespmem:s19+$0x3480]  }
0x306: {  	v17 =	vmul.f32 v12, v0;
	v16 =	vld [tilespmem:s18+$0x480];
	[tilespmem:s12+$0xC480] =	vst v15;
	v15 =	vmul.f32 v15, v0;
	v10 =	vadd.f32 v10, v11  }
0x307: {  	v19 =	vmul.f32 v18, v1;
	v9 =	vmax.f32 v9, $-5.000000000e-01;
	v21 =	vmul.f32 v13, v1;
	v11 =	vld [tilespmem:s18+$0x3480];
	[tilespmem:s9+$0xC480] =	vst v12  }
0x308: {  	v9 =	vmin.f32 v9, $5.000000000e-01;
	v7 =	vadd.f32 v17, v7;
	v22 =	vld [tilespmem:s14+$0x480];
	v6 =	vadd.f32 v15, v6;
	[tilespmem:s11+$0x9480] =	vst v10;
	s11 =	smov.u32 s19  }
.Ltmp13:
0x309: {  	v13 =	vmul.f32 v9, v0;
	v12 =	vld [tilespmem:s14+$0x3480];
	[tilespmem:s10+$0xC480] =	vst v9;
	(pc) =	sbr.rel @p1 .LBB2_28-.Ltmp13, $4  }
0x30a: {  	v17 =	vmul.f32 v5, v4;
	v10 =	vld [tilespmem:s13+$0x480];
	v14 =	vmul.f32 v14, v2;
	v23 =	vadd.f32 v6, v8  }
0x30b: {  	v20 =	vadd.f32 v13, v20;
	v15 =	vmul.f32 v16, v4;
	v6 =	vmul.f32 v16, v3;
	v9 =	vld [tilespmem:s13+$0x3480]  }
0x30c: {  	v13 =	vadd.f32 v7, v19;
	v8 =	vld [tilespmem:s18+$0x6480];
	v18 =	vmul.f32 v11, v2;
	v17 =	vsub.f32 v17, v14;
	[tilespmem:s12+$0x9480] =	vst v23;
	s12 =	smov.u32 s18  }
0x30d: {  	p0 =	por !p0, !p0;
	v14 =	vadd.f32 v20, v21;
	v16 =	vmul.f32 v22, v4;
	v7 =	vmul.f32 v22, v3;
	v11 =	vld [tilespmem:s11+$0x6480]  }
0x30e: {  	v15 =	vsub.f32 v15, v18;
	v12 =	vmul.f32 v12, v2  }
0x30f: {  	v17 =	vmax.f32 v17, $-5.000000000e-01;
	v4 =	vmul.f32 v10, v4;
	v10 =	vmul.f32 v10, v3  }
0x310: {  	v17 =	vmin.f32 v17, $5.000000000e-01;
	v12 =	vsub.f32 v16, v12;
	v2 =	vmul.f32 v9, v2  }
0x311: {  	v3 =	vmul.f32 v5, v3;
	v9 =	vmul.f32 v17, v0  }
0x312: {  	v5 =	vld [tilespmem:s14+$0x6480];
	v15 =	vmax.f32 v15, $-5.000000000e-01;
	v12 =	vmax.f32 v12, $-5.000000000e-01;
	v2 =	vsub.f32 v4, v2  }
0x313: {  	[tilespmem:s9+$0x9480] =	vst v13;
	v4 =	vld [tilespmem:s13+$0x6480];
	v3 =	vadd.f32 v9, v3;
	v9 =	vmul.f32 v11, v1;
	v11 =	vmin.f32 v15, $5.000000000e-01  }
0x314: {  	[tilespmem:s10+$0x9480] =	vst v14;
	v12 =	vmin.f32 v12, $5.000000000e-01;
	v13 =	vmul.f32 v11, v0;
	v2 =	vmax.f32 v2, $-5.000000000e-01  }
0x315: {  	[tilespmem:s11+$0xC480] =	vst v17;
	v8 =	vmul.f32 v8, v1;
	v14 =	vmul.f32 v12, v0;
	v2 =	vmin.f32 v2, $5.000000000e-01  }
0x316: {  	[tilespmem:s12+$0xC480] =	vst v11;
	v3 =	vadd.f32 v3, v9;
	v6 =	vadd.f32 v13, v6;
	v0 =	vmul.f32 v2, v0  }
0x317: {  	[tilespmem:s14+$0xC480] =	vst v12;
	v5 =	vmul.f32 v5, v1;
	v7 =	vadd.f32 v14, v7  }
0x318: {  	[tilespmem:s11+$0x9480] =	vst v3;
	v1 =	vmul.f32 v4, v1;
	v3 =	vadd.f32 v6, v8;
	v0 =	vadd.f32 v0, v10  }
0x319: {  	[tilespmem:s13+$0xC480] =	vst v2;
	v2 =	vadd.f32 v7, v5  }
0x31a: {  	[tilespmem:s12+$0x9480] =	vst v3;
	v0 =	vadd.f32 v0, v1  }
0x31b: {  	p0 =	por $0x0, $0x0;
	s9 =	simm.s32 $0x1;
	[tilespmem:s14+$0x9480] =	vst v2  }
0x31c: {  	s9 =	simm.s32 @!p0 $0x0;
	[tilespmem:s13+$0x9480] =	vst v0  }
0x31d: {  	s9 =	sshll.u32 s9, $0x6;
	v4 =	vld [tilespmem:$0x380]  }
0x31e: {  	s18 =	sadd.s32 $0x0, s9;
	v2 =	vld [tilespmem:$0x390]  }
0x31f: {  	s15 =	sor.u32 $0x1330, s18;
	v3 =	vld [tilespmem:$0x3B0]  }
0x320: {  	v5 =	vld [tilespmem:s15+$0x480]  }
0x321: {  	s17 =	sor.u32 $0x1300, s18;
	v0 =	vld [tilespmem:s15+$0x3480]  }
0x322: {  	v1 =	vld [tilespmem:s17+$0x480]  }
0x323: {  	s9 =	sor.u32 $0x1310, s18;
	v6 =	vld [tilespmem:s17+$0x3480]  }
0x324: {  	v7 =	vld [tilespmem:s9+$0x480]  }
0x325: {  	s10 =	sor.u32 $0x1320, s18;
	v8 =	vld [tilespmem:s9+$0x3480]  }
0x326: {  	v14 =	vld [tilespmem:s10+$0x3480]  }
0x327: {  	v9 =	vld [tilespmem:s10+$0x480]  }
0x328: {  	v15 =	vld [tilespmem:s15+$0x6480];
	v10 =	vmul.f32 v5, v4;
	v11 =	vmul.f32 v0, v2  }
0x329: {  	v16 =	vld [tilespmem:s17+$0x6480];
	v12 =	vmul.f32 v1, v4;
	v13 =	vmul.f32 v1, v3  }
0x32a: {  	p0 =	por !p0, !p0;
	s11 =	simm.s32 $0x1;
	v1 =	vld [tilespmem:$0x3C0];
	v6 =	vmul.f32 v6, v2;
	v8 =	vmul.f32 v8, v2  }
0x32b: {  	s11 =	simm.s32 @!p0 $0x0;
	v0 =	vld [tilespmem:$0x3A0];
	v18 =	vmul.f32 v5, v3;
	v14 =	vmul.f32 v14, v2  }
0x32c: {  	s11 =	sshll.u32 s11, $0x6;
	v17 =	vld [tilespmem:s9+$0x6480];
	v10 =	vsub.f32 v10, v11;
	v11 =	vmul.f32 v7, v4;
	v6 =	vsub.f32 v12, v6  }
0x32d: {  	s19 =	sadd.s32 $0x200, s11;
	v7 =	vmul.f32 v7, v3;
	v12 =	vmul.f32 v9, v4  }
0x32e: {  	s12 =	sor.u32 $0x1300, s19;
	v19 =	vld [tilespmem:s10+$0x6480];
	v10 =	vmax.f32 v10, $-5.000000000e-01;
	v8 =	vsub.f32 v11, v8;
	v6 =	vmax.f32 v6, $-5.000000000e-01  }
0x32f: {  	s11 =	sor.u32 $0x1330, s19;
	v22 =	vld [tilespmem:s12+$0x3480];
	v12 =	vsub.f32 v12, v14;
	v10 =	vmin.f32 v10, $5.000000000e-01;
	v15 =	vmul.f32 v15, v1  }
0x330: {  	v5 =	vld [tilespmem:s11+$0x480];
	v6 =	vmin.f32 v6, $5.000000000e-01;
	v14 =	vmul.f32 v16, v1;
	v11 =	vmul.f32 v10, v0  }
0x331: {  	v16 =	vld [tilespmem:s12+$0x480];
	v23 =	vmul.f32 v17, v1;
	v8 =	vmax.f32 v8, $-5.000000000e-01;
	v20 =	vmul.f32 v6, v0  }
0x332: {  	s14 =	sor.u32 $0x1310, s19;
	v12 =	vmax.f32 v12, $-5.000000000e-01;
	v8 =	vmin.f32 v8, $5.000000000e-01;
	v11 =	vadd.f32 v11, v18;
	v18 =	vld [tilespmem:s11+$0x3480]  }
0x333: {  	v17 =	vmin.f32 v12, $5.000000000e-01;
	v21 =	vmul.f32 v8, v0;
	v13 =	vadd.f32 v20, v13;
	v20 =	vld [tilespmem:s14+$0x480]  }
0x334: {  	s13 =	sor.u32 $0x1320, s19;
	v9 =	vmul.f32 v9, v3;
	[tilespmem:s15+$0xC480] =	vst v10;
	v63 =	vmul.f32 v17, v0;
	v11 =	vadd.f32 v11, v15  }
0x335: {  	v19 =	vmul.f32 v19, v1;
	[tilespmem:s17+$0xC480] =	vst v6;
	v10 =	vld [tilespmem:s13+$0x480];
	v7 =	vadd.f32 v21, v7;
	v14 =	vadd.f32 v13, v14  }
0x336: {  	v12 =	vld [tilespmem:s14+$0x3480];
	[tilespmem:s9+$0xC480] =	vst v8;
	v13 =	vmul.f32 v5, v4;
	v15 =	vmul.f32 v16, v4;
	v21 =	vadd.f32 v63, v9  }
0x337: {  	[tilespmem:s10+$0xC480] =	vst v17;
	v8 =	vld [tilespmem:s12+$0x6480];
	v6 =	vmul.f32 v16, v3;
	v24 =	vmul.f32 v18, v2  }
0x338: {  	v9 =	vld [tilespmem:s13+$0x3480];
	[tilespmem:s17+$0x9480] =	vst v14;
	v14 =	vadd.f32 v21, v19;
	v18 =	vmul.f32 v22, v2;
	v16 =	vmul.f32 v20, v4  }
0x339: {  	s16 =	simm.s32 $0x200;
	p0 =	por !p0, !p0;
	[tilespmem:s15+$0x9480] =	vst v11;
	s15 =	simm.s32 $0x4;
	v11 =	vld [tilespmem:s11+$0x6480];
	v17 =	vsub.f32 v13, v24;
	v13 =	vadd.f32 v7, v23;
	v7 =	vmul.f32 v20, v3  }
.LBB2_30:
0x33a: {  	s17 =	simm.s32 $0x1  }
0x33b: {  	v15 =	vsub.f32 v15, v18;
	v18 =	vld [tilespmem:s14+$0x6480];
	v12 =	vmul.f32 v12, v2;
	v17 =	vmax.f32 v17, $-5.000000000e-01;
	[tilespmem:s9+$0x9480] =	vst v13;
	s9 =	smov.u32 s14;
	s17 =	simm.s32 @!p0 $0x0  }
0x33c: {  	s15 =	sadd.s32 $0x4, s15;
	s16 =	sadd.s32 $0x200, s16;
	v19 =	vmul.f32 v10, v4;
	v20 =	vmul.f32 v10, v3;
	v10 =	vmin.f32 v17, $5.000000000e-01;
	s14 =	sshll.u32 s17, $0x6;
	v13 =	vld [tilespmem:s13+$0x6480];
	[tilespmem:s10+$0x9480] =	vst v14  }
0x33d: {  	p1 =	slt.u32 s15, $0x1C;
	v12 =	vsub.f32 v16, v12;
	v14 =	vmul.f32 v5, v3;
	s10 =	smov.u32 s13;
	s17 =	sadd.s32 s14, s16;
	[tilespmem:s11+$0xC480] =	vst v10;
	v10 =	vmul.f32 v10, v0  }
0x33e: {  	v15 =	vmax.f32 v15, $-5.000000000e-01;
	v9 =	vmul.f32 v9, v2;
	v8 =	vmul.f32 v8, v1;
	s18 =	sor.u32 $0x1300, s17;
	s14 =	sor.u32 $0x1310, s17;
	s19 =	sor.u32 $0x1330, s17  }
0x33f: {  	s13 =	sor.u32 $0x1320, s17;
	v12 =	vmax.f32 v12, $-5.000000000e-01;
	v11 =	vmul.f32 v11, v1;
	v5 =	vld [tilespmem:s19+$0x480];
	v10 =	vadd.f32 v10, v14  }
0x340: {  	v15 =	vmin.f32 v15, $5.000000000e-01;
	v9 =	vsub.f32 v19, v9;
	v12 =	vmin.f32 v12, $5.000000000e-01;
	v14 =	vld [tilespmem:s19+$0x3480]  }
0x341: {  	v17 =	vmul.f32 v12, v0;
	v16 =	vld [tilespmem:s18+$0x480];
	[tilespmem:s12+$0xC480] =	vst v15;
	v15 =	vmul.f32 v15, v0;
	v10 =	vadd.f32 v10, v11  }
0x342: {  	v19 =	vmul.f32 v18, v1;
	v9 =	vmax.f32 v9, $-5.000000000e-01;
	v21 =	vmul.f32 v13, v1;
	v11 =	vld [tilespmem:s18+$0x3480];
	[tilespmem:s9+$0xC480] =	vst v12  }
0x343: {  	v9 =	vmin.f32 v9, $5.000000000e-01;
	v7 =	vadd.f32 v17, v7;
	v22 =	vld [tilespmem:s14+$0x480];
	v6 =	vadd.f32 v15, v6;
	[tilespmem:s11+$0x9480] =	vst v10;
	s11 =	smov.u32 s19  }
.Ltmp14:
0x344: {  	v13 =	vmul.f32 v9, v0;
	v12 =	vld [tilespmem:s14+$0x3480];
	[tilespmem:s10+$0xC480] =	vst v9;
	(pc) =	sbr.rel @p1 .LBB2_30-.Ltmp14, $4  }
0x345: {  	v17 =	vmul.f32 v5, v4;
	v10 =	vld [tilespmem:s13+$0x480];
	v14 =	vmul.f32 v14, v2;
	v23 =	vadd.f32 v6, v8  }
0x346: {  	v20 =	vadd.f32 v13, v20;
	v15 =	vmul.f32 v16, v4;
	v6 =	vmul.f32 v16, v3;
	v9 =	vld [tilespmem:s13+$0x3480]  }
0x347: {  	v13 =	vadd.f32 v7, v19;
	v8 =	vld [tilespmem:s18+$0x6480];
	v18 =	vmul.f32 v11, v2;
	v17 =	vsub.f32 v17, v14;
	[tilespmem:s12+$0x9480] =	vst v23;
	s12 =	smov.u32 s18  }
0x348: {  	p0 =	por !p0, !p0;
	v14 =	vadd.f32 v20, v21;
	v16 =	vmul.f32 v22, v4;
	v7 =	vmul.f32 v22, v3;
	v11 =	vld [tilespmem:s11+$0x6480]  }
0x349: {  	v15 =	vsub.f32 v15, v18;
	v12 =	vmul.f32 v12, v2  }
0x34a: {  	v17 =	vmax.f32 v17, $-5.000000000e-01;
	v4 =	vmul.f32 v10, v4;
	v10 =	vmul.f32 v10, v3  }
0x34b: {  	v17 =	vmin.f32 v17, $5.000000000e-01;
	v12 =	vsub.f32 v16, v12;
	v2 =	vmul.f32 v9, v2  }
0x34c: {  	v3 =	vmul.f32 v5, v3;
	v9 =	vmul.f32 v17, v0  }
0x34d: {  	v5 =	vld [tilespmem:s14+$0x6480];
	v15 =	vmax.f32 v15, $-5.000000000e-01;
	v12 =	vmax.f32 v12, $-5.000000000e-01;
	v2 =	vsub.f32 v4, v2  }
0x34e: {  	[tilespmem:s9+$0x9480] =	vst v13;
	v4 =	vld [tilespmem:s13+$0x6480];
	v3 =	vadd.f32 v9, v3;
	v9 =	vmul.f32 v11, v1;
	v11 =	vmin.f32 v15, $5.000000000e-01  }
0x34f: {  	[tilespmem:s10+$0x9480] =	vst v14;
	v12 =	vmin.f32 v12, $5.000000000e-01;
	v13 =	vmul.f32 v11, v0;
	v2 =	vmax.f32 v2, $-5.000000000e-01  }
0x350: {  	[tilespmem:s11+$0xC480] =	vst v17;
	v8 =	vmul.f32 v8, v1;
	v14 =	vmul.f32 v12, v0;
	v2 =	vmin.f32 v2, $5.000000000e-01  }
0x351: {  	[tilespmem:s12+$0xC480] =	vst v11;
	v3 =	vadd.f32 v3, v9;
	v6 =	vadd.f32 v13, v6;
	v0 =	vmul.f32 v2, v0  }
0x352: {  	[tilespmem:s14+$0xC480] =	vst v12;
	v5 =	vmul.f32 v5, v1;
	v7 =	vadd.f32 v14, v7  }
0x353: {  	[tilespmem:s11+$0x9480] =	vst v3;
	v1 =	vmul.f32 v4, v1;
	v3 =	vadd.f32 v6, v8;
	v0 =	vadd.f32 v0, v10  }
0x354: {  	[tilespmem:s13+$0xC480] =	vst v2;
	v2 =	vadd.f32 v7, v5  }
0x355: {  	[tilespmem:s12+$0x9480] =	vst v3;
	v0 =	vadd.f32 v0, v1  }
0x356: {  	[tilespmem:s14+$0x9480] =	vst v2  }
0x357: {  	[tilespmem:s13+$0x9480] =	vst v0  }
0x358: {  	v3 =	vld [tilespmem:$0x400]  }
0x359: {  	v2 =	vld [tilespmem:$0x410]  }
0x35a: {  	s19 =	simm.s32 $0x0;
	v0 =	vld [tilespmem:$0x420]  }
0x35b: {  	s11 =	sor.u32 $0x13B0, s19;
	v4 =	vld [tilespmem:$0x430]  }
0x35c: {  	v17 =	vld [tilespmem:s11+$0x480]  }
0x35d: {  	s9 =	sor.u32 $0x1380, s19;
	v1 =	vld [tilespmem:s11+$0x3480]  }
0x35e: {  	v5 =	vld [tilespmem:s9+$0x480]  }
0x35f: {  	s10 =	sor.u32 $0x1390, s19;
	v6 =	vld [tilespmem:s9+$0x3480]  }
0x360: {  	v7 =	vld [tilespmem:s10+$0x480]  }
0x361: {  	s12 =	sor.u32 $0x13A0, s19;
	v8 =	vld [tilespmem:s10+$0x3480]  }
0x362: {  	v9 =	vld [tilespmem:s12+$0x480]  }
0x363: {  	v11 =	vld [tilespmem:s12+$0x3480];
	v10 =	vmul.f32 v17, v3;
	v12 =	vmul.f32 v1, v2  }
0x364: {  	v1 =	vld [tilespmem:$0x440];
	v13 =	vmul.f32 v5, v3  }
0x365: {  	v5 =	vmul.f32 v5, v4;
	v6 =	vmul.f32 v6, v2;
	v15 =	vsub.f32 v10, v12;
	v10 =	vld [tilespmem:s9+$0x6480]  }
0x366: {  	v16 =	vmul.f32 v7, v3;
	v7 =	vmul.f32 v7, v4;
	v12 =	vld [tilespmem:s11+$0x6480]  }
0x367: {  	v18 =	vmul.f32 v8, v2;
	v17 =	vmul.f32 v17, v4;
	v15 =	vmax.f32 v15, $-5.000000000e-01  }
0x368: {  	v8 =	vld [tilespmem:s10+$0x6480];
	v14 =	vsub.f32 v13, v6;
	v13 =	vmul.f32 v9, v3;
	v19 =	vmin.f32 v15, $5.000000000e-01  }
0x369: {  	s14 =	simm.s32 $0x240;
	s13 =	simm.s32 $0x0;
	v6 =	vmul.f32 v9, v4;
	v9 =	vld [tilespmem:s12+$0x6480];
	v15 =	vsub.f32 v16, v18;
	[tilespmem:s11+$0xC480] =	vst v19;
	v16 =	vmul.f32 v19, v0  }
.LBB2_32:
0x36a: {  	s16 =	sor.u32 $0x1390, s14;
	s15 =	sor.u32 $0x13A0, s14;
	s17 =	sor.u32 $0x13B0, s14;
	v14 =	vmax.f32 v14, $-5.000000000e-01;
	v10 =	vmul.f32 v10, v1;
	v11 =	vmul.f32 v11, v2  }
0x36b: {  	s18 =	sor.u32 $0x1380, s14;
	s13 =	sadd.s32 $0x4, s13;
	v18 =	vld [tilespmem:s17+$0x480];
	v15 =	vmax.f32 v15, $-5.000000000e-01;
	v16 =	vadd.f32 v16, v17;
	v12 =	vmul.f32 v12, v1  }
0x36c: {  	p0 =	slt.u32 s13, $0x1C;
	v14 =	vmin.f32 v14, $5.000000000e-01;
	v17 =	vld [tilespmem:s17+$0x3480];
	v15 =	vmin.f32 v15, $5.000000000e-01;
	v11 =	vsub.f32 v13, v11  }
0x36d: {  	v13 =	vld [tilespmem:s18+$0x480];
	[tilespmem:s9+$0xC480] =	vst v14;
	v14 =	vmul.f32 v14, v0;
	v19 =	vmul.f32 v15, v0;
	v12 =	vadd.f32 v16, v12  }
0x36e: {  	v8 =	vmul.f32 v8, v1;
	v9 =	vmul.f32 v9, v1;
	v16 =	vld [tilespmem:s18+$0x3480];
	[tilespmem:s10+$0xC480] =	vst v15;
	v11 =	vmax.f32 v11, $-5.000000000e-01  }
0x36f: {  	v15 =	vld [tilespmem:s16+$0x480];
	v5 =	vadd.f32 v14, v5;
	v7 =	vadd.f32 v19, v7;
	v11 =	vmin.f32 v11, $5.000000000e-01;
	[tilespmem:s11+$0x9480] =	vst v12;
	s11 =	smov.u32 s17  }
0x370: {  	v19 =	vld [tilespmem:s16+$0x3480];
	[tilespmem:s12+$0xC480] =	vst v11;
	v12 =	vmul.f32 v11, v0  }
0x371: {  	v14 =	vmul.f32 v18, v3;
	v20 =	vld [tilespmem:s15+$0x480];
	v17 =	vmul.f32 v17, v2;
	v21 =	vadd.f32 v5, v10  }
0x372: {  	v22 =	vmul.f32 v13, v3;
	v5 =	vmul.f32 v13, v4;
	v11 =	vld [tilespmem:s15+$0x3480];
	v6 =	vadd.f32 v12, v6  }
.Ltmp15:
0x373: {  	v10 =	vld [tilespmem:s18+$0x6480];
	v13 =	vmul.f32 v16, v2;
	v16 =	vsub.f32 v14, v17;
	[tilespmem:s9+$0x9480] =	vst v21;
	v17 =	vadd.f32 v7, v8;
	s9 =	smov.u32 s18;
	(pc) =	sbr.rel @p0 .LBB2_32-.Ltmp15, $4  }
0x374: {  	v21 =	vmul.f32 v15, v3;
	v7 =	vmul.f32 v15, v4;
	v12 =	vld [tilespmem:s11+$0x6480];
	v15 =	vadd.f32 v6, v9  }
0x375: {  	v14 =	vsub.f32 v22, v13;
	v8 =	vld [tilespmem:s16+$0x6480];
	v19 =	vmul.f32 v19, v2;
	v16 =	vmax.f32 v16, $-5.000000000e-01;
	[tilespmem:s10+$0x9480] =	vst v17;
	s10 =	smov.u32 s16  }
0x376: {  	v9 =	vld [tilespmem:s15+$0x6480];
	v13 =	vmul.f32 v20, v3;
	v6 =	vmul.f32 v20, v4;
	v16 =	vmin.f32 v16, $5.000000000e-01;
	[tilespmem:s12+$0x9480] =	vst v15;
	s12 =	smov.u32 s15  }
0x377: {  	s14 =	sadd.s32 $0x240, s14;
	v17 =	vmul.f32 v18, v4;
	v15 =	vsub.f32 v21, v19;
	[tilespmem:s11+$0xC480] =	vst v16;
	v16 =	vmul.f32 v16, v0  }
0x378: {  	v2 =	vmul.f32 v11, v2;
	_ =	sdelay $0x1  }
0x379: {  	v3 =	vmax.f32 v14, $-5.000000000e-01;
	v4 =	vmax.f32 v15, $-5.000000000e-01;
	v2 =	vsub.f32 v13, v2  }
0x37a: {  	v11 =	vadd.f32 v16, v17;
	v12 =	vmul.f32 v12, v1;
	v3 =	vmin.f32 v3, $5.000000000e-01  }
0x37b: {  	v4 =	vmin.f32 v4, $5.000000000e-01;
	v13 =	vmul.f32 v3, v0;
	v2 =	vmax.f32 v2, $-5.000000000e-01  }
0x37c: {  	v10 =	vmul.f32 v10, v1;
	v14 =	vmul.f32 v4, v0;
	v2 =	vmin.f32 v2, $5.000000000e-01  }
0x37d: {  	[tilespmem:s9+$0xC480] =	vst v3;
	v3 =	vadd.f32 v11, v12;
	v5 =	vadd.f32 v13, v5;
	v0 =	vmul.f32 v2, v0  }
0x37e: {  	[tilespmem:s10+$0xC480] =	vst v4;
	v4 =	vmul.f32 v8, v1;
	v7 =	vadd.f32 v14, v7  }
0x37f: {  	v1 =	vmul.f32 v9, v1;
	[tilespmem:s11+$0x9480] =	vst v3;
	v3 =	vadd.f32 v5, v10;
	v0 =	vadd.f32 v0, v6  }
0x380: {  	[tilespmem:s12+$0xC480] =	vst v2;
	v2 =	vadd.f32 v7, v4  }
0x381: {  	[tilespmem:s9+$0x9480] =	vst v3;
	v0 =	vadd.f32 v0, v1  }
0x382: {  	[tilespmem:s10+$0x9480] =	vst v2  }
0x383: {  	[tilespmem:s12+$0x9480] =	vst v0  }
0x384: {  	s15 =	simm.s32 $0x0;
	s16 =	simm.s32 $0xA480;
	s10 =	rddreg [dreg:$0x15]  }
0x385: {  	[hbm4b:s10+s15] =	stream.linear.scatter [tilespmem:s16], [sflag:$0xC], $0x1000, $0x38;
	[tilespmem:$0xF480] =	vst v63  }
0x386: {  	s18 =	simm.s32 $0xD480;
	s17 =	rddreg [dreg:$0x16]  }
0x387: {  	[hbm4b:s17+s15] =	stream.linear.scatter [tilespmem:s18], [sflag:$0xF], $0x1000, $0x38;
	[tilespmem:$0xF480] =	vst v63  }
0x388: {  	_ =	swait.ge [sflag:s26], $0x1000  }
0x389: {  	[sflag:s26] =	ssyncset.done $0x0  }
0x38a: {  	[sflag:s26] =	ssyncadd.s32 $0xFFFFF000  }
0x38b: {  	_ =	swait.ge [sflag:s28], $0x1000  }
0x38c: {  	[sflag:s28] =	ssyncset.done $0x0  }
0x38d: {  	[sflag:s28] =	ssyncadd.s32 $0xFFFFF000  }
0x38e: {  	_ =	swait.ge [sflag:s0], $0x1000  }
0x38f: {  	[sflag:s0] =	ssyncset.done $0x0  }
0x390: {  	[sflag:s0] =	ssyncadd.s32 $0xFFFFF000  }
0x391: {  	v4 =	vld [tilespmem:$0x80]  }
0x392: {  	v2 =	vld [tilespmem:$0x90]  }
0x393: {  	v0 =	vld [tilespmem:$0xA0]  }
0x394: {  	s19 =	sand.u32 $0x40, s15;
	s9 =	sand.u32 $0xC00, s15;
	v3 =	vld [tilespmem:$0xB0]  }
0x395: {  	s9 =	sor.u32 s19, s9;
	v1 =	vld [tilespmem:$0xC0]  }
0x396: {  	v5 =	vld [tilespmem:s9+$0x24B0]  }
0x397: {  	v6 =	vld [tilespmem:s9+$0x54B0]  }
0x398: {  	v7 =	vld [tilespmem:s9+$0x2480]  }
0x399: {  	v8 =	vld [tilespmem:s9+$0x5480]  }
0x39a: {  	v9 =	vld [tilespmem:s9+$0x2490]  }
0x39b: {  	v10 =	vld [tilespmem:s9+$0x5490]  }
0x39c: {  	v17 =	vld [tilespmem:s9+$0x24A0];
	v13 =	vmul.f32 v5, v4;
	v14 =	vmul.f32 v6, v2  }
0x39d: {  	v12 =	vld [tilespmem:s9+$0x54A0];
	v15 =	vmul.f32 v7, v4  }
0x39e: {  	v11 =	vld [tilespmem:s9+$0x8480];
	v6 =	vmul.f32 v7, v3;
	v8 =	vmul.f32 v8, v2;
	v14 =	vsub.f32 v13, v14  }
0x39f: {  	v16 =	vmul.f32 v9, v4;
	v7 =	vmul.f32 v9, v3;
	v13 =	vld [tilespmem:s9+$0x84B0]  }
0x3a0: {  	v9 =	vld [tilespmem:s9+$0x8490];
	v18 =	vmul.f32 v10, v2;
	v15 =	vsub.f32 v15, v8;
	v19 =	vmax.f32 v14, $-5.000000000e-01  }
0x3a1: {  	s11 =	simm.s32 $0x200;
	s12 =	simm.s32 $0x40;
	s10 =	simm.s32 $0x0;
	v10 =	vld [tilespmem:s9+$0x84A0];
	v8 =	vmul.f32 v17, v3;
	v14 =	vmul.f32 v17, v4;
	v17 =	vmin.f32 v19, $5.000000000e-01  }
.LBB2_34:
0x3a2: {  	s13 =	sand.u32 $0x40, s12;
	s14 =	sand.u32 $0xC00, s11;
	v16 =	vsub.f32 v16, v18;
	[tilespmem:s9+$0xE4B0] =	vst v17;
	v17 =	vmul.f32 v17, v0;
	v18 =	vmul.f32 v5, v3  }
0x3a3: {  	s10 =	sadd.s32 $0x4, s10;
	v15 =	vmax.f32 v15, $-5.000000000e-01;
	v12 =	vmul.f32 v12, v2;
	s13 =	sor.u32 s13, s14;
	v11 =	vmul.f32 v11, v1  }
0x3a4: {  	p0 =	slt.u32 s10, $0x1C;
	v5 =	vld [tilespmem:s13+$0x24B0];
	v16 =	vmax.f32 v16, $-5.000000000e-01;
	v17 =	vadd.f32 v17, v18;
	v13 =	vmul.f32 v13, v1  }
0x3a5: {  	v15 =	vmin.f32 v15, $5.000000000e-01;
	v12 =	vsub.f32 v14, v12;
	v18 =	vld [tilespmem:s13+$0x54B0];
	v16 =	vmin.f32 v16, $5.000000000e-01  }
0x3a6: {  	v14 =	vld [tilespmem:s13+$0x2480];
	[tilespmem:s9+$0xE480] =	vst v15;
	v15 =	vmul.f32 v15, v0;
	v19 =	vmul.f32 v16, v0;
	v13 =	vadd.f32 v17, v13  }
0x3a7: {  	v9 =	vmul.f32 v9, v1;
	v12 =	vmax.f32 v12, $-5.000000000e-01;
	v10 =	vmul.f32 v10, v1;
	v17 =	vld [tilespmem:s13+$0x5480];
	[tilespmem:s9+$0xE490] =	vst v16  }
0x3a8: {  	v12 =	vmin.f32 v12, $5.000000000e-01;
	v20 =	vld [tilespmem:s13+$0x2490];
	v6 =	vadd.f32 v15, v6;
	v7 =	vadd.f32 v19, v7;
	[tilespmem:s9+$0xB4B0] =	vst v13  }
0x3a9: {  	v13 =	vmul.f32 v12, v0;
	v19 =	vld [tilespmem:s13+$0x5490];
	[tilespmem:s9+$0xE4A0] =	vst v12  }
0x3aa: {  	v15 =	vmul.f32 v5, v4;
	v21 =	vld [tilespmem:s13+$0x24A0];
	v16 =	vmul.f32 v18, v2;
	v18 =	vadd.f32 v6, v11  }
.Ltmp16:
0x3ab: {  	v8 =	vadd.f32 v13, v8;
	v22 =	vmul.f32 v14, v4;
	v6 =	vmul.f32 v14, v3;
	v12 =	vld [tilespmem:s13+$0x54A0];
	(pc) =	sbr.rel @p0 .LBB2_34-.Ltmp16, $4  }
0x3ac: {  	v23 =	vadd.f32 v7, v9;
	v11 =	vld [tilespmem:s13+$0x8480];
	v14 =	vmul.f32 v17, v2;
	v17 =	vsub.f32 v15, v16;
	[tilespmem:s9+$0xB480] =	vst v18  }
0x3ad: {  	v16 =	vmul.f32 v20, v4;
	v7 =	vmul.f32 v20, v3;
	v13 =	vld [tilespmem:s13+$0x84B0];
	v20 =	vadd.f32 v8, v10  }
0x3ae: {  	v15 =	vsub.f32 v22, v14;
	v9 =	vld [tilespmem:s13+$0x8490];
	v18 =	vmul.f32 v19, v2;
	v17 =	vmax.f32 v17, $-5.000000000e-01;
	[tilespmem:s9+$0xB490] =	vst v23  }
0x3af: {  	s11 =	sadd.s32 $0x200, s11;
	s12 =	sadd.s32 $0x40, s12;
	v10 =	vld [tilespmem:s13+$0x84A0];
	v14 =	vmul.f32 v21, v4;
	v8 =	vmul.f32 v21, v3;
	v17 =	vmin.f32 v17, $5.000000000e-01;
	[tilespmem:s9+$0xB4A0] =	vst v20;
	s9 =	smov.u32 s13  }
0x3b0: {  	v4 =	vsub.f32 v16, v18;
	v2 =	vmul.f32 v12, v2  }
0x3b1: {  	v12 =	vmul.f32 v17, v0;
	v3 =	vmul.f32 v5, v3;
	v5 =	vmax.f32 v15, $-5.000000000e-01  }
0x3b2: {  	v5 =	vmin.f32 v5, $5.000000000e-01;
	v2 =	vsub.f32 v14, v2  }
0x3b3: {  	v4 =	vmax.f32 v4, $-5.000000000e-01;
	v3 =	vadd.f32 v12, v3;
	v12 =	vmul.f32 v13, v1  }
0x3b4: {  	v13 =	vmul.f32 v5, v0;
	v4 =	vmin.f32 v4, $5.000000000e-01;
	v2 =	vmax.f32 v2, $-5.000000000e-01  }
0x3b5: {  	[tilespmem:s9+$0xE4B0] =	vst v17;
	v11 =	vmul.f32 v11, v1;
	v14 =	vmul.f32 v4, v0;
	v2 =	vmin.f32 v2, $5.000000000e-01  }
0x3b6: {  	[tilespmem:s9+$0xE480] =	vst v5;
	v3 =	vadd.f32 v3, v12;
	v5 =	vadd.f32 v13, v6;
	v0 =	vmul.f32 v2, v0  }
0x3b7: {  	[tilespmem:s9+$0xE490] =	vst v4;
	v4 =	vmul.f32 v9, v1;
	v6 =	vadd.f32 v14, v7  }
0x3b8: {  	v1 =	vmul.f32 v10, v1;
	[tilespmem:s9+$0xB4B0] =	vst v3;
	v3 =	vadd.f32 v5, v11;
	v0 =	vadd.f32 v0, v8  }
0x3b9: {  	[tilespmem:s9+$0xE4A0] =	vst v2;
	v2 =	vadd.f32 v6, v4  }
0x3ba: {  	[tilespmem:s9+$0xB480] =	vst v3;
	v0 =	vadd.f32 v0, v1  }
0x3bb: {  	[tilespmem:s9+$0xB490] =	vst v2  }
0x3bc: {  	[tilespmem:s9+$0xB4A0] =	vst v0  }
0x3bd: {  	v4 =	vld [tilespmem:$0x100]  }
0x3be: {  	v2 =	vld [tilespmem:$0x110]  }
0x3bf: {  	s19 =	simm.s32 $0x0;
	v0 =	vld [tilespmem:$0x120]  }
0x3c0: {  	s10 =	sand.u32 $0x40, s19;
	s9 =	sand.u32 $0xC00, s19;
	v3 =	vld [tilespmem:$0x130]  }
0x3c1: {  	v1 =	vld [tilespmem:$0x140];
	s9 =	sor.u32 s10, s9  }
0x3c2: {  	v5 =	vld [tilespmem:s9+$0x2530]  }
0x3c3: {  	v6 =	vld [tilespmem:s9+$0x5530]  }
0x3c4: {  	v7 =	vld [tilespmem:s9+$0x2500]  }
0x3c5: {  	v8 =	vld [tilespmem:s9+$0x5500]  }
0x3c6: {  	v9 =	vld [tilespmem:s9+$0x2510]  }
0x3c7: {  	v10 =	vld [tilespmem:s9+$0x5510]  }
0x3c8: {  	v17 =	vld [tilespmem:s9+$0x2520];
	v13 =	vmul.f32 v5, v4;
	v14 =	vmul.f32 v6, v2  }
0x3c9: {  	v12 =	vld [tilespmem:s9+$0x5520];
	v15 =	vmul.f32 v7, v4  }
0x3ca: {  	v11 =	vld [tilespmem:s9+$0x8500];
	v6 =	vmul.f32 v7, v3;
	v8 =	vmul.f32 v8, v2;
	v14 =	vsub.f32 v13, v14  }
0x3cb: {  	v16 =	vmul.f32 v9, v4;
	v7 =	vmul.f32 v9, v3;
	v13 =	vld [tilespmem:s9+$0x8530]  }
0x3cc: {  	v9 =	vld [tilespmem:s9+$0x8510];
	v18 =	vmul.f32 v10, v2;
	v15 =	vsub.f32 v15, v8;
	v19 =	vmax.f32 v14, $-5.000000000e-01  }
0x3cd: {  	s11 =	simm.s32 $0x200;
	s12 =	simm.s32 $0x40;
	s10 =	simm.s32 $0x0;
	v10 =	vld [tilespmem:s9+$0x8520];
	v8 =	vmul.f32 v17, v3;
	v14 =	vmul.f32 v17, v4;
	v17 =	vmin.f32 v19, $5.000000000e-01  }
.LBB2_36:
0x3ce: {  	s13 =	sand.u32 $0x40, s12;
	s14 =	sand.u32 $0xC00, s11;
	v16 =	vsub.f32 v16, v18;
	[tilespmem:s9+$0xE530] =	vst v17;
	v17 =	vmul.f32 v17, v0;
	v18 =	vmul.f32 v5, v3  }
0x3cf: {  	s10 =	sadd.s32 $0x4, s10;
	v15 =	vmax.f32 v15, $-5.000000000e-01;
	v12 =	vmul.f32 v12, v2;
	s13 =	sor.u32 s13, s14;
	v11 =	vmul.f32 v11, v1  }
0x3d0: {  	p0 =	slt.u32 s10, $0x1C;
	v5 =	vld [tilespmem:s13+$0x2530];
	v16 =	vmax.f32 v16, $-5.000000000e-01;
	v17 =	vadd.f32 v17, v18;
	v13 =	vmul.f32 v13, v1  }
0x3d1: {  	v15 =	vmin.f32 v15, $5.000000000e-01;
	v12 =	vsub.f32 v14, v12;
	v18 =	vld [tilespmem:s13+$0x5530];
	v16 =	vmin.f32 v16, $5.000000000e-01  }
0x3d2: {  	v14 =	vld [tilespmem:s13+$0x2500];
	[tilespmem:s9+$0xE500] =	vst v15;
	v15 =	vmul.f32 v15, v0;
	v19 =	vmul.f32 v16, v0;
	v13 =	vadd.f32 v17, v13  }
0x3d3: {  	v9 =	vmul.f32 v9, v1;
	v12 =	vmax.f32 v12, $-5.000000000e-01;
	v10 =	vmul.f32 v10, v1;
	v17 =	vld [tilespmem:s13+$0x5500];
	[tilespmem:s9+$0xE510] =	vst v16  }
0x3d4: {  	v12 =	vmin.f32 v12, $5.000000000e-01;
	v20 =	vld [tilespmem:s13+$0x2510];
	v6 =	vadd.f32 v15, v6;
	v7 =	vadd.f32 v19, v7;
	[tilespmem:s9+$0xB530] =	vst v13  }
0x3d5: {  	v13 =	vmul.f32 v12, v0;
	v19 =	vld [tilespmem:s13+$0x5510];
	[tilespmem:s9+$0xE520] =	vst v12  }
0x3d6: {  	v15 =	vmul.f32 v5, v4;
	v21 =	vld [tilespmem:s13+$0x2520];
	v16 =	vmul.f32 v18, v2;
	v18 =	vadd.f32 v6, v11  }
.Ltmp17:
0x3d7: {  	v8 =	vadd.f32 v13, v8;
	v22 =	vmul.f32 v14, v4;
	v6 =	vmul.f32 v14, v3;
	v12 =	vld [tilespmem:s13+$0x5520];
	(pc) =	sbr.rel @p0 .LBB2_36-.Ltmp17, $4  }
0x3d8: {  	v23 =	vadd.f32 v7, v9;
	v11 =	vld [tilespmem:s13+$0x8500];
	v14 =	vmul.f32 v17, v2;
	v17 =	vsub.f32 v15, v16;
	[tilespmem:s9+$0xB500] =	vst v18  }
0x3d9: {  	v16 =	vmul.f32 v20, v4;
	v7 =	vmul.f32 v20, v3;
	v13 =	vld [tilespmem:s13+$0x8530];
	v20 =	vadd.f32 v8, v10  }
0x3da: {  	v15 =	vsub.f32 v22, v14;
	v9 =	vld [tilespmem:s13+$0x8510];
	v18 =	vmul.f32 v19, v2;
	v17 =	vmax.f32 v17, $-5.000000000e-01;
	[tilespmem:s9+$0xB510] =	vst v23  }
0x3db: {  	s11 =	sadd.s32 $0x200, s11;
	s12 =	sadd.s32 $0x40, s12;
	v10 =	vld [tilespmem:s13+$0x8520];
	v14 =	vmul.f32 v21, v4;
	v8 =	vmul.f32 v21, v3;
	v17 =	vmin.f32 v17, $5.000000000e-01;
	[tilespmem:s9+$0xB520] =	vst v20;
	s9 =	smov.u32 s13  }
0x3dc: {  	v4 =	vsub.f32 v16, v18;
	v2 =	vmul.f32 v12, v2  }
0x3dd: {  	v12 =	vmul.f32 v17, v0;
	v3 =	vmul.f32 v5, v3;
	v5 =	vmax.f32 v15, $-5.000000000e-01  }
0x3de: {  	v5 =	vmin.f32 v5, $5.000000000e-01;
	v2 =	vsub.f32 v14, v2  }
0x3df: {  	v4 =	vmax.f32 v4, $-5.000000000e-01;
	v3 =	vadd.f32 v12, v3;
	v12 =	vmul.f32 v13, v1  }
0x3e0: {  	v13 =	vmul.f32 v5, v0;
	v4 =	vmin.f32 v4, $5.000000000e-01;
	v2 =	vmax.f32 v2, $-5.000000000e-01  }
0x3e1: {  	[tilespmem:s9+$0xE530] =	vst v17;
	v11 =	vmul.f32 v11, v1;
	v14 =	vmul.f32 v4, v0;
	v2 =	vmin.f32 v2, $5.000000000e-01  }
0x3e2: {  	[tilespmem:s9+$0xE500] =	vst v5;
	v3 =	vadd.f32 v3, v12;
	v5 =	vadd.f32 v13, v6;
	v0 =	vmul.f32 v2, v0  }
0x3e3: {  	[tilespmem:s9+$0xE510] =	vst v4;
	v4 =	vmul.f32 v9, v1;
	v6 =	vadd.f32 v14, v7  }
0x3e4: {  	v1 =	vmul.f32 v10, v1;
	[tilespmem:s9+$0xB530] =	vst v3;
	v3 =	vadd.f32 v5, v11;
	v0 =	vadd.f32 v0, v8  }
0x3e5: {  	[tilespmem:s9+$0xE520] =	vst v2;
	v2 =	vadd.f32 v6, v4  }
0x3e6: {  	[tilespmem:s9+$0xB500] =	vst v3;
	v0 =	vadd.f32 v0, v1  }
0x3e7: {  	[tilespmem:s9+$0xB510] =	vst v2  }
0x3e8: {  	[tilespmem:s9+$0xB520] =	vst v0  }
0x3e9: {  	v4 =	vld [tilespmem:$0x180]  }
0x3ea: {  	v2 =	vld [tilespmem:$0x190]  }
0x3eb: {  	s19 =	simm.s32 $0x0;
	v0 =	vld [tilespmem:$0x1A0]  }
0x3ec: {  	s10 =	sand.u32 $0x40, s19;
	s9 =	sand.u32 $0xC00, s19;
	v3 =	vld [tilespmem:$0x1B0]  }
0x3ed: {  	v1 =	vld [tilespmem:$0x1C0];
	s9 =	sor.u32 s10, s9  }
0x3ee: {  	v5 =	vld [tilespmem:s9+$0x25B0]  }
0x3ef: {  	v6 =	vld [tilespmem:s9+$0x55B0]  }
0x3f0: {  	v7 =	vld [tilespmem:s9+$0x2580]  }
0x3f1: {  	v8 =	vld [tilespmem:s9+$0x5580]  }
0x3f2: {  	v9 =	vld [tilespmem:s9+$0x2590]  }
0x3f3: {  	v10 =	vld [tilespmem:s9+$0x5590]  }
0x3f4: {  	v17 =	vld [tilespmem:s9+$0x25A0];
	v13 =	vmul.f32 v5, v4;
	v14 =	vmul.f32 v6, v2  }
0x3f5: {  	v12 =	vld [tilespmem:s9+$0x55A0];
	v15 =	vmul.f32 v7, v4  }
0x3f6: {  	v11 =	vld [tilespmem:s9+$0x8580];
	v6 =	vmul.f32 v7, v3;
	v8 =	vmul.f32 v8, v2;
	v14 =	vsub.f32 v13, v14  }
0x3f7: {  	v16 =	vmul.f32 v9, v4;
	v7 =	vmul.f32 v9, v3;
	v13 =	vld [tilespmem:s9+$0x85B0]  }
0x3f8: {  	v9 =	vld [tilespmem:s9+$0x8590];
	v18 =	vmul.f32 v10, v2;
	v15 =	vsub.f32 v15, v8;
	v19 =	vmax.f32 v14, $-5.000000000e-01  }
0x3f9: {  	s11 =	simm.s32 $0x200;
	s12 =	simm.s32 $0x40;
	s10 =	simm.s32 $0x0;
	v10 =	vld [tilespmem:s9+$0x85A0];
	v8 =	vmul.f32 v17, v3;
	v14 =	vmul.f32 v17, v4;
	v17 =	vmin.f32 v19, $5.000000000e-01  }
.LBB2_38:
0x3fa: {  	s13 =	sand.u32 $0x40, s12;
	s14 =	sand.u32 $0xC00, s11;
	v16 =	vsub.f32 v16, v18;
	[tilespmem:s9+$0xE5B0] =	vst v17;
	v17 =	vmul.f32 v17, v0;
	v18 =	vmul.f32 v5, v3  }
0x3fb: {  	s10 =	sadd.s32 $0x4, s10;
	v15 =	vmax.f32 v15, $-5.000000000e-01;
	v12 =	vmul.f32 v12, v2;
	s13 =	sor.u32 s13, s14;
	v11 =	vmul.f32 v11, v1  }
0x3fc: {  	p0 =	slt.u32 s10, $0x1C;
	v5 =	vld [tilespmem:s13+$0x25B0];
	v16 =	vmax.f32 v16, $-5.000000000e-01;
	v17 =	vadd.f32 v17, v18;
	v13 =	vmul.f32 v13, v1  }
0x3fd: {  	v15 =	vmin.f32 v15, $5.000000000e-01;
	v12 =	vsub.f32 v14, v12;
	v18 =	vld [tilespmem:s13+$0x55B0];
	v16 =	vmin.f32 v16, $5.000000000e-01  }
0x3fe: {  	v14 =	vld [tilespmem:s13+$0x2580];
	[tilespmem:s9+$0xE580] =	vst v15;
	v15 =	vmul.f32 v15, v0;
	v19 =	vmul.f32 v16, v0;
	v13 =	vadd.f32 v17, v13  }
0x3ff: {  	v9 =	vmul.f32 v9, v1;
	v12 =	vmax.f32 v12, $-5.000000000e-01;
	v10 =	vmul.f32 v10, v1;
	v17 =	vld [tilespmem:s13+$0x5580];
	[tilespmem:s9+$0xE590] =	vst v16  }
0x400: {  	v12 =	vmin.f32 v12, $5.000000000e-01;
	v20 =	vld [tilespmem:s13+$0x2590];
	v6 =	vadd.f32 v15, v6;
	v7 =	vadd.f32 v19, v7;
	[tilespmem:s9+$0xB5B0] =	vst v13  }
0x401: {  	v13 =	vmul.f32 v12, v0;
	v19 =	vld [tilespmem:s13+$0x5590];
	[tilespmem:s9+$0xE5A0] =	vst v12  }
0x402: {  	v15 =	vmul.f32 v5, v4;
	v21 =	vld [tilespmem:s13+$0x25A0];
	v16 =	vmul.f32 v18, v2;
	v18 =	vadd.f32 v6, v11  }
.Ltmp18:
0x403: {  	v8 =	vadd.f32 v13, v8;
	v22 =	vmul.f32 v14, v4;
	v6 =	vmul.f32 v14, v3;
	v12 =	vld [tilespmem:s13+$0x55A0];
	(pc) =	sbr.rel @p0 .LBB2_38-.Ltmp18, $4  }
0x404: {  	v23 =	vadd.f32 v7, v9;
	v11 =	vld [tilespmem:s13+$0x8580];
	v14 =	vmul.f32 v17, v2;
	v17 =	vsub.f32 v15, v16;
	[tilespmem:s9+$0xB580] =	vst v18  }
0x405: {  	v16 =	vmul.f32 v20, v4;
	v7 =	vmul.f32 v20, v3;
	v13 =	vld [tilespmem:s13+$0x85B0];
	v20 =	vadd.f32 v8, v10  }
0x406: {  	v15 =	vsub.f32 v22, v14;
	v9 =	vld [tilespmem:s13+$0x8590];
	v18 =	vmul.f32 v19, v2;
	v17 =	vmax.f32 v17, $-5.000000000e-01;
	[tilespmem:s9+$0xB590] =	vst v23  }
0x407: {  	s11 =	sadd.s32 $0x200, s11;
	s12 =	sadd.s32 $0x40, s12;
	v10 =	vld [tilespmem:s13+$0x85A0];
	v14 =	vmul.f32 v21, v4;
	v8 =	vmul.f32 v21, v3;
	v17 =	vmin.f32 v17, $5.000000000e-01;
	[tilespmem:s9+$0xB5A0] =	vst v20;
	s9 =	smov.u32 s13  }
0x408: {  	v4 =	vsub.f32 v16, v18;
	v2 =	vmul.f32 v12, v2  }
0x409: {  	v12 =	vmul.f32 v17, v0;
	v3 =	vmul.f32 v5, v3;
	v5 =	vmax.f32 v15, $-5.000000000e-01  }
0x40a: {  	v5 =	vmin.f32 v5, $5.000000000e-01;
	v2 =	vsub.f32 v14, v2  }
0x40b: {  	v4 =	vmax.f32 v4, $-5.000000000e-01;
	v3 =	vadd.f32 v12, v3;
	v12 =	vmul.f32 v13, v1  }
0x40c: {  	v13 =	vmul.f32 v5, v0;
	v4 =	vmin.f32 v4, $5.000000000e-01;
	v2 =	vmax.f32 v2, $-5.000000000e-01  }
0x40d: {  	[tilespmem:s9+$0xE5B0] =	vst v17;
	v11 =	vmul.f32 v11, v1;
	v14 =	vmul.f32 v4, v0;
	v2 =	vmin.f32 v2, $5.000000000e-01  }
0x40e: {  	[tilespmem:s9+$0xE580] =	vst v5;
	v3 =	vadd.f32 v3, v12;
	v5 =	vadd.f32 v13, v6;
	v0 =	vmul.f32 v2, v0  }
0x40f: {  	[tilespmem:s9+$0xE590] =	vst v4;
	v4 =	vmul.f32 v9, v1;
	v6 =	vadd.f32 v14, v7  }
0x410: {  	v1 =	vmul.f32 v10, v1;
	[tilespmem:s9+$0xB5B0] =	vst v3;
	v3 =	vadd.f32 v5, v11;
	v0 =	vadd.f32 v0, v8  }
0x411: {  	[tilespmem:s9+$0xE5A0] =	vst v2;
	v2 =	vadd.f32 v6, v4  }
0x412: {  	[tilespmem:s9+$0xB580] =	vst v3;
	v0 =	vadd.f32 v0, v1  }
0x413: {  	[tilespmem:s9+$0xB590] =	vst v2  }
0x414: {  	s19 =	simm.s32 $0x0;
	[tilespmem:s9+$0xB5A0] =	vst v0  }
0x415: {  	s9 =	sand.u32 $0xFFFFFC00, s19;
	v4 =	vld [tilespmem:$0x200]  }
0x416: {  	v2 =	vld [tilespmem:$0x210];
	s9 =	sadd.s32 $0x0, s9  }
0x417: {  	v3 =	vld [tilespmem:$0x230];
	s15 =	sor.u32 $0x21B0, s9  }
0x418: {  	v5 =	vld [tilespmem:s15+$0x480]  }
0x419: {  	s14 =	sor.u32 $0x2180, s9;
	v0 =	vld [tilespmem:s15+$0x3480]  }
0x41a: {  	v1 =	vld [tilespmem:s14+$0x480]  }
0x41b: {  	s17 =	sor.u32 $0x2190, s9;
	v6 =	vld [tilespmem:s14+$0x3480]  }
0x41c: {  	v7 =	vld [tilespmem:s17+$0x480]  }
0x41d: {  	s9 =	sor.u32 $0x21A0, s9;
	v8 =	vld [tilespmem:s17+$0x3480]  }
0x41e: {  	v14 =	vld [tilespmem:s9+$0x3480]  }
0x41f: {  	v9 =	vld [tilespmem:s9+$0x480]  }
0x420: {  	v15 =	vld [tilespmem:s15+$0x6480];
	v10 =	vmul.f32 v5, v4;
	v11 =	vmul.f32 v0, v2  }
0x421: {  	v0 =	vld [tilespmem:$0x220];
	v12 =	vmul.f32 v1, v4;
	v13 =	vmul.f32 v1, v3  }
0x422: {  	v1 =	vld [tilespmem:$0x240];
	v6 =	vmul.f32 v6, v2;
	v8 =	vmul.f32 v8, v2;
	v10 =	vsub.f32 v10, v11  }
0x423: {  	s10 =	simm.s32 $0x200;
	v18 =	vmul.f32 v5, v3;
	v14 =	vmul.f32 v14, v2  }
0x424: {  	s10 =	sand.u32 $0xFFFFFC00, s10;
	v16 =	vld [tilespmem:s14+$0x6480];
	v11 =	vmul.f32 v7, v4;
	v7 =	vmul.f32 v7, v3;
	v10 =	vmax.f32 v10, $-5.000000000e-01  }
0x425: {  	s13 =	sadd.s32 $0x40, s10;
	v17 =	vld [tilespmem:s17+$0x6480];
	v6 =	vsub.f32 v12, v6;
	v12 =	vmul.f32 v9, v4;
	v10 =	vmin.f32 v10, $5.000000000e-01  }
0x426: {  	s10 =	sor.u32 $0x21B0, s13;
	v19 =	vld [tilespmem:s9+$0x6480];
	v9 =	vmul.f32 v9, v3;
	v8 =	vsub.f32 v11, v8;
	v11 =	vmul.f32 v10, v0  }
0x427: {  	v5 =	vld [tilespmem:s10+$0x480];
	v6 =	vmax.f32 v6, $-5.000000000e-01;
	v12 =	vsub.f32 v12, v14;
	v15 =	vmul.f32 v15, v1  }
0x428: {  	s11 =	sor.u32 $0x2180, s13;
	v6 =	vmin.f32 v6, $5.000000000e-01;
	v8 =	vmax.f32 v8, $-5.000000000e-01;
	v11 =	vadd.f32 v11, v18;
	v18 =	vld [tilespmem:s10+$0x3480]  }
0x429: {  	v14 =	vmul.f32 v16, v1;
	v16 =	vld [tilespmem:s11+$0x480];
	v20 =	vmul.f32 v6, v0;
	v8 =	vmin.f32 v8, $5.000000000e-01  }
0x42a: {  	s12 =	sor.u32 $0x2190, s13;
	v22 =	vld [tilespmem:s11+$0x3480];
	v21 =	vmul.f32 v8, v0;
	v15 =	vadd.f32 v11, v15;
	v11 =	vmax.f32 v12, $-5.000000000e-01  }
0x42b: {  	[tilespmem:s15+$0xC480] =	vst v10;
	v10 =	vadd.f32 v20, v13;
	v13 =	vld [tilespmem:s12+$0x480];
	v12 =	vmul.f32 v17, v1;
	v17 =	vmin.f32 v11, $5.000000000e-01  }
0x42c: {  	s13 =	sor.u32 $0x21A0, s13;
	v61 =	vld [tilespmem:s12+$0x3480];
	v19 =	vmul.f32 v19, v1;
	[tilespmem:s14+$0xC480] =	vst v6;
	v7 =	vadd.f32 v21, v7;
	v62 =	vmul.f32 v17, v0  }
0x42d: {  	[tilespmem:s17+$0xC480] =	vst v8;
	v8 =	vadd.f32 v10, v14;
	v14 =	vmul.f32 v5, v4;
	v11 =	vld [tilespmem:s13+$0x480];
	v18 =	vmul.f32 v18, v2  }
0x42e: {  	v23 =	vmul.f32 v16, v4;
	v6 =	vmul.f32 v16, v3;
	v10 =	vld [tilespmem:s13+$0x3480];
	[tilespmem:s15+$0x9480] =	vst v15;
	v16 =	vadd.f32 v62, v9  }
0x42f: {  	[tilespmem:s9+$0xC480] =	vst v17;
	v17 =	vmul.f32 v22, v2;
	v63 =	vadd.f32 v7, v12;
	v9 =	vld [tilespmem:s11+$0x6480];
	v18 =	vsub.f32 v14, v18  }
0x430: {  	[tilespmem:s14+$0x9480] =	vst v8;
	v12 =	vld [tilespmem:s10+$0x6480];
	v15 =	vmul.f32 v13, v4;
	v7 =	vmul.f32 v13, v3;
	v14 =	vadd.f32 v16, v19  }
0x431: {  	s16 =	simm.s32 $0x400;
	s14 =	simm.s32 $0x40;
	s15 =	simm.s32 $0x4;
	v8 =	vld [tilespmem:s12+$0x6480];
	v13 =	vsub.f32 v23, v17;
	[tilespmem:s17+$0x9480] =	vst v63;
	v16 =	vmul.f32 v61, v2;
	v17 =	vmax.f32 v18, $-5.000000000e-01  }
.LBB2_40:
0x432: {  	s17 =	sand.u32 $0xFFFFFC00, s16;
	v18 =	vld [tilespmem:s13+$0x6480];
	v19 =	vmul.f32 v11, v4;
	v20 =	vmul.f32 v11, v3;
	v11 =	vmin.f32 v17, $5.000000000e-01;
	s14 =	sadd.s32 $0x40, s14;
	[tilespmem:s9+$0x9480] =	vst v14;
	s9 =	smov.u32 s13  }
0x433: {  	s15 =	sadd.s32 $0x4, s15;
	s13 =	sadd.s32 s17, s14;
	v14 =	vsub.f32 v15, v16;
	[tilespmem:s10+$0xC480] =	vst v11;
	v11 =	vmul.f32 v11, v0;
	v15 =	vmul.f32 v5, v3  }
0x434: {  	p0 =	slt.u32 s15, $0x1C;
	v13 =	vmax.f32 v13, $-5.000000000e-01;
	v10 =	vmul.f32 v10, v2;
	s18 =	sor.u32 $0x2180, s13;
	s19 =	sor.u32 $0x21B0, s13;
	v9 =	vmul.f32 v9, v1  }
0x435: {  	s17 =	sor.u32 $0x2190, s13;
	s13 =	sor.u32 $0x21A0, s13;
	v5 =	vld [tilespmem:s19+$0x480];
	v14 =	vmax.f32 v14, $-5.000000000e-01;
	v11 =	vadd.f32 v11, v15;
	v12 =	vmul.f32 v12, v1  }
0x436: {  	v13 =	vmin.f32 v13, $5.000000000e-01;
	v10 =	vsub.f32 v19, v10;
	v15 =	vld [tilespmem:s19+$0x3480];
	v14 =	vmin.f32 v14, $5.000000000e-01  }
0x437: {  	v16 =	vld [tilespmem:s18+$0x480];
	[tilespmem:s11+$0xC480] =	vst v13;
	v13 =	vmul.f32 v13, v0;
	v17 =	vmul.f32 v14, v0;
	v11 =	vadd.f32 v11, v12  }
0x438: {  	v8 =	vmul.f32 v8, v1;
	v10 =	vmax.f32 v10, $-5.000000000e-01;
	v12 =	vld [tilespmem:s18+$0x3480];
	[tilespmem:s12+$0xC480] =	vst v14;
	v14 =	vmul.f32 v18, v1  }
0x439: {  	v10 =	vmin.f32 v10, $5.000000000e-01;
	v18 =	vld [tilespmem:s17+$0x480];
	v6 =	vadd.f32 v13, v6;
	v7 =	vadd.f32 v17, v7;
	[tilespmem:s10+$0x9480] =	vst v11;
	s10 =	smov.u32 s19  }
0x43a: {  	v13 =	vmul.f32 v10, v0;
	v17 =	vld [tilespmem:s17+$0x3480];
	[tilespmem:s9+$0xC480] =	vst v10  }
.Ltmp19:
0x43b: {  	v19 =	vmul.f32 v5, v4;
	v11 =	vld [tilespmem:s13+$0x480];
	v15 =	vmul.f32 v15, v2;
	v21 =	vadd.f32 v6, v9;
	(pc) =	sbr.rel @p0 .LBB2_40-.Ltmp19, $4  }
0x43c: {  	v13 =	vadd.f32 v13, v20;
	v22 =	vmul.f32 v16, v4;
	v6 =	vmul.f32 v16, v3;
	v10 =	vld [tilespmem:s13+$0x3480]  }
0x43d: {  	v20 =	vadd.f32 v7, v8;
	v9 =	vld [tilespmem:s18+$0x6480];
	v16 =	vmul.f32 v12, v2;
	v19 =	vsub.f32 v19, v15;
	[tilespmem:s11+$0x9480] =	vst v21;
	s11 =	smov.u32 s18  }
0x43e: {  	v14 =	vadd.f32 v13, v14;
	v15 =	vmul.f32 v18, v4;
	v7 =	vmul.f32 v18, v3;
	v12 =	vld [tilespmem:s10+$0x6480]  }
0x43f: {  	s16 =	sadd.s32 $0x200, s16;
	v13 =	vsub.f32 v22, v16;
	v8 =	vld [tilespmem:s17+$0x6480];
	v16 =	vmul.f32 v17, v2;
	v17 =	vmax.f32 v19, $-5.000000000e-01;
	[tilespmem:s12+$0x9480] =	vst v20;
	s12 =	smov.u32 s17  }
0x440: {  	v4 =	vmul.f32 v11, v4;
	v11 =	vmul.f32 v11, v3  }
0x441: {  	v17 =	vmin.f32 v17, $5.000000000e-01;
	v3 =	vmul.f32 v5, v3;
	v2 =	vmul.f32 v10, v2  }
0x442: {  	v15 =	vsub.f32 v15, v16;
	v10 =	vmul.f32 v17, v0;
	v5 =	vmax.f32 v13, $-5.000000000e-01  }
0x443: {  	v5 =	vmin.f32 v5, $5.000000000e-01;
	v2 =	vsub.f32 v4, v2  }
0x444: {  	v13 =	vmax.f32 v15, $-5.000000000e-01;
	v4 =	vld [tilespmem:s13+$0x6480];
	v3 =	vadd.f32 v10, v3;
	v10 =	vmul.f32 v12, v1  }
0x445: {  	[tilespmem:s9+$0x9480] =	vst v14;
	v12 =	vmin.f32 v13, $5.000000000e-01;
	v13 =	vmul.f32 v5, v0;
	v2 =	vmax.f32 v2, $-5.000000000e-01  }
0x446: {  	[tilespmem:s10+$0xC480] =	vst v17;
	v9 =	vmul.f32 v9, v1;
	v14 =	vmul.f32 v12, v0;
	v2 =	vmin.f32 v2, $5.000000000e-01  }
0x447: {  	[tilespmem:s11+$0xC480] =	vst v5;
	v3 =	vadd.f32 v3, v10;
	v5 =	vadd.f32 v13, v6;
	v0 =	vmul.f32 v2, v0  }
0x448: {  	[tilespmem:s12+$0xC480] =	vst v12;
	v6 =	vmul.f32 v8, v1;
	v7 =	vadd.f32 v14, v7  }
0x449: {  	[tilespmem:s10+$0x9480] =	vst v3;
	v1 =	vmul.f32 v4, v1;
	v3 =	vadd.f32 v5, v9;
	v0 =	vadd.f32 v0, v11  }
0x44a: {  	[tilespmem:s13+$0xC480] =	vst v2;
	v2 =	vadd.f32 v7, v6  }
0x44b: {  	[tilespmem:s11+$0x9480] =	vst v3;
	v0 =	vadd.f32 v0, v1  }
0x44c: {  	p0 =	por $0x0, $0x0;
	s9 =	simm.s32 $0x1;
	[tilespmem:s12+$0x9480] =	vst v2  }
0x44d: {  	s9 =	simm.s32 @!p0 $0x0;
	[tilespmem:s13+$0x9480] =	vst v0  }
0x44e: {  	s9 =	sshll.u32 s9, $0x6;
	v4 =	vld [tilespmem:$0x280]  }
0x44f: {  	s18 =	sadd.s32 $0x0, s9;
	v2 =	vld [tilespmem:$0x290]  }
0x450: {  	s15 =	sor.u32 $0x2230, s18;
	v3 =	vld [tilespmem:$0x2B0]  }
0x451: {  	v5 =	vld [tilespmem:s15+$0x480]  }
0x452: {  	s17 =	sor.u32 $0x2200, s18;
	v0 =	vld [tilespmem:s15+$0x3480]  }
0x453: {  	v1 =	vld [tilespmem:s17+$0x480]  }
0x454: {  	s9 =	sor.u32 $0x2210, s18;
	v6 =	vld [tilespmem:s17+$0x3480]  }
0x455: {  	v7 =	vld [tilespmem:s9+$0x480]  }
0x456: {  	s10 =	sor.u32 $0x2220, s18;
	v8 =	vld [tilespmem:s9+$0x3480]  }
0x457: {  	v14 =	vld [tilespmem:s10+$0x3480]  }
0x458: {  	v9 =	vld [tilespmem:s10+$0x480]  }
0x459: {  	v15 =	vld [tilespmem:s15+$0x6480];
	v10 =	vmul.f32 v5, v4;
	v11 =	vmul.f32 v0, v2  }
0x45a: {  	v16 =	vld [tilespmem:s17+$0x6480];
	v12 =	vmul.f32 v1, v4;
	v13 =	vmul.f32 v1, v3  }
0x45b: {  	p0 =	por !p0, !p0;
	s11 =	simm.s32 $0x1;
	v1 =	vld [tilespmem:$0x2C0];
	v6 =	vmul.f32 v6, v2;
	v8 =	vmul.f32 v8, v2  }
0x45c: {  	s11 =	simm.s32 @!p0 $0x0;
	v0 =	vld [tilespmem:$0x2A0];
	v18 =	vmul.f32 v5, v3;
	v14 =	vmul.f32 v14, v2  }
0x45d: {  	s11 =	sshll.u32 s11, $0x6;
	v17 =	vld [tilespmem:s9+$0x6480];
	v10 =	vsub.f32 v10, v11;
	v11 =	vmul.f32 v7, v4;
	v6 =	vsub.f32 v12, v6  }
0x45e: {  	s19 =	sadd.s32 $0x200, s11;
	v7 =	vmul.f32 v7, v3;
	v12 =	vmul.f32 v9, v4  }
0x45f: {  	v19 =	vld [tilespmem:s10+$0x6480];
	s12 =	sor.u32 $0x2200, s19;
	v10 =	vmax.f32 v10, $-5.000000000e-01;
	v8 =	vsub.f32 v11, v8;
	v6 =	vmax.f32 v6, $-5.000000000e-01  }
0x460: {  	s11 =	sor.u32 $0x2230, s19;
	v22 =	vld [tilespmem:s12+$0x3480];
	v12 =	vsub.f32 v12, v14;
	v10 =	vmin.f32 v10, $5.000000000e-01;
	v15 =	vmul.f32 v15, v1  }
0x461: {  	v5 =	vld [tilespmem:s11+$0x480];
	v6 =	vmin.f32 v6, $5.000000000e-01;
	v14 =	vmul.f32 v16, v1;
	v11 =	vmul.f32 v10, v0  }
0x462: {  	v16 =	vld [tilespmem:s12+$0x480];
	v23 =	vmul.f32 v17, v1;
	v8 =	vmax.f32 v8, $-5.000000000e-01;
	v20 =	vmul.f32 v6, v0  }
0x463: {  	s14 =	sor.u32 $0x2210, s19;
	v12 =	vmax.f32 v12, $-5.000000000e-01;
	v8 =	vmin.f32 v8, $5.000000000e-01;
	v11 =	vadd.f32 v11, v18;
	v18 =	vld [tilespmem:s11+$0x3480]  }
0x464: {  	v17 =	vmin.f32 v12, $5.000000000e-01;
	v21 =	vmul.f32 v8, v0;
	v13 =	vadd.f32 v20, v13;
	v20 =	vld [tilespmem:s14+$0x480]  }
0x465: {  	s13 =	sor.u32 $0x2220, s19;
	v9 =	vmul.f32 v9, v3;
	[tilespmem:s15+$0xC480] =	vst v10;
	v63 =	vmul.f32 v17, v0;
	v11 =	vadd.f32 v11, v15  }
0x466: {  	v19 =	vmul.f32 v19, v1;
	[tilespmem:s17+$0xC480] =	vst v6;
	v10 =	vld [tilespmem:s13+$0x480];
	v7 =	vadd.f32 v21, v7;
	v14 =	vadd.f32 v13, v14  }
0x467: {  	v12 =	vld [tilespmem:s14+$0x3480];
	[tilespmem:s9+$0xC480] =	vst v8;
	v13 =	vmul.f32 v5, v4;
	v15 =	vmul.f32 v16, v4;
	v21 =	vadd.f32 v63, v9  }
0x468: {  	[tilespmem:s10+$0xC480] =	vst v17;
	v8 =	vld [tilespmem:s12+$0x6480];
	v6 =	vmul.f32 v16, v3;
	v24 =	vmul.f32 v18, v2  }
0x469: {  	v9 =	vld [tilespmem:s13+$0x3480];
	[tilespmem:s17+$0x9480] =	vst v14;
	v14 =	vadd.f32 v21, v19;
	v18 =	vmul.f32 v22, v2;
	v16 =	vmul.f32 v20, v4  }
0x46a: {  	s16 =	simm.s32 $0x200;
	p0 =	por !p0, !p0;
	[tilespmem:s15+$0x9480] =	vst v11;
	s15 =	simm.s32 $0x4;
	v11 =	vld [tilespmem:s11+$0x6480];
	v17 =	vsub.f32 v13, v24;
	v13 =	vadd.f32 v7, v23;
	v7 =	vmul.f32 v20, v3  }
.LBB2_42:
0x46b: {  	s17 =	simm.s32 $0x1  }
0x46c: {  	v15 =	vsub.f32 v15, v18;
	v18 =	vld [tilespmem:s14+$0x6480];
	v12 =	vmul.f32 v12, v2;
	v17 =	vmax.f32 v17, $-5.000000000e-01;
	[tilespmem:s9+$0x9480] =	vst v13;
	s9 =	smov.u32 s14;
	s17 =	simm.s32 @!p0 $0x0  }
0x46d: {  	s15 =	sadd.s32 $0x4, s15;
	s16 =	sadd.s32 $0x200, s16;
	v19 =	vmul.f32 v10, v4;
	v20 =	vmul.f32 v10, v3;
	v10 =	vmin.f32 v17, $5.000000000e-01;
	s14 =	sshll.u32 s17, $0x6;
	v13 =	vld [tilespmem:s13+$0x6480];
	[tilespmem:s10+$0x9480] =	vst v14  }
0x46e: {  	p1 =	slt.u32 s15, $0x1C;
	v12 =	vsub.f32 v16, v12;
	v14 =	vmul.f32 v5, v3;
	s10 =	smov.u32 s13;
	s17 =	sadd.s32 s14, s16;
	[tilespmem:s11+$0xC480] =	vst v10;
	v10 =	vmul.f32 v10, v0  }
0x46f: {  	v15 =	vmax.f32 v15, $-5.000000000e-01;
	v9 =	vmul.f32 v9, v2;
	v8 =	vmul.f32 v8, v1;
	s18 =	sor.u32 $0x2200, s17;
	s14 =	sor.u32 $0x2210, s17;
	s19 =	sor.u32 $0x2230, s17  }
0x470: {  	s13 =	sor.u32 $0x2220, s17;
	v12 =	vmax.f32 v12, $-5.000000000e-01;
	v11 =	vmul.f32 v11, v1;
	v5 =	vld [tilespmem:s19+$0x480];
	v10 =	vadd.f32 v10, v14  }
0x471: {  	v15 =	vmin.f32 v15, $5.000000000e-01;
	v9 =	vsub.f32 v19, v9;
	v12 =	vmin.f32 v12, $5.000000000e-01;
	v14 =	vld [tilespmem:s19+$0x3480]  }
0x472: {  	v17 =	vmul.f32 v12, v0;
	v16 =	vld [tilespmem:s18+$0x480];
	[tilespmem:s12+$0xC480] =	vst v15;
	v15 =	vmul.f32 v15, v0;
	v10 =	vadd.f32 v10, v11  }
0x473: {  	v19 =	vmul.f32 v18, v1;
	v9 =	vmax.f32 v9, $-5.000000000e-01;
	v21 =	vmul.f32 v13, v1;
	v11 =	vld [tilespmem:s18+$0x3480];
	[tilespmem:s9+$0xC480] =	vst v12  }
0x474: {  	v9 =	vmin.f32 v9, $5.000000000e-01;
	v7 =	vadd.f32 v17, v7;
	v22 =	vld [tilespmem:s14+$0x480];
	v6 =	vadd.f32 v15, v6;
	[tilespmem:s11+$0x9480] =	vst v10;
	s11 =	smov.u32 s19  }
.Ltmp20:
0x475: {  	v13 =	vmul.f32 v9, v0;
	v12 =	vld [tilespmem:s14+$0x3480];
	[tilespmem:s10+$0xC480] =	vst v9;
	(pc) =	sbr.rel @p1 .LBB2_42-.Ltmp20, $4  }
0x476: {  	v17 =	vmul.f32 v5, v4;
	v10 =	vld [tilespmem:s13+$0x480];
	v14 =	vmul.f32 v14, v2;
	v23 =	vadd.f32 v6, v8  }
0x477: {  	v20 =	vadd.f32 v13, v20;
	v15 =	vmul.f32 v16, v4;
	v6 =	vmul.f32 v16, v3;
	v9 =	vld [tilespmem:s13+$0x3480]  }
0x478: {  	v13 =	vadd.f32 v7, v19;
	v8 =	vld [tilespmem:s18+$0x6480];
	v18 =	vmul.f32 v11, v2;
	v17 =	vsub.f32 v17, v14;
	[tilespmem:s12+$0x9480] =	vst v23;
	s12 =	smov.u32 s18  }
0x479: {  	p0 =	por !p0, !p0;
	v14 =	vadd.f32 v20, v21;
	v16 =	vmul.f32 v22, v4;
	v7 =	vmul.f32 v22, v3;
	v11 =	vld [tilespmem:s11+$0x6480]  }
0x47a: {  	v15 =	vsub.f32 v15, v18;
	v12 =	vmul.f32 v12, v2  }
0x47b: {  	v17 =	vmax.f32 v17, $-5.000000000e-01;
	v4 =	vmul.f32 v10, v4;
	v10 =	vmul.f32 v10, v3  }
0x47c: {  	v17 =	vmin.f32 v17, $5.000000000e-01;
	v12 =	vsub.f32 v16, v12;
	v2 =	vmul.f32 v9, v2  }
0x47d: {  	v3 =	vmul.f32 v5, v3;
	v9 =	vmul.f32 v17, v0  }
0x47e: {  	v5 =	vld [tilespmem:s14+$0x6480];
	v15 =	vmax.f32 v15, $-5.000000000e-01;
	v12 =	vmax.f32 v12, $-5.000000000e-01;
	v2 =	vsub.f32 v4, v2  }
0x47f: {  	[tilespmem:s9+$0x9480] =	vst v13;
	v4 =	vld [tilespmem:s13+$0x6480];
	v3 =	vadd.f32 v9, v3;
	v9 =	vmul.f32 v11, v1;
	v11 =	vmin.f32 v15, $5.000000000e-01  }
0x480: {  	[tilespmem:s10+$0x9480] =	vst v14;
	v12 =	vmin.f32 v12, $5.000000000e-01;
	v13 =	vmul.f32 v11, v0;
	v2 =	vmax.f32 v2, $-5.000000000e-01  }
0x481: {  	[tilespmem:s11+$0xC480] =	vst v17;
	v8 =	vmul.f32 v8, v1;
	v14 =	vmul.f32 v12, v0;
	v2 =	vmin.f32 v2, $5.000000000e-01  }
0x482: {  	[tilespmem:s12+$0xC480] =	vst v11;
	v3 =	vadd.f32 v3, v9;
	v6 =	vadd.f32 v13, v6;
	v0 =	vmul.f32 v2, v0  }
0x483: {  	[tilespmem:s14+$0xC480] =	vst v12;
	v5 =	vmul.f32 v5, v1;
	v7 =	vadd.f32 v14, v7  }
0x484: {  	[tilespmem:s11+$0x9480] =	vst v3;
	v1 =	vmul.f32 v4, v1;
	v3 =	vadd.f32 v6, v8;
	v0 =	vadd.f32 v0, v10  }
0x485: {  	[tilespmem:s13+$0xC480] =	vst v2;
	v2 =	vadd.f32 v7, v5  }
0x486: {  	[tilespmem:s12+$0x9480] =	vst v3;
	v0 =	vadd.f32 v0, v1  }
0x487: {  	p0 =	por $0x0, $0x0;
	s9 =	simm.s32 $0x1;
	[tilespmem:s14+$0x9480] =	vst v2  }
0x488: {  	s9 =	simm.s32 @!p0 $0x0;
	[tilespmem:s13+$0x9480] =	vst v0  }
0x489: {  	s9 =	sshll.u32 s9, $0x6;
	v4 =	vld [tilespmem:$0x300]  }
0x48a: {  	s18 =	sadd.s32 $0x0, s9;
	v2 =	vld [tilespmem:$0x310]  }
0x48b: {  	s15 =	sor.u32 $0x22B0, s18;
	v3 =	vld [tilespmem:$0x330]  }
0x48c: {  	v5 =	vld [tilespmem:s15+$0x480]  }
0x48d: {  	s17 =	sor.u32 $0x2280, s18;
	v0 =	vld [tilespmem:s15+$0x3480]  }
0x48e: {  	v1 =	vld [tilespmem:s17+$0x480]  }
0x48f: {  	s9 =	sor.u32 $0x2290, s18;
	v6 =	vld [tilespmem:s17+$0x3480]  }
0x490: {  	v7 =	vld [tilespmem:s9+$0x480]  }
0x491: {  	s10 =	sor.u32 $0x22A0, s18;
	v8 =	vld [tilespmem:s9+$0x3480]  }
0x492: {  	v14 =	vld [tilespmem:s10+$0x3480]  }
0x493: {  	v9 =	vld [tilespmem:s10+$0x480]  }
0x494: {  	v15 =	vld [tilespmem:s15+$0x6480];
	v10 =	vmul.f32 v5, v4;
	v11 =	vmul.f32 v0, v2  }
0x495: {  	v16 =	vld [tilespmem:s17+$0x6480];
	v12 =	vmul.f32 v1, v4;
	v13 =	vmul.f32 v1, v3  }
0x496: {  	p0 =	por !p0, !p0;
	s11 =	simm.s32 $0x1;
	v1 =	vld [tilespmem:$0x340];
	v6 =	vmul.f32 v6, v2;
	v8 =	vmul.f32 v8, v2  }
0x497: {  	s11 =	simm.s32 @!p0 $0x0;
	v0 =	vld [tilespmem:$0x320];
	v18 =	vmul.f32 v5, v3;
	v14 =	vmul.f32 v14, v2  }
0x498: {  	s11 =	sshll.u32 s11, $0x6;
	v17 =	vld [tilespmem:s9+$0x6480];
	v10 =	vsub.f32 v10, v11;
	v11 =	vmul.f32 v7, v4;
	v6 =	vsub.f32 v12, v6  }
0x499: {  	s19 =	sadd.s32 $0x200, s11;
	v7 =	vmul.f32 v7, v3;
	v12 =	vmul.f32 v9, v4  }
0x49a: {  	s12 =	sor.u32 $0x2280, s19;
	v19 =	vld [tilespmem:s10+$0x6480];
	v10 =	vmax.f32 v10, $-5.000000000e-01;
	v8 =	vsub.f32 v11, v8;
	v6 =	vmax.f32 v6, $-5.000000000e-01  }
0x49b: {  	s11 =	sor.u32 $0x22B0, s19;
	v22 =	vld [tilespmem:s12+$0x3480];
	v12 =	vsub.f32 v12, v14;
	v10 =	vmin.f32 v10, $5.000000000e-01;
	v15 =	vmul.f32 v15, v1  }
0x49c: {  	v5 =	vld [tilespmem:s11+$0x480];
	v6 =	vmin.f32 v6, $5.000000000e-01;
	v14 =	vmul.f32 v16, v1;
	v11 =	vmul.f32 v10, v0  }
0x49d: {  	v16 =	vld [tilespmem:s12+$0x480];
	v23 =	vmul.f32 v17, v1;
	v8 =	vmax.f32 v8, $-5.000000000e-01;
	v20 =	vmul.f32 v6, v0  }
0x49e: {  	s14 =	sor.u32 $0x2290, s19;
	v12 =	vmax.f32 v12, $-5.000000000e-01;
	v8 =	vmin.f32 v8, $5.000000000e-01;
	v11 =	vadd.f32 v11, v18;
	v18 =	vld [tilespmem:s11+$0x3480]  }
0x49f: {  	v17 =	vmin.f32 v12, $5.000000000e-01;
	v21 =	vmul.f32 v8, v0;
	v13 =	vadd.f32 v20, v13;
	v20 =	vld [tilespmem:s14+$0x480]  }
0x4a0: {  	s13 =	sor.u32 $0x22A0, s19;
	v9 =	vmul.f32 v9, v3;
	[tilespmem:s15+$0xC480] =	vst v10;
	v63 =	vmul.f32 v17, v0;
	v11 =	vadd.f32 v11, v15  }
0x4a1: {  	v19 =	vmul.f32 v19, v1;
	[tilespmem:s17+$0xC480] =	vst v6;
	v10 =	vld [tilespmem:s13+$0x480];
	v7 =	vadd.f32 v21, v7;
	v14 =	vadd.f32 v13, v14  }
0x4a2: {  	v12 =	vld [tilespmem:s14+$0x3480];
	[tilespmem:s9+$0xC480] =	vst v8;
	v13 =	vmul.f32 v5, v4;
	v15 =	vmul.f32 v16, v4;
	v21 =	vadd.f32 v63, v9  }
0x4a3: {  	[tilespmem:s10+$0xC480] =	vst v17;
	v8 =	vld [tilespmem:s12+$0x6480];
	v6 =	vmul.f32 v16, v3;
	v24 =	vmul.f32 v18, v2  }
0x4a4: {  	v9 =	vld [tilespmem:s13+$0x3480];
	[tilespmem:s17+$0x9480] =	vst v14;
	v14 =	vadd.f32 v21, v19;
	v18 =	vmul.f32 v22, v2;
	v16 =	vmul.f32 v20, v4  }
0x4a5: {  	s16 =	simm.s32 $0x200;
	p0 =	por !p0, !p0;
	[tilespmem:s15+$0x9480] =	vst v11;
	s15 =	simm.s32 $0x4;
	v11 =	vld [tilespmem:s11+$0x6480];
	v17 =	vsub.f32 v13, v24;
	v13 =	vadd.f32 v7, v23;
	v7 =	vmul.f32 v20, v3  }
.LBB2_44:
0x4a6: {  	s17 =	simm.s32 $0x1  }
0x4a7: {  	v15 =	vsub.f32 v15, v18;
	v18 =	vld [tilespmem:s14+$0x6480];
	v12 =	vmul.f32 v12, v2;
	v17 =	vmax.f32 v17, $-5.000000000e-01;
	[tilespmem:s9+$0x9480] =	vst v13;
	s9 =	smov.u32 s14;
	s17 =	simm.s32 @!p0 $0x0  }
0x4a8: {  	s15 =	sadd.s32 $0x4, s15;
	s16 =	sadd.s32 $0x200, s16;
	v19 =	vmul.f32 v10, v4;
	v20 =	vmul.f32 v10, v3;
	v10 =	vmin.f32 v17, $5.000000000e-01;
	s14 =	sshll.u32 s17, $0x6;
	v13 =	vld [tilespmem:s13+$0x6480];
	[tilespmem:s10+$0x9480] =	vst v14  }
0x4a9: {  	p1 =	slt.u32 s15, $0x1C;
	v12 =	vsub.f32 v16, v12;
	v14 =	vmul.f32 v5, v3;
	s10 =	smov.u32 s13;
	s17 =	sadd.s32 s14, s16;
	[tilespmem:s11+$0xC480] =	vst v10;
	v10 =	vmul.f32 v10, v0  }
0x4aa: {  	v15 =	vmax.f32 v15, $-5.000000000e-01;
	v9 =	vmul.f32 v9, v2;
	v8 =	vmul.f32 v8, v1;
	s18 =	sor.u32 $0x2280, s17;
	s14 =	sor.u32 $0x2290, s17;
	s19 =	sor.u32 $0x22B0, s17  }
0x4ab: {  	s13 =	sor.u32 $0x22A0, s17;
	v12 =	vmax.f32 v12, $-5.000000000e-01;
	v11 =	vmul.f32 v11, v1;
	v5 =	vld [tilespmem:s19+$0x480];
	v10 =	vadd.f32 v10, v14  }
0x4ac: {  	v15 =	vmin.f32 v15, $5.000000000e-01;
	v9 =	vsub.f32 v19, v9;
	v12 =	vmin.f32 v12, $5.000000000e-01;
	v14 =	vld [tilespmem:s19+$0x3480]  }
0x4ad: {  	v17 =	vmul.f32 v12, v0;
	v16 =	vld [tilespmem:s18+$0x480];
	[tilespmem:s12+$0xC480] =	vst v15;
	v15 =	vmul.f32 v15, v0;
	v10 =	vadd.f32 v10, v11  }
0x4ae: {  	v19 =	vmul.f32 v18, v1;
	v9 =	vmax.f32 v9, $-5.000000000e-01;
	v21 =	vmul.f32 v13, v1;
	v11 =	vld [tilespmem:s18+$0x3480];
	[tilespmem:s9+$0xC480] =	vst v12  }
0x4af: {  	v9 =	vmin.f32 v9, $5.000000000e-01;
	v7 =	vadd.f32 v17, v7;
	v22 =	vld [tilespmem:s14+$0x480];
	v6 =	vadd.f32 v15, v6;
	[tilespmem:s11+$0x9480] =	vst v10;
	s11 =	smov.u32 s19  }
.Ltmp21:
0x4b0: {  	v13 =	vmul.f32 v9, v0;
	v12 =	vld [tilespmem:s14+$0x3480];
	[tilespmem:s10+$0xC480] =	vst v9;
	(pc) =	sbr.rel @p1 .LBB2_44-.Ltmp21, $4  }
0x4b1: {  	v17 =	vmul.f32 v5, v4;
	v10 =	vld [tilespmem:s13+$0x480];
	v14 =	vmul.f32 v14, v2;
	v23 =	vadd.f32 v6, v8  }
0x4b2: {  	v20 =	vadd.f32 v13, v20;
	v15 =	vmul.f32 v16, v4;
	v6 =	vmul.f32 v16, v3;
	v9 =	vld [tilespmem:s13+$0x3480]  }
0x4b3: {  	v13 =	vadd.f32 v7, v19;
	v8 =	vld [tilespmem:s18+$0x6480];
	v18 =	vmul.f32 v11, v2;
	v17 =	vsub.f32 v17, v14;
	[tilespmem:s12+$0x9480] =	vst v23;
	s12 =	smov.u32 s18  }
0x4b4: {  	p0 =	por !p0, !p0;
	v14 =	vadd.f32 v20, v21;
	v16 =	vmul.f32 v22, v4;
	v7 =	vmul.f32 v22, v3;
	v11 =	vld [tilespmem:s11+$0x6480]  }
0x4b5: {  	v15 =	vsub.f32 v15, v18;
	v12 =	vmul.f32 v12, v2  }
0x4b6: {  	v17 =	vmax.f32 v17, $-5.000000000e-01;
	v4 =	vmul.f32 v10, v4;
	v10 =	vmul.f32 v10, v3  }
0x4b7: {  	v17 =	vmin.f32 v17, $5.000000000e-01;
	v12 =	vsub.f32 v16, v12;
	v2 =	vmul.f32 v9, v2  }
0x4b8: {  	v3 =	vmul.f32 v5, v3;
	v9 =	vmul.f32 v17, v0  }
0x4b9: {  	v5 =	vld [tilespmem:s14+$0x6480];
	v15 =	vmax.f32 v15, $-5.000000000e-01;
	v12 =	vmax.f32 v12, $-5.000000000e-01;
	v2 =	vsub.f32 v4, v2  }
0x4ba: {  	[tilespmem:s9+$0x9480] =	vst v13;
	v4 =	vld [tilespmem:s13+$0x6480];
	v3 =	vadd.f32 v9, v3;
	v9 =	vmul.f32 v11, v1;
	v11 =	vmin.f32 v15, $5.000000000e-01  }
0x4bb: {  	[tilespmem:s10+$0x9480] =	vst v14;
	v12 =	vmin.f32 v12, $5.000000000e-01;
	v13 =	vmul.f32 v11, v0;
	v2 =	vmax.f32 v2, $-5.000000000e-01  }
0x4bc: {  	[tilespmem:s11+$0xC480] =	vst v17;
	v8 =	vmul.f32 v8, v1;
	v14 =	vmul.f32 v12, v0;
	v2 =	vmin.f32 v2, $5.000000000e-01  }
0x4bd: {  	[tilespmem:s12+$0xC480] =	vst v11;
	v3 =	vadd.f32 v3, v9;
	v6 =	vadd.f32 v13, v6;
	v0 =	vmul.f32 v2, v0  }
0x4be: {  	[tilespmem:s14+$0xC480] =	vst v12;
	v5 =	vmul.f32 v5, v1;
	v7 =	vadd.f32 v14, v7  }
0x4bf: {  	[tilespmem:s11+$0x9480] =	vst v3;
	v1 =	vmul.f32 v4, v1;
	v3 =	vadd.f32 v6, v8;
	v0 =	vadd.f32 v0, v10  }
0x4c0: {  	[tilespmem:s13+$0xC480] =	vst v2;
	v2 =	vadd.f32 v7, v5  }
0x4c1: {  	[tilespmem:s12+$0x9480] =	vst v3;
	v0 =	vadd.f32 v0, v1  }
0x4c2: {  	p0 =	por $0x0, $0x0;
	s9 =	simm.s32 $0x1;
	[tilespmem:s14+$0x9480] =	vst v2  }
0x4c3: {  	s9 =	simm.s32 @!p0 $0x0;
	[tilespmem:s13+$0x9480] =	vst v0  }
0x4c4: {  	s9 =	sshll.u32 s9, $0x6;
	v4 =	vld [tilespmem:$0x380]  }
0x4c5: {  	s18 =	sadd.s32 $0x0, s9;
	v2 =	vld [tilespmem:$0x390]  }
0x4c6: {  	s15 =	sor.u32 $0x2330, s18;
	v3 =	vld [tilespmem:$0x3B0]  }
0x4c7: {  	v5 =	vld [tilespmem:s15+$0x480]  }
0x4c8: {  	s17 =	sor.u32 $0x2300, s18;
	v0 =	vld [tilespmem:s15+$0x3480]  }
0x4c9: {  	v1 =	vld [tilespmem:s17+$0x480]  }
0x4ca: {  	s9 =	sor.u32 $0x2310, s18;
	v6 =	vld [tilespmem:s17+$0x3480]  }
0x4cb: {  	v7 =	vld [tilespmem:s9+$0x480]  }
0x4cc: {  	s10 =	sor.u32 $0x2320, s18;
	v8 =	vld [tilespmem:s9+$0x3480]  }
0x4cd: {  	v14 =	vld [tilespmem:s10+$0x3480]  }
0x4ce: {  	v9 =	vld [tilespmem:s10+$0x480]  }
0x4cf: {  	v15 =	vld [tilespmem:s15+$0x6480];
	v10 =	vmul.f32 v5, v4;
	v11 =	vmul.f32 v0, v2  }
0x4d0: {  	v16 =	vld [tilespmem:s17+$0x6480];
	v12 =	vmul.f32 v1, v4;
	v13 =	vmul.f32 v1, v3  }
0x4d1: {  	p0 =	por !p0, !p0;
	s11 =	simm.s32 $0x1;
	v1 =	vld [tilespmem:$0x3C0];
	v6 =	vmul.f32 v6, v2;
	v8 =	vmul.f32 v8, v2  }
0x4d2: {  	s11 =	simm.s32 @!p0 $0x0;
	v0 =	vld [tilespmem:$0x3A0];
	v18 =	vmul.f32 v5, v3;
	v14 =	vmul.f32 v14, v2  }
0x4d3: {  	s11 =	sshll.u32 s11, $0x6;
	v17 =	vld [tilespmem:s9+$0x6480];
	v10 =	vsub.f32 v10, v11;
	v11 =	vmul.f32 v7, v4;
	v6 =	vsub.f32 v12, v6  }
0x4d4: {  	s19 =	sadd.s32 $0x200, s11;
	v7 =	vmul.f32 v7, v3;
	v12 =	vmul.f32 v9, v4  }
0x4d5: {  	s12 =	sor.u32 $0x2300, s19;
	v19 =	vld [tilespmem:s10+$0x6480];
	v10 =	vmax.f32 v10, $-5.000000000e-01;
	v8 =	vsub.f32 v11, v8;
	v6 =	vmax.f32 v6, $-5.000000000e-01  }
0x4d6: {  	s11 =	sor.u32 $0x2330, s19;
	v22 =	vld [tilespmem:s12+$0x3480];
	v12 =	vsub.f32 v12, v14;
	v10 =	vmin.f32 v10, $5.000000000e-01;
	v15 =	vmul.f32 v15, v1  }
0x4d7: {  	v5 =	vld [tilespmem:s11+$0x480];
	v6 =	vmin.f32 v6, $5.000000000e-01;
	v14 =	vmul.f32 v16, v1;
	v11 =	vmul.f32 v10, v0  }
0x4d8: {  	v16 =	vld [tilespmem:s12+$0x480];
	v23 =	vmul.f32 v17, v1;
	v8 =	vmax.f32 v8, $-5.000000000e-01;
	v20 =	vmul.f32 v6, v0  }
0x4d9: {  	s14 =	sor.u32 $0x2310, s19;
	v12 =	vmax.f32 v12, $-5.000000000e-01;
	v8 =	vmin.f32 v8, $5.000000000e-01;
	v11 =	vadd.f32 v11, v18;
	v18 =	vld [tilespmem:s11+$0x3480]  }
0x4da: {  	v17 =	vmin.f32 v12, $5.000000000e-01;
	v21 =	vmul.f32 v8, v0;
	v13 =	vadd.f32 v20, v13;
	v20 =	vld [tilespmem:s14+$0x480]  }
0x4db: {  	s13 =	sor.u32 $0x2320, s19;
	v9 =	vmul.f32 v9, v3;
	[tilespmem:s15+$0xC480] =	vst v10;
	v63 =	vmul.f32 v17, v0;
	v11 =	vadd.f32 v11, v15  }
0x4dc: {  	v19 =	vmul.f32 v19, v1;
	[tilespmem:s17+$0xC480] =	vst v6;
	v10 =	vld [tilespmem:s13+$0x480];
	v7 =	vadd.f32 v21, v7;
	v14 =	vadd.f32 v13, v14  }
0x4dd: {  	v12 =	vld [tilespmem:s14+$0x3480];
	[tilespmem:s9+$0xC480] =	vst v8;
	v13 =	vmul.f32 v5, v4;
	v15 =	vmul.f32 v16, v4;
	v21 =	vadd.f32 v63, v9  }
0x4de: {  	[tilespmem:s10+$0xC480] =	vst v17;
	v8 =	vld [tilespmem:s12+$0x6480];
	v6 =	vmul.f32 v16, v3;
	v24 =	vmul.f32 v18, v2  }
0x4df: {  	v9 =	vld [tilespmem:s13+$0x3480];
	[tilespmem:s17+$0x9480] =	vst v14;
	v14 =	vadd.f32 v21, v19;
	v18 =	vmul.f32 v22, v2;
	v16 =	vmul.f32 v20, v4  }
0x4e0: {  	s16 =	simm.s32 $0x200;
	p0 =	por !p0, !p0;
	[tilespmem:s15+$0x9480] =	vst v11;
	s15 =	simm.s32 $0x4;
	v11 =	vld [tilespmem:s11+$0x6480];
	v17 =	vsub.f32 v13, v24;
	v13 =	vadd.f32 v7, v23;
	v7 =	vmul.f32 v20, v3  }
.LBB2_46:
0x4e1: {  	s17 =	simm.s32 $0x1  }
0x4e2: {  	v15 =	vsub.f32 v15, v18;
	v18 =	vld [tilespmem:s14+$0x6480];
	v12 =	vmul.f32 v12, v2;
	v17 =	vmax.f32 v17, $-5.000000000e-01;
	[tilespmem:s9+$0x9480] =	vst v13;
	s9 =	smov.u32 s14;
	s17 =	simm.s32 @!p0 $0x0  }
0x4e3: {  	s15 =	sadd.s32 $0x4, s15;
	s16 =	sadd.s32 $0x200, s16;
	v19 =	vmul.f32 v10, v4;
	v20 =	vmul.f32 v10, v3;
	v10 =	vmin.f32 v17, $5.000000000e-01;
	s14 =	sshll.u32 s17, $0x6;
	v13 =	vld [tilespmem:s13+$0x6480];
	[tilespmem:s10+$0x9480] =	vst v14  }
0x4e4: {  	p1 =	slt.u32 s15, $0x1C;
	v12 =	vsub.f32 v16, v12;
	v14 =	vmul.f32 v5, v3;
	s10 =	smov.u32 s13;
	s17 =	sadd.s32 s14, s16;
	[tilespmem:s11+$0xC480] =	vst v10;
	v10 =	vmul.f32 v10, v0  }
0x4e5: {  	v15 =	vmax.f32 v15, $-5.000000000e-01;
	v9 =	vmul.f32 v9, v2;
	v8 =	vmul.f32 v8, v1;
	s18 =	sor.u32 $0x2300, s17;
	s14 =	sor.u32 $0x2310, s17;
	s19 =	sor.u32 $0x2330, s17  }
0x4e6: {  	s13 =	sor.u32 $0x2320, s17;
	v12 =	vmax.f32 v12, $-5.000000000e-01;
	v11 =	vmul.f32 v11, v1;
	v5 =	vld [tilespmem:s19+$0x480];
	v10 =	vadd.f32 v10, v14  }
0x4e7: {  	v15 =	vmin.f32 v15, $5.000000000e-01;
	v9 =	vsub.f32 v19, v9;
	v12 =	vmin.f32 v12, $5.000000000e-01;
	v14 =	vld [tilespmem:s19+$0x3480]  }
0x4e8: {  	v17 =	vmul.f32 v12, v0;
	v16 =	vld [tilespmem:s18+$0x480];
	[tilespmem:s12+$0xC480] =	vst v15;
	v15 =	vmul.f32 v15, v0;
	v10 =	vadd.f32 v10, v11  }
0x4e9: {  	v19 =	vmul.f32 v18, v1;
	v9 =	vmax.f32 v9, $-5.000000000e-01;
	v21 =	vmul.f32 v13, v1;
	v11 =	vld [tilespmem:s18+$0x3480];
	[tilespmem:s9+$0xC480] =	vst v12  }
0x4ea: {  	v9 =	vmin.f32 v9, $5.000000000e-01;
	v7 =	vadd.f32 v17, v7;
	v22 =	vld [tilespmem:s14+$0x480];
	v6 =	vadd.f32 v15, v6;
	[tilespmem:s11+$0x9480] =	vst v10;
	s11 =	smov.u32 s19  }
.Ltmp22:
0x4eb: {  	v13 =	vmul.f32 v9, v0;
	v12 =	vld [tilespmem:s14+$0x3480];
	[tilespmem:s10+$0xC480] =	vst v9;
	(pc) =	sbr.rel @p1 .LBB2_46-.Ltmp22, $4  }
0x4ec: {  	v17 =	vmul.f32 v5, v4;
	v10 =	vld [tilespmem:s13+$0x480];
	v14 =	vmul.f32 v14, v2;
	v23 =	vadd.f32 v6, v8  }
0x4ed: {  	v20 =	vadd.f32 v13, v20;
	v15 =	vmul.f32 v16, v4;
	v6 =	vmul.f32 v16, v3;
	v9 =	vld [tilespmem:s13+$0x3480]  }
0x4ee: {  	v13 =	vadd.f32 v7, v19;
	v8 =	vld [tilespmem:s18+$0x6480];
	v18 =	vmul.f32 v11, v2;
	v17 =	vsub.f32 v17, v14;
	[tilespmem:s12+$0x9480] =	vst v23;
	s12 =	smov.u32 s18  }
0x4ef: {  	p0 =	por !p0, !p0;
	v14 =	vadd.f32 v20, v21;
	v16 =	vmul.f32 v22, v4;
	v7 =	vmul.f32 v22, v3;
	v11 =	vld [tilespmem:s11+$0x6480]  }
0x4f0: {  	v15 =	vsub.f32 v15, v18;
	v12 =	vmul.f32 v12, v2  }
0x4f1: {  	v17 =	vmax.f32 v17, $-5.000000000e-01;
	v4 =	vmul.f32 v10, v4;
	v10 =	vmul.f32 v10, v3  }
0x4f2: {  	v17 =	vmin.f32 v17, $5.000000000e-01;
	v12 =	vsub.f32 v16, v12;
	v2 =	vmul.f32 v9, v2  }
0x4f3: {  	v3 =	vmul.f32 v5, v3;
	v9 =	vmul.f32 v17, v0  }
0x4f4: {  	v5 =	vld [tilespmem:s14+$0x6480];
	v15 =	vmax.f32 v15, $-5.000000000e-01;
	v12 =	vmax.f32 v12, $-5.000000000e-01;
	v2 =	vsub.f32 v4, v2  }
0x4f5: {  	[tilespmem:s9+$0x9480] =	vst v13;
	v4 =	vld [tilespmem:s13+$0x6480];
	v3 =	vadd.f32 v9, v3;
	v9 =	vmul.f32 v11, v1;
	v11 =	vmin.f32 v15, $5.000000000e-01  }
0x4f6: {  	[tilespmem:s10+$0x9480] =	vst v14;
	v12 =	vmin.f32 v12, $5.000000000e-01;
	v13 =	vmul.f32 v11, v0;
	v2 =	vmax.f32 v2, $-5.000000000e-01  }
0x4f7: {  	[tilespmem:s11+$0xC480] =	vst v17;
	v8 =	vmul.f32 v8, v1;
	v14 =	vmul.f32 v12, v0;
	v2 =	vmin.f32 v2, $5.000000000e-01  }
0x4f8: {  	[tilespmem:s12+$0xC480] =	vst v11;
	v3 =	vadd.f32 v3, v9;
	v6 =	vadd.f32 v13, v6;
	v0 =	vmul.f32 v2, v0  }
0x4f9: {  	[tilespmem:s14+$0xC480] =	vst v12;
	v5 =	vmul.f32 v5, v1;
	v7 =	vadd.f32 v14, v7  }
0x4fa: {  	[tilespmem:s11+$0x9480] =	vst v3;
	v1 =	vmul.f32 v4, v1;
	v3 =	vadd.f32 v6, v8;
	v0 =	vadd.f32 v0, v10  }
0x4fb: {  	[tilespmem:s13+$0xC480] =	vst v2;
	v2 =	vadd.f32 v7, v5  }
0x4fc: {  	[tilespmem:s12+$0x9480] =	vst v3;
	v0 =	vadd.f32 v0, v1  }
0x4fd: {  	[tilespmem:s14+$0x9480] =	vst v2  }
0x4fe: {  	[tilespmem:s13+$0x9480] =	vst v0  }
0x4ff: {  	v3 =	vld [tilespmem:$0x400]  }
0x500: {  	v2 =	vld [tilespmem:$0x410]  }
0x501: {  	s19 =	simm.s32 $0x0;
	v0 =	vld [tilespmem:$0x420]  }
0x502: {  	s11 =	sor.u32 $0x23B0, s19;
	v4 =	vld [tilespmem:$0x430]  }
0x503: {  	v17 =	vld [tilespmem:s11+$0x480]  }
0x504: {  	s9 =	sor.u32 $0x2380, s19;
	v1 =	vld [tilespmem:s11+$0x3480]  }
0x505: {  	v5 =	vld [tilespmem:s9+$0x480]  }
0x506: {  	s10 =	sor.u32 $0x2390, s19;
	v6 =	vld [tilespmem:s9+$0x3480]  }
0x507: {  	v7 =	vld [tilespmem:s10+$0x480]  }
0x508: {  	s12 =	sor.u32 $0x23A0, s19;
	v8 =	vld [tilespmem:s10+$0x3480]  }
0x509: {  	v9 =	vld [tilespmem:s12+$0x480]  }
0x50a: {  	v11 =	vld [tilespmem:s12+$0x3480];
	v10 =	vmul.f32 v17, v3;
	v12 =	vmul.f32 v1, v2  }
0x50b: {  	v1 =	vld [tilespmem:$0x440];
	v13 =	vmul.f32 v5, v3  }
0x50c: {  	v5 =	vmul.f32 v5, v4;
	v6 =	vmul.f32 v6, v2;
	v15 =	vsub.f32 v10, v12;
	v10 =	vld [tilespmem:s9+$0x6480]  }
0x50d: {  	v16 =	vmul.f32 v7, v3;
	v7 =	vmul.f32 v7, v4;
	v12 =	vld [tilespmem:s11+$0x6480]  }
0x50e: {  	v18 =	vmul.f32 v8, v2;
	v17 =	vmul.f32 v17, v4;
	v15 =	vmax.f32 v15, $-5.000000000e-01  }
0x50f: {  	v8 =	vld [tilespmem:s10+$0x6480];
	v14 =	vsub.f32 v13, v6;
	v13 =	vmul.f32 v9, v3;
	v19 =	vmin.f32 v15, $5.000000000e-01  }
0x510: {  	s14 =	simm.s32 $0x240;
	s13 =	simm.s32 $0x0;
	v6 =	vmul.f32 v9, v4;
	v9 =	vld [tilespmem:s12+$0x6480];
	v15 =	vsub.f32 v16, v18;
	[tilespmem:s11+$0xC480] =	vst v19;
	v16 =	vmul.f32 v19, v0  }
.LBB2_48:
0x511: {  	s16 =	sor.u32 $0x2390, s14;
	s15 =	sor.u32 $0x23A0, s14;
	s17 =	sor.u32 $0x23B0, s14;
	v14 =	vmax.f32 v14, $-5.000000000e-01;
	v10 =	vmul.f32 v10, v1;
	v11 =	vmul.f32 v11, v2  }
0x512: {  	s18 =	sor.u32 $0x2380, s14;
	s13 =	sadd.s32 $0x4, s13;
	v18 =	vld [tilespmem:s17+$0x480];
	v15 =	vmax.f32 v15, $-5.000000000e-01;
	v16 =	vadd.f32 v16, v17;
	v12 =	vmul.f32 v12, v1  }
0x513: {  	p0 =	slt.u32 s13, $0x1C;
	v14 =	vmin.f32 v14, $5.000000000e-01;
	v17 =	vld [tilespmem:s17+$0x3480];
	v15 =	vmin.f32 v15, $5.000000000e-01;
	v11 =	vsub.f32 v13, v11  }
0x514: {  	v13 =	vld [tilespmem:s18+$0x480];
	[tilespmem:s9+$0xC480] =	vst v14;
	v14 =	vmul.f32 v14, v0;
	v19 =	vmul.f32 v15, v0;
	v12 =	vadd.f32 v16, v12  }
0x515: {  	v8 =	vmul.f32 v8, v1;
	v9 =	vmul.f32 v9, v1;
	v16 =	vld [tilespmem:s18+$0x3480];
	[tilespmem:s10+$0xC480] =	vst v15;
	v11 =	vmax.f32 v11, $-5.000000000e-01  }
0x516: {  	v15 =	vld [tilespmem:s16+$0x480];
	v5 =	vadd.f32 v14, v5;
	v7 =	vadd.f32 v19, v7;
	v11 =	vmin.f32 v11, $5.000000000e-01;
	[tilespmem:s11+$0x9480] =	vst v12;
	s11 =	smov.u32 s17  }
0x517: {  	v19 =	vld [tilespmem:s16+$0x3480];
	[tilespmem:s12+$0xC480] =	vst v11;
	v12 =	vmul.f32 v11, v0  }
0x518: {  	v14 =	vmul.f32 v18, v3;
	v20 =	vld [tilespmem:s15+$0x480];
	v17 =	vmul.f32 v17, v2;
	v21 =	vadd.f32 v5, v10  }
0x519: {  	v22 =	vmul.f32 v13, v3;
	v5 =	vmul.f32 v13, v4;
	v11 =	vld [tilespmem:s15+$0x3480];
	v6 =	vadd.f32 v12, v6  }
.Ltmp23:
0x51a: {  	v10 =	vld [tilespmem:s18+$0x6480];
	v13 =	vmul.f32 v16, v2;
	v16 =	vsub.f32 v14, v17;
	[tilespmem:s9+$0x9480] =	vst v21;
	v17 =	vadd.f32 v7, v8;
	s9 =	smov.u32 s18;
	(pc) =	sbr.rel @p0 .LBB2_48-.Ltmp23, $4  }
0x51b: {  	v21 =	vmul.f32 v15, v3;
	v7 =	vmul.f32 v15, v4;
	v12 =	vld [tilespmem:s11+$0x6480];
	v15 =	vadd.f32 v6, v9  }
0x51c: {  	v14 =	vsub.f32 v22, v13;
	v8 =	vld [tilespmem:s16+$0x6480];
	v19 =	vmul.f32 v19, v2;
	v16 =	vmax.f32 v16, $-5.000000000e-01;
	[tilespmem:s10+$0x9480] =	vst v17;
	s10 =	smov.u32 s16  }
0x51d: {  	v9 =	vld [tilespmem:s15+$0x6480];
	v13 =	vmul.f32 v20, v3;
	v6 =	vmul.f32 v20, v4;
	v16 =	vmin.f32 v16, $5.000000000e-01;
	[tilespmem:s12+$0x9480] =	vst v15;
	s12 =	smov.u32 s15  }
0x51e: {  	s14 =	sadd.s32 $0x240, s14;
	v17 =	vmul.f32 v18, v4;
	v15 =	vsub.f32 v21, v19;
	[tilespmem:s11+$0xC480] =	vst v16;
	v16 =	vmul.f32 v16, v0  }
0x51f: {  	v2 =	vmul.f32 v11, v2;
	_ =	sdelay $0x1  }
0x520: {  	v3 =	vmax.f32 v14, $-5.000000000e-01;
	v4 =	vmax.f32 v15, $-5.000000000e-01;
	v2 =	vsub.f32 v13, v2  }
0x521: {  	v55 =	vadd.f32 v16, v17;
	v12 =	vmul.f32 v12, v1;
	v3 =	vmin.f32 v3, $5.000000000e-01  }
0x522: {  	v4 =	vmin.f32 v4, $5.000000000e-01;
	v56 =	vmul.f32 v3, v0;
	v2 =	vmax.f32 v2, $-5.000000000e-01  }
0x523: {  	v10 =	vmul.f32 v10, v1;
	v57 =	vmul.f32 v4, v0;
	v2 =	vmin.f32 v2, $5.000000000e-01  }
0x524: {  	[tilespmem:s9+$0xC480] =	vst v3;
	v58 =	vadd.f32 v55, v12;
	v5 =	vadd.f32 v56, v5;
	v59 =	vmul.f32 v2, v0  }
0x525: {  	v60 =	vmul.f32 v8, v1;
	[tilespmem:s10+$0xC480] =	vst v4;
	v7 =	vadd.f32 v57, v7  }
0x526: {  	v61 =	vmul.f32 v9, v1;
	[tilespmem:s11+$0x9480] =	vst v58;
	v62 =	vadd.f32 v5, v10;
	v0 =	vadd.f32 v59, v6  }
0x527: {  	[tilespmem:s12+$0xC480] =	vst v2;
	v63 =	vadd.f32 v7, v60  }
0x528: {  	[tilespmem:s9+$0x9480] =	vst v62;
	v0 =	vadd.f32 v0, v61  }
0x529: {  	[tilespmem:s10+$0x9480] =	vst v63  }
0x52a: {  	[tilespmem:s12+$0x9480] =	vst v0  }
0x52b: {  	s17 =	simm.s32 $0xB480;
	s9 =	rddreg [dreg:$0x17]  }
0x52c: {  	[hbm4b:s9+s2] =	stream.linear.scatter [tilespmem:s17], [sflag:$0xD], $0x1000, $0x38;
	[tilespmem:$0xF480] =	vst v63  }
0x52d: {  	s19 =	simm.s32 $0xE480;
	s18 =	rddreg [dreg:$0x18]  }
0x52e: {  	[hbm4b:s18+s2] =	stream.linear.scatter [tilespmem:s19], [sflag:$0x10], $0x1000, $0x38;
	[tilespmem:$0xF480] =	vst v63  }
0x52f: {  	_ =	swait.ge [sflag:s1], $0x1000  }
0x530: {  	[sflag:s1] =	ssyncset.done $0x0  }
0x531: {  	[sflag:s1] =	ssyncadd.s32 $0xFFFFF000  }
0x532: {  	_ =	swait.ge [sflag:s3], $0x1000  }
0x533: {  	[sflag:s3] =	ssyncset.done $0x0  }
0x534: {  	[sflag:s3] =	ssyncadd.s32 $0xFFFFF000  }
0x535: {  	_ =	swait.ge [sflag:s4], $0x1000  }
0x536: {  	[sflag:s4] =	ssyncset.done $0x0  }
0x537: {  	[sflag:s4] =	ssyncadd.s32 $0xFFFFF000  }
0x538: {  	_ =	swait.ge [sflag:s5], $0x1000  }
0x539: {  	[sflag:s5] =	ssyncset.done $0x0  }
0x53a: {  	s8 =	sadd.s32 $0x1, s8;
	[sflag:s5] =	ssyncadd.s32 $0xFFFFF000  }
0x53b: {  	p0 =	sne.s32 s8, s20;
	_ =	swait.ge [sflag:s6], $0x1000  }
.Ltmp24:
0x53c: {  	[sflag:s6] =	ssyncset.done $0x0;
	(pc) =	sbr.rel @p0 .LBB2_1-.Ltmp24, $4  }
0x53d: {  	[sflag:s6] =	ssyncadd.s32 $0xFFFFF000  }
0x53e: {  	_ =	swait.ge [sflag:s7], $0x1000  }
0x53f: {  	[sflag:s7] =	ssyncset.done $0x0  }
0x540: {  	[sflag:s7] =	ssyncadd.s32 $0xFFFFF000  }
0x541: {  	_ =	sfence.sel $0x180000  }
0x542: {  	[bflag:$0x0] =	sbarrier.arrive $0xFFFF  }
0x543: {  	_ =	strace $0x90000047  }
0x544: {  	s0 =	stileid.u32;
	[bflag:$0x2] =	sbarrier.arrive $0xFFFF  }
0x545: {  	p0 =	sne.s32 s0, $0x0;
	s0 =	rddreg [dreg:$0x7]  }
0x546: {  	s0 =	sadd.s32 @!p0 $0x100000, s0  }
0x547: {  	[sflag:s0] =	ssyncadd.tile.s32 @!p0 $0x1;
	_ =	shalt  }
.Lfunc_end2:
_tile_overlayer_lowered:
.L_overlay_start_2:
0x548: {  	(tag) =	ssettag $0x2  }
0x549: {  	s0 =	rddreg [dreg:$0x0];
	s2 =	stileid.u32  }
0x54a: {  	s1 =	rddreg [dreg:$0x1];
	p0 =	sne.s32 s2, $0x0  }
0x54b: {  	s3 =	rddreg [dreg:$0x2];
	[bflag:$0x3] =	sbarrier.arrive $0xFFFF;
	s2 =	simm.s32 @!p0 $0x1C11  }
0x54c: {  	[timem:s3], [sflag:s2] =	dma.local @!p0 [hbm:s0], s1  }
0x54d: {  	s0 =	simm.s32 @!p0 $0x11  }
0x54e: {  	_ =	swait.ge @!p0 [sflag:s0], s1  }
0x54f: {  	s1 =	ssub.s32 @!p0 $0x0, s1;
	[sflag:s0] =	ssyncset.done @!p0 $0x0  }
0x550: {  	[sflag:s0] =	ssyncadd.s32 @!p0 s1  }
0x551: {  	[bflag:$0x3] =	sbarrier.arrive $0xFFFF  }
0x552: {  	_ =	shalt  }

</sc_bundles>
